<compile_context>
chip_gen: v7x
topology: tpu7x:2x2x1
jax: 0.10.2.dev20260603
libtpu: 0.0.44.dev20260713+nightly
codegen_flags: <defaults>
</compile_context>

<pallas_src>
import functools

import jax
import jax.numpy as jnp
import numpy as np
from jax import lax
from jax.experimental import pallas as pl
from jax.experimental.pallas import tpu as pltpu
from jax.experimental.pallas import tpu_sc as plsc

N_NODES = 10000
N_EDGES = 320000
D = 128
N_GROUPS = 8
GROUP_SIZE = 16
EPS = 1e-5

NC = 2
NS = 16
NW = NC * NS
EDGES_PER_WORKER = N_EDGES // NW
EBLK = 80
NBLK = EDGES_PER_WORKER // EBLK
N_PAD = 10240
ROWS_PER_SUB = N_PAD // NS

_HI = lax.Precision.HIGHEST

_GM_NP = np.kron(np.eye(N_GROUPS, dtype=np.float32),
                 np.ones((GROUP_SIZE, GROUP_SIZE), dtype=np.float32)) / GROUP_SIZE


def _pq_body(x_ref, wd_ref, ws_ref, p_ref, q_ref):
    xv = x_ref[...]
    p_ref[...] = jnp.dot(xv, wd_ref[...], precision=_HI)
    q_ref[...] = jnp.dot(xv, ws_ref[...], precision=_HI)


def _pq_call(x, wd, ws):
    blk = 400
    grid = N_NODES // blk
    return pl.pallas_call(
        _pq_body,
        grid=(grid,),
        in_specs=[
            pl.BlockSpec((blk, D), lambda i: (i, 0)),
            pl.BlockSpec((D, D), lambda i: (0, 0)),
            pl.BlockSpec((D, D), lambda i: (0, 0)),
        ],
        out_specs=[
            pl.BlockSpec((blk, D), lambda i: (i, 0)),
            pl.BlockSpec((blk, D), lambda i: (i, 0)),
        ],
        out_shape=[
            jax.ShapeDtypeStruct((N_NODES, D), jnp.float32),
            jax.ShapeDtypeStruct((N_NODES, D), jnp.float32),
        ],
    )(x, wd, ws)


EBLK_G = 40
NSLOT = 3


def _make_gather_kernel(epw, nblk, ch_base, n_ch_edges):
    nit = nblk // (2 * NSLOT)
    rem = nblk - nit * 2 * NSLOT

    def _gather_kernel(p_hbm, q_hbm, dst3_hbm, src3_hbm, pd_hbm, qs_hbm,
                       dibuf, sibuf,
                       pa0, pa1, pa2, pb0, pb1, pb2,
                       qa0, qa1, qa2, qb0, qb1, qb2,
                       gsem, wsem):
        c = lax.axis_index("c")
        s = lax.axis_index("s")
        wid = s * NC + c
        ebase = wid * epw
        pA, pB = (pa0, pa1, pa2), (pb0, pb1, pb2)
        qA, qB = (qa0, qa1, qa2), (qb0, qb1, qb2)

        pltpu.sync_copy(dst3_hbm.at[wid], dibuf)
        pltpu.sync_copy(src3_hbm.at[wid], sibuf)

        def drain_writes(bufs):
            for b in bufs:
                pltpu.make_async_copy(b, pd_hbm.at[pl.ds(0, EBLK_G)], wsem).wait()

        def fire_gathers(j0, pset, qset):
            for b in range(NSLOT):
                pltpu.async_copy(p_hbm.at[dibuf.at[j0 + b]], pset[b], gsem)
                pltpu.async_copy(q_hbm.at[sibuf.at[j0 + b]], qset[b], gsem)

        def wait_gathers(pset, qset):
            for b in range(NSLOT):
                pltpu.make_async_copy(p_hbm.at[pl.ds(0, EBLK_G)], pset[b], gsem).wait()
                pltpu.make_async_copy(q_hbm.at[pl.ds(0, EBLK_G)], qset[b], gsem).wait()

        def fire_writes(j0, pset, qset):
            for b in range(NSLOT):
                off = pl.multiple_of(ebase + (j0 + b) * EBLK_G, 8)
                pltpu.async_copy(pset[b], pd_hbm.at[pl.ds(off, EBLK_G)], wsem)
                pltpu.async_copy(qset[b], qs_hbm.at[pl.ds(off, EBLK_G)], wsem)

        @pl.loop(0, nit)
        def _(t):
            j0 = t * 2 * NSLOT

            @pl.when(t > 0)
            def _():
                drain_writes(pA)
                drain_writes(qA)
            fire_gathers(j0, pA, qA)

            @pl.when(t > 0)
            def _():
                drain_writes(pB)
                drain_writes(qB)
            fire_gathers(j0 + NSLOT, pB, qB)

            wait_gathers(pA, qA)
            fire_writes(j0, pA, qA)
            wait_gathers(pB, qB)
            fire_writes(j0 + NSLOT, pB, qB)

        drain_writes(pA)
        drain_writes(qA)
        drain_writes(pB)
        drain_writes(qB)

        tail_bufs = [(pa0, qa0), (pa1, qa1), (pa2, qa2), (pb0, qb0), (pb1, qb1)]
        for i in range(rem):
            j = nit * 2 * NSLOT + i
            pbuf, qbuf = tail_bufs[i]
            off = pl.multiple_of(ebase + j * EBLK_G, 8)
            cp1 = pltpu.async_copy(p_hbm.at[dibuf.at[j]], pbuf, gsem)
            cp2 = pltpu.async_copy(q_hbm.at[sibuf.at[j]], qbuf, gsem)
            cp1.wait()
            cp2.wait()
            pltpu.sync_copy(pbuf, pd_hbm.at[pl.ds(off, EBLK_G)])
            pltpu.sync_copy(qbuf, qs_hbm.at[pl.ds(off, EBLK_G)])

    return _gather_kernel


def _gather_call(p, q, dst3, src3, epw, n_ch_edges):
    nblk = epw // EBLK_G
    mesh = plsc.VectorSubcoreMesh(core_axis_name="c", subcore_axis_name="s")
    rowbufs = [pltpu.VMEM((EBLK_G, D), jnp.float32)] * (4 * NSLOT)
    f = pl.kernel(
        _make_gather_kernel(epw, nblk, 0, n_ch_edges),
        mesh=mesh,
        out_type=(
            jax.ShapeDtypeStruct((n_ch_edges, D), jnp.float32),
            jax.ShapeDtypeStruct((n_ch_edges, D), jnp.float32),
        ),
        scratch_types=[
            pltpu.VMEM((nblk, EBLK_G), jnp.int32),
            pltpu.VMEM((nblk, EBLK_G), jnp.int32),
            *rowbufs,
            pltpu.SemaphoreType.DMA,
            pltpu.SemaphoreType.DMA,
        ],
    )
    return f(p, q, dst3, src3)


def _mlp_body(pd_ref, qs_ref, ea_ref, w1e_ref, b1_ref, g_ref, bt_ref, gm_ref,
              a_ref):
    h = (pd_ref[...] + qs_ref[...]
         + jnp.dot(ea_ref[...], w1e_ref[...], precision=_HI) + b1_ref[...])
    gm = gm_ref[...].astype(jnp.bfloat16)
    m = jnp.dot(h.astype(jnp.bfloat16), gm, preferred_element_type=jnp.float32)
    sq = jnp.dot((h * h).astype(jnp.bfloat16), gm, preferred_element_type=jnp.float32)
    var = sq - m * m
    y = (h - m) * lax.rsqrt(var + EPS) * g_ref[...] + bt_ref[...]
    a_ref[...] = y * jax.nn.sigmoid(y)


def _mlp_call(pd, qs, ea, w1e, b1, gamma, beta, gmat):
    blk = 3200
    ne = pd.shape[0]
    grid = ne // blk
    return pl.pallas_call(
        _mlp_body,
        grid=(grid,),
        in_specs=[
            pl.BlockSpec((blk, D), lambda i: (i, 0)),
            pl.BlockSpec((blk, D), lambda i: (i, 0)),
            pl.BlockSpec((blk, 4), lambda i: (i, 0)),
            pl.BlockSpec((4, D), lambda i: (0, 0)),
            pl.BlockSpec((1, D), lambda i: (0, 0)),
            pl.BlockSpec((1, D), lambda i: (0, 0)),
            pl.BlockSpec((1, D), lambda i: (0, 0)),
            pl.BlockSpec((D, D), lambda i: (0, 0)),
        ],
        out_specs=pl.BlockSpec((blk, D), lambda i: (i, 0)),
        out_shape=jax.ShapeDtypeStruct((ne, D), jnp.float32),
    )(pd, qs, ea, w1e, b1, gamma, beta, gmat)


def _count_kernel(dst3_hbm, zrow_hbm, ones_hbm, cp_hbm,
                  idxbuf, onesbuf, s_sh, csem):
    c = lax.axis_index("c")
    s = lax.axis_index("s")
    wid = s * NC + c
    rbase = pl.multiple_of(s * ROWS_PER_SUB, 8)
    rows = s_sh.at[pl.ds(rbase, ROWS_PER_SUB)]

    pltpu.sync_copy(dst3_hbm.at[wid], idxbuf)
    pltpu.sync_copy(ones_hbm, onesbuf)
    pltpu.sync_copy(zrow_hbm, rows)
    plsc.subcore_barrier()

    @pl.loop(0, NBLK)
    def _(j):
        pltpu.async_copy(onesbuf, s_sh.at[idxbuf.at[j]], csem, add=True)

    @pl.loop(0, NBLK)
    def _(j):
        pltpu.make_async_copy(onesbuf, s_sh.at[idxbuf.at[0]], csem).wait()

    plsc.subcore_barrier()
    pltpu.sync_copy(rows, cp_hbm.at[c, pl.ds(rbase, ROWS_PER_SUB)])


def _count_call(dst3, zrow, ones):
    mesh = plsc.VectorSubcoreMesh(core_axis_name="c", subcore_axis_name="s")
    f = pl.kernel(
        _count_kernel,
        mesh=mesh,
        out_type=jax.ShapeDtypeStruct((NC, N_PAD, D), jnp.float32),
        scratch_types=[
            pltpu.VMEM((NBLK, EBLK), jnp.int32),
            pltpu.VMEM((EBLK, D), jnp.float32),
            pltpu.VMEM_SHARED((N_PAD, D), jnp.float32),
            pltpu.SemaphoreType.DMA,
        ],
    )
    return f(dst3, zrow, ones)


EBLK_S = 40


def _make_scatter_kernel(epw, nblk):
    nit = (nblk - 1) // 4
    rem = nblk - nit * 4

    def _scatter_kernel(a_hbm, dst3_hbm, zrow_hbm,
                        sp_hbm,
                        idxbuf, aa0, aa1, ab0, ab1, s_sh, lsem, asemA, asemB):
        c = lax.axis_index("c")
        s = lax.axis_index("s")
        wid = s * NC + c
        ebase = wid * epw
        rbase = pl.multiple_of(s * ROWS_PER_SUB, 8)
        rows = s_sh.at[pl.ds(rbase, ROWS_PER_SUB)]

        pltpu.sync_copy(dst3_hbm.at[wid], idxbuf)
        pltpu.sync_copy(zrow_hbm, rows)
        plsc.subcore_barrier()

        def fire_loads(j0, bufs):
            for k, b in enumerate(bufs):
                off = pl.multiple_of(ebase + (j0 + k) * EBLK_S, 8)
                pltpu.async_copy(a_hbm.at[pl.ds(off, EBLK_S)], b, lsem)

        def wait_loads(bufs):
            for b in bufs:
                pltpu.make_async_copy(a_hbm.at[pl.ds(0, EBLK_S)], b, lsem).wait()

        def fire_adds(j0, bufs, sem):
            for k, b in enumerate(bufs):
                pltpu.async_copy(b, s_sh.at[idxbuf.at[j0 + k]], sem, add=True)

        def drain_adds(bufs, sem):
            for b in bufs:
                pltpu.make_async_copy(b, s_sh.at[idxbuf.at[0]], sem).wait()

        A = (aa0, aa1)
        B = (ab0, ab1)

        @pl.loop(0, nit)
        def _(t):
            j0 = 4 * t

            @pl.when(t > 0)
            def _():
                drain_adds(A, asemA)
            fire_loads(j0, A)
            wait_loads(A)
            fire_adds(j0, A, asemA)

            @pl.when(t > 0)
            def _():
                drain_adds(B, asemB)
            fire_loads(j0 + 2, B)
            wait_loads(B)
            fire_adds(j0 + 2, B, asemB)

        drain_adds(A, asemA)
        drain_adds(B, asemB)
        for i in range(rem):
            j = nit * 4 + i
            off = pl.multiple_of(ebase + j * EBLK_S, 8)
            pltpu.sync_copy(a_hbm.at[pl.ds(off, EBLK_S)], A[0])
            pltpu.sync_copy(A[0], s_sh.at[idxbuf.at[j]], add=True)

        plsc.subcore_barrier()
        pltpu.sync_copy(rows, sp_hbm.at[c, pl.ds(rbase, ROWS_PER_SUB)])

    return _scatter_kernel


def _scatter_call(a, dst3, zrow, epw):
    nblk = epw // EBLK_S
    mesh = plsc.VectorSubcoreMesh(core_axis_name="c", subcore_axis_name="s")
    f = pl.kernel(
        _make_scatter_kernel(epw, nblk),
        mesh=mesh,
        out_type=jax.ShapeDtypeStruct((NC, N_PAD, D), jnp.float32),
        scratch_types=[
            pltpu.VMEM((nblk, EBLK_S), jnp.int32),
            pltpu.VMEM((EBLK_S, D), jnp.float32),
            pltpu.VMEM((EBLK_S, D), jnp.float32),
            pltpu.VMEM((EBLK_S, D), jnp.float32),
            pltpu.VMEM((EBLK_S, D), jnp.float32),
            pltpu.VMEM_SHARED((N_PAD, D), jnp.float32),
            pltpu.SemaphoreType.DMA,
            pltpu.SemaphoreType.DMA,
            pltpu.SemaphoreType.DMA,
        ],
    )
    return f(a, dst3, zrow)


def _out_body(sp_ref, sq_ref, cp_ref, w2_ref, b2_ref, o_ref):
    sv = sp_ref[0] + sp_ref[1] + sq_ref[0] + sq_ref[1]
    cnt = cp_ref[0, :, 0:1] + cp_ref[1, :, 0:1]
    msg = jnp.dot(sv, w2_ref[...], precision=_HI) + cnt * b2_ref[...]
    o_ref[...] = msg / jnp.maximum(cnt, 1.0)


def _out_call(sp, sq, cp, w2, b2):
    blk = 400
    grid = N_NODES // blk
    return pl.pallas_call(
        _out_body,
        grid=(grid,),
        in_specs=[
            pl.BlockSpec((NC, blk, D), lambda i: (0, i, 0)),
            pl.BlockSpec((NC, blk, D), lambda i: (0, i, 0)),
            pl.BlockSpec((NC, blk, D), lambda i: (0, i, 0)),
            pl.BlockSpec((D, D), lambda i: (0, 0)),
            pl.BlockSpec((1, D), lambda i: (0, 0)),
        ],
        out_specs=pl.BlockSpec((blk, D), lambda i: (i, 0)),
        out_shape=jax.ShapeDtypeStruct((N_NODES, D), jnp.float32),
    )(sp, sq, cp, w2, b2)


def kernel(x, edge_index, edge_attr, W1, b1, gamma, beta, W2, b2):
    src = edge_index[0]
    dst = edge_index[1]
    w1d = W1[0:D]
    w1s = W1[D:2 * D]
    w1e = W1[2 * D:]
    gmat = jnp.asarray(_GM_NP)
    zrow = jnp.zeros((ROWS_PER_SUB, D), jnp.float32)
    ones = jnp.ones((EBLK, D), jnp.float32)

    p, q = _pq_call(x, w1d, w1s)

    ech = N_EDGES // 2
    epw = ech // NW
    nblk_g = epw // EBLK_G
    nblk_s = epw // EBLK_S

    sps = []
    for k in range(2):
        dk = lax.dynamic_slice_in_dim(dst, k * ech, ech)
        sk = lax.dynamic_slice_in_dim(src, k * ech, ech)
        eak = lax.dynamic_slice_in_dim(edge_attr, k * ech, ech)
        dg = dk.reshape(NW, nblk_g, EBLK_G)
        sg = sk.reshape(NW, nblk_g, EBLK_G)
        pd, qs = _gather_call(p, q, dg, sg, epw, ech)
        a = _mlp_call(pd, qs, eak, w1e,
                      b1.reshape(1, D), gamma.reshape(1, D), beta.reshape(1, D),
                      gmat)
        ds_ = dk.reshape(NW, nblk_s, EBLK_S)
        sps.append(_scatter_call(a, ds_, zrow, epw))

    dstC = dst.reshape(NW, NBLK, EBLK)
    cp = _count_call(dstC, zrow, ones)
    return _out_call(sps[0], sps[1], cp, W2, b2.reshape(1, D))

# --- scband reference (transcript-rebuilt; emitter-appended) ---
"""Pipeline reference for scband-mesh-conv-79517024518469 (READ-ONLY COPY).

The authoritative reference and input builder live on the scoring server;
editing this copy changes nothing except your own understanding.
"""

import jax, jax.numpy as jnp
import numpy as np

N_NODES = 10000
N_EDGES = 320000
D_FEAT = 128
D_EDGE = 4
OUT_DIM = 128
GROUPS = 8
EPS = 1e-5


def setup_inputs(seed: int = 0) -> dict:
    key = jax.random.key(seed)
    ks = jax.random.split(key, 8)
    x = jax.random.normal(ks[0], (N_NODES, D_FEAT), dtype=jnp.float32)
    edge_index = jax.random.randint(ks[1], (2, N_EDGES), 0, N_NODES, dtype=jnp.int32)
    edge_attr = jax.random.normal(ks[2], (N_EDGES, D_EDGE), dtype=jnp.float32)
    in_cat = 2 * D_FEAT + D_EDGE
    W1 = jax.random.normal(ks[3], (in_cat, OUT_DIM), dtype=jnp.float32) * (1.0 / np.sqrt(in_cat))
    b1 = jnp.zeros((OUT_DIM,), dtype=jnp.float32)
    gamma = jnp.ones((OUT_DIM,), dtype=jnp.float32)
    beta = jnp.zeros((OUT_DIM,), dtype=jnp.float32)
    W2 = jax.random.normal(ks[4], (OUT_DIM, OUT_DIM), dtype=jnp.float32) * (1.0 / np.sqrt(OUT_DIM))
    b2 = jnp.zeros((OUT_DIM,), dtype=jnp.float32)
    return {"x": x, "edge_index": edge_index, "edge_attr": edge_attr,
            "W1": W1, "b1": b1, "gamma": gamma, "beta": beta, "W2": W2, "b2": b2}


def _group_norm(h, gamma, beta):
    E, C = h.shape
    hg = h.reshape(E, GROUPS, C // GROUPS)
    mean = hg.mean(axis=-1, keepdims=True)
    var = hg.var(axis=-1, keepdims=True)
    hn = ((hg - mean) * jax.lax.rsqrt(var + EPS)).reshape(E, C)
    return hn * gamma + beta


def reference(x, edge_index, edge_attr, W1, b1, gamma, beta, W2, b2):
    src = edge_index[0]
    dst = edge_index[1]
    x_src = jnp.take(x, src, axis=0)
    x_dst = jnp.take(x, dst, axis=0)
    h = jnp.concatenate([x_dst, x_src, edge_attr], axis=-1)
    h = h @ W1 + b1
    h = _group_norm(h, gamma, beta)
    h = h * jax.nn.sigmoid(h)  # SiLU
    messages = h @ W2 + b2
    n = x.shape[0]
    out = jax.ops.segment_sum(messages, dst, num_segments=n)
    count = jax.ops.segment_sum(jnp.ones((messages.shape[0], 1), dtype=x.dtype), dst, num_segments=n)
    return out / jnp.clip(count, 1.0, None)

if __name__ == "__main__":
    import jax
    _d = setup_inputs()
    print(jax.jit(kernel)(*tuple(_d.values())))

</pallas_src>

<mosaic_0001>
#map = affine_map<(d0, d1) -> (0, 0, 0)>
#map1 = affine_map<(d0, d1) -> (0, 0)>
module attributes {stable_mosaic.version = 14 : i64} {
  func.func @_count_kernel(%arg0: i32, %arg1: i32, %arg2: memref<32x125x80xi32, #tpu.memory_space<hbm>>, %arg3: memref<640x128xf32, #tpu.memory_space<hbm>>, %arg4: memref<80x128xf32, #tpu.memory_space<hbm>>, %arg5: memref<2x10240x128xf32, #tpu.memory_space<hbm>>, %arg6: memref<125x80xi32, #tpu.memory_space<vmem>>, %arg7: memref<80x128xf32, #tpu.memory_space<vmem>>, %arg8: memref<10240x128xf32, #tpu.memory_space<vmem_shared>>, %arg9: memref<!tpu.dma_semaphore, #tpu.memory_space<semaphore_mem>>) attributes {dimension_semantics = [#tpu.dimension_semantics<core_parallel>, #tpu.dimension_semantics<subcore_parallel>], iteration_bounds = array<i64: 2, 16>, scalar_prefetch = 0 : i64, scratch_operands = 4 : i64, tpu.core_type = #tpu.core_type<sc_vector_subcore>, window_params = [{transform_indices = #map}, {transform_indices = #map1}, {transform_indices = #map1}, {transform_indices = #map}]} {
    %mul3A = arith.constant 2 : i32
    %mul3A_0 = arith.muli %arg1, %mul3A : i32
    %add3A = arith.addi %mul3A_0, %arg0 : i32
    %mul3A_1 = arith.constant 640 : i32
    %mul3A_2 = arith.muli %arg1, %mul3A_1 : i32
    %multiple_of3A = tpu.assume_multiple %mul3A_2, 8 : i32
    "tpu.region"() ({
      %run_scoped3A = tpu.sem_alloc : memref<!tpu.dma_semaphore, #tpu.memory_space<semaphore_mem>>
      %dma_start3A = arith.constant 0 : i32
      %dma_start3A_13 = arith.constant 0 : i32
      %dma_start3A_14 = tpu.memref_slice %arg2[%add3A, %dma_start3A, %dma_start3A_13] : memref<32x125x80xi32, #tpu.memory_space<hbm>> -> memref<1x125x80xi32, #tpu.memory_space<hbm>>
      %dma_start3A_15 = tpu.memref_squeeze %dma_start3A_14 : memref<1x125x80xi32, #tpu.memory_space<hbm>> -> memref<125x80xi32, #tpu.memory_space<hbm>>
      %dma_start3A_16 = arith.constant 0 : i32
      %dma_start3A_17 = arith.constant 0 : i32
      %dma_start3A_18 = tpu.memref_slice %arg2[%add3A, %dma_start3A_16, %dma_start3A_17] : memref<32x125x80xi32, #tpu.memory_space<hbm>> -> memref<1x125x80xi32, #tpu.memory_space<hbm>>
      %dma_start3A_19 = tpu.memref_squeeze %dma_start3A_18 : memref<1x125x80xi32, #tpu.memory_space<hbm>> -> memref<125x80xi32, #tpu.memory_space<hbm>>
      tpu.enqueue_dma source(%dma_start3A_19 : memref<125x80xi32, #tpu.memory_space<hbm>>) target(%arg6 : memref<125x80xi32, #tpu.memory_space<vmem>>) target_semaphore(%run_scoped3A : memref<!tpu.dma_semaphore, #tpu.memory_space<semaphore_mem>>)
      %dma_wait3A = arith.constant 0 : i32
      %dma_wait3A_20 = arith.constant 0 : i32
      %dma_wait3A_21 = tpu.memref_slice %arg2[%add3A, %dma_wait3A, %dma_wait3A_20] : memref<32x125x80xi32, #tpu.memory_space<hbm>> -> memref<1x125x80xi32, #tpu.memory_space<hbm>>
      %dma_wait3A_22 = tpu.memref_squeeze %dma_wait3A_21 : memref<1x125x80xi32, #tpu.memory_space<hbm>> -> memref<125x80xi32, #tpu.memory_space<hbm>>
      %dma_wait3A_23 = arith.constant 0 : i32
      %dma_wait3A_24 = arith.constant 0 : i32
      %dma_wait3A_25 = tpu.memref_slice %arg2[%add3A, %dma_wait3A_23, %dma_wait3A_24] : memref<32x125x80xi32, #tpu.memory_space<hbm>> -> memref<1x125x80xi32, #tpu.memory_space<hbm>>
      %dma_wait3A_26 = tpu.memref_squeeze %dma_wait3A_25 : memref<1x125x80xi32, #tpu.memory_space<hbm>> -> memref<125x80xi32, #tpu.memory_space<hbm>>
      tpu.wait_dma2 semaphore(%run_scoped3A : memref<!tpu.dma_semaphore, #tpu.memory_space<semaphore_mem>>) src(%dma_wait3A_26 : memref<125x80xi32, #tpu.memory_space<hbm>>) dst(%arg6 : memref<125x80xi32, #tpu.memory_space<vmem>>)
      tpu.yield
    }) : () -> ()
    "tpu.region"() ({
      %run_scoped3A = tpu.sem_alloc : memref<!tpu.dma_semaphore, #tpu.memory_space<semaphore_mem>>
      tpu.enqueue_dma source(%arg4 : memref<80x128xf32, #tpu.memory_space<hbm>>) target(%arg7 : memref<80x128xf32, #tpu.memory_space<vmem>>) target_semaphore(%run_scoped3A : memref<!tpu.dma_semaphore, #tpu.memory_space<semaphore_mem>>)
      tpu.wait_dma2 semaphore(%run_scoped3A : memref<!tpu.dma_semaphore, #tpu.memory_space<semaphore_mem>>) src(%arg4 : memref<80x128xf32, #tpu.memory_space<hbm>>) dst(%arg7 : memref<80x128xf32, #tpu.memory_space<vmem>>)
      tpu.yield
    }) : () -> ()
    "tpu.region"() ({
      %run_scoped3A = tpu.sem_alloc : memref<!tpu.dma_semaphore, #tpu.memory_space<semaphore_mem>>
      %dma_start3A = arith.constant 0 : i32
      %dma_start3A_13 = tpu.memref_slice %arg8[%multiple_of3A, %dma_start3A] : memref<10240x128xf32, #tpu.memory_space<vmem_shared>> -> memref<640x128xf32, #tpu.memory_space<vmem_shared>>
      tpu.enqueue_dma source(%arg3 : memref<640x128xf32, #tpu.memory_space<hbm>>) target(%dma_start3A_13 : memref<640x128xf32, #tpu.memory_space<vmem_shared>>) target_semaphore(%run_scoped3A : memref<!tpu.dma_semaphore, #tpu.memory_space<semaphore_mem>>)
      %dma_wait3A = arith.constant 0 : i32
      %dma_wait3A_14 = tpu.memref_slice %arg8[%multiple_of3A, %dma_wait3A] : memref<10240x128xf32, #tpu.memory_space<vmem_shared>> -> memref<640x128xf32, #tpu.memory_space<vmem_shared>>
      tpu.wait_dma2 semaphore(%run_scoped3A : memref<!tpu.dma_semaphore, #tpu.memory_space<semaphore_mem>>) src(%arg3 : memref<640x128xf32, #tpu.memory_space<hbm>>) dst(%dma_wait3A_14 : memref<640x128xf32, #tpu.memory_space<vmem_shared>>)
      tpu.yield
    }) : () -> ()
    %barrier3A = arith.constant 0 : index
    tpu.barrier barrier_id(%barrier3A)
    %scan3A = arith.constant 0 : i32
    %scan3A_3 = arith.constant 125 : i32
    %scan3A_4 = arith.addi %scan3A, %scan3A_3 : i32
    %scan3A_5 = arith.constant 1 : i32
    scf.for %scan3A_13 = %scan3A to %scan3A_4 step %scan3A_5  : i32 {
      %mul3A_14 = arith.constant 1 : i32
      %mul3A_15 = arith.muli %scan3A_13, %mul3A_14 : i32
      %add3A_16 = arith.constant 0 : i32
      %add3A_17 = arith.addi %add3A_16, %mul3A_15 : i32
      %dma_start3A = arith.constant 0 : i32
      %dma_start3A_18 = tpu.memref_slice %arg6[%add3A_17, %dma_start3A] : memref<125x80xi32, #tpu.memory_space<vmem>> -> memref<1x80xi32, #tpu.memory_space<vmem>>
      %dma_start3A_19 = tpu.memref_squeeze %dma_start3A_18 : memref<1x80xi32, #tpu.memory_space<vmem>> -> memref<80xi32, #tpu.memory_space<vmem>>
      %dma_start3A_20 = arith.constant 0 : i32
      %dma_start3A_21 = arith.constant 0 : i32
      %dma_start3A_22 = tpu.memref_slice %arg8[%dma_start3A_20, %dma_start3A_21] : memref<10240x128xf32, #tpu.memory_space<vmem_shared>> -> memref<10240x128xf32, #tpu.memory_space<vmem_shared>>
      tpu.enqueue_indirect_dma source(%arg7 : memref<80x128xf32, #tpu.memory_space<vmem>>) target(%dma_start3A_22 : memref<10240x128xf32, #tpu.memory_space<vmem_shared>>) offsets(%dma_start3A_19 : memref<80xi32, #tpu.memory_space<vmem>>) semaphore(%arg9 : memref<!tpu.dma_semaphore, #tpu.memory_space<semaphore_mem>>) {add = true}
    }
    %scan3A_6 = arith.constant 125 : i32
    %scan3A_7 = arith.constant 0 : i32
    %scan3A_8 = arith.constant 125 : i32
    %scan3A_9 = arith.addi %scan3A_7, %scan3A_8 : i32
    %scan3A_10 = arith.constant 1 : i32
    scf.for %scan3A_13 = %scan3A_7 to %scan3A_9 step %scan3A_10  : i32 {
      %mul3A_14 = arith.constant 1 : i32
      %mul3A_15 = arith.muli %scan3A_13, %mul3A_14 : i32
      %add3A_16 = arith.constant 0 : i32
      %add3A_17 = arith.addi %add3A_16, %mul3A_15 : i32
      %dma_wait3A = arith.constant 0 : i32
      %dma_wait3A_18 = arith.constant 0 : i32
      %dma_wait3A_19 = tpu.memref_slice %arg6[%dma_wait3A, %dma_wait3A_18] : memref<125x80xi32, #tpu.memory_space<vmem>> -> memref<1x80xi32, #tpu.memory_space<vmem>>
      %dma_wait3A_20 = tpu.memref_squeeze %dma_wait3A_19 : memref<1x80xi32, #tpu.memory_space<vmem>> -> memref<80xi32, #tpu.memory_space<vmem>>
      %dma_wait3A_21 = arith.constant 0 : i32
      %dma_wait3A_22 = arith.constant 0 : i32
      %dma_wait3A_23 = tpu.memref_slice %arg8[%dma_wait3A_21, %dma_wait3A_22] : memref<10240x128xf32, #tpu.memory_space<vmem_shared>> -> memref<10240x128xf32, #tpu.memory_space<vmem_shared>>
      tpu.wait_indirect_dma semaphore(%arg9 : memref<!tpu.dma_semaphore, #tpu.memory_space<semaphore_mem>>) src(%arg7 : memref<80x128xf32, #tpu.memory_space<vmem>>) dst(%dma_wait3A_23 : memref<10240x128xf32, #tpu.memory_space<vmem_shared>>)
    }
    %scan3A_11 = arith.constant 125 : i32
    %barrier3A_12 = arith.constant 0 : index
    tpu.barrier barrier_id(%barrier3A_12)
    "tpu.region"() ({
      %run_scoped3A = tpu.sem_alloc : memref<!tpu.dma_semaphore, #tpu.memory_space<semaphore_mem>>
      %dma_start3A = arith.constant 0 : i32
      %dma_start3A_13 = tpu.memref_slice %arg5[%arg0, %multiple_of3A, %dma_start3A] : memref<2x10240x128xf32, #tpu.memory_space<hbm>> -> memref<1x640x128xf32, #tpu.memory_space<hbm>>
      %dma_start3A_14 = tpu.memref_squeeze %dma_start3A_13 : memref<1x640x128xf32, #tpu.memory_space<hbm>> -> memref<640x128xf32, #tpu.memory_space<hbm>>
      %dma_start3A_15 = arith.constant 0 : i32
      %dma_start3A_16 = tpu.memref_slice %arg8[%multiple_of3A, %dma_start3A_15] : memref<10240x128xf32, #tpu.memory_space<vmem_shared>> -> memref<640x128xf32, #tpu.memory_space<vmem_shared>>
      tpu.enqueue_dma source(%dma_start3A_16 : memref<640x128xf32, #tpu.memory_space<vmem_shared>>) target(%dma_start3A_14 : memref<640x128xf32, #tpu.memory_space<hbm>>) target_semaphore(%run_scoped3A : memref<!tpu.dma_semaphore, #tpu.memory_space<semaphore_mem>>)
      %dma_wait3A = arith.constant 0 : i32
      %dma_wait3A_17 = tpu.memref_slice %arg5[%arg0, %multiple_of3A, %dma_wait3A] : memref<2x10240x128xf32, #tpu.memory_space<hbm>> -> memref<1x640x128xf32, #tpu.memory_space<hbm>>
      %dma_wait3A_18 = tpu.memref_squeeze %dma_wait3A_17 : memref<1x640x128xf32, #tpu.memory_space<hbm>> -> memref<640x128xf32, #tpu.memory_space<hbm>>
      %dma_wait3A_19 = arith.constant 0 : i32
      %dma_wait3A_20 = tpu.memref_slice %arg8[%multiple_of3A, %dma_wait3A_19] : memref<10240x128xf32, #tpu.memory_space<vmem_shared>> -> memref<640x128xf32, #tpu.memory_space<vmem_shared>>
      tpu.wait_dma2 semaphore(%run_scoped3A : memref<!tpu.dma_semaphore, #tpu.memory_space<semaphore_mem>>) src(%dma_wait3A_20 : memref<640x128xf32, #tpu.memory_space<vmem_shared>>) dst(%dma_wait3A_18 : memref<640x128xf32, #tpu.memory_space<hbm>>)
      tpu.yield
    }) : () -> ()
    return
  }
}

#map = affine_map<(d0, d1) -> (0, 0)>
#map1 = affine_map<(d0, d1) -> (0, 0, 0)>
module attributes {stable_mosaic.version = 14 : i64} {
  func.func @_gather_kernel(%arg0: i32, %arg1: i32, %arg2: memref<10000x128xf32, #tpu.memory_space<hbm>>, %arg3: memref<10000x128xf32, #tpu.memory_space<hbm>>, %arg4: memref<32x125x40xi32, #tpu.memory_space<hbm>>, %arg5: memref<32x125x40xi32, #tpu.memory_space<hbm>>, %arg6: memref<160000x128xf32, #tpu.memory_space<hbm>>, %arg7: memref<160000x128xf32, #tpu.memory_space<hbm>>, %arg8: memref<125x40xi32, #tpu.memory_space<vmem>>, %arg9: memref<125x40xi32, #tpu.memory_space<vmem>>, %arg10: memref<40x128xf32, #tpu.memory_space<vmem>>, %arg11: memref<40x128xf32, #tpu.memory_space<vmem>>, %arg12: memref<40x128xf32, #tpu.memory_space<vmem>>, %arg13: memref<40x128xf32, #tpu.memory_space<vmem>>, %arg14: memref<40x128xf32, #tpu.memory_space<vmem>>, %arg15: memref<40x128xf32, #tpu.memory_space<vmem>>, %arg16: memref<40x128xf32, #tpu.memory_space<vmem>>, %arg17: memref<40x128xf32, #tpu.memory_space<vmem>>, %arg18: memref<40x128xf32, #tpu.memory_space<vmem>>, %arg19: memref<40x128xf32, #tpu.memory_space<vmem>>, %arg20: memref<40x128xf32, #tpu.memory_space<vmem>>, %arg21: memref<40x128xf32, #tpu.memory_space<vmem>>, %arg22: memref<!tpu.dma_semaphore, #tpu.memory_space<semaphore_mem>>, %arg23: memref<!tpu.dma_semaphore, #tpu.memory_space<semaphore_mem>>) attributes {dimension_semantics = [#tpu.dimension_semantics<core_parallel>, #tpu.dimension_semantics<subcore_parallel>], iteration_bounds = array<i64: 2, 16>, scalar_prefetch = 0 : i64, scratch_operands = 16 : i64, tpu.core_type = #tpu.core_type<sc_vector_subcore>, window_params = [{transform_indices = #map}, {transform_indices = #map}, {transform_indices = #map1}, {transform_indices = #map1}, {transform_indices = #map}, {transform_indices = #map}]} {
    %mul3A = arith.constant 2 : i32
    %mul3A_0 = arith.muli %arg1, %mul3A : i32
    %add3A = arith.addi %mul3A_0, %arg0 : i32
    %mul3A_1 = arith.constant 5000 : i32
    %mul3A_2 = arith.muli %add3A, %mul3A_1 : i32
    "tpu.region"() ({
      %run_scoped3A = tpu.sem_alloc : memref<!tpu.dma_semaphore, #tpu.memory_space<semaphore_mem>>
      %dma_start3A_231 = arith.constant 0 : i32
      %dma_start3A_232 = arith.constant 0 : i32
      %dma_start3A_233 = tpu.memref_slice %arg4[%add3A, %dma_start3A_231, %dma_start3A_232] : memref<32x125x40xi32, #tpu.memory_space<hbm>> -> memref<1x125x40xi32, #tpu.memory_space<hbm>>
      %dma_start3A_234 = tpu.memref_squeeze %dma_start3A_233 : memref<1x125x40xi32, #tpu.memory_space<hbm>> -> memref<125x40xi32, #tpu.memory_space<hbm>>
      %dma_start3A_235 = arith.constant 0 : i32
      %dma_start3A_236 = arith.constant 0 : i32
      %dma_start3A_237 = tpu.memref_slice %arg4[%add3A, %dma_start3A_235, %dma_start3A_236] : memref<32x125x40xi32, #tpu.memory_space<hbm>> -> memref<1x125x40xi32, #tpu.memory_space<hbm>>
      %dma_start3A_238 = tpu.memref_squeeze %dma_start3A_237 : memref<1x125x40xi32, #tpu.memory_space<hbm>> -> memref<125x40xi32, #tpu.memory_space<hbm>>
      tpu.enqueue_dma source(%dma_start3A_238 : memref<125x40xi32, #tpu.memory_space<hbm>>) target(%arg8 : memref<125x40xi32, #tpu.memory_space<vmem>>) target_semaphore(%run_scoped3A : memref<!tpu.dma_semaphore, #tpu.memory_space<semaphore_mem>>)
      %dma_wait3A_239 = arith.constant 0 : i32
      %dma_wait3A_240 = arith.constant 0 : i32
      %dma_wait3A_241 = tpu.memref_slice %arg4[%add3A, %dma_wait3A_239, %dma_wait3A_240] : memref<32x125x40xi32, #tpu.memory_space<hbm>> -> memref<1x125x40xi32, #tpu.memory_space<hbm>>
      %dma_wait3A_242 = tpu.memref_squeeze %dma_wait3A_241 : memref<1x125x40xi32, #tpu.memory_space<hbm>> -> memref<125x40xi32, #tpu.memory_space<hbm>>
      %dma_wait3A_243 = arith.constant 0 : i32
      %dma_wait3A_244 = arith.constant 0 : i32
      %dma_wait3A_245 = tpu.memref_slice %arg4[%add3A, %dma_wait3A_243, %dma_wait3A_244] : memref<32x125x40xi32, #tpu.memory_space<hbm>> -> memref<1x125x40xi32, #tpu.memory_space<hbm>>
      %dma_wait3A_246 = tpu.memref_squeeze %dma_wait3A_245 : memref<1x125x40xi32, #tpu.memory_space<hbm>> -> memref<125x40xi32, #tpu.memory_space<hbm>>
      tpu.wait_dma2 semaphore(%run_scoped3A : memref<!tpu.dma_semaphore, #tpu.memory_space<semaphore_mem>>) src(%dma_wait3A_246 : memref<125x40xi32, #tpu.memory_space<hbm>>) dst(%arg8 : memref<125x40xi32, #tpu.memory_space<vmem>>)
      tpu.yield
    }) : () -> ()
    "tpu.region"() ({
      %run_scoped3A = tpu.sem_alloc : memref<!tpu.dma_semaphore, #tpu.memory_space<semaphore_mem>>
      %dma_start3A_231 = arith.constant 0 : i32
      %dma_start3A_232 = arith.constant 0 : i32
      %dma_start3A_233 = tpu.memref_slice %arg5[%add3A, %dma_start3A_231, %dma_start3A_232] : memref<32x125x40xi32, #tpu.memory_space<hbm>> -> memref<1x125x40xi32, #tpu.memory_space<hbm>>
      %dma_start3A_234 = tpu.memref_squeeze %dma_start3A_233 : memref<1x125x40xi32, #tpu.memory_space<hbm>> -> memref<125x40xi32, #tpu.memory_space<hbm>>
      %dma_start3A_235 = arith.constant 0 : i32
      %dma_start3A_236 = arith.constant 0 : i32
      %dma_start3A_237 = tpu.memref_slice %arg5[%add3A, %dma_start3A_235, %dma_start3A_236] : memref<32x125x40xi32, #tpu.memory_space<hbm>> -> memref<1x125x40xi32, #tpu.memory_space<hbm>>
      %dma_start3A_238 = tpu.memref_squeeze %dma_start3A_237 : memref<1x125x40xi32, #tpu.memory_space<hbm>> -> memref<125x40xi32, #tpu.memory_space<hbm>>
      tpu.enqueue_dma source(%dma_start3A_238 : memref<125x40xi32, #tpu.memory_space<hbm>>) target(%arg9 : memref<125x40xi32, #tpu.memory_space<vmem>>) target_semaphore(%run_scoped3A : memref<!tpu.dma_semaphore, #tpu.memory_space<semaphore_mem>>)
      %dma_wait3A_239 = arith.constant 0 : i32
      %dma_wait3A_240 = arith.constant 0 : i32
      %dma_wait3A_241 = tpu.memref_slice %arg5[%add3A, %dma_wait3A_239, %dma_wait3A_240] : memref<32x125x40xi32, #tpu.memory_space<hbm>> -> memref<1x125x40xi32, #tpu.memory_space<hbm>>
      %dma_wait3A_242 = tpu.memref_squeeze %dma_wait3A_241 : memref<1x125x40xi32, #tpu.memory_space<hbm>> -> memref<125x40xi32, #tpu.memory_space<hbm>>
      %dma_wait3A_243 = arith.constant 0 : i32
      %dma_wait3A_244 = arith.constant 0 : i32
      %dma_wait3A_245 = tpu.memref_slice %arg5[%add3A, %dma_wait3A_243, %dma_wait3A_244] : memref<32x125x40xi32, #tpu.memory_space<hbm>> -> memref<1x125x40xi32, #tpu.memory_space<hbm>>
      %dma_wait3A_246 = tpu.memref_squeeze %dma_wait3A_245 : memref<1x125x40xi32, #tpu.memory_space<hbm>> -> memref<125x40xi32, #tpu.memory_space<hbm>>
      tpu.wait_dma2 semaphore(%run_scoped3A : memref<!tpu.dma_semaphore, #tpu.memory_space<semaphore_mem>>) src(%dma_wait3A_246 : memref<125x40xi32, #tpu.memory_space<hbm>>) dst(%arg9 : memref<125x40xi32, #tpu.memory_space<vmem>>)
      tpu.yield
    }) : () -> ()
    %scan3A = arith.constant 0 : i32
    %scan3A_3 = arith.constant 20 : i32
    %scan3A_4 = arith.addi %scan3A, %scan3A_3 : i32
    %scan3A_5 = arith.constant 1 : i32
    scf.for %scan3A_231 = %scan3A to %scan3A_4 step %scan3A_5  : i32 {
      %mul3A_232 = arith.constant 1 : i32
      %mul3A_233 = arith.muli %scan3A_231, %mul3A_232 : i32
      %add3A_234 = arith.constant 0 : i32
      %add3A_235 = arith.addi %add3A_234, %mul3A_233 : i32
      %mul3A_236 = arith.constant 2 : i32
      %mul3A_237 = arith.muli %add3A_235, %mul3A_236 : i32
      %mul3A_238 = arith.constant 3 : i32
      %mul3A_239 = arith.muli %mul3A_237, %mul3A_238 : i32
      %gt3A = arith.constant 0 : i32
      %gt3A_240 = arith.cmpi sgt, %add3A_235, %gt3A : i32
      %convert_element_type3A = arith.extui %gt3A_240 : i1 to i32
      %cond3A = arith.constant 0 : i32
      %cond3A_241 = arith.cmpi ne, %convert_element_type3A, %cond3A : i32
      scf.if %cond3A_241 {
        %dma_wait3A_503 = arith.constant 0 : i32
        %dma_wait3A_504 = arith.constant 0 : i32
        %dma_wait3A_505 = tpu.memref_slice %arg6[%dma_wait3A_503, %dma_wait3A_504] : memref<160000x128xf32, #tpu.memory_space<hbm>> -> memref<40x128xf32, #tpu.memory_space<hbm>>
        %dma_wait3A_506 = arith.constant 0 : i32
        %dma_wait3A_507 = arith.constant 0 : i32
        %dma_wait3A_508 = tpu.memref_slice %arg6[%dma_wait3A_506, %dma_wait3A_507] : memref<160000x128xf32, #tpu.memory_space<hbm>> -> memref<40x128xf32, #tpu.memory_space<hbm>>
        tpu.wait_dma2 semaphore(%arg23 : memref<!tpu.dma_semaphore, #tpu.memory_space<semaphore_mem>>) src(%arg10 : memref<40x128xf32, #tpu.memory_space<vmem>>) dst(%dma_wait3A_508 : memref<40x128xf32, #tpu.memory_space<hbm>>)
        %dma_wait3A_509 = arith.constant 0 : i32
        %dma_wait3A_510 = arith.constant 0 : i32
        %dma_wait3A_511 = tpu.memref_slice %arg6[%dma_wait3A_509, %dma_wait3A_510] : memref<160000x128xf32, #tpu.memory_space<hbm>> -> memref<40x128xf32, #tpu.memory_space<hbm>>
        %dma_wait3A_512 = arith.constant 0 : i32
        %dma_wait3A_513 = arith.constant 0 : i32
        %dma_wait3A_514 = tpu.memref_slice %arg6[%dma_wait3A_512, %dma_wait3A_513] : memref<160000x128xf32, #tpu.memory_space<hbm>> -> memref<40x128xf32, #tpu.memory_space<hbm>>
        tpu.wait_dma2 semaphore(%arg23 : memref<!tpu.dma_semaphore, #tpu.memory_space<semaphore_mem>>) src(%arg11 : memref<40x128xf32, #tpu.memory_space<vmem>>) dst(%dma_wait3A_514 : memref<40x128xf32, #tpu.memory_space<hbm>>)
        %dma_wait3A_515 = arith.constant 0 : i32
        %dma_wait3A_516 = arith.constant 0 : i32
        %dma_wait3A_517 = tpu.memref_slice %arg6[%dma_wait3A_515, %dma_wait3A_516] : memref<160000x128xf32, #tpu.memory_space<hbm>> -> memref<40x128xf32, #tpu.memory_space<hbm>>
        %dma_wait3A_518 = arith.constant 0 : i32
        %dma_wait3A_519 = arith.constant 0 : i32
        %dma_wait3A_520 = tpu.memref_slice %arg6[%dma_wait3A_518, %dma_wait3A_519] : memref<160000x128xf32, #tpu.memory_space<hbm>> -> memref<40x128xf32, #tpu.memory_space<hbm>>
        tpu.wait_dma2 semaphore(%arg23 : memref<!tpu.dma_semaphore, #tpu.memory_space<semaphore_mem>>) src(%arg12 : memref<40x128xf32, #tpu.memory_space<vmem>>) dst(%dma_wait3A_520 : memref<40x128xf32, #tpu.memory_space<hbm>>)
        %dma_wait3A_521 = arith.constant 0 : i32
        %dma_wait3A_522 = arith.constant 0 : i32
        %dma_wait3A_523 = tpu.memref_slice %arg6[%dma_wait3A_521, %dma_wait3A_522] : memref<160000x128xf32, #tpu.memory_space<hbm>> -> memref<40x128xf32, #tpu.memory_space<hbm>>
        %dma_wait3A_524 = arith.constant 0 : i32
        %dma_wait3A_525 = arith.constant 0 : i32
        %dma_wait3A_526 = tpu.memref_slice %arg6[%dma_wait3A_524, %dma_wait3A_525] : memref<160000x128xf32, #tpu.memory_space<hbm>> -> memref<40x128xf32, #tpu.memory_space<hbm>>
        tpu.wait_dma2 semaphore(%arg23 : memref<!tpu.dma_semaphore, #tpu.memory_space<semaphore_mem>>) src(%arg16 : memref<40x128xf32, #tpu.memory_space<vmem>>) dst(%dma_wait3A_526 : memref<40x128xf32, #tpu.memory_space<hbm>>)
        %dma_wait3A_527 = arith.constant 0 : i32
        %dma_wait3A_528 = arith.constant 0 : i32
        %dma_wait3A_529 = tpu.memref_slice %arg6[%dma_wait3A_527, %dma_wait3A_528] : memref<160000x128xf32, #tpu.memory_space<hbm>> -> memref<40x128xf32, #tpu.memory_space<hbm>>
        %dma_wait3A_530 = arith.constant 0 : i32
        %dma_wait3A_531 = arith.constant 0 : i32
        %dma_wait3A_532 = tpu.memref_slice %arg6[%dma_wait3A_530, %dma_wait3A_531] : memref<160000x128xf32, #tpu.memory_space<hbm>> -> memref<40x128xf32, #tpu.memory_space<hbm>>
        tpu.wait_dma2 semaphore(%arg23 : memref<!tpu.dma_semaphore, #tpu.memory_space<semaphore_mem>>) src(%arg17 : memref<40x128xf32, #tpu.memory_space<vmem>>) dst(%dma_wait3A_532 : memref<40x128xf32, #tpu.memory_space<hbm>>)
        %dma_wait3A_533 = arith.constant 0 : i32
        %dma_wait3A_534 = arith.constant 0 : i32
        %dma_wait3A_535 = tpu.memref_slice %arg6[%dma_wait3A_533, %dma_wait3A_534] : memref<160000x128xf32, #tpu.memory_space<hbm>> -> memref<40x128xf32, #tpu.memory_space<hbm>>
        %dma_wait3A_536 = arith.constant 0 : i32
        %dma_wait3A_537 = arith.constant 0 : i32
        %dma_wait3A_538 = tpu.memref_slice %arg6[%dma_wait3A_536, %dma_wait3A_537] : memref<160000x128xf32, #tpu.memory_space<hbm>> -> memref<40x128xf32, #tpu.memory_space<hbm>>
        tpu.wait_dma2 semaphore(%arg23 : memref<!tpu.dma_semaphore, #tpu.memory_space<semaphore_mem>>) src(%arg18 : memref<40x128xf32, #tpu.memory_space<vmem>>) dst(%dma_wait3A_538 : memref<40x128xf32, #tpu.memory_space<hbm>>)
      } else {
      }
      %add3A_242 = arith.constant 0 : i32
      %add3A_243 = arith.addi %mul3A_239, %add3A_242 : i32
      %dma_start3A_244 = arith.constant 0 : i32
      %dma_start3A_245 = tpu.memref_slice %arg8[%add3A_243, %dma_start3A_244] : memref<125x40xi32, #tpu.memory_space<vmem>> -> memref<1x40xi32, #tpu.memory_space<vmem>>
      %dma_start3A_246 = tpu.memref_squeeze %dma_start3A_245 : memref<1x40xi32, #tpu.memory_space<vmem>> -> memref<40xi32, #tpu.memory_space<vmem>>
      %dma_start3A_247 = arith.constant 0 : i32
      %dma_start3A_248 = arith.constant 0 : i32
      %dma_start3A_249 = tpu.memref_slice %arg2[%dma_start3A_247, %dma_start3A_248] : memref<10000x128xf32, #tpu.memory_space<hbm>> -> memref<10000x128xf32, #tpu.memory_space<hbm>>
      tpu.enqueue_indirect_dma source(%dma_start3A_249 : memref<10000x128xf32, #tpu.memory_space<hbm>>) target(%arg10 : memref<40x128xf32, #tpu.memory_space<vmem>>) offsets(%dma_start3A_246 : memref<40xi32, #tpu.memory_space<vmem>>) semaphore(%arg22 : memref<!tpu.dma_semaphore, #tpu.memory_space<semaphore_mem>>)
      %add3A_250 = arith.constant 0 : i32
      %add3A_251 = arith.addi %mul3A_239, %add3A_250 : i32
      %dma_start3A_252 = arith.constant 0 : i32
      %dma_start3A_253 = tpu.memref_slice %arg9[%add3A_251, %dma_start3A_252] : memref<125x40xi32, #tpu.memory_space<vmem>> -> memref<1x40xi32, #tpu.memory_space<vmem>>
      %dma_start3A_254 = tpu.memref_squeeze %dma_start3A_253 : memref<1x40xi32, #tpu.memory_space<vmem>> -> memref<40xi32, #tpu.memory_space<vmem>>
      %dma_start3A_255 = arith.constant 0 : i32
      %dma_start3A_256 = arith.constant 0 : i32
      %dma_start3A_257 = tpu.memref_slice %arg3[%dma_start3A_255, %dma_start3A_256] : memref<10000x128xf32, #tpu.memory_space<hbm>> -> memref<10000x128xf32, #tpu.memory_space<hbm>>
      tpu.enqueue_indirect_dma source(%dma_start3A_257 : memref<10000x128xf32, #tpu.memory_space<hbm>>) target(%arg16 : memref<40x128xf32, #tpu.memory_space<vmem>>) offsets(%dma_start3A_254 : memref<40xi32, #tpu.memory_space<vmem>>) semaphore(%arg22 : memref<!tpu.dma_semaphore, #tpu.memory_space<semaphore_mem>>)
      %add3A_258 = arith.constant 1 : i32
      %add3A_259 = arith.addi %mul3A_239, %add3A_258 : i32
      %dma_start3A_260 = arith.constant 0 : i32
      %dma_start3A_261 = tpu.memref_slice %arg8[%add3A_259, %dma_start3A_260] : memref<125x40xi32, #tpu.memory_space<vmem>> -> memref<1x40xi32, #tpu.memory_space<vmem>>
      %dma_start3A_262 = tpu.memref_squeeze %dma_start3A_261 : memref<1x40xi32, #tpu.memory_space<vmem>> -> memref<40xi32, #tpu.memory_space<vmem>>
      %dma_start3A_263 = arith.constant 0 : i32
      %dma_start3A_264 = arith.constant 0 : i32
      %dma_start3A_265 = tpu.memref_slice %arg2[%dma_start3A_263, %dma_start3A_264] : memref<10000x128xf32, #tpu.memory_space<hbm>> -> memref<10000x128xf32, #tpu.memory_space<hbm>>
      tpu.enqueue_indirect_dma source(%dma_start3A_265 : memref<10000x128xf32, #tpu.memory_space<hbm>>) target(%arg11 : memref<40x128xf32, #tpu.memory_space<vmem>>) offsets(%dma_start3A_262 : memref<40xi32, #tpu.memory_space<vmem>>) semaphore(%arg22 : memref<!tpu.dma_semaphore, #tpu.memory_space<semaphore_mem>>)
      %add3A_266 = arith.constant 1 : i32
      %add3A_267 = arith.addi %mul3A_239, %add3A_266 : i32
      %dma_start3A_268 = arith.constant 0 : i32
      %dma_start3A_269 = tpu.memref_slice %arg9[%add3A_267, %dma_start3A_268] : memref<125x40xi32, #tpu.memory_space<vmem>> -> memref<1x40xi32, #tpu.memory_space<vmem>>
      %dma_start3A_270 = tpu.memref_squeeze %dma_start3A_269 : memref<1x40xi32, #tpu.memory_space<vmem>> -> memref<40xi32, #tpu.memory_space<vmem>>
      %dma_start3A_271 = arith.constant 0 : i32
      %dma_start3A_272 = arith.constant 0 : i32
      %dma_start3A_273 = tpu.memref_slice %arg3[%dma_start3A_271, %dma_start3A_272] : memref<10000x128xf32, #tpu.memory_space<hbm>> -> memref<10000x128xf32, #tpu.memory_space<hbm>>
      tpu.enqueue_indirect_dma source(%dma_start3A_273 : memref<10000x128xf32, #tpu.memory_space<hbm>>) target(%arg17 : memref<40x128xf32, #tpu.memory_space<vmem>>) offsets(%dma_start3A_270 : memref<40xi32, #tpu.memory_space<vmem>>) semaphore(%arg22 : memref<!tpu.dma_semaphore, #tpu.memory_space<semaphore_mem>>)
      %add3A_274 = arith.constant 2 : i32
      %add3A_275 = arith.addi %mul3A_239, %add3A_274 : i32
      %dma_start3A_276 = arith.constant 0 : i32
      %dma_start3A_277 = tpu.memref_slice %arg8[%add3A_275, %dma_start3A_276] : memref<125x40xi32, #tpu.memory_space<vmem>> -> memref<1x40xi32, #tpu.memory_space<vmem>>
      %dma_start3A_278 = tpu.memref_squeeze %dma_start3A_277 : memref<1x40xi32, #tpu.memory_space<vmem>> -> memref<40xi32, #tpu.memory_space<vmem>>
      %dma_start3A_279 = arith.constant 0 : i32
      %dma_start3A_280 = arith.constant 0 : i32
      %dma_start3A_281 = tpu.memref_slice %arg2[%dma_start3A_279, %dma_start3A_280] : memref<10000x128xf32, #tpu.memory_space<hbm>> -> memref<10000x128xf32, #tpu.memory_space<hbm>>
      tpu.enqueue_indirect_dma source(%dma_start3A_281 : memref<10000x128xf32, #tpu.memory_space<hbm>>) target(%arg12 : memref<40x128xf32, #tpu.memory_space<vmem>>) offsets(%dma_start3A_278 : memref<40xi32, #tpu.memory_space<vmem>>) semaphore(%arg22 : memref<!tpu.dma_semaphore, #tpu.memory_space<semaphore_mem>>)
      %add3A_282 = arith.constant 2 : i32
      %add3A_283 = arith.addi %mul3A_239, %add3A_282 : i32
      %dma_start3A_284 = arith.constant 0 : i32
      %dma_start3A_285 = tpu.memref_slice %arg9[%add3A_283, %dma_start3A_284] : memref<125x40xi32, #tpu.memory_space<vmem>> -> memref<1x40xi32, #tpu.memory_space<vmem>>
      %dma_start3A_286 = tpu.memref_squeeze %dma_start3A_285 : memref<1x40xi32, #tpu.memory_space<vmem>> -> memref<40xi32, #tpu.memory_space<vmem>>
      %dma_start3A_287 = arith.constant 0 : i32
      %dma_start3A_288 = arith.constant 0 : i32
      %dma_start3A_289 = tpu.memref_slice %arg3[%dma_start3A_287, %dma_start3A_288] : memref<10000x128xf32, #tpu.memory_space<hbm>> -> memref<10000x128xf32, #tpu.memory_space<hbm>>
      tpu.enqueue_indirect_dma source(%dma_start3A_289 : memref<10000x128xf32, #tpu.memory_space<hbm>>) target(%arg18 : memref<40x128xf32, #tpu.memory_space<vmem>>) offsets(%dma_start3A_286 : memref<40xi32, #tpu.memory_space<vmem>>) semaphore(%arg22 : memref<!tpu.dma_semaphore, #tpu.memory_space<semaphore_mem>>)
      %gt3A_290 = arith.constant 0 : i32
      %gt3A_291 = arith.cmpi sgt, %add3A_235, %gt3A_290 : i32
      %convert_element_type3A_292 = arith.extui %gt3A_291 : i1 to i32
      %cond3A_293 = arith.constant 0 : i32
      %cond3A_294 = arith.cmpi ne, %convert_element_type3A_292, %cond3A_293 : i32
      scf.if %cond3A_294 {
        %dma_wait3A_503 = arith.constant 0 : i32
        %dma_wait3A_504 = arith.constant 0 : i32
        %dma_wait3A_505 = tpu.memref_slice %arg6[%dma_wait3A_503, %dma_wait3A_504] : memref<160000x128xf32, #tpu.memory_space<hbm>> -> memref<40x128xf32, #tpu.memory_space<hbm>>
        %dma_wait3A_506 = arith.constant 0 : i32
        %dma_wait3A_507 = arith.constant 0 : i32
        %dma_wait3A_508 = tpu.memref_slice %arg6[%dma_wait3A_506, %dma_wait3A_507] : memref<160000x128xf32, #tpu.memory_space<hbm>> -> memref<40x128xf32, #tpu.memory_space<hbm>>
        tpu.wait_dma2 semaphore(%arg23 : memref<!tpu.dma_semaphore, #tpu.memory_space<semaphore_mem>>) src(%arg13 : memref<40x128xf32, #tpu.memory_space<vmem>>) dst(%dma_wait3A_508 : memref<40x128xf32, #tpu.memory_space<hbm>>)
        %dma_wait3A_509 = arith.constant 0 : i32
        %dma_wait3A_510 = arith.constant 0 : i32
        %dma_wait3A_511 = tpu.memref_slice %arg6[%dma_wait3A_509, %dma_wait3A_510] : memref<160000x128xf32, #tpu.memory_space<hbm>> -> memref<40x128xf32, #tpu.memory_space<hbm>>
        %dma_wait3A_512 = arith.constant 0 : i32
        %dma_wait3A_513 = arith.constant 0 : i32
        %dma_wait3A_514 = tpu.memref_slice %arg6[%dma_wait3A_512, %dma_wait3A_513] : memref<160000x128xf32, #tpu.memory_space<hbm>> -> memref<40x128xf32, #tpu.memory_space<hbm>>
        tpu.wait_dma2 semaphore(%arg23 : memref<!tpu.dma_semaphore, #tpu.memory_space<semaphore_mem>>) src(%arg14 : memref<40x128xf32, #tpu.memory_space<vmem>>) dst(%dma_wait3A_514 : memref<40x128xf32, #tpu.memory_space<hbm>>)
        %dma_wait3A_515 = arith.constant 0 : i32
        %dma_wait3A_516 = arith.constant 0 : i32
        %dma_wait3A_517 = tpu.memref_slice %arg6[%dma_wait3A_515, %dma_wait3A_516] : memref<160000x128xf32, #tpu.memory_space<hbm>> -> memref<40x128xf32, #tpu.memory_space<hbm>>
        %dma_wait3A_518 = arith.constant 0 : i32
        %dma_wait3A_519 = arith.constant 0 : i32
        %dma_wait3A_520 = tpu.memref_slice %arg6[%dma_wait3A_518, %dma_wait3A_519] : memref<160000x128xf32, #tpu.memory_space<hbm>> -> memref<40x128xf32, #tpu.memory_space<hbm>>
        tpu.wait_dma2 semaphore(%arg23 : memref<!tpu.dma_semaphore, #tpu.memory_space<semaphore_mem>>) src(%arg15 : memref<40x128xf32, #tpu.memory_space<vmem>>) dst(%dma_wait3A_520 : memref<40x128xf32, #tpu.memory_space<hbm>>)
        %dma_wait3A_521 = arith.constant 0 : i32
        %dma_wait3A_522 = arith.constant 0 : i32
        %dma_wait3A_523 = tpu.memref_slice %arg6[%dma_wait3A_521, %dma_wait3A_522] : memref<160000x128xf32, #tpu.memory_space<hbm>> -> memref<40x128xf32, #tpu.memory_space<hbm>>
        %dma_wait3A_524 = arith.constant 0 : i32
        %dma_wait3A_525 = arith.constant 0 : i32
        %dma_wait3A_526 = tpu.memref_slice %arg6[%dma_wait3A_524, %dma_wait3A_525] : memref<160000x128xf32, #tpu.memory_space<hbm>> -> memref<40x128xf32, #tpu.memory_space<hbm>>
        tpu.wait_dma2 semaphore(%arg23 : memref<!tpu.dma_semaphore, #tpu.memory_space<semaphore_mem>>) src(%arg19 : memref<40x128xf32, #tpu.memory_space<vmem>>) dst(%dma_wait3A_526 : memref<40x128xf32, #tpu.memory_space<hbm>>)
        %dma_wait3A_527 = arith.constant 0 : i32
        %dma_wait3A_528 = arith.constant 0 : i32
        %dma_wait3A_529 = tpu.memref_slice %arg6[%dma_wait3A_527, %dma_wait3A_528] : memref<160000x128xf32, #tpu.memory_space<hbm>> -> memref<40x128xf32, #tpu.memory_space<hbm>>
        %dma_wait3A_530 = arith.constant 0 : i32
        %dma_wait3A_531 = arith.constant 0 : i32
        %dma_wait3A_532 = tpu.memref_slice %arg6[%dma_wait3A_530, %dma_wait3A_531] : memref<160000x128xf32, #tpu.memory_space<hbm>> -> memref<40x128xf32, #tpu.memory_space<hbm>>
        tpu.wait_dma2 semaphore(%arg23 : memref<!tpu.dma_semaphore, #tpu.memory_space<semaphore_mem>>) src(%arg20 : memref<40x128xf32, #tpu.memory_space<vmem>>) dst(%dma_wait3A_532 : memref<40x128xf32, #tpu.memory_space<hbm>>)
        %dma_wait3A_533 = arith.constant 0 : i32
        %dma_wait3A_534 = arith.constant 0 : i32
        %dma_wait3A_535 = tpu.memref_slice %arg6[%dma_wait3A_533, %dma_wait3A_534] : memref<160000x128xf32, #tpu.memory_space<hbm>> -> memref<40x128xf32, #tpu.memory_space<hbm>>
        %dma_wait3A_536 = arith.constant 0 : i32
        %dma_wait3A_537 = arith.constant 0 : i32
        %dma_wait3A_538 = tpu.memref_slice %arg6[%dma_wait3A_536, %dma_wait3A_537] : memref<160000x128xf32, #tpu.memory_space<hbm>> -> memref<40x128xf32, #tpu.memory_space<hbm>>
        tpu.wait_dma2 semaphore(%arg23 : memref<!tpu.dma_semaphore, #tpu.memory_space<semaphore_mem>>) src(%arg21 : memref<40x128xf32, #tpu.memory_space<vmem>>) dst(%dma_wait3A_538 : memref<40x128xf32, #tpu.memory_space<hbm>>)
      } else {
      }
      %add3A_295 = arith.constant 3 : i32
      %add3A_296 = arith.addi %mul3A_239, %add3A_295 : i32
      %add3A_297 = arith.constant 0 : i32
      %add3A_298 = arith.addi %add3A_296, %add3A_297 : i32
      %dma_start3A_299 = arith.constant 0 : i32
      %dma_start3A_300 = tpu.memref_slice %arg8[%add3A_298, %dma_start3A_299] : memref<125x40xi32, #tpu.memory_space<vmem>> -> memref<1x40xi32, #tpu.memory_space<vmem>>
      %dma_start3A_301 = tpu.memref_squeeze %dma_start3A_300 : memref<1x40xi32, #tpu.memory_space<vmem>> -> memref<40xi32, #tpu.memory_space<vmem>>
      %dma_start3A_302 = arith.constant 0 : i32
      %dma_start3A_303 = arith.constant 0 : i32
      %dma_start3A_304 = tpu.memref_slice %arg2[%dma_start3A_302, %dma_start3A_303] : memref<10000x128xf32, #tpu.memory_space<hbm>> -> memref<10000x128xf32, #tpu.memory_space<hbm>>
      tpu.enqueue_indirect_dma source(%dma_start3A_304 : memref<10000x128xf32, #tpu.memory_space<hbm>>) target(%arg13 : memref<40x128xf32, #tpu.memory_space<vmem>>) offsets(%dma_start3A_301 : memref<40xi32, #tpu.memory_space<vmem>>) semaphore(%arg22 : memref<!tpu.dma_semaphore, #tpu.memory_space<semaphore_mem>>)
      %add3A_305 = arith.constant 0 : i32
      %add3A_306 = arith.addi %add3A_296, %add3A_305 : i32
      %dma_start3A_307 = arith.constant 0 : i32
      %dma_start3A_308 = tpu.memref_slice %arg9[%add3A_306, %dma_start3A_307] : memref<125x40xi32, #tpu.memory_space<vmem>> -> memref<1x40xi32, #tpu.memory_space<vmem>>
      %dma_start3A_309 = tpu.memref_squeeze %dma_start3A_308 : memref<1x40xi32, #tpu.memory_space<vmem>> -> memref<40xi32, #tpu.memory_space<vmem>>
      %dma_start3A_310 = arith.constant 0 : i32
      %dma_start3A_311 = arith.constant 0 : i32
      %dma_start3A_312 = tpu.memref_slice %arg3[%dma_start3A_310, %dma_start3A_311] : memref<10000x128xf32, #tpu.memory_space<hbm>> -> memref<10000x128xf32, #tpu.memory_space<hbm>>
      tpu.enqueue_indirect_dma source(%dma_start3A_312 : memref<10000x128xf32, #tpu.memory_space<hbm>>) target(%arg19 : memref<40x128xf32, #tpu.memory_space<vmem>>) offsets(%dma_start3A_309 : memref<40xi32, #tpu.memory_space<vmem>>) semaphore(%arg22 : memref<!tpu.dma_semaphore, #tpu.memory_space<semaphore_mem>>)
      %add3A_313 = arith.constant 1 : i32
      %add3A_314 = arith.addi %add3A_296, %add3A_313 : i32
      %dma_start3A_315 = arith.constant 0 : i32
      %dma_start3A_316 = tpu.memref_slice %arg8[%add3A_314, %dma_start3A_315] : memref<125x40xi32, #tpu.memory_space<vmem>> -> memref<1x40xi32, #tpu.memory_space<vmem>>
      %dma_start3A_317 = tpu.memref_squeeze %dma_start3A_316 : memref<1x40xi32, #tpu.memory_space<vmem>> -> memref<40xi32, #tpu.memory_space<vmem>>
      %dma_start3A_318 = arith.constant 0 : i32
      %dma_start3A_319 = arith.constant 0 : i32
      %dma_start3A_320 = tpu.memref_slice %arg2[%dma_start3A_318, %dma_start3A_319] : memref<10000x128xf32, #tpu.memory_space<hbm>> -> memref<10000x128xf32, #tpu.memory_space<hbm>>
      tpu.enqueue_indirect_dma source(%dma_start3A_320 : memref<10000x128xf32, #tpu.memory_space<hbm>>) target(%arg14 : memref<40x128xf32, #tpu.memory_space<vmem>>) offsets(%dma_start3A_317 : memref<40xi32, #tpu.memory_space<vmem>>) semaphore(%arg22 : memref<!tpu.dma_semaphore, #tpu.memory_space<semaphore_mem>>)
      %add3A_321 = arith.constant 1 : i32
      %add3A_322 = arith.addi %add3A_296, %add3A_321 : i32
      %dma_start3A_323 = arith.constant 0 : i32
      %dma_start3A_324 = tpu.memref_slice %arg9[%add3A_322, %dma_start3A_323] : memref<125x40xi32, #tpu.memory_space<vmem>> -> memref<1x40xi32, #tpu.memory_space<vmem>>
      %dma_start3A_325 = tpu.memref_squeeze %dma_start3A_324 : memref<1x40xi32, #tpu.memory_space<vmem>> -> memref<40xi32, #tpu.memory_space<vmem>>
      %dma_start3A_326 = arith.constant 0 : i32
      %dma_start3A_327 = arith.constant 0 : i32
      %dma_start3A_328 = tpu.memref_slice %arg3[%dma_start3A_326, %dma_start3A_327] : memref<10000x128xf32, #tpu.memory_space<hbm>> -> memref<10000x128xf32, #tpu.memory_space<hbm>>
      tpu.enqueue_indirect_dma source(%dma_start3A_328 : memref<10000x128xf32, #tpu.memory_space<hbm>>) target(%arg20 : memref<40x128xf32, #tpu.memory_space<vmem>>) offsets(%dma_start3A_325 : memref<40xi32, #tpu.memory_space<vmem>>) semaphore(%arg22 : memref<!tpu.dma_semaphore, #tpu.memory_space<semaphore_mem>>)
      %add3A_329 = arith.constant 2 : i32
      %add3A_330 = arith.addi %add3A_296, %add3A_329 : i32
      %dma_start3A_331 = arith.constant 0 : i32
      %dma_start3A_332 = tpu.memref_slice %arg8[%add3A_330, %dma_start3A_331] : memref<125x40xi32, #tpu.memory_space<vmem>> -> memref<1x40xi32, #tpu.memory_space<vmem>>
      %dma_start3A_333 = tpu.memref_squeeze %dma_start3A_332 : memref<1x40xi32, #tpu.memory_space<vmem>> -> memref<40xi32, #tpu.memory_space<vmem>>
      %dma_start3A_334 = arith.constant 0 : i32
      %dma_start3A_335 = arith.constant 0 : i32
      %dma_start3A_336 = tpu.memref_slice %arg2[%dma_start3A_334, %dma_start3A_335] : memref<10000x128xf32, #tpu.memory_space<hbm>> -> memref<10000x128xf32, #tpu.memory_space<hbm>>
      tpu.enqueue_indirect_dma source(%dma_start3A_336 : memref<10000x128xf32, #tpu.memory_space<hbm>>) target(%arg15 : memref<40x128xf32, #tpu.memory_space<vmem>>) offsets(%dma_start3A_333 : memref<40xi32, #tpu.memory_space<vmem>>) semaphore(%arg22 : memref<!tpu.dma_semaphore, #tpu.memory_space<semaphore_mem>>)
      %add3A_337 = arith.constant 2 : i32
      %add3A_338 = arith.addi %add3A_296, %add3A_337 : i32
      %dma_start3A_339 = arith.constant 0 : i32
      %dma_start3A_340 = tpu.memref_slice %arg9[%add3A_338, %dma_start3A_339] : memref<125x40xi32, #tpu.memory_space<vmem>> -> memref<1x40xi32, #tpu.memory_space<vmem>>
      %dma_start3A_341 = tpu.memref_squeeze %dma_start3A_340 : memref<1x40xi32, #tpu.memory_space<vmem>> -> memref<40xi32, #tpu.memory_space<vmem>>
      %dma_start3A_342 = arith.constant 0 : i32
      %dma_start3A_343 = arith.constant 0 : i32
      %dma_start3A_344 = tpu.memref_slice %arg3[%dma_start3A_342, %dma_start3A_343] : memref<10000x128xf32, #tpu.memory_space<hbm>> -> memref<10000x128xf32, #tpu.memory_space<hbm>>
      tpu.enqueue_indirect_dma source(%dma_start3A_344 : memref<10000x128xf32, #tpu.memory_space<hbm>>) target(%arg21 : memref<40x128xf32, #tpu.memory_space<vmem>>) offsets(%dma_start3A_341 : memref<40xi32, #tpu.memory_space<vmem>>) semaphore(%arg22 : memref<!tpu.dma_semaphore, #tpu.memory_space<semaphore_mem>>)
      %dma_wait3A_345 = arith.constant 0 : i32
      %dma_wait3A_346 = arith.constant 0 : i32
      %dma_wait3A_347 = tpu.memref_slice %arg2[%dma_wait3A_345, %dma_wait3A_346] : memref<10000x128xf32, #tpu.memory_space<hbm>> -> memref<40x128xf32, #tpu.memory_space<hbm>>
      %dma_wait3A_348 = arith.constant 0 : i32
      %dma_wait3A_349 = arith.constant 0 : i32
      %dma_wait3A_350 = tpu.memref_slice %arg2[%dma_wait3A_348, %dma_wait3A_349] : memref<10000x128xf32, #tpu.memory_space<hbm>> -> memref<40x128xf32, #tpu.memory_space<hbm>>
      tpu.wait_dma2 semaphore(%arg22 : memref<!tpu.dma_semaphore, #tpu.memory_space<semaphore_mem>>) src(%dma_wait3A_350 : memref<40x128xf32, #tpu.memory_space<hbm>>) dst(%arg10 : memref<40x128xf32, #tpu.memory_space<vmem>>)
      %dma_wait3A_351 = arith.constant 0 : i32
      %dma_wait3A_352 = arith.constant 0 : i32
      %dma_wait3A_353 = tpu.memref_slice %arg3[%dma_wait3A_351, %dma_wait3A_352] : memref<10000x128xf32, #tpu.memory_space<hbm>> -> memref<40x128xf32, #tpu.memory_space<hbm>>
      %dma_wait3A_354 = arith.constant 0 : i32
      %dma_wait3A_355 = arith.constant 0 : i32
      %dma_wait3A_356 = tpu.memref_slice %arg3[%dma_wait3A_354, %dma_wait3A_355] : memref<10000x128xf32, #tpu.memory_space<hbm>> -> memref<40x128xf32, #tpu.memory_space<hbm>>
      tpu.wait_dma2 semaphore(%arg22 : memref<!tpu.dma_semaphore, #tpu.memory_space<semaphore_mem>>) src(%dma_wait3A_356 : memref<40x128xf32, #tpu.memory_space<hbm>>) dst(%arg16 : memref<40x128xf32, #tpu.memory_space<vmem>>)
      %dma_wait3A_357 = arith.constant 0 : i32
      %dma_wait3A_358 = arith.constant 0 : i32
      %dma_wait3A_359 = tpu.memref_slice %arg2[%dma_wait3A_357, %dma_wait3A_358] : memref<10000x128xf32, #tpu.memory_space<hbm>> -> memref<40x128xf32, #tpu.memory_space<hbm>>
      %dma_wait3A_360 = arith.constant 0 : i32
      %dma_wait3A_361 = arith.constant 0 : i32
      %dma_wait3A_362 = tpu.memref_slice %arg2[%dma_wait3A_360, %dma_wait3A_361] : memref<10000x128xf32, #tpu.memory_space<hbm>> -> memref<40x128xf32, #tpu.memory_space<hbm>>
      tpu.wait_dma2 semaphore(%arg22 : memref<!tpu.dma_semaphore, #tpu.memory_space<semaphore_mem>>) src(%dma_wait3A_362 : memref<40x128xf32, #tpu.memory_space<hbm>>) dst(%arg11 : memref<40x128xf32, #tpu.memory_space<vmem>>)
      %dma_wait3A_363 = arith.constant 0 : i32
      %dma_wait3A_364 = arith.constant 0 : i32
      %dma_wait3A_365 = tpu.memref_slice %arg3[%dma_wait3A_363, %dma_wait3A_364] : memref<10000x128xf32, #tpu.memory_space<hbm>> -> memref<40x128xf32, #tpu.memory_space<hbm>>
      %dma_wait3A_366 = arith.constant 0 : i32
      %dma_wait3A_367 = arith.constant 0 : i32
      %dma_wait3A_368 = tpu.memref_slice %arg3[%dma_wait3A_366, %dma_wait3A_367] : memref<10000x128xf32, #tpu.memory_space<hbm>> -> memref<40x128xf32, #tpu.memory_space<hbm>>
      tpu.wait_dma2 semaphore(%arg22 : memref<!tpu.dma_semaphore, #tpu.memory_space<semaphore_mem>>) src(%dma_wait3A_368 : memref<40x128xf32, #tpu.memory_space<hbm>>) dst(%arg17 : memref<40x128xf32, #tpu.memory_space<vmem>>)
      %dma_wait3A_369 = arith.constant 0 : i32
      %dma_wait3A_370 = arith.constant 0 : i32
      %dma_wait3A_371 = tpu.memref_slice %arg2[%dma_wait3A_369, %dma_wait3A_370] : memref<10000x128xf32, #tpu.memory_space<hbm>> -> memref<40x128xf32, #tpu.memory_space<hbm>>
      %dma_wait3A_372 = arith.constant 0 : i32
      %dma_wait3A_373 = arith.constant 0 : i32
      %dma_wait3A_374 = tpu.memref_slice %arg2[%dma_wait3A_372, %dma_wait3A_373] : memref<10000x128xf32, #tpu.memory_space<hbm>> -> memref<40x128xf32, #tpu.memory_space<hbm>>
      tpu.wait_dma2 semaphore(%arg22 : memref<!tpu.dma_semaphore, #tpu.memory_space<semaphore_mem>>) src(%dma_wait3A_374 : memref<40x128xf32, #tpu.memory_space<hbm>>) dst(%arg12 : memref<40x128xf32, #tpu.memory_space<vmem>>)
      %dma_wait3A_375 = arith.constant 0 : i32
      %dma_wait3A_376 = arith.constant 0 : i32
      %dma_wait3A_377 = tpu.memref_slice %arg3[%dma_wait3A_375, %dma_wait3A_376] : memref<10000x128xf32, #tpu.memory_space<hbm>> -> memref<40x128xf32, #tpu.memory_space<hbm>>
      %dma_wait3A_378 = arith.constant 0 : i32
      %dma_wait3A_379 = arith.constant 0 : i32
      %dma_wait3A_380 = tpu.memref_slice %arg3[%dma_wait3A_378, %dma_wait3A_379] : memref<10000x128xf32, #tpu.memory_space<hbm>> -> memref<40x128xf32, #tpu.memory_space<hbm>>
      tpu.wait_dma2 semaphore(%arg22 : memref<!tpu.dma_semaphore, #tpu.memory_space<semaphore_mem>>) src(%dma_wait3A_380 : memref<40x128xf32, #tpu.memory_space<hbm>>) dst(%arg18 : memref<40x128xf32, #tpu.memory_space<vmem>>)
      %add3A_381 = arith.constant 0 : i32
      %add3A_382 = arith.addi %mul3A_239, %add3A_381 : i32
      %mul3A_383 = arith.constant 40 : i32
      %mul3A_384 = arith.muli %add3A_382, %mul3A_383 : i32
      %add3A_385 = arith.addi %mul3A_2, %mul3A_384 : i32
      %multiple_of3A_386 = tpu.assume_multiple %add3A_385, 8 : i32
      %dma_start3A_387 = arith.constant 0 : i32
      %dma_start3A_388 = tpu.memref_slice %arg6[%multiple_of3A_386, %dma_start3A_387] : memref<160000x128xf32, #tpu.memory_space<hbm>> -> memref<40x128xf32, #tpu.memory_space<hbm>>
      %dma_start3A_389 = arith.constant 0 : i32
      %dma_start3A_390 = tpu.memref_slice %arg6[%multiple_of3A_386, %dma_start3A_389] : memref<160000x128xf32, #tpu.memory_space<hbm>> -> memref<40x128xf32, #tpu.memory_space<hbm>>
      tpu.enqueue_dma source(%arg10 : memref<40x128xf32, #tpu.memory_space<vmem>>) target(%dma_start3A_390 : memref<40x128xf32, #tpu.memory_space<hbm>>) target_semaphore(%arg23 : memref<!tpu.dma_semaphore, #tpu.memory_space<semaphore_mem>>)
      %dma_start3A_391 = arith.constant 0 : i32
      %dma_start3A_392 = tpu.memref_slice %arg7[%multiple_of3A_386, %dma_start3A_391] : memref<160000x128xf32, #tpu.memory_space<hbm>> -> memref<40x128xf32, #tpu.memory_space<hbm>>
      %dma_start3A_393 = arith.constant 0 : i32
      %dma_start3A_394 = tpu.memref_slice %arg7[%multiple_of3A_386, %dma_start3A_393] : memref<160000x128xf32, #tpu.memory_space<hbm>> -> memref<40x128xf32, #tpu.memory_space<hbm>>
      tpu.enqueue_dma source(%arg16 : memref<40x128xf32, #tpu.memory_space<vmem>>) target(%dma_start3A_394 : memref<40x128xf32, #tpu.memory_space<hbm>>) target_semaphore(%arg23 : memref<!tpu.dma_semaphore, #tpu.memory_space<semaphore_mem>>)
      %add3A_395 = arith.constant 1 : i32
      %add3A_396 = arith.addi %mul3A_239, %add3A_395 : i32
      %mul3A_397 = arith.constant 40 : i32
      %mul3A_398 = arith.muli %add3A_396, %mul3A_397 : i32
      %add3A_399 = arith.addi %mul3A_2, %mul3A_398 : i32
      %multiple_of3A_400 = tpu.assume_multiple %add3A_399, 8 : i32
      %dma_start3A_401 = arith.constant 0 : i32
      %dma_start3A_402 = tpu.memref_slice %arg6[%multiple_of3A_400, %dma_start3A_401] : memref<160000x128xf32, #tpu.memory_space<hbm>> -> memref<40x128xf32, #tpu.memory_space<hbm>>
      %dma_start3A_403 = arith.constant 0 : i32
      %dma_start3A_404 = tpu.memref_slice %arg6[%multiple_of3A_400, %dma_start3A_403] : memref<160000x128xf32, #tpu.memory_space<hbm>> -> memref<40x128xf32, #tpu.memory_space<hbm>>
      tpu.enqueue_dma source(%arg11 : memref<40x128xf32, #tpu.memory_space<vmem>>) target(%dma_start3A_404 : memref<40x128xf32, #tpu.memory_space<hbm>>) target_semaphore(%arg23 : memref<!tpu.dma_semaphore, #tpu.memory_space<semaphore_mem>>)
      %dma_start3A_405 = arith.constant 0 : i32
      %dma_start3A_406 = tpu.memref_slice %arg7[%multiple_of3A_400, %dma_start3A_405] : memref<160000x128xf32, #tpu.memory_space<hbm>> -> memref<40x128xf32, #tpu.memory_space<hbm>>
      %dma_start3A_407 = arith.constant 0 : i32
      %dma_start3A_408 = tpu.memref_slice %arg7[%multiple_of3A_400, %dma_start3A_407] : memref<160000x128xf32, #tpu.memory_space<hbm>> -> memref<40x128xf32, #tpu.memory_space<hbm>>
      tpu.enqueue_dma source(%arg17 : memref<40x128xf32, #tpu.memory_space<vmem>>) target(%dma_start3A_408 : memref<40x128xf32, #tpu.memory_space<hbm>>) target_semaphore(%arg23 : memref<!tpu.dma_semaphore, #tpu.memory_space<semaphore_mem>>)
      %add3A_409 = arith.constant 2 : i32
      %add3A_410 = arith.addi %mul3A_239, %add3A_409 : i32
      %mul3A_411 = arith.constant 40 : i32
      %mul3A_412 = arith.muli %add3A_410, %mul3A_411 : i32
      %add3A_413 = arith.addi %mul3A_2, %mul3A_412 : i32
      %multiple_of3A_414 = tpu.assume_multiple %add3A_413, 8 : i32
      %dma_start3A_415 = arith.constant 0 : i32
      %dma_start3A_416 = tpu.memref_slice %arg6[%multiple_of3A_414, %dma_start3A_415] : memref<160000x128xf32, #tpu.memory_space<hbm>> -> memref<40x128xf32, #tpu.memory_space<hbm>>
      %dma_start3A_417 = arith.constant 0 : i32
      %dma_start3A_418 = tpu.memref_slice %arg6[%multiple_of3A_414, %dma_start3A_417] : memref<160000x128xf32, #tpu.memory_space<hbm>> -> memref<40x128xf32, #tpu.memory_space<hbm>>
      tpu.enqueue_dma source(%arg12 : memref<40x128xf32, #tpu.memory_space<vmem>>) target(%dma_start3A_418 : memref<40x128xf32, #tpu.memory_space<hbm>>) target_semaphore(%arg23 : memref<!tpu.dma_semaphore, #tpu.memory_space<semaphore_mem>>)
      %dma_start3A_419 = arith.constant 0 : i32
      %dma_start3A_420 = tpu.memref_slice %arg7[%multiple_of3A_414, %dma_start3A_419] : memref<160000x128xf32, #tpu.memory_space<hbm>> -> memref<40x128xf32, #tpu.memory_space<hbm>>
      %dma_start3A_421 = arith.constant 0 : i32
      %dma_start3A_422 = tpu.memref_slice %arg7[%multiple_of3A_414, %dma_start3A_421] : memref<160000x128xf32, #tpu.memory_space<hbm>> -> memref<40x128xf32, #tpu.memory_space<hbm>>
      tpu.enqueue_dma source(%arg18 : memref<40x128xf32, #tpu.memory_space<vmem>>) target(%dma_start3A_422 : memref<40x128xf32, #tpu.memory_space<hbm>>) target_semaphore(%arg23 : memref<!tpu.dma_semaphore, #tpu.memory_space<semaphore_mem>>)
      %dma_wait3A_423 = arith.constant 0 : i32
      %dma_wait3A_424 = arith.constant 0 : i32
      %dma_wait3A_425 = tpu.memref_slice %arg2[%dma_wait3A_423, %dma_wait3A_424] : memref<10000x128xf32, #tpu.memory_space<hbm>> -> memref<40x128xf32, #tpu.memory_space<hbm>>
      %dma_wait3A_426 = arith.constant 0 : i32
      %dma_wait3A_427 = arith.constant 0 : i32
      %dma_wait3A_428 = tpu.memref_slice %arg2[%dma_wait3A_426, %dma_wait3A_427] : memref<10000x128xf32, #tpu.memory_space<hbm>> -> memref<40x128xf32, #tpu.memory_space<hbm>>
      tpu.wait_dma2 semaphore(%arg22 : memref<!tpu.dma_semaphore, #tpu.memory_space<semaphore_mem>>) src(%dma_wait3A_428 : memref<40x128xf32, #tpu.memory_space<hbm>>) dst(%arg13 : memref<40x128xf32, #tpu.memory_space<vmem>>)
      %dma_wait3A_429 = arith.constant 0 : i32
      %dma_wait3A_430 = arith.constant 0 : i32
      %dma_wait3A_431 = tpu.memref_slice %arg3[%dma_wait3A_429, %dma_wait3A_430] : memref<10000x128xf32, #tpu.memory_space<hbm>> -> memref<40x128xf32, #tpu.memory_space<hbm>>
      %dma_wait3A_432 = arith.constant 0 : i32
      %dma_wait3A_433 = arith.constant 0 : i32
      %dma_wait3A_434 = tpu.memref_slice %arg3[%dma_wait3A_432, %dma_wait3A_433] : memref<10000x128xf32, #tpu.memory_space<hbm>> -> memref<40x128xf32, #tpu.memory_space<hbm>>
      tpu.wait_dma2 semaphore(%arg22 : memref<!tpu.dma_semaphore, #tpu.memory_space<semaphore_mem>>) src(%dma_wait3A_434 : memref<40x128xf32, #tpu.memory_space<hbm>>) dst(%arg19 : memref<40x128xf32, #tpu.memory_space<vmem>>)
      %dma_wait3A_435 = arith.constant 0 : i32
      %dma_wait3A_436 = arith.constant 0 : i32
      %dma_wait3A_437 = tpu.memref_slice %arg2[%dma_wait3A_435, %dma_wait3A_436] : memref<10000x128xf32, #tpu.memory_space<hbm>> -> memref<40x128xf32, #tpu.memory_space<hbm>>
      %dma_wait3A_438 = arith.constant 0 : i32
      %dma_wait3A_439 = arith.constant 0 : i32
      %dma_wait3A_440 = tpu.memref_slice %arg2[%dma_wait3A_438, %dma_wait3A_439] : memref<10000x128xf32, #tpu.memory_space<hbm>> -> memref<40x128xf32, #tpu.memory_space<hbm>>
      tpu.wait_dma2 semaphore(%arg22 : memref<!tpu.dma_semaphore, #tpu.memory_space<semaphore_mem>>) src(%dma_wait3A_440 : memref<40x128xf32, #tpu.memory_space<hbm>>) dst(%arg14 : memref<40x128xf32, #tpu.memory_space<vmem>>)
      %dma_wait3A_441 = arith.constant 0 : i32
      %dma_wait3A_442 = arith.constant 0 : i32
      %dma_wait3A_443 = tpu.memref_slice %arg3[%dma_wait3A_441, %dma_wait3A_442] : memref<10000x128xf32, #tpu.memory_space<hbm>> -> memref<40x128xf32, #tpu.memory_space<hbm>>
      %dma_wait3A_444 = arith.constant 0 : i32
      %dma_wait3A_445 = arith.constant 0 : i32
      %dma_wait3A_446 = tpu.memref_slice %arg3[%dma_wait3A_444, %dma_wait3A_445] : memref<10000x128xf32, #tpu.memory_space<hbm>> -> memref<40x128xf32, #tpu.memory_space<hbm>>
      tpu.wait_dma2 semaphore(%arg22 : memref<!tpu.dma_semaphore, #tpu.memory_space<semaphore_mem>>) src(%dma_wait3A_446 : memref<40x128xf32, #tpu.memory_space<hbm>>) dst(%arg20 : memref<40x128xf32, #tpu.memory_space<vmem>>)
      %dma_wait3A_447 = arith.constant 0 : i32
      %dma_wait3A_448 = arith.constant 0 : i32
      %dma_wait3A_449 = tpu.memref_slice %arg2[%dma_wait3A_447, %dma_wait3A_448] : memref<10000x128xf32, #tpu.memory_space<hbm>> -> memref<40x128xf32, #tpu.memory_space<hbm>>
      %dma_wait3A_450 = arith.constant 0 : i32
      %dma_wait3A_451 = arith.constant 0 : i32
      %dma_wait3A_452 = tpu.memref_slice %arg2[%dma_wait3A_450, %dma_wait3A_451] : memref<10000x128xf32, #tpu.memory_space<hbm>> -> memref<40x128xf32, #tpu.memory_space<hbm>>
      tpu.wait_dma2 semaphore(%arg22 : memref<!tpu.dma_semaphore, #tpu.memory_space<semaphore_mem>>) src(%dma_wait3A_452 : memref<40x128xf32, #tpu.memory_space<hbm>>) dst(%arg15 : memref<40x128xf32, #tpu.memory_space<vmem>>)
      %dma_wait3A_453 = arith.constant 0 : i32
      %dma_wait3A_454 = arith.constant 0 : i32
      %dma_wait3A_455 = tpu.memref_slice %arg3[%dma_wait3A_453, %dma_wait3A_454] : memref<10000x128xf32, #tpu.memory_space<hbm>> -> memref<40x128xf32, #tpu.memory_space<hbm>>
      %dma_wait3A_456 = arith.constant 0 : i32
      %dma_wait3A_457 = arith.constant 0 : i32
      %dma_wait3A_458 = tpu.memref_slice %arg3[%dma_wait3A_456, %dma_wait3A_457] : memref<10000x128xf32, #tpu.memory_space<hbm>> -> memref<40x128xf32, #tpu.memory_space<hbm>>
      tpu.wait_dma2 semaphore(%arg22 : memref<!tpu.dma_semaphore, #tpu.memory_space<semaphore_mem>>) src(%dma_wait3A_458 : memref<40x128xf32, #tpu.memory_space<hbm>>) dst(%arg21 : memref<40x128xf32, #tpu.memory_space<vmem>>)
      %add3A_459 = arith.constant 3 : i32
      %add3A_460 = arith.addi %mul3A_239, %add3A_459 : i32
      %add3A_461 = arith.constant 0 : i32
      %add3A_462 = arith.addi %add3A_460, %add3A_461 : i32
      %mul3A_463 = arith.constant 40 : i32
      %mul3A_464 = arith.muli %add3A_462, %mul3A_463 : i32
      %add3A_465 = arith.addi %mul3A_2, %mul3A_464 : i32
      %multiple_of3A_466 = tpu.assume_multiple %add3A_465, 8 : i32
      %dma_start3A_467 = arith.constant 0 : i32
      %dma_start3A_468 = tpu.memref_slice %arg6[%multiple_of3A_466, %dma_start3A_467] : memref<160000x128xf32, #tpu.memory_space<hbm>> -> memref<40x128xf32, #tpu.memory_space<hbm>>
      %dma_start3A_469 = arith.constant 0 : i32
      %dma_start3A_470 = tpu.memref_slice %arg6[%multiple_of3A_466, %dma_start3A_469] : memref<160000x128xf32, #tpu.memory_space<hbm>> -> memref<40x128xf32, #tpu.memory_space<hbm>>
      tpu.enqueue_dma source(%arg13 : memref<40x128xf32, #tpu.memory_space<vmem>>) target(%dma_start3A_470 : memref<40x128xf32, #tpu.memory_space<hbm>>) target_semaphore(%arg23 : memref<!tpu.dma_semaphore, #tpu.memory_space<semaphore_mem>>)
      %dma_start3A_471 = arith.constant 0 : i32
      %dma_start3A_472 = tpu.memref_slice %arg7[%multiple_of3A_466, %dma_start3A_471] : memref<160000x128xf32, #tpu.memory_space<hbm>> -> memref<40x128xf32, #tpu.memory_space<hbm>>
      %dma_start3A_473 = arith.constant 0 : i32
      %dma_start3A_474 = tpu.memref_slice %arg7[%multiple_of3A_466, %dma_start3A_473] : memref<160000x128xf32, #tpu.memory_space<hbm>> -> memref<40x128xf32, #tpu.memory_space<hbm>>
      tpu.enqueue_dma source(%arg19 : memref<40x128xf32, #tpu.memory_space<vmem>>) target(%dma_start3A_474 : memref<40x128xf32, #tpu.memory_space<hbm>>) target_semaphore(%arg23 : memref<!tpu.dma_semaphore, #tpu.memory_space<semaphore_mem>>)
      %add3A_475 = arith.constant 1 : i32
      %add3A_476 = arith.addi %add3A_460, %add3A_475 : i32
      %mul3A_477 = arith.constant 40 : i32
      %mul3A_478 = arith.muli %add3A_476, %mul3A_477 : i32
      %add3A_479 = arith.addi %mul3A_2, %mul3A_478 : i32
      %multiple_of3A_480 = tpu.assume_multiple %add3A_479, 8 : i32
      %dma_start3A_481 = arith.constant 0 : i32
      %dma_start3A_482 = tpu.memref_slice %arg6[%multiple_of3A_480, %dma_start3A_481] : memref<160000x128xf32, #tpu.memory_space<hbm>> -> memref<40x128xf32, #tpu.memory_space<hbm>>
      %dma_start3A_483 = arith.constant 0 : i32
      %dma_start3A_484 = tpu.memref_slice %arg6[%multiple_of3A_480, %dma_start3A_483] : memref<160000x128xf32, #tpu.memory_space<hbm>> -> memref<40x128xf32, #tpu.memory_space<hbm>>
      tpu.enqueue_dma source(%arg14 : memref<40x128xf32, #tpu.memory_space<vmem>>) target(%dma_start3A_484 : memref<40x128xf32, #tpu.memory_space<hbm>>) target_semaphore(%arg23 : memref<!tpu.dma_semaphore, #tpu.memory_space<semaphore_mem>>)
      %dma_start3A_485 = arith.constant 0 : i32
      %dma_start3A_486 = tpu.memref_slice %arg7[%multiple_of3A_480, %dma_start3A_485] : memref<160000x128xf32, #tpu.memory_space<hbm>> -> memref<40x128xf32, #tpu.memory_space<hbm>>
      %dma_start3A_487 = arith.constant 0 : i32
      %dma_start3A_488 = tpu.memref_slice %arg7[%multiple_of3A_480, %dma_start3A_487] : memref<160000x128xf32, #tpu.memory_space<hbm>> -> memref<40x128xf32, #tpu.memory_space<hbm>>
      tpu.enqueue_dma source(%arg20 : memref<40x128xf32, #tpu.memory_space<vmem>>) target(%dma_start3A_488 : memref<40x128xf32, #tpu.memory_space<hbm>>) target_semaphore(%arg23 : memref<!tpu.dma_semaphore, #tpu.memory_space<semaphore_mem>>)
      %add3A_489 = arith.constant 2 : i32
      %add3A_490 = arith.addi %add3A_460, %add3A_489 : i32
      %mul3A_491 = arith.constant 40 : i32
      %mul3A_492 = arith.muli %add3A_490, %mul3A_491 : i32
      %add3A_493 = arith.addi %mul3A_2, %mul3A_492 : i32
      %multiple_of3A_494 = tpu.assume_multiple %add3A_493, 8 : i32
      %dma_start3A_495 = arith.constant 0 : i32
      %dma_start3A_496 = tpu.memref_slice %arg6[%multiple_of3A_494, %dma_start3A_495] : memref<160000x128xf32, #tpu.memory_space<hbm>> -> memref<40x128xf32, #tpu.memory_space<hbm>>
      %dma_start3A_497 = arith.constant 0 : i32
      %dma_start3A_498 = tpu.memref_slice %arg6[%multiple_of3A_494, %dma_start3A_497] : memref<160000x128xf32, #tpu.memory_space<hbm>> -> memref<40x128xf32, #tpu.memory_space<hbm>>
      tpu.enqueue_dma source(%arg15 : memref<40x128xf32, #tpu.memory_space<vmem>>) target(%dma_start3A_498 : memref<40x128xf32, #tpu.memory_space<hbm>>) target_semaphore(%arg23 : memref<!tpu.dma_semaphore, #tpu.memory_space<semaphore_mem>>)
      %dma_start3A_499 = arith.constant 0 : i32
      %dma_start3A_500 = tpu.memref_slice %arg7[%multiple_of3A_494, %dma_start3A_499] : memref<160000x128xf32, #tpu.memory_space<hbm>> -> memref<40x128xf32, #tpu.memory_space<hbm>>
      %dma_start3A_501 = arith.constant 0 : i32
      %dma_start3A_502 = tpu.memref_slice %arg7[%multiple_of3A_494, %dma_start3A_501] : memref<160000x128xf32, #tpu.memory_space<hbm>> -> memref<40x128xf32, #tpu.memory_space<hbm>>
      tpu.enqueue_dma source(%arg21 : memref<40x128xf32, #tpu.memory_space<vmem>>) target(%dma_start3A_502 : memref<40x128xf32, #tpu.memory_space<hbm>>) target_semaphore(%arg23 : memref<!tpu.dma_semaphore, #tpu.memory_space<semaphore_mem>>)
    }
    %scan3A_6 = arith.constant 20 : i32
    %dma_wait3A = arith.constant 0 : i32
    %dma_wait3A_7 = arith.constant 0 : i32
    %dma_wait3A_8 = tpu.memref_slice %arg6[%dma_wait3A, %dma_wait3A_7] : memref<160000x128xf32, #tpu.memory_space<hbm>> -> memref<40x128xf32, #tpu.memory_space<hbm>>
    %dma_wait3A_9 = arith.constant 0 : i32
    %dma_wait3A_10 = arith.constant 0 : i32
    %dma_wait3A_11 = tpu.memref_slice %arg6[%dma_wait3A_9, %dma_wait3A_10] : memref<160000x128xf32, #tpu.memory_space<hbm>> -> memref<40x128xf32, #tpu.memory_space<hbm>>
    tpu.wait_dma2 semaphore(%arg23 : memref<!tpu.dma_semaphore, #tpu.memory_space<semaphore_mem>>) src(%arg10 : memref<40x128xf32, #tpu.memory_space<vmem>>) dst(%dma_wait3A_11 : memref<40x128xf32, #tpu.memory_space<hbm>>)
    %dma_wait3A_12 = arith.constant 0 : i32
    %dma_wait3A_13 = arith.constant 0 : i32
    %dma_wait3A_14 = tpu.memref_slice %arg6[%dma_wait3A_12, %dma_wait3A_13] : memref<160000x128xf32, #tpu.memory_space<hbm>> -> memref<40x128xf32, #tpu.memory_space<hbm>>
    %dma_wait3A_15 = arith.constant 0 : i32
    %dma_wait3A_16 = arith.constant 0 : i32
    %dma_wait3A_17 = tpu.memref_slice %arg6[%dma_wait3A_15, %dma_wait3A_16] : memref<160000x128xf32, #tpu.memory_space<hbm>> -> memref<40x128xf32, #tpu.memory_space<hbm>>
    tpu.wait_dma2 semaphore(%arg23 : memref<!tpu.dma_semaphore, #tpu.memory_space<semaphore_mem>>) src(%arg11 : memref<40x128xf32, #tpu.memory_space<vmem>>) dst(%dma_wait3A_17 : memref<40x128xf32, #tpu.memory_space<hbm>>)
    %dma_wait3A_18 = arith.constant 0 : i32
    %dma_wait3A_19 = arith.constant 0 : i32
    %dma_wait3A_20 = tpu.memref_slice %arg6[%dma_wait3A_18, %dma_wait3A_19] : memref<160000x128xf32, #tpu.memory_space<hbm>> -> memref<40x128xf32, #tpu.memory_space<hbm>>
    %dma_wait3A_21 = arith.constant 0 : i32
    %dma_wait3A_22 = arith.constant 0 : i32
    %dma_wait3A_23 = tpu.memref_slice %arg6[%dma_wait3A_21, %dma_wait3A_22] : memref<160000x128xf32, #tpu.memory_space<hbm>> -> memref<40x128xf32, #tpu.memory_space<hbm>>
    tpu.wait_dma2 semaphore(%arg23 : memref<!tpu.dma_semaphore, #tpu.memory_space<semaphore_mem>>) src(%arg12 : memref<40x128xf32, #tpu.memory_space<vmem>>) dst(%dma_wait3A_23 : memref<40x128xf32, #tpu.memory_space<hbm>>)
    %dma_wait3A_24 = arith.constant 0 : i32
    %dma_wait3A_25 = arith.constant 0 : i32
    %dma_wait3A_26 = tpu.memref_slice %arg6[%dma_wait3A_24, %dma_wait3A_25] : memref<160000x128xf32, #tpu.memory_space<hbm>> -> memref<40x128xf32, #tpu.memory_space<hbm>>
    %dma_wait3A_27 = arith.constant 0 : i32
    %dma_wait3A_28 = arith.constant 0 : i32
    %dma_wait3A_29 = tpu.memref_slice %arg6[%dma_wait3A_27, %dma_wait3A_28] : memref<160000x128xf32, #tpu.memory_space<hbm>> -> memref<40x128xf32, #tpu.memory_space<hbm>>
    tpu.wait_dma2 semaphore(%arg23 : memref<!tpu.dma_semaphore, #tpu.memory_space<semaphore_mem>>) src(%arg16 : memref<40x128xf32, #tpu.memory_space<vmem>>) dst(%dma_wait3A_29 : memref<40x128xf32, #tpu.memory_space<hbm>>)
    %dma_wait3A_30 = arith.constant 0 : i32
    %dma_wait3A_31 = arith.constant 0 : i32
    %dma_wait3A_32 = tpu.memref_slice %arg6[%dma_wait3A_30, %dma_wait3A_31] : memref<160000x128xf32, #tpu.memory_space<hbm>> -> memref<40x128xf32, #tpu.memory_space<hbm>>
    %dma_wait3A_33 = arith.constant 0 : i32
    %dma_wait3A_34 = arith.constant 0 : i32
    %dma_wait3A_35 = tpu.memref_slice %arg6[%dma_wait3A_33, %dma_wait3A_34] : memref<160000x128xf32, #tpu.memory_space<hbm>> -> memref<40x128xf32, #tpu.memory_space<hbm>>
    tpu.wait_dma2 semaphore(%arg23 : memref<!tpu.dma_semaphore, #tpu.memory_space<semaphore_mem>>) src(%arg17 : memref<40x128xf32, #tpu.memory_space<vmem>>) dst(%dma_wait3A_35 : memref<40x128xf32, #tpu.memory_space<hbm>>)
    %dma_wait3A_36 = arith.constant 0 : i32
    %dma_wait3A_37 = arith.constant 0 : i32
    %dma_wait3A_38 = tpu.memref_slice %arg6[%dma_wait3A_36, %dma_wait3A_37] : memref<160000x128xf32, #tpu.memory_space<hbm>> -> memref<40x128xf32, #tpu.memory_space<hbm>>
    %dma_wait3A_39 = arith.constant 0 : i32
    %dma_wait3A_40 = arith.constant 0 : i32
    %dma_wait3A_41 = tpu.memref_slice %arg6[%dma_wait3A_39, %dma_wait3A_40] : memref<160000x128xf32, #tpu.memory_space<hbm>> -> memref<40x128xf32, #tpu.memory_space<hbm>>
    tpu.wait_dma2 semaphore(%arg23 : memref<!tpu.dma_semaphore, #tpu.memory_space<semaphore_mem>>) src(%arg18 : memref<40x128xf32, #tpu.memory_space<vmem>>) dst(%dma_wait3A_41 : memref<40x128xf32, #tpu.memory_space<hbm>>)
    %dma_wait3A_42 = arith.constant 0 : i32
    %dma_wait3A_43 = arith.constant 0 : i32
    %dma_wait3A_44 = tpu.memref_slice %arg6[%dma_wait3A_42, %dma_wait3A_43] : memref<160000x128xf32, #tpu.memory_space<hbm>> -> memref<40x128xf32, #tpu.memory_space<hbm>>
    %dma_wait3A_45 = arith.constant 0 : i32
    %dma_wait3A_46 = arith.constant 0 : i32
    %dma_wait3A_47 = tpu.memref_slice %arg6[%dma_wait3A_45, %dma_wait3A_46] : memref<160000x128xf32, #tpu.memory_space<hbm>> -> memref<40x128xf32, #tpu.memory_space<hbm>>
    tpu.wait_dma2 semaphore(%arg23 : memref<!tpu.dma_semaphore, #tpu.memory_space<semaphore_mem>>) src(%arg13 : memref<40x128xf32, #tpu.memory_space<vmem>>) dst(%dma_wait3A_47 : memref<40x128xf32, #tpu.memory_space<hbm>>)
    %dma_wait3A_48 = arith.constant 0 : i32
    %dma_wait3A_49 = arith.constant 0 : i32
    %dma_wait3A_50 = tpu.memref_slice %arg6[%dma_wait3A_48, %dma_wait3A_49] : memref<160000x128xf32, #tpu.memory_space<hbm>> -> memref<40x128xf32, #tpu.memory_space<hbm>>
    %dma_wait3A_51 = arith.constant 0 : i32
    %dma_wait3A_52 = arith.constant 0 : i32
    %dma_wait3A_53 = tpu.memref_slice %arg6[%dma_wait3A_51, %dma_wait3A_52] : memref<160000x128xf32, #tpu.memory_space<hbm>> -> memref<40x128xf32, #tpu.memory_space<hbm>>
    tpu.wait_dma2 semaphore(%arg23 : memref<!tpu.dma_semaphore, #tpu.memory_space<semaphore_mem>>) src(%arg14 : memref<40x128xf32, #tpu.memory_space<vmem>>) dst(%dma_wait3A_53 : memref<40x128xf32, #tpu.memory_space<hbm>>)
    %dma_wait3A_54 = arith.constant 0 : i32
    %dma_wait3A_55 = arith.constant 0 : i32
    %dma_wait3A_56 = tpu.memref_slice %arg6[%dma_wait3A_54, %dma_wait3A_55] : memref<160000x128xf32, #tpu.memory_space<hbm>> -> memref<40x128xf32, #tpu.memory_space<hbm>>
    %dma_wait3A_57 = arith.constant 0 : i32
    %dma_wait3A_58 = arith.constant 0 : i32
    %dma_wait3A_59 = tpu.memref_slice %arg6[%dma_wait3A_57, %dma_wait3A_58] : memref<160000x128xf32, #tpu.memory_space<hbm>> -> memref<40x128xf32, #tpu.memory_space<hbm>>
    tpu.wait_dma2 semaphore(%arg23 : memref<!tpu.dma_semaphore, #tpu.memory_space<semaphore_mem>>) src(%arg15 : memref<40x128xf32, #tpu.memory_space<vmem>>) dst(%dma_wait3A_59 : memref<40x128xf32, #tpu.memory_space<hbm>>)
    %dma_wait3A_60 = arith.constant 0 : i32
    %dma_wait3A_61 = arith.constant 0 : i32
    %dma_wait3A_62 = tpu.memref_slice %arg6[%dma_wait3A_60, %dma_wait3A_61] : memref<160000x128xf32, #tpu.memory_space<hbm>> -> memref<40x128xf32, #tpu.memory_space<hbm>>
    %dma_wait3A_63 = arith.constant 0 : i32
    %dma_wait3A_64 = arith.constant 0 : i32
    %dma_wait3A_65 = tpu.memref_slice %arg6[%dma_wait3A_63, %dma_wait3A_64] : memref<160000x128xf32, #tpu.memory_space<hbm>> -> memref<40x128xf32, #tpu.memory_space<hbm>>
    tpu.wait_dma2 semaphore(%arg23 : memref<!tpu.dma_semaphore, #tpu.memory_space<semaphore_mem>>) src(%arg19 : memref<40x128xf32, #tpu.memory_space<vmem>>) dst(%dma_wait3A_65 : memref<40x128xf32, #tpu.memory_space<hbm>>)
    %dma_wait3A_66 = arith.constant 0 : i32
    %dma_wait3A_67 = arith.constant 0 : i32
    %dma_wait3A_68 = tpu.memref_slice %arg6[%dma_wait3A_66, %dma_wait3A_67] : memref<160000x128xf32, #tpu.memory_space<hbm>> -> memref<40x128xf32, #tpu.memory_space<hbm>>
    %dma_wait3A_69 = arith.constant 0 : i32
    %dma_wait3A_70 = arith.constant 0 : i32
    %dma_wait3A_71 = tpu.memref_slice %arg6[%dma_wait3A_69, %dma_wait3A_70] : memref<160000x128xf32, #tpu.memory_space<hbm>> -> memref<40x128xf32, #tpu.memory_space<hbm>>
    tpu.wait_dma2 semaphore(%arg23 : memref<!tpu.dma_semaphore, #tpu.memory_space<semaphore_mem>>) src(%arg20 : memref<40x128xf32, #tpu.memory_space<vmem>>) dst(%dma_wait3A_71 : memref<40x128xf32, #tpu.memory_space<hbm>>)
    %dma_wait3A_72 = arith.constant 0 : i32
    %dma_wait3A_73 = arith.constant 0 : i32
    %dma_wait3A_74 = tpu.memref_slice %arg6[%dma_wait3A_72, %dma_wait3A_73] : memref<160000x128xf32, #tpu.memory_space<hbm>> -> memref<40x128xf32, #tpu.memory_space<hbm>>
    %dma_wait3A_75 = arith.constant 0 : i32
    %dma_wait3A_76 = arith.constant 0 : i32
    %dma_wait3A_77 = tpu.memref_slice %arg6[%dma_wait3A_75, %dma_wait3A_76] : memref<160000x128xf32, #tpu.memory_space<hbm>> -> memref<40x128xf32, #tpu.memory_space<hbm>>
    tpu.wait_dma2 semaphore(%arg23 : memref<!tpu.dma_semaphore, #tpu.memory_space<semaphore_mem>>) src(%arg21 : memref<40x128xf32, #tpu.memory_space<vmem>>) dst(%dma_wait3A_77 : memref<40x128xf32, #tpu.memory_space<hbm>>)
    %add3A_78 = arith.constant 4800 : i32
    %add3A_79 = arith.addi %mul3A_2, %add3A_78 : i32
    %multiple_of3A = tpu.assume_multiple %add3A_79, 8 : i32
    %dma_start3A = arith.constant 120 : i32
    %dma_start3A_80 = arith.constant 0 : i32
    %dma_start3A_81 = tpu.memref_slice %arg8[%dma_start3A, %dma_start3A_80] : memref<125x40xi32, #tpu.memory_space<vmem>> -> memref<1x40xi32, #tpu.memory_space<vmem>>
    %dma_start3A_82 = tpu.memref_squeeze %dma_start3A_81 : memref<1x40xi32, #tpu.memory_space<vmem>> -> memref<40xi32, #tpu.memory_space<vmem>>
    %dma_start3A_83 = arith.constant 0 : i32
    %dma_start3A_84 = arith.constant 0 : i32
    %dma_start3A_85 = tpu.memref_slice %arg2[%dma_start3A_83, %dma_start3A_84] : memref<10000x128xf32, #tpu.memory_space<hbm>> -> memref<10000x128xf32, #tpu.memory_space<hbm>>
    tpu.enqueue_indirect_dma source(%dma_start3A_85 : memref<10000x128xf32, #tpu.memory_space<hbm>>) target(%arg10 : memref<40x128xf32, #tpu.memory_space<vmem>>) offsets(%dma_start3A_82 : memref<40xi32, #tpu.memory_space<vmem>>) semaphore(%arg22 : memref<!tpu.dma_semaphore, #tpu.memory_space<semaphore_mem>>)
    %dma_start3A_86 = arith.constant 120 : i32
    %dma_start3A_87 = arith.constant 0 : i32
    %dma_start3A_88 = tpu.memref_slice %arg9[%dma_start3A_86, %dma_start3A_87] : memref<125x40xi32, #tpu.memory_space<vmem>> -> memref<1x40xi32, #tpu.memory_space<vmem>>
    %dma_start3A_89 = tpu.memref_squeeze %dma_start3A_88 : memref<1x40xi32, #tpu.memory_space<vmem>> -> memref<40xi32, #tpu.memory_space<vmem>>
    %dma_start3A_90 = arith.constant 0 : i32
    %dma_start3A_91 = arith.constant 0 : i32
    %dma_start3A_92 = tpu.memref_slice %arg3[%dma_start3A_90, %dma_start3A_91] : memref<10000x128xf32, #tpu.memory_space<hbm>> -> memref<10000x128xf32, #tpu.memory_space<hbm>>
    tpu.enqueue_indirect_dma source(%dma_start3A_92 : memref<10000x128xf32, #tpu.memory_space<hbm>>) target(%arg16 : memref<40x128xf32, #tpu.memory_space<vmem>>) offsets(%dma_start3A_89 : memref<40xi32, #tpu.memory_space<vmem>>) semaphore(%arg22 : memref<!tpu.dma_semaphore, #tpu.memory_space<semaphore_mem>>)
    %dma_wait3A_93 = arith.constant 120 : i32
    %dma_wait3A_94 = arith.constant 0 : i32
    %dma_wait3A_95 = tpu.memref_slice %arg8[%dma_wait3A_93, %dma_wait3A_94] : memref<125x40xi32, #tpu.memory_space<vmem>> -> memref<1x40xi32, #tpu.memory_space<vmem>>
    %dma_wait3A_96 = tpu.memref_squeeze %dma_wait3A_95 : memref<1x40xi32, #tpu.memory_space<vmem>> -> memref<40xi32, #tpu.memory_space<vmem>>
    %dma_wait3A_97 = arith.constant 0 : i32
    %dma_wait3A_98 = arith.constant 0 : i32
    %dma_wait3A_99 = tpu.memref_slice %arg2[%dma_wait3A_97, %dma_wait3A_98] : memref<10000x128xf32, #tpu.memory_space<hbm>> -> memref<10000x128xf32, #tpu.memory_space<hbm>>
    tpu.wait_indirect_dma semaphore(%arg22 : memref<!tpu.dma_semaphore, #tpu.memory_space<semaphore_mem>>) src(%dma_wait3A_99 : memref<10000x128xf32, #tpu.memory_space<hbm>>) dst(%arg10 : memref<40x128xf32, #tpu.memory_space<vmem>>)
    %dma_wait3A_100 = arith.constant 120 : i32
    %dma_wait3A_101 = arith.constant 0 : i32
    %dma_wait3A_102 = tpu.memref_slice %arg9[%dma_wait3A_100, %dma_wait3A_101] : memref<125x40xi32, #tpu.memory_space<vmem>> -> memref<1x40xi32, #tpu.memory_space<vmem>>
    %dma_wait3A_103 = tpu.memref_squeeze %dma_wait3A_102 : memref<1x40xi32, #tpu.memory_space<vmem>> -> memref<40xi32, #tpu.memory_space<vmem>>
    %dma_wait3A_104 = arith.constant 0 : i32
    %dma_wait3A_105 = arith.constant 0 : i32
    %dma_wait3A_106 = tpu.memref_slice %arg3[%dma_wait3A_104, %dma_wait3A_105] : memref<10000x128xf32, #tpu.memory_space<hbm>> -> memref<10000x128xf32, #tpu.memory_space<hbm>>
    tpu.wait_indirect_dma semaphore(%arg22 : memref<!tpu.dma_semaphore, #tpu.memory_space<semaphore_mem>>) src(%dma_wait3A_106 : memref<10000x128xf32, #tpu.memory_space<hbm>>) dst(%arg16 : memref<40x128xf32, #tpu.memory_space<vmem>>)
    "tpu.region"() ({
      %run_scoped3A = tpu.sem_alloc : memref<!tpu.dma_semaphore, #tpu.memory_space<semaphore_mem>>
      %dma_start3A_231 = arith.constant 0 : i32
      %dma_start3A_232 = tpu.memref_slice %arg6[%multiple_of3A, %dma_start3A_231] : memref<160000x128xf32, #tpu.memory_space<hbm>> -> memref<40x128xf32, #tpu.memory_space<hbm>>
      %dma_start3A_233 = arith.constant 0 : i32
      %dma_start3A_234 = tpu.memref_slice %arg6[%multiple_of3A, %dma_start3A_233] : memref<160000x128xf32, #tpu.memory_space<hbm>> -> memref<40x128xf32, #tpu.memory_space<hbm>>
      tpu.enqueue_dma source(%arg10 : memref<40x128xf32, #tpu.memory_space<vmem>>) target(%dma_start3A_234 : memref<40x128xf32, #tpu.memory_space<hbm>>) target_semaphore(%run_scoped3A : memref<!tpu.dma_semaphore, #tpu.memory_space<semaphore_mem>>)
      %dma_wait3A_235 = arith.constant 0 : i32
      %dma_wait3A_236 = tpu.memref_slice %arg6[%multiple_of3A, %dma_wait3A_235] : memref<160000x128xf32, #tpu.memory_space<hbm>> -> memref<40x128xf32, #tpu.memory_space<hbm>>
      %dma_wait3A_237 = arith.constant 0 : i32
      %dma_wait3A_238 = tpu.memref_slice %arg6[%multiple_of3A, %dma_wait3A_237] : memref<160000x128xf32, #tpu.memory_space<hbm>> -> memref<40x128xf32, #tpu.memory_space<hbm>>
      tpu.wait_dma2 semaphore(%run_scoped3A : memref<!tpu.dma_semaphore, #tpu.memory_space<semaphore_mem>>) src(%arg10 : memref<40x128xf32, #tpu.memory_space<vmem>>) dst(%dma_wait3A_238 : memref<40x128xf32, #tpu.memory_space<hbm>>)
      tpu.yield
    }) : () -> ()
    "tpu.region"() ({
      %run_scoped3A = tpu.sem_alloc : memref<!tpu.dma_semaphore, #tpu.memory_space<semaphore_mem>>
      %dma_start3A_231 = arith.constant 0 : i32
      %dma_start3A_232 = tpu.memref_slice %arg7[%multiple_of3A, %dma_start3A_231] : memref<160000x128xf32, #tpu.memory_space<hbm>> -> memref<40x128xf32, #tpu.memory_space<hbm>>
      %dma_start3A_233 = arith.constant 0 : i32
      %dma_start3A_234 = tpu.memref_slice %arg7[%multiple_of3A, %dma_start3A_233] : memref<160000x128xf32, #tpu.memory_space<hbm>> -> memref<40x128xf32, #tpu.memory_space<hbm>>
      tpu.enqueue_dma source(%arg16 : memref<40x128xf32, #tpu.memory_space<vmem>>) target(%dma_start3A_234 : memref<40x128xf32, #tpu.memory_space<hbm>>) target_semaphore(%run_scoped3A : memref<!tpu.dma_semaphore, #tpu.memory_space<semaphore_mem>>)
      %dma_wait3A_235 = arith.constant 0 : i32
      %dma_wait3A_236 = tpu.memref_slice %arg7[%multiple_of3A, %dma_wait3A_235] : memref<160000x128xf32, #tpu.memory_space<hbm>> -> memref<40x128xf32, #tpu.memory_space<hbm>>
      %dma_wait3A_237 = arith.constant 0 : i32
      %dma_wait3A_238 = tpu.memref_slice %arg7[%multiple_of3A, %dma_wait3A_237] : memref<160000x128xf32, #tpu.memory_space<hbm>> -> memref<40x128xf32, #tpu.memory_space<hbm>>
      tpu.wait_dma2 semaphore(%run_scoped3A : memref<!tpu.dma_semaphore, #tpu.memory_space<semaphore_mem>>) src(%arg16 : memref<40x128xf32, #tpu.memory_space<vmem>>) dst(%dma_wait3A_238 : memref<40x128xf32, #tpu.memory_space<hbm>>)
      tpu.yield
    }) : () -> ()
    %add3A_107 = arith.constant 4840 : i32
    %add3A_108 = arith.addi %mul3A_2, %add3A_107 : i32
    %multiple_of3A_109 = tpu.assume_multiple %add3A_108, 8 : i32
    %dma_start3A_110 = arith.constant 121 : i32
    %dma_start3A_111 = arith.constant 0 : i32
    %dma_start3A_112 = tpu.memref_slice %arg8[%dma_start3A_110, %dma_start3A_111] : memref<125x40xi32, #tpu.memory_space<vmem>> -> memref<1x40xi32, #tpu.memory_space<vmem>>
    %dma_start3A_113 = tpu.memref_squeeze %dma_start3A_112 : memref<1x40xi32, #tpu.memory_space<vmem>> -> memref<40xi32, #tpu.memory_space<vmem>>
    %dma_start3A_114 = arith.constant 0 : i32
    %dma_start3A_115 = arith.constant 0 : i32
    %dma_start3A_116 = tpu.memref_slice %arg2[%dma_start3A_114, %dma_start3A_115] : memref<10000x128xf32, #tpu.memory_space<hbm>> -> memref<10000x128xf32, #tpu.memory_space<hbm>>
    tpu.enqueue_indirect_dma source(%dma_start3A_116 : memref<10000x128xf32, #tpu.memory_space<hbm>>) target(%arg11 : memref<40x128xf32, #tpu.memory_space<vmem>>) offsets(%dma_start3A_113 : memref<40xi32, #tpu.memory_space<vmem>>) semaphore(%arg22 : memref<!tpu.dma_semaphore, #tpu.memory_space<semaphore_mem>>)
    %dma_start3A_117 = arith.constant 121 : i32
    %dma_start3A_118 = arith.constant 0 : i32
    %dma_start3A_119 = tpu.memref_slice %arg9[%dma_start3A_117, %dma_start3A_118] : memref<125x40xi32, #tpu.memory_space<vmem>> -> memref<1x40xi32, #tpu.memory_space<vmem>>
    %dma_start3A_120 = tpu.memref_squeeze %dma_start3A_119 : memref<1x40xi32, #tpu.memory_space<vmem>> -> memref<40xi32, #tpu.memory_space<vmem>>
    %dma_start3A_121 = arith.constant 0 : i32
    %dma_start3A_122 = arith.constant 0 : i32
    %dma_start3A_123 = tpu.memref_slice %arg3[%dma_start3A_121, %dma_start3A_122] : memref<10000x128xf32, #tpu.memory_space<hbm>> -> memref<10000x128xf32, #tpu.memory_space<hbm>>
    tpu.enqueue_indirect_dma source(%dma_start3A_123 : memref<10000x128xf32, #tpu.memory_space<hbm>>) target(%arg17 : memref<40x128xf32, #tpu.memory_space<vmem>>) offsets(%dma_start3A_120 : memref<40xi32, #tpu.memory_space<vmem>>) semaphore(%arg22 : memref<!tpu.dma_semaphore, #tpu.memory_space<semaphore_mem>>)
    %dma_wait3A_124 = arith.constant 121 : i32
    %dma_wait3A_125 = arith.constant 0 : i32
    %dma_wait3A_126 = tpu.memref_slice %arg8[%dma_wait3A_124, %dma_wait3A_125] : memref<125x40xi32, #tpu.memory_space<vmem>> -> memref<1x40xi32, #tpu.memory_space<vmem>>
    %dma_wait3A_127 = tpu.memref_squeeze %dma_wait3A_126 : memref<1x40xi32, #tpu.memory_space<vmem>> -> memref<40xi32, #tpu.memory_space<vmem>>
    %dma_wait3A_128 = arith.constant 0 : i32
    %dma_wait3A_129 = arith.constant 0 : i32
    %dma_wait3A_130 = tpu.memref_slice %arg2[%dma_wait3A_128, %dma_wait3A_129] : memref<10000x128xf32, #tpu.memory_space<hbm>> -> memref<10000x128xf32, #tpu.memory_space<hbm>>
    tpu.wait_indirect_dma semaphore(%arg22 : memref<!tpu.dma_semaphore, #tpu.memory_space<semaphore_mem>>) src(%dma_wait3A_130 : memref<10000x128xf32, #tpu.memory_space<hbm>>) dst(%arg11 : memref<40x128xf32, #tpu.memory_space<vmem>>)
    %dma_wait3A_131 = arith.constant 121 : i32
    %dma_wait3A_132 = arith.constant 0 : i32
    %dma_wait3A_133 = tpu.memref_slice %arg9[%dma_wait3A_131, %dma_wait3A_132] : memref<125x40xi32, #tpu.memory_space<vmem>> -> memref<1x40xi32, #tpu.memory_space<vmem>>
    %dma_wait3A_134 = tpu.memref_squeeze %dma_wait3A_133 : memref<1x40xi32, #tpu.memory_space<vmem>> -> memref<40xi32, #tpu.memory_space<vmem>>
    %dma_wait3A_135 = arith.constant 0 : i32
    %dma_wait3A_136 = arith.constant 0 : i32
    %dma_wait3A_137 = tpu.memref_slice %arg3[%dma_wait3A_135, %dma_wait3A_136] : memref<10000x128xf32, #tpu.memory_space<hbm>> -> memref<10000x128xf32, #tpu.memory_space<hbm>>
    tpu.wait_indirect_dma semaphore(%arg22 : memref<!tpu.dma_semaphore, #tpu.memory_space<semaphore_mem>>) src(%dma_wait3A_137 : memref<10000x128xf32, #tpu.memory_space<hbm>>) dst(%arg17 : memref<40x128xf32, #tpu.memory_space<vmem>>)
    "tpu.region"() ({
      %run_scoped3A = tpu.sem_alloc : memref<!tpu.dma_semaphore, #tpu.memory_space<semaphore_mem>>
      %dma_start3A_231 = arith.constant 0 : i32
      %dma_start3A_232 = tpu.memref_slice %arg6[%multiple_of3A_109, %dma_start3A_231] : memref<160000x128xf32, #tpu.memory_space<hbm>> -> memref<40x128xf32, #tpu.memory_space<hbm>>
      %dma_start3A_233 = arith.constant 0 : i32
      %dma_start3A_234 = tpu.memref_slice %arg6[%multiple_of3A_109, %dma_start3A_233] : memref<160000x128xf32, #tpu.memory_space<hbm>> -> memref<40x128xf32, #tpu.memory_space<hbm>>
      tpu.enqueue_dma source(%arg11 : memref<40x128xf32, #tpu.memory_space<vmem>>) target(%dma_start3A_234 : memref<40x128xf32, #tpu.memory_space<hbm>>) target_semaphore(%run_scoped3A : memref<!tpu.dma_semaphore, #tpu.memory_space<semaphore_mem>>)
      %dma_wait3A_235 = arith.constant 0 : i32
      %dma_wait3A_236 = tpu.memref_slice %arg6[%multiple_of3A_109, %dma_wait3A_235] : memref<160000x128xf32, #tpu.memory_space<hbm>> -> memref<40x128xf32, #tpu.memory_space<hbm>>
      %dma_wait3A_237 = arith.constant 0 : i32
      %dma_wait3A_238 = tpu.memref_slice %arg6[%multiple_of3A_109, %dma_wait3A_237] : memref<160000x128xf32, #tpu.memory_space<hbm>> -> memref<40x128xf32, #tpu.memory_space<hbm>>
      tpu.wait_dma2 semaphore(%run_scoped3A : memref<!tpu.dma_semaphore, #tpu.memory_space<semaphore_mem>>) src(%arg11 : memref<40x128xf32, #tpu.memory_space<vmem>>) dst(%dma_wait3A_238 : memref<40x128xf32, #tpu.memory_space<hbm>>)
      tpu.yield
    }) : () -> ()
    "tpu.region"() ({
      %run_scoped3A = tpu.sem_alloc : memref<!tpu.dma_semaphore, #tpu.memory_space<semaphore_mem>>
      %dma_start3A_231 = arith.constant 0 : i32
      %dma_start3A_232 = tpu.memref_slice %arg7[%multiple_of3A_109, %dma_start3A_231] : memref<160000x128xf32, #tpu.memory_space<hbm>> -> memref<40x128xf32, #tpu.memory_space<hbm>>
      %dma_start3A_233 = arith.constant 0 : i32
      %dma_start3A_234 = tpu.memref_slice %arg7[%multiple_of3A_109, %dma_start3A_233] : memref<160000x128xf32, #tpu.memory_space<hbm>> -> memref<40x128xf32, #tpu.memory_space<hbm>>
      tpu.enqueue_dma source(%arg17 : memref<40x128xf32, #tpu.memory_space<vmem>>) target(%dma_start3A_234 : memref<40x128xf32, #tpu.memory_space<hbm>>) target_semaphore(%run_scoped3A : memref<!tpu.dma_semaphore, #tpu.memory_space<semaphore_mem>>)
      %dma_wait3A_235 = arith.constant 0 : i32
      %dma_wait3A_236 = tpu.memref_slice %arg7[%multiple_of3A_109, %dma_wait3A_235] : memref<160000x128xf32, #tpu.memory_space<hbm>> -> memref<40x128xf32, #tpu.memory_space<hbm>>
      %dma_wait3A_237 = arith.constant 0 : i32
      %dma_wait3A_238 = tpu.memref_slice %arg7[%multiple_of3A_109, %dma_wait3A_237] : memref<160000x128xf32, #tpu.memory_space<hbm>> -> memref<40x128xf32, #tpu.memory_space<hbm>>
      tpu.wait_dma2 semaphore(%run_scoped3A : memref<!tpu.dma_semaphore, #tpu.memory_space<semaphore_mem>>) src(%arg17 : memref<40x128xf32, #tpu.memory_space<vmem>>) dst(%dma_wait3A_238 : memref<40x128xf32, #tpu.memory_space<hbm>>)
      tpu.yield
    }) : () -> ()
    %add3A_138 = arith.constant 4880 : i32
    %add3A_139 = arith.addi %mul3A_2, %add3A_138 : i32
    %multiple_of3A_140 = tpu.assume_multiple %add3A_139, 8 : i32
    %dma_start3A_141 = arith.constant 122 : i32
    %dma_start3A_142 = arith.constant 0 : i32
    %dma_start3A_143 = tpu.memref_slice %arg8[%dma_start3A_141, %dma_start3A_142] : memref<125x40xi32, #tpu.memory_space<vmem>> -> memref<1x40xi32, #tpu.memory_space<vmem>>
    %dma_start3A_144 = tpu.memref_squeeze %dma_start3A_143 : memref<1x40xi32, #tpu.memory_space<vmem>> -> memref<40xi32, #tpu.memory_space<vmem>>
    %dma_start3A_145 = arith.constant 0 : i32
    %dma_start3A_146 = arith.constant 0 : i32
    %dma_start3A_147 = tpu.memref_slice %arg2[%dma_start3A_145, %dma_start3A_146] : memref<10000x128xf32, #tpu.memory_space<hbm>> -> memref<10000x128xf32, #tpu.memory_space<hbm>>
    tpu.enqueue_indirect_dma source(%dma_start3A_147 : memref<10000x128xf32, #tpu.memory_space<hbm>>) target(%arg12 : memref<40x128xf32, #tpu.memory_space<vmem>>) offsets(%dma_start3A_144 : memref<40xi32, #tpu.memory_space<vmem>>) semaphore(%arg22 : memref<!tpu.dma_semaphore, #tpu.memory_space<semaphore_mem>>)
    %dma_start3A_148 = arith.constant 122 : i32
    %dma_start3A_149 = arith.constant 0 : i32
    %dma_start3A_150 = tpu.memref_slice %arg9[%dma_start3A_148, %dma_start3A_149] : memref<125x40xi32, #tpu.memory_space<vmem>> -> memref<1x40xi32, #tpu.memory_space<vmem>>
    %dma_start3A_151 = tpu.memref_squeeze %dma_start3A_150 : memref<1x40xi32, #tpu.memory_space<vmem>> -> memref<40xi32, #tpu.memory_space<vmem>>
    %dma_start3A_152 = arith.constant 0 : i32
    %dma_start3A_153 = arith.constant 0 : i32
    %dma_start3A_154 = tpu.memref_slice %arg3[%dma_start3A_152, %dma_start3A_153] : memref<10000x128xf32, #tpu.memory_space<hbm>> -> memref<10000x128xf32, #tpu.memory_space<hbm>>
    tpu.enqueue_indirect_dma source(%dma_start3A_154 : memref<10000x128xf32, #tpu.memory_space<hbm>>) target(%arg18 : memref<40x128xf32, #tpu.memory_space<vmem>>) offsets(%dma_start3A_151 : memref<40xi32, #tpu.memory_space<vmem>>) semaphore(%arg22 : memref<!tpu.dma_semaphore, #tpu.memory_space<semaphore_mem>>)
    %dma_wait3A_155 = arith.constant 122 : i32
    %dma_wait3A_156 = arith.constant 0 : i32
    %dma_wait3A_157 = tpu.memref_slice %arg8[%dma_wait3A_155, %dma_wait3A_156] : memref<125x40xi32, #tpu.memory_space<vmem>> -> memref<1x40xi32, #tpu.memory_space<vmem>>
    %dma_wait3A_158 = tpu.memref_squeeze %dma_wait3A_157 : memref<1x40xi32, #tpu.memory_space<vmem>> -> memref<40xi32, #tpu.memory_space<vmem>>
    %dma_wait3A_159 = arith.constant 0 : i32
    %dma_wait3A_160 = arith.constant 0 : i32
    %dma_wait3A_161 = tpu.memref_slice %arg2[%dma_wait3A_159, %dma_wait3A_160] : memref<10000x128xf32, #tpu.memory_space<hbm>> -> memref<10000x128xf32, #tpu.memory_space<hbm>>
    tpu.wait_indirect_dma semaphore(%arg22 : memref<!tpu.dma_semaphore, #tpu.memory_space<semaphore_mem>>) src(%dma_wait3A_161 : memref<10000x128xf32, #tpu.memory_space<hbm>>) dst(%arg12 : memref<40x128xf32, #tpu.memory_space<vmem>>)
    %dma_wait3A_162 = arith.constant 122 : i32
    %dma_wait3A_163 = arith.constant 0 : i32
    %dma_wait3A_164 = tpu.memref_slice %arg9[%dma_wait3A_162, %dma_wait3A_163] : memref<125x40xi32, #tpu.memory_space<vmem>> -> memref<1x40xi32, #tpu.memory_space<vmem>>
    %dma_wait3A_165 = tpu.memref_squeeze %dma_wait3A_164 : memref<1x40xi32, #tpu.memory_space<vmem>> -> memref<40xi32, #tpu.memory_space<vmem>>
    %dma_wait3A_166 = arith.constant 0 : i32
    %dma_wait3A_167 = arith.constant 0 : i32
    %dma_wait3A_168 = tpu.memref_slice %arg3[%dma_wait3A_166, %dma_wait3A_167] : memref<10000x128xf32, #tpu.memory_space<hbm>> -> memref<10000x128xf32, #tpu.memory_space<hbm>>
    tpu.wait_indirect_dma semaphore(%arg22 : memref<!tpu.dma_semaphore, #tpu.memory_space<semaphore_mem>>) src(%dma_wait3A_168 : memref<10000x128xf32, #tpu.memory_space<hbm>>) dst(%arg18 : memref<40x128xf32, #tpu.memory_space<vmem>>)
    "tpu.region"() ({
      %run_scoped3A = tpu.sem_alloc : memref<!tpu.dma_semaphore, #tpu.memory_space<semaphore_mem>>
      %dma_start3A_231 = arith.constant 0 : i32
      %dma_start3A_232 = tpu.memref_slice %arg6[%multiple_of3A_140, %dma_start3A_231] : memref<160000x128xf32, #tpu.memory_space<hbm>> -> memref<40x128xf32, #tpu.memory_space<hbm>>
      %dma_start3A_233 = arith.constant 0 : i32
      %dma_start3A_234 = tpu.memref_slice %arg6[%multiple_of3A_140, %dma_start3A_233] : memref<160000x128xf32, #tpu.memory_space<hbm>> -> memref<40x128xf32, #tpu.memory_space<hbm>>
      tpu.enqueue_dma source(%arg12 : memref<40x128xf32, #tpu.memory_space<vmem>>) target(%dma_start3A_234 : memref<40x128xf32, #tpu.memory_space<hbm>>) target_semaphore(%run_scoped3A : memref<!tpu.dma_semaphore, #tpu.memory_space<semaphore_mem>>)
      %dma_wait3A_235 = arith.constant 0 : i32
      %dma_wait3A_236 = tpu.memref_slice %arg6[%multiple_of3A_140, %dma_wait3A_235] : memref<160000x128xf32, #tpu.memory_space<hbm>> -> memref<40x128xf32, #tpu.memory_space<hbm>>
      %dma_wait3A_237 = arith.constant 0 : i32
      %dma_wait3A_238 = tpu.memref_slice %arg6[%multiple_of3A_140, %dma_wait3A_237] : memref<160000x128xf32, #tpu.memory_space<hbm>> -> memref<40x128xf32, #tpu.memory_space<hbm>>
      tpu.wait_dma2 semaphore(%run_scoped3A : memref<!tpu.dma_semaphore, #tpu.memory_space<semaphore_mem>>) src(%arg12 : memref<40x128xf32, #tpu.memory_space<vmem>>) dst(%dma_wait3A_238 : memref<40x128xf32, #tpu.memory_space<hbm>>)
      tpu.yield
    }) : () -> ()
    "tpu.region"() ({
      %run_scoped3A = tpu.sem_alloc : memref<!tpu.dma_semaphore, #tpu.memory_space<semaphore_mem>>
      %dma_start3A_231 = arith.constant 0 : i32
      %dma_start3A_232 = tpu.memref_slice %arg7[%multiple_of3A_140, %dma_start3A_231] : memref<160000x128xf32, #tpu.memory_space<hbm>> -> memref<40x128xf32, #tpu.memory_space<hbm>>
      %dma_start3A_233 = arith.constant 0 : i32
      %dma_start3A_234 = tpu.memref_slice %arg7[%multiple_of3A_140, %dma_start3A_233] : memref<160000x128xf32, #tpu.memory_space<hbm>> -> memref<40x128xf32, #tpu.memory_space<hbm>>
      tpu.enqueue_dma source(%arg18 : memref<40x128xf32, #tpu.memory_space<vmem>>) target(%dma_start3A_234 : memref<40x128xf32, #tpu.memory_space<hbm>>) target_semaphore(%run_scoped3A : memref<!tpu.dma_semaphore, #tpu.memory_space<semaphore_mem>>)
      %dma_wait3A_235 = arith.constant 0 : i32
      %dma_wait3A_236 = tpu.memref_slice %arg7[%multiple_of3A_140, %dma_wait3A_235] : memref<160000x128xf32, #tpu.memory_space<hbm>> -> memref<40x128xf32, #tpu.memory_space<hbm>>
      %dma_wait3A_237 = arith.constant 0 : i32
      %dma_wait3A_238 = tpu.memref_slice %arg7[%multiple_of3A_140, %dma_wait3A_237] : memref<160000x128xf32, #tpu.memory_space<hbm>> -> memref<40x128xf32, #tpu.memory_space<hbm>>
      tpu.wait_dma2 semaphore(%run_scoped3A : memref<!tpu.dma_semaphore, #tpu.memory_space<semaphore_mem>>) src(%arg18 : memref<40x128xf32, #tpu.memory_space<vmem>>) dst(%dma_wait3A_238 : memref<40x128xf32, #tpu.memory_space<hbm>>)
      tpu.yield
    }) : () -> ()
    %add3A_169 = arith.constant 4920 : i32
    %add3A_170 = arith.addi %mul3A_2, %add3A_169 : i32
    %multiple_of3A_171 = tpu.assume_multiple %add3A_170, 8 : i32
    %dma_start3A_172 = arith.constant 123 : i32
    %dma_start3A_173 = arith.constant 0 : i32
    %dma_start3A_174 = tpu.memref_slice %arg8[%dma_start3A_172, %dma_start3A_173] : memref<125x40xi32, #tpu.memory_space<vmem>> -> memref<1x40xi32, #tpu.memory_space<vmem>>
    %dma_start3A_175 = tpu.memref_squeeze %dma_start3A_174 : memref<1x40xi32, #tpu.memory_space<vmem>> -> memref<40xi32, #tpu.memory_space<vmem>>
    %dma_start3A_176 = arith.constant 0 : i32
    %dma_start3A_177 = arith.constant 0 : i32
    %dma_start3A_178 = tpu.memref_slice %arg2[%dma_start3A_176, %dma_start3A_177] : memref<10000x128xf32, #tpu.memory_space<hbm>> -> memref<10000x128xf32, #tpu.memory_space<hbm>>
    tpu.enqueue_indirect_dma source(%dma_start3A_178 : memref<10000x128xf32, #tpu.memory_space<hbm>>) target(%arg13 : memref<40x128xf32, #tpu.memory_space<vmem>>) offsets(%dma_start3A_175 : memref<40xi32, #tpu.memory_space<vmem>>) semaphore(%arg22 : memref<!tpu.dma_semaphore, #tpu.memory_space<semaphore_mem>>)
    %dma_start3A_179 = arith.constant 123 : i32
    %dma_start3A_180 = arith.constant 0 : i32
    %dma_start3A_181 = tpu.memref_slice %arg9[%dma_start3A_179, %dma_start3A_180] : memref<125x40xi32, #tpu.memory_space<vmem>> -> memref<1x40xi32, #tpu.memory_space<vmem>>
    %dma_start3A_182 = tpu.memref_squeeze %dma_start3A_181 : memref<1x40xi32, #tpu.memory_space<vmem>> -> memref<40xi32, #tpu.memory_space<vmem>>
    %dma_start3A_183 = arith.constant 0 : i32
    %dma_start3A_184 = arith.constant 0 : i32
    %dma_start3A_185 = tpu.memref_slice %arg3[%dma_start3A_183, %dma_start3A_184] : memref<10000x128xf32, #tpu.memory_space<hbm>> -> memref<10000x128xf32, #tpu.memory_space<hbm>>
    tpu.enqueue_indirect_dma source(%dma_start3A_185 : memref<10000x128xf32, #tpu.memory_space<hbm>>) target(%arg19 : memref<40x128xf32, #tpu.memory_space<vmem>>) offsets(%dma_start3A_182 : memref<40xi32, #tpu.memory_space<vmem>>) semaphore(%arg22 : memref<!tpu.dma_semaphore, #tpu.memory_space<semaphore_mem>>)
    %dma_wait3A_186 = arith.constant 123 : i32
    %dma_wait3A_187 = arith.constant 0 : i32
    %dma_wait3A_188 = tpu.memref_slice %arg8[%dma_wait3A_186, %dma_wait3A_187] : memref<125x40xi32, #tpu.memory_space<vmem>> -> memref<1x40xi32, #tpu.memory_space<vmem>>
    %dma_wait3A_189 = tpu.memref_squeeze %dma_wait3A_188 : memref<1x40xi32, #tpu.memory_space<vmem>> -> memref<40xi32, #tpu.memory_space<vmem>>
    %dma_wait3A_190 = arith.constant 0 : i32
    %dma_wait3A_191 = arith.constant 0 : i32
    %dma_wait3A_192 = tpu.memref_slice %arg2[%dma_wait3A_190, %dma_wait3A_191] : memref<10000x128xf32, #tpu.memory_space<hbm>> -> memref<10000x128xf32, #tpu.memory_space<hbm>>
    tpu.wait_indirect_dma semaphore(%arg22 : memref<!tpu.dma_semaphore, #tpu.memory_space<semaphore_mem>>) src(%dma_wait3A_192 : memref<10000x128xf32, #tpu.memory_space<hbm>>) dst(%arg13 : memref<40x128xf32, #tpu.memory_space<vmem>>)
    %dma_wait3A_193 = arith.constant 123 : i32
    %dma_wait3A_194 = arith.constant 0 : i32
    %dma_wait3A_195 = tpu.memref_slice %arg9[%dma_wait3A_193, %dma_wait3A_194] : memref<125x40xi32, #tpu.memory_space<vmem>> -> memref<1x40xi32, #tpu.memory_space<vmem>>
    %dma_wait3A_196 = tpu.memref_squeeze %dma_wait3A_195 : memref<1x40xi32, #tpu.memory_space<vmem>> -> memref<40xi32, #tpu.memory_space<vmem>>
    %dma_wait3A_197 = arith.constant 0 : i32
    %dma_wait3A_198 = arith.constant 0 : i32
    %dma_wait3A_199 = tpu.memref_slice %arg3[%dma_wait3A_197, %dma_wait3A_198] : memref<10000x128xf32, #tpu.memory_space<hbm>> -> memref<10000x128xf32, #tpu.memory_space<hbm>>
    tpu.wait_indirect_dma semaphore(%arg22 : memref<!tpu.dma_semaphore, #tpu.memory_space<semaphore_mem>>) src(%dma_wait3A_199 : memref<10000x128xf32, #tpu.memory_space<hbm>>) dst(%arg19 : memref<40x128xf32, #tpu.memory_space<vmem>>)
    "tpu.region"() ({
      %run_scoped3A = tpu.sem_alloc : memref<!tpu.dma_semaphore, #tpu.memory_space<semaphore_mem>>
      %dma_start3A_231 = arith.constant 0 : i32
      %dma_start3A_232 = tpu.memref_slice %arg6[%multiple_of3A_171, %dma_start3A_231] : memref<160000x128xf32, #tpu.memory_space<hbm>> -> memref<40x128xf32, #tpu.memory_space<hbm>>
      %dma_start3A_233 = arith.constant 0 : i32
      %dma_start3A_234 = tpu.memref_slice %arg6[%multiple_of3A_171, %dma_start3A_233] : memref<160000x128xf32, #tpu.memory_space<hbm>> -> memref<40x128xf32, #tpu.memory_space<hbm>>
      tpu.enqueue_dma source(%arg13 : memref<40x128xf32, #tpu.memory_space<vmem>>) target(%dma_start3A_234 : memref<40x128xf32, #tpu.memory_space<hbm>>) target_semaphore(%run_scoped3A : memref<!tpu.dma_semaphore, #tpu.memory_space<semaphore_mem>>)
      %dma_wait3A_235 = arith.constant 0 : i32
      %dma_wait3A_236 = tpu.memref_slice %arg6[%multiple_of3A_171, %dma_wait3A_235] : memref<160000x128xf32, #tpu.memory_space<hbm>> -> memref<40x128xf32, #tpu.memory_space<hbm>>
      %dma_wait3A_237 = arith.constant 0 : i32
      %dma_wait3A_238 = tpu.memref_slice %arg6[%multiple_of3A_171, %dma_wait3A_237] : memref<160000x128xf32, #tpu.memory_space<hbm>> -> memref<40x128xf32, #tpu.memory_space<hbm>>
      tpu.wait_dma2 semaphore(%run_scoped3A : memref<!tpu.dma_semaphore, #tpu.memory_space<semaphore_mem>>) src(%arg13 : memref<40x128xf32, #tpu.memory_space<vmem>>) dst(%dma_wait3A_238 : memref<40x128xf32, #tpu.memory_space<hbm>>)
      tpu.yield
    }) : () -> ()
    "tpu.region"() ({
      %run_scoped3A = tpu.sem_alloc : memref<!tpu.dma_semaphore, #tpu.memory_space<semaphore_mem>>
      %dma_start3A_231 = arith.constant 0 : i32
      %dma_start3A_232 = tpu.memref_slice %arg7[%multiple_of3A_171, %dma_start3A_231] : memref<160000x128xf32, #tpu.memory_space<hbm>> -> memref<40x128xf32, #tpu.memory_space<hbm>>
      %dma_start3A_233 = arith.constant 0 : i32
      %dma_start3A_234 = tpu.memref_slice %arg7[%multiple_of3A_171, %dma_start3A_233] : memref<160000x128xf32, #tpu.memory_space<hbm>> -> memref<40x128xf32, #tpu.memory_space<hbm>>
      tpu.enqueue_dma source(%arg19 : memref<40x128xf32, #tpu.memory_space<vmem>>) target(%dma_start3A_234 : memref<40x128xf32, #tpu.memory_space<hbm>>) target_semaphore(%run_scoped3A : memref<!tpu.dma_semaphore, #tpu.memory_space<semaphore_mem>>)
      %dma_wait3A_235 = arith.constant 0 : i32
      %dma_wait3A_236 = tpu.memref_slice %arg7[%multiple_of3A_171, %dma_wait3A_235] : memref<160000x128xf32, #tpu.memory_space<hbm>> -> memref<40x128xf32, #tpu.memory_space<hbm>>
      %dma_wait3A_237 = arith.constant 0 : i32
      %dma_wait3A_238 = tpu.memref_slice %arg7[%multiple_of3A_171, %dma_wait3A_237] : memref<160000x128xf32, #tpu.memory_space<hbm>> -> memref<40x128xf32, #tpu.memory_space<hbm>>
      tpu.wait_dma2 semaphore(%run_scoped3A : memref<!tpu.dma_semaphore, #tpu.memory_space<semaphore_mem>>) src(%arg19 : memref<40x128xf32, #tpu.memory_space<vmem>>) dst(%dma_wait3A_238 : memref<40x128xf32, #tpu.memory_space<hbm>>)
      tpu.yield
    }) : () -> ()
    %add3A_200 = arith.constant 4960 : i32
    %add3A_201 = arith.addi %mul3A_2, %add3A_200 : i32
    %multiple_of3A_202 = tpu.assume_multiple %add3A_201, 8 : i32
    %dma_start3A_203 = arith.constant 124 : i32
    %dma_start3A_204 = arith.constant 0 : i32
    %dma_start3A_205 = tpu.memref_slice %arg8[%dma_start3A_203, %dma_start3A_204] : memref<125x40xi32, #tpu.memory_space<vmem>> -> memref<1x40xi32, #tpu.memory_space<vmem>>
    %dma_start3A_206 = tpu.memref_squeeze %dma_start3A_205 : memref<1x40xi32, #tpu.memory_space<vmem>> -> memref<40xi32, #tpu.memory_space<vmem>>
    %dma_start3A_207 = arith.constant 0 : i32
    %dma_start3A_208 = arith.constant 0 : i32
    %dma_start3A_209 = tpu.memref_slice %arg2[%dma_start3A_207, %dma_start3A_208] : memref<10000x128xf32, #tpu.memory_space<hbm>> -> memref<10000x128xf32, #tpu.memory_space<hbm>>
    tpu.enqueue_indirect_dma source(%dma_start3A_209 : memref<10000x128xf32, #tpu.memory_space<hbm>>) target(%arg14 : memref<40x128xf32, #tpu.memory_space<vmem>>) offsets(%dma_start3A_206 : memref<40xi32, #tpu.memory_space<vmem>>) semaphore(%arg22 : memref<!tpu.dma_semaphore, #tpu.memory_space<semaphore_mem>>)
    %dma_start3A_210 = arith.constant 124 : i32
    %dma_start3A_211 = arith.constant 0 : i32
    %dma_start3A_212 = tpu.memref_slice %arg9[%dma_start3A_210, %dma_start3A_211] : memref<125x40xi32, #tpu.memory_space<vmem>> -> memref<1x40xi32, #tpu.memory_space<vmem>>
    %dma_start3A_213 = tpu.memref_squeeze %dma_start3A_212 : memref<1x40xi32, #tpu.memory_space<vmem>> -> memref<40xi32, #tpu.memory_space<vmem>>
    %dma_start3A_214 = arith.constant 0 : i32
    %dma_start3A_215 = arith.constant 0 : i32
    %dma_start3A_216 = tpu.memref_slice %arg3[%dma_start3A_214, %dma_start3A_215] : memref<10000x128xf32, #tpu.memory_space<hbm>> -> memref<10000x128xf32, #tpu.memory_space<hbm>>
    tpu.enqueue_indirect_dma source(%dma_start3A_216 : memref<10000x128xf32, #tpu.memory_space<hbm>>) target(%arg20 : memref<40x128xf32, #tpu.memory_space<vmem>>) offsets(%dma_start3A_213 : memref<40xi32, #tpu.memory_space<vmem>>) semaphore(%arg22 : memref<!tpu.dma_semaphore, #tpu.memory_space<semaphore_mem>>)
    %dma_wait3A_217 = arith.constant 124 : i32
    %dma_wait3A_218 = arith.constant 0 : i32
    %dma_wait3A_219 = tpu.memref_slice %arg8[%dma_wait3A_217, %dma_wait3A_218] : memref<125x40xi32, #tpu.memory_space<vmem>> -> memref<1x40xi32, #tpu.memory_space<vmem>>
    %dma_wait3A_220 = tpu.memref_squeeze %dma_wait3A_219 : memref<1x40xi32, #tpu.memory_space<vmem>> -> memref<40xi32, #tpu.memory_space<vmem>>
    %dma_wait3A_221 = arith.constant 0 : i32
    %dma_wait3A_222 = arith.constant 0 : i32
    %dma_wait3A_223 = tpu.memref_slice %arg2[%dma_wait3A_221, %dma_wait3A_222] : memref<10000x128xf32, #tpu.memory_space<hbm>> -> memref<10000x128xf32, #tpu.memory_space<hbm>>
    tpu.wait_indirect_dma semaphore(%arg22 : memref<!tpu.dma_semaphore, #tpu.memory_space<semaphore_mem>>) src(%dma_wait3A_223 : memref<10000x128xf32, #tpu.memory_space<hbm>>) dst(%arg14 : memref<40x128xf32, #tpu.memory_space<vmem>>)
    %dma_wait3A_224 = arith.constant 124 : i32
    %dma_wait3A_225 = arith.constant 0 : i32
    %dma_wait3A_226 = tpu.memref_slice %arg9[%dma_wait3A_224, %dma_wait3A_225] : memref<125x40xi32, #tpu.memory_space<vmem>> -> memref<1x40xi32, #tpu.memory_space<vmem>>
    %dma_wait3A_227 = tpu.memref_squeeze %dma_wait3A_226 : memref<1x40xi32, #tpu.memory_space<vmem>> -> memref<40xi32, #tpu.memory_space<vmem>>
    %dma_wait3A_228 = arith.constant 0 : i32
    %dma_wait3A_229 = arith.constant 0 : i32
    %dma_wait3A_230 = tpu.memref_slice %arg3[%dma_wait3A_228, %dma_wait3A_229] : memref<10000x128xf32, #tpu.memory_space<hbm>> -> memref<10000x128xf32, #tpu.memory_space<hbm>>
    tpu.wait_indirect_dma semaphore(%arg22 : memref<!tpu.dma_semaphore, #tpu.memory_space<semaphore_mem>>) src(%dma_wait3A_230 : memref<10000x128xf32, #tpu.memory_space<hbm>>) dst(%arg20 : memref<40x128xf32, #tpu.memory_space<vmem>>)
    "tpu.region"() ({
      %run_scoped3A = tpu.sem_alloc : memref<!tpu.dma_semaphore, #tpu.memory_space<semaphore_mem>>
      %dma_start3A_231 = arith.constant 0 : i32
      %dma_start3A_232 = tpu.memref_slice %arg6[%multiple_of3A_202, %dma_start3A_231] : memref<160000x128xf32, #tpu.memory_space<hbm>> -> memref<40x128xf32, #tpu.memory_space<hbm>>
      %dma_start3A_233 = arith.constant 0 : i32
      %dma_start3A_234 = tpu.memref_slice %arg6[%multiple_of3A_202, %dma_start3A_233] : memref<160000x128xf32, #tpu.memory_space<hbm>> -> memref<40x128xf32, #tpu.memory_space<hbm>>
      tpu.enqueue_dma source(%arg14 : memref<40x128xf32, #tpu.memory_space<vmem>>) target(%dma_start3A_234 : memref<40x128xf32, #tpu.memory_space<hbm>>) target_semaphore(%run_scoped3A : memref<!tpu.dma_semaphore, #tpu.memory_space<semaphore_mem>>)
      %dma_wait3A_235 = arith.constant 0 : i32
      %dma_wait3A_236 = tpu.memref_slice %arg6[%multiple_of3A_202, %dma_wait3A_235] : memref<160000x128xf32, #tpu.memory_space<hbm>> -> memref<40x128xf32, #tpu.memory_space<hbm>>
      %dma_wait3A_237 = arith.constant 0 : i32
      %dma_wait3A_238 = tpu.memref_slice %arg6[%multiple_of3A_202, %dma_wait3A_237] : memref<160000x128xf32, #tpu.memory_space<hbm>> -> memref<40x128xf32, #tpu.memory_space<hbm>>
      tpu.wait_dma2 semaphore(%run_scoped3A : memref<!tpu.dma_semaphore, #tpu.memory_space<semaphore_mem>>) src(%arg14 : memref<40x128xf32, #tpu.memory_space<vmem>>) dst(%dma_wait3A_238 : memref<40x128xf32, #tpu.memory_space<hbm>>)
      tpu.yield
    }) : () -> ()
    "tpu.region"() ({
      %run_scoped3A = tpu.sem_alloc : memref<!tpu.dma_semaphore, #tpu.memory_space<semaphore_mem>>
      %dma_start3A_231 = arith.constant 0 : i32
      %dma_start3A_232 = tpu.memref_slice %arg7[%multiple_of3A_202, %dma_start3A_231] : memref<160000x128xf32, #tpu.memory_space<hbm>> -> memref<40x128xf32, #tpu.memory_space<hbm>>
      %dma_start3A_233 = arith.constant 0 : i32
      %dma_start3A_234 = tpu.memref_slice %arg7[%multiple_of3A_202, %dma_start3A_233] : memref<160000x128xf32, #tpu.memory_space<hbm>> -> memref<40x128xf32, #tpu.memory_space<hbm>>
      tpu.enqueue_dma source(%arg20 : memref<40x128xf32, #tpu.memory_space<vmem>>) target(%dma_start3A_234 : memref<40x128xf32, #tpu.memory_space<hbm>>) target_semaphore(%run_scoped3A : memref<!tpu.dma_semaphore, #tpu.memory_space<semaphore_mem>>)
      %dma_wait3A_235 = arith.constant 0 : i32
      %dma_wait3A_236 = tpu.memref_slice %arg7[%multiple_of3A_202, %dma_wait3A_235] : memref<160000x128xf32, #tpu.memory_space<hbm>> -> memref<40x128xf32, #tpu.memory_space<hbm>>
      %dma_wait3A_237 = arith.constant 0 : i32
      %dma_wait3A_238 = tpu.memref_slice %arg7[%multiple_of3A_202, %dma_wait3A_237] : memref<160000x128xf32, #tpu.memory_space<hbm>> -> memref<40x128xf32, #tpu.memory_space<hbm>>
      tpu.wait_dma2 semaphore(%run_scoped3A : memref<!tpu.dma_semaphore, #tpu.memory_space<semaphore_mem>>) src(%arg20 : memref<40x128xf32, #tpu.memory_space<vmem>>) dst(%dma_wait3A_238 : memref<40x128xf32, #tpu.memory_space<hbm>>)
      tpu.yield
    }) : () -> ()
    return
  }
}

#map = affine_map<(d0, d1) -> (0, 0)>
#map1 = affine_map<(d0, d1) -> (0, 0, 0)>
module attributes {stable_mosaic.version = 14 : i64} {
  func.func @_gather_kernel(%arg0: i32, %arg1: i32, %arg2: memref<10000x128xf32, #tpu.memory_space<hbm>>, %arg3: memref<10000x128xf32, #tpu.memory_space<hbm>>, %arg4: memref<32x125x40xi32, #tpu.memory_space<hbm>>, %arg5: memref<32x125x40xi32, #tpu.memory_space<hbm>>, %arg6: memref<160000x128xf32, #tpu.memory_space<hbm>>, %arg7: memref<160000x128xf32, #tpu.memory_space<hbm>>, %arg8: memref<125x40xi32, #tpu.memory_space<vmem>>, %arg9: memref<125x40xi32, #tpu.memory_space<vmem>>, %arg10: memref<40x128xf32, #tpu.memory_space<vmem>>, %arg11: memref<40x128xf32, #tpu.memory_space<vmem>>, %arg12: memref<40x128xf32, #tpu.memory_space<vmem>>, %arg13: memref<40x128xf32, #tpu.memory_space<vmem>>, %arg14: memref<40x128xf32, #tpu.memory_space<vmem>>, %arg15: memref<40x128xf32, #tpu.memory_space<vmem>>, %arg16: memref<40x128xf32, #tpu.memory_space<vmem>>, %arg17: memref<40x128xf32, #tpu.memory_space<vmem>>, %arg18: memref<40x128xf32, #tpu.memory_space<vmem>>, %arg19: memref<40x128xf32, #tpu.memory_space<vmem>>, %arg20: memref<40x128xf32, #tpu.memory_space<vmem>>, %arg21: memref<40x128xf32, #tpu.memory_space<vmem>>, %arg22: memref<!tpu.dma_semaphore, #tpu.memory_space<semaphore_mem>>, %arg23: memref<!tpu.dma_semaphore, #tpu.memory_space<semaphore_mem>>) attributes {dimension_semantics = [#tpu.dimension_semantics<core_parallel>, #tpu.dimension_semantics<subcore_parallel>], iteration_bounds = array<i64: 2, 16>, scalar_prefetch = 0 : i64, scratch_operands = 16 : i64, tpu.core_type = #tpu.core_type<sc_vector_subcore>, window_params = [{transform_indices = #map}, {transform_indices = #map}, {transform_indices = #map1}, {transform_indices = #map1}, {transform_indices = #map}, {transform_indices = #map}]} {
    %mul3A = arith.constant 2 : i32
    %mul3A_0 = arith.muli %arg1, %mul3A : i32
    %add3A = arith.addi %mul3A_0, %arg0 : i32
    %mul3A_1 = arith.constant 5000 : i32
    %mul3A_2 = arith.muli %add3A, %mul3A_1 : i32
    "tpu.region"() ({
      %run_scoped3A = tpu.sem_alloc : memref<!tpu.dma_semaphore, #tpu.memory_space<semaphore_mem>>
      %dma_start3A_231 = arith.constant 0 : i32
      %dma_start3A_232 = arith.constant 0 : i32
      %dma_start3A_233 = tpu.memref_slice %arg4[%add3A, %dma_start3A_231, %dma_start3A_232] : memref<32x125x40xi32, #tpu.memory_space<hbm>> -> memref<1x125x40xi32, #tpu.memory_space<hbm>>
      %dma_start3A_234 = tpu.memref_squeeze %dma_start3A_233 : memref<1x125x40xi32, #tpu.memory_space<hbm>> -> memref<125x40xi32, #tpu.memory_space<hbm>>
      %dma_start3A_235 = arith.constant 0 : i32
      %dma_start3A_236 = arith.constant 0 : i32
      %dma_start3A_237 = tpu.memref_slice %arg4[%add3A, %dma_start3A_235, %dma_start3A_236] : memref<32x125x40xi32, #tpu.memory_space<hbm>> -> memref<1x125x40xi32, #tpu.memory_space<hbm>>
      %dma_start3A_238 = tpu.memref_squeeze %dma_start3A_237 : memref<1x125x40xi32, #tpu.memory_space<hbm>> -> memref<125x40xi32, #tpu.memory_space<hbm>>
      tpu.enqueue_dma source(%dma_start3A_238 : memref<125x40xi32, #tpu.memory_space<hbm>>) target(%arg8 : memref<125x40xi32, #tpu.memory_space<vmem>>) target_semaphore(%run_scoped3A : memref<!tpu.dma_semaphore, #tpu.memory_space<semaphore_mem>>)
      %dma_wait3A_239 = arith.constant 0 : i32
      %dma_wait3A_240 = arith.constant 0 : i32
      %dma_wait3A_241 = tpu.memref_slice %arg4[%add3A, %dma_wait3A_239, %dma_wait3A_240] : memref<32x125x40xi32, #tpu.memory_space<hbm>> -> memref<1x125x40xi32, #tpu.memory_space<hbm>>
      %dma_wait3A_242 = tpu.memref_squeeze %dma_wait3A_241 : memref<1x125x40xi32, #tpu.memory_space<hbm>> -> memref<125x40xi32, #tpu.memory_space<hbm>>
      %dma_wait3A_243 = arith.constant 0 : i32
      %dma_wait3A_244 = arith.constant 0 : i32
      %dma_wait3A_245 = tpu.memref_slice %arg4[%add3A, %dma_wait3A_243, %dma_wait3A_244] : memref<32x125x40xi32, #tpu.memory_space<hbm>> -> memref<1x125x40xi32, #tpu.memory_space<hbm>>
      %dma_wait3A_246 = tpu.memref_squeeze %dma_wait3A_245 : memref<1x125x40xi32, #tpu.memory_space<hbm>> -> memref<125x40xi32, #tpu.memory_space<hbm>>
      tpu.wait_dma2 semaphore(%run_scoped3A : memref<!tpu.dma_semaphore, #tpu.memory_space<semaphore_mem>>) src(%dma_wait3A_246 : memref<125x40xi32, #tpu.memory_space<hbm>>) dst(%arg8 : memref<125x40xi32, #tpu.memory_space<vmem>>)
      tpu.yield
    }) : () -> ()
    "tpu.region"() ({
      %run_scoped3A = tpu.sem_alloc : memref<!tpu.dma_semaphore, #tpu.memory_space<semaphore_mem>>
      %dma_start3A_231 = arith.constant 0 : i32
      %dma_start3A_232 = arith.constant 0 : i32
      %dma_start3A_233 = tpu.memref_slice %arg5[%add3A, %dma_start3A_231, %dma_start3A_232] : memref<32x125x40xi32, #tpu.memory_space<hbm>> -> memref<1x125x40xi32, #tpu.memory_space<hbm>>
      %dma_start3A_234 = tpu.memref_squeeze %dma_start3A_233 : memref<1x125x40xi32, #tpu.memory_space<hbm>> -> memref<125x40xi32, #tpu.memory_space<hbm>>
      %dma_start3A_235 = arith.constant 0 : i32
      %dma_start3A_236 = arith.constant 0 : i32
      %dma_start3A_237 = tpu.memref_slice %arg5[%add3A, %dma_start3A_235, %dma_start3A_236] : memref<32x125x40xi32, #tpu.memory_space<hbm>> -> memref<1x125x40xi32, #tpu.memory_space<hbm>>
      %dma_start3A_238 = tpu.memref_squeeze %dma_start3A_237 : memref<1x125x40xi32, #tpu.memory_space<hbm>> -> memref<125x40xi32, #tpu.memory_space<hbm>>
      tpu.enqueue_dma source(%dma_start3A_238 : memref<125x40xi32, #tpu.memory_space<hbm>>) target(%arg9 : memref<125x40xi32, #tpu.memory_space<vmem>>) target_semaphore(%run_scoped3A : memref<!tpu.dma_semaphore, #tpu.memory_space<semaphore_mem>>)
      %dma_wait3A_239 = arith.constant 0 : i32
      %dma_wait3A_240 = arith.constant 0 : i32
      %dma_wait3A_241 = tpu.memref_slice %arg5[%add3A, %dma_wait3A_239, %dma_wait3A_240] : memref<32x125x40xi32, #tpu.memory_space<hbm>> -> memref<1x125x40xi32, #tpu.memory_space<hbm>>
      %dma_wait3A_242 = tpu.memref_squeeze %dma_wait3A_241 : memref<1x125x40xi32, #tpu.memory_space<hbm>> -> memref<125x40xi32, #tpu.memory_space<hbm>>
      %dma_wait3A_243 = arith.constant 0 : i32
      %dma_wait3A_244 = arith.constant 0 : i32
      %dma_wait3A_245 = tpu.memref_slice %arg5[%add3A, %dma_wait3A_243, %dma_wait3A_244] : memref<32x125x40xi32, #tpu.memory_space<hbm>> -> memref<1x125x40xi32, #tpu.memory_space<hbm>>
      %dma_wait3A_246 = tpu.memref_squeeze %dma_wait3A_245 : memref<1x125x40xi32, #tpu.memory_space<hbm>> -> memref<125x40xi32, #tpu.memory_space<hbm>>
      tpu.wait_dma2 semaphore(%run_scoped3A : memref<!tpu.dma_semaphore, #tpu.memory_space<semaphore_mem>>) src(%dma_wait3A_246 : memref<125x40xi32, #tpu.memory_space<hbm>>) dst(%arg9 : memref<125x40xi32, #tpu.memory_space<vmem>>)
      tpu.yield
    }) : () -> ()
    %scan3A = arith.constant 0 : i32
    %scan3A_3 = arith.constant 20 : i32
    %scan3A_4 = arith.addi %scan3A, %scan3A_3 : i32
    %scan3A_5 = arith.constant 1 : i32
    scf.for %scan3A_231 = %scan3A to %scan3A_4 step %scan3A_5  : i32 {
      %mul3A_232 = arith.constant 1 : i32
      %mul3A_233 = arith.muli %scan3A_231, %mul3A_232 : i32
      %add3A_234 = arith.constant 0 : i32
      %add3A_235 = arith.addi %add3A_234, %mul3A_233 : i32
      %mul3A_236 = arith.constant 2 : i32
      %mul3A_237 = arith.muli %add3A_235, %mul3A_236 : i32
      %mul3A_238 = arith.constant 3 : i32
      %mul3A_239 = arith.muli %mul3A_237, %mul3A_238 : i32
      %gt3A = arith.constant 0 : i32
      %gt3A_240 = arith.cmpi sgt, %add3A_235, %gt3A : i32
      %convert_element_type3A = arith.extui %gt3A_240 : i1 to i32
      %cond3A = arith.constant 0 : i32
      %cond3A_241 = arith.cmpi ne, %convert_element_type3A, %cond3A : i32
      scf.if %cond3A_241 {
        %dma_wait3A_503 = arith.constant 0 : i32
        %dma_wait3A_504 = arith.constant 0 : i32
        %dma_wait3A_505 = tpu.memref_slice %arg6[%dma_wait3A_503, %dma_wait3A_504] : memref<160000x128xf32, #tpu.memory_space<hbm>> -> memref<40x128xf32, #tpu.memory_space<hbm>>
        %dma_wait3A_506 = arith.constant 0 : i32
        %dma_wait3A_507 = arith.constant 0 : i32
        %dma_wait3A_508 = tpu.memref_slice %arg6[%dma_wait3A_506, %dma_wait3A_507] : memref<160000x128xf32, #tpu.memory_space<hbm>> -> memref<40x128xf32, #tpu.memory_space<hbm>>
        tpu.wait_dma2 semaphore(%arg23 : memref<!tpu.dma_semaphore, #tpu.memory_space<semaphore_mem>>) src(%arg10 : memref<40x128xf32, #tpu.memory_space<vmem>>) dst(%dma_wait3A_508 : memref<40x128xf32, #tpu.memory_space<hbm>>)
        %dma_wait3A_509 = arith.constant 0 : i32
        %dma_wait3A_510 = arith.constant 0 : i32
        %dma_wait3A_511 = tpu.memref_slice %arg6[%dma_wait3A_509, %dma_wait3A_510] : memref<160000x128xf32, #tpu.memory_space<hbm>> -> memref<40x128xf32, #tpu.memory_space<hbm>>
        %dma_wait3A_512 = arith.constant 0 : i32
        %dma_wait3A_513 = arith.constant 0 : i32
        %dma_wait3A_514 = tpu.memref_slice %arg6[%dma_wait3A_512, %dma_wait3A_513] : memref<160000x128xf32, #tpu.memory_space<hbm>> -> memref<40x128xf32, #tpu.memory_space<hbm>>
        tpu.wait_dma2 semaphore(%arg23 : memref<!tpu.dma_semaphore, #tpu.memory_space<semaphore_mem>>) src(%arg11 : memref<40x128xf32, #tpu.memory_space<vmem>>) dst(%dma_wait3A_514 : memref<40x128xf32, #tpu.memory_space<hbm>>)
        %dma_wait3A_515 = arith.constant 0 : i32
        %dma_wait3A_516 = arith.constant 0 : i32
        %dma_wait3A_517 = tpu.memref_slice %arg6[%dma_wait3A_515, %dma_wait3A_516] : memref<160000x128xf32, #tpu.memory_space<hbm>> -> memref<40x128xf32, #tpu.memory_space<hbm>>
        %dma_wait3A_518 = arith.constant 0 : i32
        %dma_wait3A_519 = arith.constant 0 : i32
        %dma_wait3A_520 = tpu.memref_slice %arg6[%dma_wait3A_518, %dma_wait3A_519] : memref<160000x128xf32, #tpu.memory_space<hbm>> -> memref<40x128xf32, #tpu.memory_space<hbm>>
        tpu.wait_dma2 semaphore(%arg23 : memref<!tpu.dma_semaphore, #tpu.memory_space<semaphore_mem>>) src(%arg12 : memref<40x128xf32, #tpu.memory_space<vmem>>) dst(%dma_wait3A_520 : memref<40x128xf32, #tpu.memory_space<hbm>>)
        %dma_wait3A_521 = arith.constant 0 : i32
        %dma_wait3A_522 = arith.constant 0 : i32
        %dma_wait3A_523 = tpu.memref_slice %arg6[%dma_wait3A_521, %dma_wait3A_522] : memref<160000x128xf32, #tpu.memory_space<hbm>> -> memref<40x128xf32, #tpu.memory_space<hbm>>
        %dma_wait3A_524 = arith.constant 0 : i32
        %dma_wait3A_525 = arith.constant 0 : i32
        %dma_wait3A_526 = tpu.memref_slice %arg6[%dma_wait3A_524, %dma_wait3A_525] : memref<160000x128xf32, #tpu.memory_space<hbm>> -> memref<40x128xf32, #tpu.memory_space<hbm>>
        tpu.wait_dma2 semaphore(%arg23 : memref<!tpu.dma_semaphore, #tpu.memory_space<semaphore_mem>>) src(%arg16 : memref<40x128xf32, #tpu.memory_space<vmem>>) dst(%dma_wait3A_526 : memref<40x128xf32, #tpu.memory_space<hbm>>)
        %dma_wait3A_527 = arith.constant 0 : i32
        %dma_wait3A_528 = arith.constant 0 : i32
        %dma_wait3A_529 = tpu.memref_slice %arg6[%dma_wait3A_527, %dma_wait3A_528] : memref<160000x128xf32, #tpu.memory_space<hbm>> -> memref<40x128xf32, #tpu.memory_space<hbm>>
        %dma_wait3A_530 = arith.constant 0 : i32
        %dma_wait3A_531 = arith.constant 0 : i32
        %dma_wait3A_532 = tpu.memref_slice %arg6[%dma_wait3A_530, %dma_wait3A_531] : memref<160000x128xf32, #tpu.memory_space<hbm>> -> memref<40x128xf32, #tpu.memory_space<hbm>>
        tpu.wait_dma2 semaphore(%arg23 : memref<!tpu.dma_semaphore, #tpu.memory_space<semaphore_mem>>) src(%arg17 : memref<40x128xf32, #tpu.memory_space<vmem>>) dst(%dma_wait3A_532 : memref<40x128xf32, #tpu.memory_space<hbm>>)
        %dma_wait3A_533 = arith.constant 0 : i32
        %dma_wait3A_534 = arith.constant 0 : i32
        %dma_wait3A_535 = tpu.memref_slice %arg6[%dma_wait3A_533, %dma_wait3A_534] : memref<160000x128xf32, #tpu.memory_space<hbm>> -> memref<40x128xf32, #tpu.memory_space<hbm>>
        %dma_wait3A_536 = arith.constant 0 : i32
        %dma_wait3A_537 = arith.constant 0 : i32
        %dma_wait3A_538 = tpu.memref_slice %arg6[%dma_wait3A_536, %dma_wait3A_537] : memref<160000x128xf32, #tpu.memory_space<hbm>> -> memref<40x128xf32, #tpu.memory_space<hbm>>
        tpu.wait_dma2 semaphore(%arg23 : memref<!tpu.dma_semaphore, #tpu.memory_space<semaphore_mem>>) src(%arg18 : memref<40x128xf32, #tpu.memory_space<vmem>>) dst(%dma_wait3A_538 : memref<40x128xf32, #tpu.memory_space<hbm>>)
      } else {
      }
      %add3A_242 = arith.constant 0 : i32
      %add3A_243 = arith.addi %mul3A_239, %add3A_242 : i32
      %dma_start3A_244 = arith.constant 0 : i32
      %dma_start3A_245 = tpu.memref_slice %arg8[%add3A_243, %dma_start3A_244] : memref<125x40xi32, #tpu.memory_space<vmem>> -> memref<1x40xi32, #tpu.memory_space<vmem>>
      %dma_start3A_246 = tpu.memref_squeeze %dma_start3A_245 : memref<1x40xi32, #tpu.memory_space<vmem>> -> memref<40xi32, #tpu.memory_space<vmem>>
      %dma_start3A_247 = arith.constant 0 : i32
      %dma_start3A_248 = arith.constant 0 : i32
      %dma_start3A_249 = tpu.memref_slice %arg2[%dma_start3A_247, %dma_start3A_248] : memref<10000x128xf32, #tpu.memory_space<hbm>> -> memref<10000x128xf32, #tpu.memory_space<hbm>>
      tpu.enqueue_indirect_dma source(%dma_start3A_249 : memref<10000x128xf32, #tpu.memory_space<hbm>>) target(%arg10 : memref<40x128xf32, #tpu.memory_space<vmem>>) offsets(%dma_start3A_246 : memref<40xi32, #tpu.memory_space<vmem>>) semaphore(%arg22 : memref<!tpu.dma_semaphore, #tpu.memory_space<semaphore_mem>>)
      %add3A_250 = arith.constant 0 : i32
      %add3A_251 = arith.addi %mul3A_239, %add3A_250 : i32
      %dma_start3A_252 = arith.constant 0 : i32
      %dma_start3A_253 = tpu.memref_slice %arg9[%add3A_251, %dma_start3A_252] : memref<125x40xi32, #tpu.memory_space<vmem>> -> memref<1x40xi32, #tpu.memory_space<vmem>>
      %dma_start3A_254 = tpu.memref_squeeze %dma_start3A_253 : memref<1x40xi32, #tpu.memory_space<vmem>> -> memref<40xi32, #tpu.memory_space<vmem>>
      %dma_start3A_255 = arith.constant 0 : i32
      %dma_start3A_256 = arith.constant 0 : i32
      %dma_start3A_257 = tpu.memref_slice %arg3[%dma_start3A_255, %dma_start3A_256] : memref<10000x128xf32, #tpu.memory_space<hbm>> -> memref<10000x128xf32, #tpu.memory_space<hbm>>
      tpu.enqueue_indirect_dma source(%dma_start3A_257 : memref<10000x128xf32, #tpu.memory_space<hbm>>) target(%arg16 : memref<40x128xf32, #tpu.memory_space<vmem>>) offsets(%dma_start3A_254 : memref<40xi32, #tpu.memory_space<vmem>>) semaphore(%arg22 : memref<!tpu.dma_semaphore, #tpu.memory_space<semaphore_mem>>)
      %add3A_258 = arith.constant 1 : i32
      %add3A_259 = arith.addi %mul3A_239, %add3A_258 : i32
      %dma_start3A_260 = arith.constant 0 : i32
      %dma_start3A_261 = tpu.memref_slice %arg8[%add3A_259, %dma_start3A_260] : memref<125x40xi32, #tpu.memory_space<vmem>> -> memref<1x40xi32, #tpu.memory_space<vmem>>
      %dma_start3A_262 = tpu.memref_squeeze %dma_start3A_261 : memref<1x40xi32, #tpu.memory_space<vmem>> -> memref<40xi32, #tpu.memory_space<vmem>>
      %dma_start3A_263 = arith.constant 0 : i32
      %dma_start3A_264 = arith.constant 0 : i32
      %dma_start3A_265 = tpu.memref_slice %arg2[%dma_start3A_263, %dma_start3A_264] : memref<10000x128xf32, #tpu.memory_space<hbm>> -> memref<10000x128xf32, #tpu.memory_space<hbm>>
      tpu.enqueue_indirect_dma source(%dma_start3A_265 : memref<10000x128xf32, #tpu.memory_space<hbm>>) target(%arg11 : memref<40x128xf32, #tpu.memory_space<vmem>>) offsets(%dma_start3A_262 : memref<40xi32, #tpu.memory_space<vmem>>) semaphore(%arg22 : memref<!tpu.dma_semaphore, #tpu.memory_space<semaphore_mem>>)
      %add3A_266 = arith.constant 1 : i32
      %add3A_267 = arith.addi %mul3A_239, %add3A_266 : i32
      %dma_start3A_268 = arith.constant 0 : i32
      %dma_start3A_269 = tpu.memref_slice %arg9[%add3A_267, %dma_start3A_268] : memref<125x40xi32, #tpu.memory_space<vmem>> -> memref<1x40xi32, #tpu.memory_space<vmem>>
      %dma_start3A_270 = tpu.memref_squeeze %dma_start3A_269 : memref<1x40xi32, #tpu.memory_space<vmem>> -> memref<40xi32, #tpu.memory_space<vmem>>
      %dma_start3A_271 = arith.constant 0 : i32
      %dma_start3A_272 = arith.constant 0 : i32
      %dma_start3A_273 = tpu.memref_slice %arg3[%dma_start3A_271, %dma_start3A_272] : memref<10000x128xf32, #tpu.memory_space<hbm>> -> memref<10000x128xf32, #tpu.memory_space<hbm>>
      tpu.enqueue_indirect_dma source(%dma_start3A_273 : memref<10000x128xf32, #tpu.memory_space<hbm>>) target(%arg17 : memref<40x128xf32, #tpu.memory_space<vmem>>) offsets(%dma_start3A_270 : memref<40xi32, #tpu.memory_space<vmem>>) semaphore(%arg22 : memref<!tpu.dma_semaphore, #tpu.memory_space<semaphore_mem>>)
      %add3A_274 = arith.constant 2 : i32
      %add3A_275 = arith.addi %mul3A_239, %add3A_274 : i32
      %dma_start3A_276 = arith.constant 0 : i32
      %dma_start3A_277 = tpu.memref_slice %arg8[%add3A_275, %dma_start3A_276] : memref<125x40xi32, #tpu.memory_space<vmem>> -> memref<1x40xi32, #tpu.memory_space<vmem>>
      %dma_start3A_278 = tpu.memref_squeeze %dma_start3A_277 : memref<1x40xi32, #tpu.memory_space<vmem>> -> memref<40xi32, #tpu.memory_space<vmem>>
      %dma_start3A_279 = arith.constant 0 : i32
      %dma_start3A_280 = arith.constant 0 : i32
      %dma_start3A_281 = tpu.memref_slice %arg2[%dma_start3A_279, %dma_start3A_280] : memref<10000x128xf32, #tpu.memory_space<hbm>> -> memref<10000x128xf32, #tpu.memory_space<hbm>>
      tpu.enqueue_indirect_dma source(%dma_start3A_281 : memref<10000x128xf32, #tpu.memory_space<hbm>>) target(%arg12 : memref<40x128xf32, #tpu.memory_space<vmem>>) offsets(%dma_start3A_278 : memref<40xi32, #tpu.memory_space<vmem>>) semaphore(%arg22 : memref<!tpu.dma_semaphore, #tpu.memory_space<semaphore_mem>>)
      %add3A_282 = arith.constant 2 : i32
      %add3A_283 = arith.addi %mul3A_239, %add3A_282 : i32
      %dma_start3A_284 = arith.constant 0 : i32
      %dma_start3A_285 = tpu.memref_slice %arg9[%add3A_283, %dma_start3A_284] : memref<125x40xi32, #tpu.memory_space<vmem>> -> memref<1x40xi32, #tpu.memory_space<vmem>>
      %dma_start3A_286 = tpu.memref_squeeze %dma_start3A_285 : memref<1x40xi32, #tpu.memory_space<vmem>> -> memref<40xi32, #tpu.memory_space<vmem>>
      %dma_start3A_287 = arith.constant 0 : i32
      %dma_start3A_288 = arith.constant 0 : i32
      %dma_start3A_289 = tpu.memref_slice %arg3[%dma_start3A_287, %dma_start3A_288] : memref<10000x128xf32, #tpu.memory_space<hbm>> -> memref<10000x128xf32, #tpu.memory_space<hbm>>
      tpu.enqueue_indirect_dma source(%dma_start3A_289 : memref<10000x128xf32, #tpu.memory_space<hbm>>) target(%arg18 : memref<40x128xf32, #tpu.memory_space<vmem>>) offsets(%dma_start3A_286 : memref<40xi32, #tpu.memory_space<vmem>>) semaphore(%arg22 : memref<!tpu.dma_semaphore, #tpu.memory_space<semaphore_mem>>)
      %gt3A_290 = arith.constant 0 : i32
      %gt3A_291 = arith.cmpi sgt, %add3A_235, %gt3A_290 : i32
      %convert_element_type3A_292 = arith.extui %gt3A_291 : i1 to i32
      %cond3A_293 = arith.constant 0 : i32
      %cond3A_294 = arith.cmpi ne, %convert_element_type3A_292, %cond3A_293 : i32
      scf.if %cond3A_294 {
        %dma_wait3A_503 = arith.constant 0 : i32
        %dma_wait3A_504 = arith.constant 0 : i32
        %dma_wait3A_505 = tpu.memref_slice %arg6[%dma_wait3A_503, %dma_wait3A_504] : memref<160000x128xf32, #tpu.memory_space<hbm>> -> memref<40x128xf32, #tpu.memory_space<hbm>>
        %dma_wait3A_506 = arith.constant 0 : i32
        %dma_wait3A_507 = arith.constant 0 : i32
        %dma_wait3A_508 = tpu.memref_slice %arg6[%dma_wait3A_506, %dma_wait3A_507] : memref<160000x128xf32, #tpu.memory_space<hbm>> -> memref<40x128xf32, #tpu.memory_space<hbm>>
        tpu.wait_dma2 semaphore(%arg23 : memref<!tpu.dma_semaphore, #tpu.memory_space<semaphore_mem>>) src(%arg13 : memref<40x128xf32, #tpu.memory_space<vmem>>) dst(%dma_wait3A_508 : memref<40x128xf32, #tpu.memory_space<hbm>>)
        %dma_wait3A_509 = arith.constant 0 : i32
        %dma_wait3A_510 = arith.constant 0 : i32
        %dma_wait3A_511 = tpu.memref_slice %arg6[%dma_wait3A_509, %dma_wait3A_510] : memref<160000x128xf32, #tpu.memory_space<hbm>> -> memref<40x128xf32, #tpu.memory_space<hbm>>
        %dma_wait3A_512 = arith.constant 0 : i32
        %dma_wait3A_513 = arith.constant 0 : i32
        %dma_wait3A_514 = tpu.memref_slice %arg6[%dma_wait3A_512, %dma_wait3A_513] : memref<160000x128xf32, #tpu.memory_space<hbm>> -> memref<40x128xf32, #tpu.memory_space<hbm>>
        tpu.wait_dma2 semaphore(%arg23 : memref<!tpu.dma_semaphore, #tpu.memory_space<semaphore_mem>>) src(%arg14 : memref<40x128xf32, #tpu.memory_space<vmem>>) dst(%dma_wait3A_514 : memref<40x128xf32, #tpu.memory_space<hbm>>)
        %dma_wait3A_515 = arith.constant 0 : i32
        %dma_wait3A_516 = arith.constant 0 : i32
        %dma_wait3A_517 = tpu.memref_slice %arg6[%dma_wait3A_515, %dma_wait3A_516] : memref<160000x128xf32, #tpu.memory_space<hbm>> -> memref<40x128xf32, #tpu.memory_space<hbm>>
        %dma_wait3A_518 = arith.constant 0 : i32
        %dma_wait3A_519 = arith.constant 0 : i32
        %dma_wait3A_520 = tpu.memref_slice %arg6[%dma_wait3A_518, %dma_wait3A_519] : memref<160000x128xf32, #tpu.memory_space<hbm>> -> memref<40x128xf32, #tpu.memory_space<hbm>>
        tpu.wait_dma2 semaphore(%arg23 : memref<!tpu.dma_semaphore, #tpu.memory_space<semaphore_mem>>) src(%arg15 : memref<40x128xf32, #tpu.memory_space<vmem>>) dst(%dma_wait3A_520 : memref<40x128xf32, #tpu.memory_space<hbm>>)
        %dma_wait3A_521 = arith.constant 0 : i32
        %dma_wait3A_522 = arith.constant 0 : i32
        %dma_wait3A_523 = tpu.memref_slice %arg6[%dma_wait3A_521, %dma_wait3A_522] : memref<160000x128xf32, #tpu.memory_space<hbm>> -> memref<40x128xf32, #tpu.memory_space<hbm>>
        %dma_wait3A_524 = arith.constant 0 : i32
        %dma_wait3A_525 = arith.constant 0 : i32
        %dma_wait3A_526 = tpu.memref_slice %arg6[%dma_wait3A_524, %dma_wait3A_525] : memref<160000x128xf32, #tpu.memory_space<hbm>> -> memref<40x128xf32, #tpu.memory_space<hbm>>
        tpu.wait_dma2 semaphore(%arg23 : memref<!tpu.dma_semaphore, #tpu.memory_space<semaphore_mem>>) src(%arg19 : memref<40x128xf32, #tpu.memory_space<vmem>>) dst(%dma_wait3A_526 : memref<40x128xf32, #tpu.memory_space<hbm>>)
        %dma_wait3A_527 = arith.constant 0 : i32
        %dma_wait3A_528 = arith.constant 0 : i32
        %dma_wait3A_529 = tpu.memref_slice %arg6[%dma_wait3A_527, %dma_wait3A_528] : memref<160000x128xf32, #tpu.memory_space<hbm>> -> memref<40x128xf32, #tpu.memory_space<hbm>>
        %dma_wait3A_530 = arith.constant 0 : i32
        %dma_wait3A_531 = arith.constant 0 : i32
        %dma_wait3A_532 = tpu.memref_slice %arg6[%dma_wait3A_530, %dma_wait3A_531] : memref<160000x128xf32, #tpu.memory_space<hbm>> -> memref<40x128xf32, #tpu.memory_space<hbm>>
        tpu.wait_dma2 semaphore(%arg23 : memref<!tpu.dma_semaphore, #tpu.memory_space<semaphore_mem>>) src(%arg20 : memref<40x128xf32, #tpu.memory_space<vmem>>) dst(%dma_wait3A_532 : memref<40x128xf32, #tpu.memory_space<hbm>>)
        %dma_wait3A_533 = arith.constant 0 : i32
        %dma_wait3A_534 = arith.constant 0 : i32
        %dma_wait3A_535 = tpu.memref_slice %arg6[%dma_wait3A_533, %dma_wait3A_534] : memref<160000x128xf32, #tpu.memory_space<hbm>> -> memref<40x128xf32, #tpu.memory_space<hbm>>
        %dma_wait3A_536 = arith.constant 0 : i32
        %dma_wait3A_537 = arith.constant 0 : i32
        %dma_wait3A_538 = tpu.memref_slice %arg6[%dma_wait3A_536, %dma_wait3A_537] : memref<160000x128xf32, #tpu.memory_space<hbm>> -> memref<40x128xf32, #tpu.memory_space<hbm>>
        tpu.wait_dma2 semaphore(%arg23 : memref<!tpu.dma_semaphore, #tpu.memory_space<semaphore_mem>>) src(%arg21 : memref<40x128xf32, #tpu.memory_space<vmem>>) dst(%dma_wait3A_538 : memref<40x128xf32, #tpu.memory_space<hbm>>)
      } else {
      }
      %add3A_295 = arith.constant 3 : i32
      %add3A_296 = arith.addi %mul3A_239, %add3A_295 : i32
      %add3A_297 = arith.constant 0 : i32
      %add3A_298 = arith.addi %add3A_296, %add3A_297 : i32
      %dma_start3A_299 = arith.constant 0 : i32
      %dma_start3A_300 = tpu.memref_slice %arg8[%add3A_298, %dma_start3A_299] : memref<125x40xi32, #tpu.memory_space<vmem>> -> memref<1x40xi32, #tpu.memory_space<vmem>>
      %dma_start3A_301 = tpu.memref_squeeze %dma_start3A_300 : memref<1x40xi32, #tpu.memory_space<vmem>> -> memref<40xi32, #tpu.memory_space<vmem>>
      %dma_start3A_302 = arith.constant 0 : i32
      %dma_start3A_303 = arith.constant 0 : i32
      %dma_start3A_304 = tpu.memref_slice %arg2[%dma_start3A_302, %dma_start3A_303] : memref<10000x128xf32, #tpu.memory_space<hbm>> -> memref<10000x128xf32, #tpu.memory_space<hbm>>
      tpu.enqueue_indirect_dma source(%dma_start3A_304 : memref<10000x128xf32, #tpu.memory_space<hbm>>) target(%arg13 : memref<40x128xf32, #tpu.memory_space<vmem>>) offsets(%dma_start3A_301 : memref<40xi32, #tpu.memory_space<vmem>>) semaphore(%arg22 : memref<!tpu.dma_semaphore, #tpu.memory_space<semaphore_mem>>)
      %add3A_305 = arith.constant 0 : i32
      %add3A_306 = arith.addi %add3A_296, %add3A_305 : i32
      %dma_start3A_307 = arith.constant 0 : i32
      %dma_start3A_308 = tpu.memref_slice %arg9[%add3A_306, %dma_start3A_307] : memref<125x40xi32, #tpu.memory_space<vmem>> -> memref<1x40xi32, #tpu.memory_space<vmem>>
      %dma_start3A_309 = tpu.memref_squeeze %dma_start3A_308 : memref<1x40xi32, #tpu.memory_space<vmem>> -> memref<40xi32, #tpu.memory_space<vmem>>
      %dma_start3A_310 = arith.constant 0 : i32
      %dma_start3A_311 = arith.constant 0 : i32
      %dma_start3A_312 = tpu.memref_slice %arg3[%dma_start3A_310, %dma_start3A_311] : memref<10000x128xf32, #tpu.memory_space<hbm>> -> memref<10000x128xf32, #tpu.memory_space<hbm>>
      tpu.enqueue_indirect_dma source(%dma_start3A_312 : memref<10000x128xf32, #tpu.memory_space<hbm>>) target(%arg19 : memref<40x128xf32, #tpu.memory_space<vmem>>) offsets(%dma_start3A_309 : memref<40xi32, #tpu.memory_space<vmem>>) semaphore(%arg22 : memref<!tpu.dma_semaphore, #tpu.memory_space<semaphore_mem>>)
      %add3A_313 = arith.constant 1 : i32
      %add3A_314 = arith.addi %add3A_296, %add3A_313 : i32
      %dma_start3A_315 = arith.constant 0 : i32
      %dma_start3A_316 = tpu.memref_slice %arg8[%add3A_314, %dma_start3A_315] : memref<125x40xi32, #tpu.memory_space<vmem>> -> memref<1x40xi32, #tpu.memory_space<vmem>>
      %dma_start3A_317 = tpu.memref_squeeze %dma_start3A_316 : memref<1x40xi32, #tpu.memory_space<vmem>> -> memref<40xi32, #tpu.memory_space<vmem>>
      %dma_start3A_318 = arith.constant 0 : i32
      %dma_start3A_319 = arith.constant 0 : i32
      %dma_start3A_320 = tpu.memref_slice %arg2[%dma_start3A_318, %dma_start3A_319] : memref<10000x128xf32, #tpu.memory_space<hbm>> -> memref<10000x128xf32, #tpu.memory_space<hbm>>
      tpu.enqueue_indirect_dma source(%dma_start3A_320 : memref<10000x128xf32, #tpu.memory_space<hbm>>) target(%arg14 : memref<40x128xf32, #tpu.memory_space<vmem>>) offsets(%dma_start3A_317 : memref<40xi32, #tpu.memory_space<vmem>>) semaphore(%arg22 : memref<!tpu.dma_semaphore, #tpu.memory_space<semaphore_mem>>)
      %add3A_321 = arith.constant 1 : i32
      %add3A_322 = arith.addi %add3A_296, %add3A_321 : i32
      %dma_start3A_323 = arith.constant 0 : i32
      %dma_start3A_324 = tpu.memref_slice %arg9[%add3A_322, %dma_start3A_323] : memref<125x40xi32, #tpu.memory_space<vmem>> -> memref<1x40xi32, #tpu.memory_space<vmem>>
      %dma_start3A_325 = tpu.memref_squeeze %dma_start3A_324 : memref<1x40xi32, #tpu.memory_space<vmem>> -> memref<40xi32, #tpu.memory_space<vmem>>
      %dma_start3A_326 = arith.constant 0 : i32
      %dma_start3A_327 = arith.constant 0 : i32
      %dma_start3A_328 = tpu.memref_slice %arg3[%dma_start3A_326, %dma_start3A_327] : memref<10000x128xf32, #tpu.memory_space<hbm>> -> memref<10000x128xf32, #tpu.memory_space<hbm>>
      tpu.enqueue_indirect_dma source(%dma_start3A_328 : memref<10000x128xf32, #tpu.memory_space<hbm>>) target(%arg20 : memref<40x128xf32, #tpu.memory_space<vmem>>) offsets(%dma_start3A_325 : memref<40xi32, #tpu.memory_space<vmem>>) semaphore(%arg22 : memref<!tpu.dma_semaphore, #tpu.memory_space<semaphore_mem>>)
      %add3A_329 = arith.constant 2 : i32
      %add3A_330 = arith.addi %add3A_296, %add3A_329 : i32
      %dma_start3A_331 = arith.constant 0 : i32
      %dma_start3A_332 = tpu.memref_slice %arg8[%add3A_330, %dma_start3A_331] : memref<125x40xi32, #tpu.memory_space<vmem>> -> memref<1x40xi32, #tpu.memory_space<vmem>>
      %dma_start3A_333 = tpu.memref_squeeze %dma_start3A_332 : memref<1x40xi32, #tpu.memory_space<vmem>> -> memref<40xi32, #tpu.memory_space<vmem>>
      %dma_start3A_334 = arith.constant 0 : i32
      %dma_start3A_335 = arith.constant 0 : i32
      %dma_start3A_336 = tpu.memref_slice %arg2[%dma_start3A_334, %dma_start3A_335] : memref<10000x128xf32, #tpu.memory_space<hbm>> -> memref<10000x128xf32, #tpu.memory_space<hbm>>
      tpu.enqueue_indirect_dma source(%dma_start3A_336 : memref<10000x128xf32, #tpu.memory_space<hbm>>) target(%arg15 : memref<40x128xf32, #tpu.memory_space<vmem>>) offsets(%dma_start3A_333 : memref<40xi32, #tpu.memory_space<vmem>>) semaphore(%arg22 : memref<!tpu.dma_semaphore, #tpu.memory_space<semaphore_mem>>)
      %add3A_337 = arith.constant 2 : i32
      %add3A_338 = arith.addi %add3A_296, %add3A_337 : i32
      %dma_start3A_339 = arith.constant 0 : i32
      %dma_start3A_340 = tpu.memref_slice %arg9[%add3A_338, %dma_start3A_339] : memref<125x40xi32, #tpu.memory_space<vmem>> -> memref<1x40xi32, #tpu.memory_space<vmem>>
      %dma_start3A_341 = tpu.memref_squeeze %dma_start3A_340 : memref<1x40xi32, #tpu.memory_space<vmem>> -> memref<40xi32, #tpu.memory_space<vmem>>
      %dma_start3A_342 = arith.constant 0 : i32
      %dma_start3A_343 = arith.constant 0 : i32
      %dma_start3A_344 = tpu.memref_slice %arg3[%dma_start3A_342, %dma_start3A_343] : memref<10000x128xf32, #tpu.memory_space<hbm>> -> memref<10000x128xf32, #tpu.memory_space<hbm>>
      tpu.enqueue_indirect_dma source(%dma_start3A_344 : memref<10000x128xf32, #tpu.memory_space<hbm>>) target(%arg21 : memref<40x128xf32, #tpu.memory_space<vmem>>) offsets(%dma_start3A_341 : memref<40xi32, #tpu.memory_space<vmem>>) semaphore(%arg22 : memref<!tpu.dma_semaphore, #tpu.memory_space<semaphore_mem>>)
      %dma_wait3A_345 = arith.constant 0 : i32
      %dma_wait3A_346 = arith.constant 0 : i32
      %dma_wait3A_347 = tpu.memref_slice %arg2[%dma_wait3A_345, %dma_wait3A_346] : memref<10000x128xf32, #tpu.memory_space<hbm>> -> memref<40x128xf32, #tpu.memory_space<hbm>>
      %dma_wait3A_348 = arith.constant 0 : i32
      %dma_wait3A_349 = arith.constant 0 : i32
      %dma_wait3A_350 = tpu.memref_slice %arg2[%dma_wait3A_348, %dma_wait3A_349] : memref<10000x128xf32, #tpu.memory_space<hbm>> -> memref<40x128xf32, #tpu.memory_space<hbm>>
      tpu.wait_dma2 semaphore(%arg22 : memref<!tpu.dma_semaphore, #tpu.memory_space<semaphore_mem>>) src(%dma_wait3A_350 : memref<40x128xf32, #tpu.memory_space<hbm>>) dst(%arg10 : memref<40x128xf32, #tpu.memory_space<vmem>>)
      %dma_wait3A_351 = arith.constant 0 : i32
      %dma_wait3A_352 = arith.constant 0 : i32
      %dma_wait3A_353 = tpu.memref_slice %arg3[%dma_wait3A_351, %dma_wait3A_352] : memref<10000x128xf32, #tpu.memory_space<hbm>> -> memref<40x128xf32, #tpu.memory_space<hbm>>
      %dma_wait3A_354 = arith.constant 0 : i32
      %dma_wait3A_355 = arith.constant 0 : i32
      %dma_wait3A_356 = tpu.memref_slice %arg3[%dma_wait3A_354, %dma_wait3A_355] : memref<10000x128xf32, #tpu.memory_space<hbm>> -> memref<40x128xf32, #tpu.memory_space<hbm>>
      tpu.wait_dma2 semaphore(%arg22 : memref<!tpu.dma_semaphore, #tpu.memory_space<semaphore_mem>>) src(%dma_wait3A_356 : memref<40x128xf32, #tpu.memory_space<hbm>>) dst(%arg16 : memref<40x128xf32, #tpu.memory_space<vmem>>)
      %dma_wait3A_357 = arith.constant 0 : i32
      %dma_wait3A_358 = arith.constant 0 : i32
      %dma_wait3A_359 = tpu.memref_slice %arg2[%dma_wait3A_357, %dma_wait3A_358] : memref<10000x128xf32, #tpu.memory_space<hbm>> -> memref<40x128xf32, #tpu.memory_space<hbm>>
      %dma_wait3A_360 = arith.constant 0 : i32
      %dma_wait3A_361 = arith.constant 0 : i32
      %dma_wait3A_362 = tpu.memref_slice %arg2[%dma_wait3A_360, %dma_wait3A_361] : memref<10000x128xf32, #tpu.memory_space<hbm>> -> memref<40x128xf32, #tpu.memory_space<hbm>>
      tpu.wait_dma2 semaphore(%arg22 : memref<!tpu.dma_semaphore, #tpu.memory_space<semaphore_mem>>) src(%dma_wait3A_362 : memref<40x128xf32, #tpu.memory_space<hbm>>) dst(%arg11 : memref<40x128xf32, #tpu.memory_space<vmem>>)
      %dma_wait3A_363 = arith.constant 0 : i32
      %dma_wait3A_364 = arith.constant 0 : i32
      %dma_wait3A_365 = tpu.memref_slice %arg3[%dma_wait3A_363, %dma_wait3A_364] : memref<10000x128xf32, #tpu.memory_space<hbm>> -> memref<40x128xf32, #tpu.memory_space<hbm>>
      %dma_wait3A_366 = arith.constant 0 : i32
      %dma_wait3A_367 = arith.constant 0 : i32
      %dma_wait3A_368 = tpu.memref_slice %arg3[%dma_wait3A_366, %dma_wait3A_367] : memref<10000x128xf32, #tpu.memory_space<hbm>> -> memref<40x128xf32, #tpu.memory_space<hbm>>
      tpu.wait_dma2 semaphore(%arg22 : memref<!tpu.dma_semaphore, #tpu.memory_space<semaphore_mem>>) src(%dma_wait3A_368 : memref<40x128xf32, #tpu.memory_space<hbm>>) dst(%arg17 : memref<40x128xf32, #tpu.memory_space<vmem>>)
      %dma_wait3A_369 = arith.constant 0 : i32
      %dma_wait3A_370 = arith.constant 0 : i32
      %dma_wait3A_371 = tpu.memref_slice %arg2[%dma_wait3A_369, %dma_wait3A_370] : memref<10000x128xf32, #tpu.memory_space<hbm>> -> memref<40x128xf32, #tpu.memory_space<hbm>>
      %dma_wait3A_372 = arith.constant 0 : i32
      %dma_wait3A_373 = arith.constant 0 : i32
      %dma_wait3A_374 = tpu.memref_slice %arg2[%dma_wait3A_372, %dma_wait3A_373] : memref<10000x128xf32, #tpu.memory_space<hbm>> -> memref<40x128xf32, #tpu.memory_space<hbm>>
      tpu.wait_dma2 semaphore(%arg22 : memref<!tpu.dma_semaphore, #tpu.memory_space<semaphore_mem>>) src(%dma_wait3A_374 : memref<40x128xf32, #tpu.memory_space<hbm>>) dst(%arg12 : memref<40x128xf32, #tpu.memory_space<vmem>>)
      %dma_wait3A_375 = arith.constant 0 : i32
      %dma_wait3A_376 = arith.constant 0 : i32
      %dma_wait3A_377 = tpu.memref_slice %arg3[%dma_wait3A_375, %dma_wait3A_376] : memref<10000x128xf32, #tpu.memory_space<hbm>> -> memref<40x128xf32, #tpu.memory_space<hbm>>
      %dma_wait3A_378 = arith.constant 0 : i32
      %dma_wait3A_379 = arith.constant 0 : i32
      %dma_wait3A_380 = tpu.memref_slice %arg3[%dma_wait3A_378, %dma_wait3A_379] : memref<10000x128xf32, #tpu.memory_space<hbm>> -> memref<40x128xf32, #tpu.memory_space<hbm>>
      tpu.wait_dma2 semaphore(%arg22 : memref<!tpu.dma_semaphore, #tpu.memory_space<semaphore_mem>>) src(%dma_wait3A_380 : memref<40x128xf32, #tpu.memory_space<hbm>>) dst(%arg18 : memref<40x128xf32, #tpu.memory_space<vmem>>)
      %add3A_381 = arith.constant 0 : i32
      %add3A_382 = arith.addi %mul3A_239, %add3A_381 : i32
      %mul3A_383 = arith.constant 40 : i32
      %mul3A_384 = arith.muli %add3A_382, %mul3A_383 : i32
      %add3A_385 = arith.addi %mul3A_2, %mul3A_384 : i32
      %multiple_of3A_386 = tpu.assume_multiple %add3A_385, 8 : i32
      %dma_start3A_387 = arith.constant 0 : i32
      %dma_start3A_388 = tpu.memref_slice %arg6[%multiple_of3A_386, %dma_start3A_387] : memref<160000x128xf32, #tpu.memory_space<hbm>> -> memref<40x128xf32, #tpu.memory_space<hbm>>
      %dma_start3A_389 = arith.constant 0 : i32
      %dma_start3A_390 = tpu.memref_slice %arg6[%multiple_of3A_386, %dma_start3A_389] : memref<160000x128xf32, #tpu.memory_space<hbm>> -> memref<40x128xf32, #tpu.memory_space<hbm>>
      tpu.enqueue_dma source(%arg10 : memref<40x128xf32, #tpu.memory_space<vmem>>) target(%dma_start3A_390 : memref<40x128xf32, #tpu.memory_space<hbm>>) target_semaphore(%arg23 : memref<!tpu.dma_semaphore, #tpu.memory_space<semaphore_mem>>)
      %dma_start3A_391 = arith.constant 0 : i32
      %dma_start3A_392 = tpu.memref_slice %arg7[%multiple_of3A_386, %dma_start3A_391] : memref<160000x128xf32, #tpu.memory_space<hbm>> -> memref<40x128xf32, #tpu.memory_space<hbm>>
      %dma_start3A_393 = arith.constant 0 : i32
      %dma_start3A_394 = tpu.memref_slice %arg7[%multiple_of3A_386, %dma_start3A_393] : memref<160000x128xf32, #tpu.memory_space<hbm>> -> memref<40x128xf32, #tpu.memory_space<hbm>>
      tpu.enqueue_dma source(%arg16 : memref<40x128xf32, #tpu.memory_space<vmem>>) target(%dma_start3A_394 : memref<40x128xf32, #tpu.memory_space<hbm>>) target_semaphore(%arg23 : memref<!tpu.dma_semaphore, #tpu.memory_space<semaphore_mem>>)
      %add3A_395 = arith.constant 1 : i32
      %add3A_396 = arith.addi %mul3A_239, %add3A_395 : i32
      %mul3A_397 = arith.constant 40 : i32
      %mul3A_398 = arith.muli %add3A_396, %mul3A_397 : i32
      %add3A_399 = arith.addi %mul3A_2, %mul3A_398 : i32
      %multiple_of3A_400 = tpu.assume_multiple %add3A_399, 8 : i32
      %dma_start3A_401 = arith.constant 0 : i32
      %dma_start3A_402 = tpu.memref_slice %arg6[%multiple_of3A_400, %dma_start3A_401] : memref<160000x128xf32, #tpu.memory_space<hbm>> -> memref<40x128xf32, #tpu.memory_space<hbm>>
      %dma_start3A_403 = arith.constant 0 : i32
      %dma_start3A_404 = tpu.memref_slice %arg6[%multiple_of3A_400, %dma_start3A_403] : memref<160000x128xf32, #tpu.memory_space<hbm>> -> memref<40x128xf32, #tpu.memory_space<hbm>>
      tpu.enqueue_dma source(%arg11 : memref<40x128xf32, #tpu.memory_space<vmem>>) target(%dma_start3A_404 : memref<40x128xf32, #tpu.memory_space<hbm>>) target_semaphore(%arg23 : memref<!tpu.dma_semaphore, #tpu.memory_space<semaphore_mem>>)
      %dma_start3A_405 = arith.constant 0 : i32
      %dma_start3A_406 = tpu.memref_slice %arg7[%multiple_of3A_400, %dma_start3A_405] : memref<160000x128xf32, #tpu.memory_space<hbm>> -> memref<40x128xf32, #tpu.memory_space<hbm>>
      %dma_start3A_407 = arith.constant 0 : i32
      %dma_start3A_408 = tpu.memref_slice %arg7[%multiple_of3A_400, %dma_start3A_407] : memref<160000x128xf32, #tpu.memory_space<hbm>> -> memref<40x128xf32, #tpu.memory_space<hbm>>
      tpu.enqueue_dma source(%arg17 : memref<40x128xf32, #tpu.memory_space<vmem>>) target(%dma_start3A_408 : memref<40x128xf32, #tpu.memory_space<hbm>>) target_semaphore(%arg23 : memref<!tpu.dma_semaphore, #tpu.memory_space<semaphore_mem>>)
      %add3A_409 = arith.constant 2 : i32
      %add3A_410 = arith.addi %mul3A_239, %add3A_409 : i32
      %mul3A_411 = arith.constant 40 : i32
      %mul3A_412 = arith.muli %add3A_410, %mul3A_411 : i32
      %add3A_413 = arith.addi %mul3A_2, %mul3A_412 : i32
      %multiple_of3A_414 = tpu.assume_multiple %add3A_413, 8 : i32
      %dma_start3A_415 = arith.constant 0 : i32
      %dma_start3A_416 = tpu.memref_slice %arg6[%multiple_of3A_414, %dma_start3A_415] : memref<160000x128xf32, #tpu.memory_space<hbm>> -> memref<40x128xf32, #tpu.memory_space<hbm>>
      %dma_start3A_417 = arith.constant 0 : i32
      %dma_start3A_418 = tpu.memref_slice %arg6[%multiple_of3A_414, %dma_start3A_417] : memref<160000x128xf32, #tpu.memory_space<hbm>> -> memref<40x128xf32, #tpu.memory_space<hbm>>
      tpu.enqueue_dma source(%arg12 : memref<40x128xf32, #tpu.memory_space<vmem>>) target(%dma_start3A_418 : memref<40x128xf32, #tpu.memory_space<hbm>>) target_semaphore(%arg23 : memref<!tpu.dma_semaphore, #tpu.memory_space<semaphore_mem>>)
      %dma_start3A_419 = arith.constant 0 : i32
      %dma_start3A_420 = tpu.memref_slice %arg7[%multiple_of3A_414, %dma_start3A_419] : memref<160000x128xf32, #tpu.memory_space<hbm>> -> memref<40x128xf32, #tpu.memory_space<hbm>>
      %dma_start3A_421 = arith.constant 0 : i32
      %dma_start3A_422 = tpu.memref_slice %arg7[%multiple_of3A_414, %dma_start3A_421] : memref<160000x128xf32, #tpu.memory_space<hbm>> -> memref<40x128xf32, #tpu.memory_space<hbm>>
      tpu.enqueue_dma source(%arg18 : memref<40x128xf32, #tpu.memory_space<vmem>>) target(%dma_start3A_422 : memref<40x128xf32, #tpu.memory_space<hbm>>) target_semaphore(%arg23 : memref<!tpu.dma_semaphore, #tpu.memory_space<semaphore_mem>>)
      %dma_wait3A_423 = arith.constant 0 : i32
      %dma_wait3A_424 = arith.constant 0 : i32
      %dma_wait3A_425 = tpu.memref_slice %arg2[%dma_wait3A_423, %dma_wait3A_424] : memref<10000x128xf32, #tpu.memory_space<hbm>> -> memref<40x128xf32, #tpu.memory_space<hbm>>
      %dma_wait3A_426 = arith.constant 0 : i32
      %dma_wait3A_427 = arith.constant 0 : i32
      %dma_wait3A_428 = tpu.memref_slice %arg2[%dma_wait3A_426, %dma_wait3A_427] : memref<10000x128xf32, #tpu.memory_space<hbm>> -> memref<40x128xf32, #tpu.memory_space<hbm>>
      tpu.wait_dma2 semaphore(%arg22 : memref<!tpu.dma_semaphore, #tpu.memory_space<semaphore_mem>>) src(%dma_wait3A_428 : memref<40x128xf32, #tpu.memory_space<hbm>>) dst(%arg13 : memref<40x128xf32, #tpu.memory_space<vmem>>)
      %dma_wait3A_429 = arith.constant 0 : i32
      %dma_wait3A_430 = arith.constant 0 : i32
      %dma_wait3A_431 = tpu.memref_slice %arg3[%dma_wait3A_429, %dma_wait3A_430] : memref<10000x128xf32, #tpu.memory_space<hbm>> -> memref<40x128xf32, #tpu.memory_space<hbm>>
      %dma_wait3A_432 = arith.constant 0 : i32
      %dma_wait3A_433 = arith.constant 0 : i32
      %dma_wait3A_434 = tpu.memref_slice %arg3[%dma_wait3A_432, %dma_wait3A_433] : memref<10000x128xf32, #tpu.memory_space<hbm>> -> memref<40x128xf32, #tpu.memory_space<hbm>>
      tpu.wait_dma2 semaphore(%arg22 : memref<!tpu.dma_semaphore, #tpu.memory_space<semaphore_mem>>) src(%dma_wait3A_434 : memref<40x128xf32, #tpu.memory_space<hbm>>) dst(%arg19 : memref<40x128xf32, #tpu.memory_space<vmem>>)
      %dma_wait3A_435 = arith.constant 0 : i32
      %dma_wait3A_436 = arith.constant 0 : i32
      %dma_wait3A_437 = tpu.memref_slice %arg2[%dma_wait3A_435, %dma_wait3A_436] : memref<10000x128xf32, #tpu.memory_space<hbm>> -> memref<40x128xf32, #tpu.memory_space<hbm>>
      %dma_wait3A_438 = arith.constant 0 : i32
      %dma_wait3A_439 = arith.constant 0 : i32
      %dma_wait3A_440 = tpu.memref_slice %arg2[%dma_wait3A_438, %dma_wait3A_439] : memref<10000x128xf32, #tpu.memory_space<hbm>> -> memref<40x128xf32, #tpu.memory_space<hbm>>
      tpu.wait_dma2 semaphore(%arg22 : memref<!tpu.dma_semaphore, #tpu.memory_space<semaphore_mem>>) src(%dma_wait3A_440 : memref<40x128xf32, #tpu.memory_space<hbm>>) dst(%arg14 : memref<40x128xf32, #tpu.memory_space<vmem>>)
      %dma_wait3A_441 = arith.constant 0 : i32
      %dma_wait3A_442 = arith.constant 0 : i32
      %dma_wait3A_443 = tpu.memref_slice %arg3[%dma_wait3A_441, %dma_wait3A_442] : memref<10000x128xf32, #tpu.memory_space<hbm>> -> memref<40x128xf32, #tpu.memory_space<hbm>>
      %dma_wait3A_444 = arith.constant 0 : i32
      %dma_wait3A_445 = arith.constant 0 : i32
      %dma_wait3A_446 = tpu.memref_slice %arg3[%dma_wait3A_444, %dma_wait3A_445] : memref<10000x128xf32, #tpu.memory_space<hbm>> -> memref<40x128xf32, #tpu.memory_space<hbm>>
      tpu.wait_dma2 semaphore(%arg22 : memref<!tpu.dma_semaphore, #tpu.memory_space<semaphore_mem>>) src(%dma_wait3A_446 : memref<40x128xf32, #tpu.memory_space<hbm>>) dst(%arg20 : memref<40x128xf32, #tpu.memory_space<vmem>>)
      %dma_wait3A_447 = arith.constant 0 : i32
      %dma_wait3A_448 = arith.constant 0 : i32
      %dma_wait3A_449 = tpu.memref_slice %arg2[%dma_wait3A_447, %dma_wait3A_448] : memref<10000x128xf32, #tpu.memory_space<hbm>> -> memref<40x128xf32, #tpu.memory_space<hbm>>
      %dma_wait3A_450 = arith.constant 0 : i32
      %dma_wait3A_451 = arith.constant 0 : i32
      %dma_wait3A_452 = tpu.memref_slice %arg2[%dma_wait3A_450, %dma_wait3A_451] : memref<10000x128xf32, #tpu.memory_space<hbm>> -> memref<40x128xf32, #tpu.memory_space<hbm>>
      tpu.wait_dma2 semaphore(%arg22 : memref<!tpu.dma_semaphore, #tpu.memory_space<semaphore_mem>>) src(%dma_wait3A_452 : memref<40x128xf32, #tpu.memory_space<hbm>>) dst(%arg15 : memref<40x128xf32, #tpu.memory_space<vmem>>)
      %dma_wait3A_453 = arith.constant 0 : i32
      %dma_wait3A_454 = arith.constant 0 : i32
      %dma_wait3A_455 = tpu.memref_slice %arg3[%dma_wait3A_453, %dma_wait3A_454] : memref<10000x128xf32, #tpu.memory_space<hbm>> -> memref<40x128xf32, #tpu.memory_space<hbm>>
      %dma_wait3A_456 = arith.constant 0 : i32
      %dma_wait3A_457 = arith.constant 0 : i32
      %dma_wait3A_458 = tpu.memref_slice %arg3[%dma_wait3A_456, %dma_wait3A_457] : memref<10000x128xf32, #tpu.memory_space<hbm>> -> memref<40x128xf32, #tpu.memory_space<hbm>>
      tpu.wait_dma2 semaphore(%arg22 : memref<!tpu.dma_semaphore, #tpu.memory_space<semaphore_mem>>) src(%dma_wait3A_458 : memref<40x128xf32, #tpu.memory_space<hbm>>) dst(%arg21 : memref<40x128xf32, #tpu.memory_space<vmem>>)
      %add3A_459 = arith.constant 3 : i32
      %add3A_460 = arith.addi %mul3A_239, %add3A_459 : i32
      %add3A_461 = arith.constant 0 : i32
      %add3A_462 = arith.addi %add3A_460, %add3A_461 : i32
      %mul3A_463 = arith.constant 40 : i32
      %mul3A_464 = arith.muli %add3A_462, %mul3A_463 : i32
      %add3A_465 = arith.addi %mul3A_2, %mul3A_464 : i32
      %multiple_of3A_466 = tpu.assume_multiple %add3A_465, 8 : i32
      %dma_start3A_467 = arith.constant 0 : i32
      %dma_start3A_468 = tpu.memref_slice %arg6[%multiple_of3A_466, %dma_start3A_467] : memref<160000x128xf32, #tpu.memory_space<hbm>> -> memref<40x128xf32, #tpu.memory_space<hbm>>
      %dma_start3A_469 = arith.constant 0 : i32
      %dma_start3A_470 = tpu.memref_slice %arg6[%multiple_of3A_466, %dma_start3A_469] : memref<160000x128xf32, #tpu.memory_space<hbm>> -> memref<40x128xf32, #tpu.memory_space<hbm>>
      tpu.enqueue_dma source(%arg13 : memref<40x128xf32, #tpu.memory_space<vmem>>) target(%dma_start3A_470 : memref<40x128xf32, #tpu.memory_space<hbm>>) target_semaphore(%arg23 : memref<!tpu.dma_semaphore, #tpu.memory_space<semaphore_mem>>)
      %dma_start3A_471 = arith.constant 0 : i32
      %dma_start3A_472 = tpu.memref_slice %arg7[%multiple_of3A_466, %dma_start3A_471] : memref<160000x128xf32, #tpu.memory_space<hbm>> -> memref<40x128xf32, #tpu.memory_space<hbm>>
      %dma_start3A_473 = arith.constant 0 : i32
      %dma_start3A_474 = tpu.memref_slice %arg7[%multiple_of3A_466, %dma_start3A_473] : memref<160000x128xf32, #tpu.memory_space<hbm>> -> memref<40x128xf32, #tpu.memory_space<hbm>>
      tpu.enqueue_dma source(%arg19 : memref<40x128xf32, #tpu.memory_space<vmem>>) target(%dma_start3A_474 : memref<40x128xf32, #tpu.memory_space<hbm>>) target_semaphore(%arg23 : memref<!tpu.dma_semaphore, #tpu.memory_space<semaphore_mem>>)
      %add3A_475 = arith.constant 1 : i32
      %add3A_476 = arith.addi %add3A_460, %add3A_475 : i32
      %mul3A_477 = arith.constant 40 : i32
      %mul3A_478 = arith.muli %add3A_476, %mul3A_477 : i32
      %add3A_479 = arith.addi %mul3A_2, %mul3A_478 : i32
      %multiple_of3A_480 = tpu.assume_multiple %add3A_479, 8 : i32
      %dma_start3A_481 = arith.constant 0 : i32
      %dma_start3A_482 = tpu.memref_slice %arg6[%multiple_of3A_480, %dma_start3A_481] : memref<160000x128xf32, #tpu.memory_space<hbm>> -> memref<40x128xf32, #tpu.memory_space<hbm>>
      %dma_start3A_483 = arith.constant 0 : i32
      %dma_start3A_484 = tpu.memref_slice %arg6[%multiple_of3A_480, %dma_start3A_483] : memref<160000x128xf32, #tpu.memory_space<hbm>> -> memref<40x128xf32, #tpu.memory_space<hbm>>
      tpu.enqueue_dma source(%arg14 : memref<40x128xf32, #tpu.memory_space<vmem>>) target(%dma_start3A_484 : memref<40x128xf32, #tpu.memory_space<hbm>>) target_semaphore(%arg23 : memref<!tpu.dma_semaphore, #tpu.memory_space<semaphore_mem>>)
      %dma_start3A_485 = arith.constant 0 : i32
      %dma_start3A_486 = tpu.memref_slice %arg7[%multiple_of3A_480, %dma_start3A_485] : memref<160000x128xf32, #tpu.memory_space<hbm>> -> memref<40x128xf32, #tpu.memory_space<hbm>>
      %dma_start3A_487 = arith.constant 0 : i32
      %dma_start3A_488 = tpu.memref_slice %arg7[%multiple_of3A_480, %dma_start3A_487] : memref<160000x128xf32, #tpu.memory_space<hbm>> -> memref<40x128xf32, #tpu.memory_space<hbm>>
      tpu.enqueue_dma source(%arg20 : memref<40x128xf32, #tpu.memory_space<vmem>>) target(%dma_start3A_488 : memref<40x128xf32, #tpu.memory_space<hbm>>) target_semaphore(%arg23 : memref<!tpu.dma_semaphore, #tpu.memory_space<semaphore_mem>>)
      %add3A_489 = arith.constant 2 : i32
      %add3A_490 = arith.addi %add3A_460, %add3A_489 : i32
      %mul3A_491 = arith.constant 40 : i32
      %mul3A_492 = arith.muli %add3A_490, %mul3A_491 : i32
      %add3A_493 = arith.addi %mul3A_2, %mul3A_492 : i32
      %multiple_of3A_494 = tpu.assume_multiple %add3A_493, 8 : i32
      %dma_start3A_495 = arith.constant 0 : i32
      %dma_start3A_496 = tpu.memref_slice %arg6[%multiple_of3A_494, %dma_start3A_495] : memref<160000x128xf32, #tpu.memory_space<hbm>> -> memref<40x128xf32, #tpu.memory_space<hbm>>
      %dma_start3A_497 = arith.constant 0 : i32
      %dma_start3A_498 = tpu.memref_slice %arg6[%multiple_of3A_494, %dma_start3A_497] : memref<160000x128xf32, #tpu.memory_space<hbm>> -> memref<40x128xf32, #tpu.memory_space<hbm>>
      tpu.enqueue_dma source(%arg15 : memref<40x128xf32, #tpu.memory_space<vmem>>) target(%dma_start3A_498 : memref<40x128xf32, #tpu.memory_space<hbm>>) target_semaphore(%arg23 : memref<!tpu.dma_semaphore, #tpu.memory_space<semaphore_mem>>)
      %dma_start3A_499 = arith.constant 0 : i32
      %dma_start3A_500 = tpu.memref_slice %arg7[%multiple_of3A_494, %dma_start3A_499] : memref<160000x128xf32, #tpu.memory_space<hbm>> -> memref<40x128xf32, #tpu.memory_space<hbm>>
      %dma_start3A_501 = arith.constant 0 : i32
      %dma_start3A_502 = tpu.memref_slice %arg7[%multiple_of3A_494, %dma_start3A_501] : memref<160000x128xf32, #tpu.memory_space<hbm>> -> memref<40x128xf32, #tpu.memory_space<hbm>>
      tpu.enqueue_dma source(%arg21 : memref<40x128xf32, #tpu.memory_space<vmem>>) target(%dma_start3A_502 : memref<40x128xf32, #tpu.memory_space<hbm>>) target_semaphore(%arg23 : memref<!tpu.dma_semaphore, #tpu.memory_space<semaphore_mem>>)
    }
    %scan3A_6 = arith.constant 20 : i32
    %dma_wait3A = arith.constant 0 : i32
    %dma_wait3A_7 = arith.constant 0 : i32
    %dma_wait3A_8 = tpu.memref_slice %arg6[%dma_wait3A, %dma_wait3A_7] : memref<160000x128xf32, #tpu.memory_space<hbm>> -> memref<40x128xf32, #tpu.memory_space<hbm>>
    %dma_wait3A_9 = arith.constant 0 : i32
    %dma_wait3A_10 = arith.constant 0 : i32
    %dma_wait3A_11 = tpu.memref_slice %arg6[%dma_wait3A_9, %dma_wait3A_10] : memref<160000x128xf32, #tpu.memory_space<hbm>> -> memref<40x128xf32, #tpu.memory_space<hbm>>
    tpu.wait_dma2 semaphore(%arg23 : memref<!tpu.dma_semaphore, #tpu.memory_space<semaphore_mem>>) src(%arg10 : memref<40x128xf32, #tpu.memory_space<vmem>>) dst(%dma_wait3A_11 : memref<40x128xf32, #tpu.memory_space<hbm>>)
    %dma_wait3A_12 = arith.constant 0 : i32
    %dma_wait3A_13 = arith.constant 0 : i32
    %dma_wait3A_14 = tpu.memref_slice %arg6[%dma_wait3A_12, %dma_wait3A_13] : memref<160000x128xf32, #tpu.memory_space<hbm>> -> memref<40x128xf32, #tpu.memory_space<hbm>>
    %dma_wait3A_15 = arith.constant 0 : i32
    %dma_wait3A_16 = arith.constant 0 : i32
    %dma_wait3A_17 = tpu.memref_slice %arg6[%dma_wait3A_15, %dma_wait3A_16] : memref<160000x128xf32, #tpu.memory_space<hbm>> -> memref<40x128xf32, #tpu.memory_space<hbm>>
    tpu.wait_dma2 semaphore(%arg23 : memref<!tpu.dma_semaphore, #tpu.memory_space<semaphore_mem>>) src(%arg11 : memref<40x128xf32, #tpu.memory_space<vmem>>) dst(%dma_wait3A_17 : memref<40x128xf32, #tpu.memory_space<hbm>>)
    %dma_wait3A_18 = arith.constant 0 : i32
    %dma_wait3A_19 = arith.constant 0 : i32
    %dma_wait3A_20 = tpu.memref_slice %arg6[%dma_wait3A_18, %dma_wait3A_19] : memref<160000x128xf32, #tpu.memory_space<hbm>> -> memref<40x128xf32, #tpu.memory_space<hbm>>
    %dma_wait3A_21 = arith.constant 0 : i32
    %dma_wait3A_22 = arith.constant 0 : i32
    %dma_wait3A_23 = tpu.memref_slice %arg6[%dma_wait3A_21, %dma_wait3A_22] : memref<160000x128xf32, #tpu.memory_space<hbm>> -> memref<40x128xf32, #tpu.memory_space<hbm>>
    tpu.wait_dma2 semaphore(%arg23 : memref<!tpu.dma_semaphore, #tpu.memory_space<semaphore_mem>>) src(%arg12 : memref<40x128xf32, #tpu.memory_space<vmem>>) dst(%dma_wait3A_23 : memref<40x128xf32, #tpu.memory_space<hbm>>)
    %dma_wait3A_24 = arith.constant 0 : i32
    %dma_wait3A_25 = arith.constant 0 : i32
    %dma_wait3A_26 = tpu.memref_slice %arg6[%dma_wait3A_24, %dma_wait3A_25] : memref<160000x128xf32, #tpu.memory_space<hbm>> -> memref<40x128xf32, #tpu.memory_space<hbm>>
    %dma_wait3A_27 = arith.constant 0 : i32
    %dma_wait3A_28 = arith.constant 0 : i32
    %dma_wait3A_29 = tpu.memref_slice %arg6[%dma_wait3A_27, %dma_wait3A_28] : memref<160000x128xf32, #tpu.memory_space<hbm>> -> memref<40x128xf32, #tpu.memory_space<hbm>>
    tpu.wait_dma2 semaphore(%arg23 : memref<!tpu.dma_semaphore, #tpu.memory_space<semaphore_mem>>) src(%arg16 : memref<40x128xf32, #tpu.memory_space<vmem>>) dst(%dma_wait3A_29 : memref<40x128xf32, #tpu.memory_space<hbm>>)
    %dma_wait3A_30 = arith.constant 0 : i32
    %dma_wait3A_31 = arith.constant 0 : i32
    %dma_wait3A_32 = tpu.memref_slice %arg6[%dma_wait3A_30, %dma_wait3A_31] : memref<160000x128xf32, #tpu.memory_space<hbm>> -> memref<40x128xf32, #tpu.memory_space<hbm>>
    %dma_wait3A_33 = arith.constant 0 : i32
    %dma_wait3A_34 = arith.constant 0 : i32
    %dma_wait3A_35 = tpu.memref_slice %arg6[%dma_wait3A_33, %dma_wait3A_34] : memref<160000x128xf32, #tpu.memory_space<hbm>> -> memref<40x128xf32, #tpu.memory_space<hbm>>
    tpu.wait_dma2 semaphore(%arg23 : memref<!tpu.dma_semaphore, #tpu.memory_space<semaphore_mem>>) src(%arg17 : memref<40x128xf32, #tpu.memory_space<vmem>>) dst(%dma_wait3A_35 : memref<40x128xf32, #tpu.memory_space<hbm>>)
    %dma_wait3A_36 = arith.constant 0 : i32
    %dma_wait3A_37 = arith.constant 0 : i32
    %dma_wait3A_38 = tpu.memref_slice %arg6[%dma_wait3A_36, %dma_wait3A_37] : memref<160000x128xf32, #tpu.memory_space<hbm>> -> memref<40x128xf32, #tpu.memory_space<hbm>>
    %dma_wait3A_39 = arith.constant 0 : i32
    %dma_wait3A_40 = arith.constant 0 : i32
    %dma_wait3A_41 = tpu.memref_slice %arg6[%dma_wait3A_39, %dma_wait3A_40] : memref<160000x128xf32, #tpu.memory_space<hbm>> -> memref<40x128xf32, #tpu.memory_space<hbm>>
    tpu.wait_dma2 semaphore(%arg23 : memref<!tpu.dma_semaphore, #tpu.memory_space<semaphore_mem>>) src(%arg18 : memref<40x128xf32, #tpu.memory_space<vmem>>) dst(%dma_wait3A_41 : memref<40x128xf32, #tpu.memory_space<hbm>>)
    %dma_wait3A_42 = arith.constant 0 : i32
    %dma_wait3A_43 = arith.constant 0 : i32
    %dma_wait3A_44 = tpu.memref_slice %arg6[%dma_wait3A_42, %dma_wait3A_43] : memref<160000x128xf32, #tpu.memory_space<hbm>> -> memref<40x128xf32, #tpu.memory_space<hbm>>
    %dma_wait3A_45 = arith.constant 0 : i32
    %dma_wait3A_46 = arith.constant 0 : i32
    %dma_wait3A_47 = tpu.memref_slice %arg6[%dma_wait3A_45, %dma_wait3A_46] : memref<160000x128xf32, #tpu.memory_space<hbm>> -> memref<40x128xf32, #tpu.memory_space<hbm>>
    tpu.wait_dma2 semaphore(%arg23 : memref<!tpu.dma_semaphore, #tpu.memory_space<semaphore_mem>>) src(%arg13 : memref<40x128xf32, #tpu.memory_space<vmem>>) dst(%dma_wait3A_47 : memref<40x128xf32, #tpu.memory_space<hbm>>)
    %dma_wait3A_48 = arith.constant 0 : i32
    %dma_wait3A_49 = arith.constant 0 : i32
    %dma_wait3A_50 = tpu.memref_slice %arg6[%dma_wait3A_48, %dma_wait3A_49] : memref<160000x128xf32, #tpu.memory_space<hbm>> -> memref<40x128xf32, #tpu.memory_space<hbm>>
    %dma_wait3A_51 = arith.constant 0 : i32
    %dma_wait3A_52 = arith.constant 0 : i32
    %dma_wait3A_53 = tpu.memref_slice %arg6[%dma_wait3A_51, %dma_wait3A_52] : memref<160000x128xf32, #tpu.memory_space<hbm>> -> memref<40x128xf32, #tpu.memory_space<hbm>>
    tpu.wait_dma2 semaphore(%arg23 : memref<!tpu.dma_semaphore, #tpu.memory_space<semaphore_mem>>) src(%arg14 : memref<40x128xf32, #tpu.memory_space<vmem>>) dst(%dma_wait3A_53 : memref<40x128xf32, #tpu.memory_space<hbm>>)
    %dma_wait3A_54 = arith.constant 0 : i32
    %dma_wait3A_55 = arith.constant 0 : i32
    %dma_wait3A_56 = tpu.memref_slice %arg6[%dma_wait3A_54, %dma_wait3A_55] : memref<160000x128xf32, #tpu.memory_space<hbm>> -> memref<40x128xf32, #tpu.memory_space<hbm>>
    %dma_wait3A_57 = arith.constant 0 : i32
    %dma_wait3A_58 = arith.constant 0 : i32
    %dma_wait3A_59 = tpu.memref_slice %arg6[%dma_wait3A_57, %dma_wait3A_58] : memref<160000x128xf32, #tpu.memory_space<hbm>> -> memref<40x128xf32, #tpu.memory_space<hbm>>
    tpu.wait_dma2 semaphore(%arg23 : memref<!tpu.dma_semaphore, #tpu.memory_space<semaphore_mem>>) src(%arg15 : memref<40x128xf32, #tpu.memory_space<vmem>>) dst(%dma_wait3A_59 : memref<40x128xf32, #tpu.memory_space<hbm>>)
    %dma_wait3A_60 = arith.constant 0 : i32
    %dma_wait3A_61 = arith.constant 0 : i32
    %dma_wait3A_62 = tpu.memref_slice %arg6[%dma_wait3A_60, %dma_wait3A_61] : memref<160000x128xf32, #tpu.memory_space<hbm>> -> memref<40x128xf32, #tpu.memory_space<hbm>>
    %dma_wait3A_63 = arith.constant 0 : i32
    %dma_wait3A_64 = arith.constant 0 : i32
    %dma_wait3A_65 = tpu.memref_slice %arg6[%dma_wait3A_63, %dma_wait3A_64] : memref<160000x128xf32, #tpu.memory_space<hbm>> -> memref<40x128xf32, #tpu.memory_space<hbm>>
    tpu.wait_dma2 semaphore(%arg23 : memref<!tpu.dma_semaphore, #tpu.memory_space<semaphore_mem>>) src(%arg19 : memref<40x128xf32, #tpu.memory_space<vmem>>) dst(%dma_wait3A_65 : memref<40x128xf32, #tpu.memory_space<hbm>>)
    %dma_wait3A_66 = arith.constant 0 : i32
    %dma_wait3A_67 = arith.constant 0 : i32
    %dma_wait3A_68 = tpu.memref_slice %arg6[%dma_wait3A_66, %dma_wait3A_67] : memref<160000x128xf32, #tpu.memory_space<hbm>> -> memref<40x128xf32, #tpu.memory_space<hbm>>
    %dma_wait3A_69 = arith.constant 0 : i32
    %dma_wait3A_70 = arith.constant 0 : i32
    %dma_wait3A_71 = tpu.memref_slice %arg6[%dma_wait3A_69, %dma_wait3A_70] : memref<160000x128xf32, #tpu.memory_space<hbm>> -> memref<40x128xf32, #tpu.memory_space<hbm>>
    tpu.wait_dma2 semaphore(%arg23 : memref<!tpu.dma_semaphore, #tpu.memory_space<semaphore_mem>>) src(%arg20 : memref<40x128xf32, #tpu.memory_space<vmem>>) dst(%dma_wait3A_71 : memref<40x128xf32, #tpu.memory_space<hbm>>)
    %dma_wait3A_72 = arith.constant 0 : i32
    %dma_wait3A_73 = arith.constant 0 : i32
    %dma_wait3A_74 = tpu.memref_slice %arg6[%dma_wait3A_72, %dma_wait3A_73] : memref<160000x128xf32, #tpu.memory_space<hbm>> -> memref<40x128xf32, #tpu.memory_space<hbm>>
    %dma_wait3A_75 = arith.constant 0 : i32
    %dma_wait3A_76 = arith.constant 0 : i32
    %dma_wait3A_77 = tpu.memref_slice %arg6[%dma_wait3A_75, %dma_wait3A_76] : memref<160000x128xf32, #tpu.memory_space<hbm>> -> memref<40x128xf32, #tpu.memory_space<hbm>>
    tpu.wait_dma2 semaphore(%arg23 : memref<!tpu.dma_semaphore, #tpu.memory_space<semaphore_mem>>) src(%arg21 : memref<40x128xf32, #tpu.memory_space<vmem>>) dst(%dma_wait3A_77 : memref<40x128xf32, #tpu.memory_space<hbm>>)
    %add3A_78 = arith.constant 4800 : i32
    %add3A_79 = arith.addi %mul3A_2, %add3A_78 : i32
    %multiple_of3A = tpu.assume_multiple %add3A_79, 8 : i32
    %dma_start3A = arith.constant 120 : i32
    %dma_start3A_80 = arith.constant 0 : i32
    %dma_start3A_81 = tpu.memref_slice %arg8[%dma_start3A, %dma_start3A_80] : memref<125x40xi32, #tpu.memory_space<vmem>> -> memref<1x40xi32, #tpu.memory_space<vmem>>
    %dma_start3A_82 = tpu.memref_squeeze %dma_start3A_81 : memref<1x40xi32, #tpu.memory_space<vmem>> -> memref<40xi32, #tpu.memory_space<vmem>>
    %dma_start3A_83 = arith.constant 0 : i32
    %dma_start3A_84 = arith.constant 0 : i32
    %dma_start3A_85 = tpu.memref_slice %arg2[%dma_start3A_83, %dma_start3A_84] : memref<10000x128xf32, #tpu.memory_space<hbm>> -> memref<10000x128xf32, #tpu.memory_space<hbm>>
    tpu.enqueue_indirect_dma source(%dma_start3A_85 : memref<10000x128xf32, #tpu.memory_space<hbm>>) target(%arg10 : memref<40x128xf32, #tpu.memory_space<vmem>>) offsets(%dma_start3A_82 : memref<40xi32, #tpu.memory_space<vmem>>) semaphore(%arg22 : memref<!tpu.dma_semaphore, #tpu.memory_space<semaphore_mem>>)
    %dma_start3A_86 = arith.constant 120 : i32
    %dma_start3A_87 = arith.constant 0 : i32
    %dma_start3A_88 = tpu.memref_slice %arg9[%dma_start3A_86, %dma_start3A_87] : memref<125x40xi32, #tpu.memory_space<vmem>> -> memref<1x40xi32, #tpu.memory_space<vmem>>
    %dma_start3A_89 = tpu.memref_squeeze %dma_start3A_88 : memref<1x40xi32, #tpu.memory_space<vmem>> -> memref<40xi32, #tpu.memory_space<vmem>>
    %dma_start3A_90 = arith.constant 0 : i32
    %dma_start3A_91 = arith.constant 0 : i32
    %dma_start3A_92 = tpu.memref_slice %arg3[%dma_start3A_90, %dma_start3A_91] : memref<10000x128xf32, #tpu.memory_space<hbm>> -> memref<10000x128xf32, #tpu.memory_space<hbm>>
    tpu.enqueue_indirect_dma source(%dma_start3A_92 : memref<10000x128xf32, #tpu.memory_space<hbm>>) target(%arg16 : memref<40x128xf32, #tpu.memory_space<vmem>>) offsets(%dma_start3A_89 : memref<40xi32, #tpu.memory_space<vmem>>) semaphore(%arg22 : memref<!tpu.dma_semaphore, #tpu.memory_space<semaphore_mem>>)
    %dma_wait3A_93 = arith.constant 120 : i32
    %dma_wait3A_94 = arith.constant 0 : i32
    %dma_wait3A_95 = tpu.memref_slice %arg8[%dma_wait3A_93, %dma_wait3A_94] : memref<125x40xi32, #tpu.memory_space<vmem>> -> memref<1x40xi32, #tpu.memory_space<vmem>>
    %dma_wait3A_96 = tpu.memref_squeeze %dma_wait3A_95 : memref<1x40xi32, #tpu.memory_space<vmem>> -> memref<40xi32, #tpu.memory_space<vmem>>
    %dma_wait3A_97 = arith.constant 0 : i32
    %dma_wait3A_98 = arith.constant 0 : i32
    %dma_wait3A_99 = tpu.memref_slice %arg2[%dma_wait3A_97, %dma_wait3A_98] : memref<10000x128xf32, #tpu.memory_space<hbm>> -> memref<10000x128xf32, #tpu.memory_space<hbm>>
    tpu.wait_indirect_dma semaphore(%arg22 : memref<!tpu.dma_semaphore, #tpu.memory_space<semaphore_mem>>) src(%dma_wait3A_99 : memref<10000x128xf32, #tpu.memory_space<hbm>>) dst(%arg10 : memref<40x128xf32, #tpu.memory_space<vmem>>)
    %dma_wait3A_100 = arith.constant 120 : i32
    %dma_wait3A_101 = arith.constant 0 : i32
    %dma_wait3A_102 = tpu.memref_slice %arg9[%dma_wait3A_100, %dma_wait3A_101] : memref<125x40xi32, #tpu.memory_space<vmem>> -> memref<1x40xi32, #tpu.memory_space<vmem>>
    %dma_wait3A_103 = tpu.memref_squeeze %dma_wait3A_102 : memref<1x40xi32, #tpu.memory_space<vmem>> -> memref<40xi32, #tpu.memory_space<vmem>>
    %dma_wait3A_104 = arith.constant 0 : i32
    %dma_wait3A_105 = arith.constant 0 : i32
    %dma_wait3A_106 = tpu.memref_slice %arg3[%dma_wait3A_104, %dma_wait3A_105] : memref<10000x128xf32, #tpu.memory_space<hbm>> -> memref<10000x128xf32, #tpu.memory_space<hbm>>
    tpu.wait_indirect_dma semaphore(%arg22 : memref<!tpu.dma_semaphore, #tpu.memory_space<semaphore_mem>>) src(%dma_wait3A_106 : memref<10000x128xf32, #tpu.memory_space<hbm>>) dst(%arg16 : memref<40x128xf32, #tpu.memory_space<vmem>>)
    "tpu.region"() ({
      %run_scoped3A = tpu.sem_alloc : memref<!tpu.dma_semaphore, #tpu.memory_space<semaphore_mem>>
      %dma_start3A_231 = arith.constant 0 : i32
      %dma_start3A_232 = tpu.memref_slice %arg6[%multiple_of3A, %dma_start3A_231] : memref<160000x128xf32, #tpu.memory_space<hbm>> -> memref<40x128xf32, #tpu.memory_space<hbm>>
      %dma_start3A_233 = arith.constant 0 : i32
      %dma_start3A_234 = tpu.memref_slice %arg6[%multiple_of3A, %dma_start3A_233] : memref<160000x128xf32, #tpu.memory_space<hbm>> -> memref<40x128xf32, #tpu.memory_space<hbm>>
      tpu.enqueue_dma source(%arg10 : memref<40x128xf32, #tpu.memory_space<vmem>>) target(%dma_start3A_234 : memref<40x128xf32, #tpu.memory_space<hbm>>) target_semaphore(%run_scoped3A : memref<!tpu.dma_semaphore, #tpu.memory_space<semaphore_mem>>)
      %dma_wait3A_235 = arith.constant 0 : i32
      %dma_wait3A_236 = tpu.memref_slice %arg6[%multiple_of3A, %dma_wait3A_235] : memref<160000x128xf32, #tpu.memory_space<hbm>> -> memref<40x128xf32, #tpu.memory_space<hbm>>
      %dma_wait3A_237 = arith.constant 0 : i32
      %dma_wait3A_238 = tpu.memref_slice %arg6[%multiple_of3A, %dma_wait3A_237] : memref<160000x128xf32, #tpu.memory_space<hbm>> -> memref<40x128xf32, #tpu.memory_space<hbm>>
      tpu.wait_dma2 semaphore(%run_scoped3A : memref<!tpu.dma_semaphore, #tpu.memory_space<semaphore_mem>>) src(%arg10 : memref<40x128xf32, #tpu.memory_space<vmem>>) dst(%dma_wait3A_238 : memref<40x128xf32, #tpu.memory_space<hbm>>)
      tpu.yield
    }) : () -> ()
    "tpu.region"() ({
      %run_scoped3A = tpu.sem_alloc : memref<!tpu.dma_semaphore, #tpu.memory_space<semaphore_mem>>
      %dma_start3A_231 = arith.constant 0 : i32
      %dma_start3A_232 = tpu.memref_slice %arg7[%multiple_of3A, %dma_start3A_231] : memref<160000x128xf32, #tpu.memory_space<hbm>> -> memref<40x128xf32, #tpu.memory_space<hbm>>
      %dma_start3A_233 = arith.constant 0 : i32
      %dma_start3A_234 = tpu.memref_slice %arg7[%multiple_of3A, %dma_start3A_233] : memref<160000x128xf32, #tpu.memory_space<hbm>> -> memref<40x128xf32, #tpu.memory_space<hbm>>
      tpu.enqueue_dma source(%arg16 : memref<40x128xf32, #tpu.memory_space<vmem>>) target(%dma_start3A_234 : memref<40x128xf32, #tpu.memory_space<hbm>>) target_semaphore(%run_scoped3A : memref<!tpu.dma_semaphore, #tpu.memory_space<semaphore_mem>>)
      %dma_wait3A_235 = arith.constant 0 : i32
      %dma_wait3A_236 = tpu.memref_slice %arg7[%multiple_of3A, %dma_wait3A_235] : memref<160000x128xf32, #tpu.memory_space<hbm>> -> memref<40x128xf32, #tpu.memory_space<hbm>>
      %dma_wait3A_237 = arith.constant 0 : i32
      %dma_wait3A_238 = tpu.memref_slice %arg7[%multiple_of3A, %dma_wait3A_237] : memref<160000x128xf32, #tpu.memory_space<hbm>> -> memref<40x128xf32, #tpu.memory_space<hbm>>
      tpu.wait_dma2 semaphore(%run_scoped3A : memref<!tpu.dma_semaphore, #tpu.memory_space<semaphore_mem>>) src(%arg16 : memref<40x128xf32, #tpu.memory_space<vmem>>) dst(%dma_wait3A_238 : memref<40x128xf32, #tpu.memory_space<hbm>>)
      tpu.yield
    }) : () -> ()
    %add3A_107 = arith.constant 4840 : i32
    %add3A_108 = arith.addi %mul3A_2, %add3A_107 : i32
    %multiple_of3A_109 = tpu.assume_multiple %add3A_108, 8 : i32
    %dma_start3A_110 = arith.constant 121 : i32
    %dma_start3A_111 = arith.constant 0 : i32
    %dma_start3A_112 = tpu.memref_slice %arg8[%dma_start3A_110, %dma_start3A_111] : memref<125x40xi32, #tpu.memory_space<vmem>> -> memref<1x40xi32, #tpu.memory_space<vmem>>
    %dma_start3A_113 = tpu.memref_squeeze %dma_start3A_112 : memref<1x40xi32, #tpu.memory_space<vmem>> -> memref<40xi32, #tpu.memory_space<vmem>>
    %dma_start3A_114 = arith.constant 0 : i32
    %dma_start3A_115 = arith.constant 0 : i32
    %dma_start3A_116 = tpu.memref_slice %arg2[%dma_start3A_114, %dma_start3A_115] : memref<10000x128xf32, #tpu.memory_space<hbm>> -> memref<10000x128xf32, #tpu.memory_space<hbm>>
    tpu.enqueue_indirect_dma source(%dma_start3A_116 : memref<10000x128xf32, #tpu.memory_space<hbm>>) target(%arg11 : memref<40x128xf32, #tpu.memory_space<vmem>>) offsets(%dma_start3A_113 : memref<40xi32, #tpu.memory_space<vmem>>) semaphore(%arg22 : memref<!tpu.dma_semaphore, #tpu.memory_space<semaphore_mem>>)
    %dma_start3A_117 = arith.constant 121 : i32
    %dma_start3A_118 = arith.constant 0 : i32
    %dma_start3A_119 = tpu.memref_slice %arg9[%dma_start3A_117, %dma_start3A_118] : memref<125x40xi32, #tpu.memory_space<vmem>> -> memref<1x40xi32, #tpu.memory_space<vmem>>
    %dma_start3A_120 = tpu.memref_squeeze %dma_start3A_119 : memref<1x40xi32, #tpu.memory_space<vmem>> -> memref<40xi32, #tpu.memory_space<vmem>>
    %dma_start3A_121 = arith.constant 0 : i32
    %dma_start3A_122 = arith.constant 0 : i32
    %dma_start3A_123 = tpu.memref_slice %arg3[%dma_start3A_121, %dma_start3A_122] : memref<10000x128xf32, #tpu.memory_space<hbm>> -> memref<10000x128xf32, #tpu.memory_space<hbm>>
    tpu.enqueue_indirect_dma source(%dma_start3A_123 : memref<10000x128xf32, #tpu.memory_space<hbm>>) target(%arg17 : memref<40x128xf32, #tpu.memory_space<vmem>>) offsets(%dma_start3A_120 : memref<40xi32, #tpu.memory_space<vmem>>) semaphore(%arg22 : memref<!tpu.dma_semaphore, #tpu.memory_space<semaphore_mem>>)
    %dma_wait3A_124 = arith.constant 121 : i32
    %dma_wait3A_125 = arith.constant 0 : i32
    %dma_wait3A_126 = tpu.memref_slice %arg8[%dma_wait3A_124, %dma_wait3A_125] : memref<125x40xi32, #tpu.memory_space<vmem>> -> memref<1x40xi32, #tpu.memory_space<vmem>>
    %dma_wait3A_127 = tpu.memref_squeeze %dma_wait3A_126 : memref<1x40xi32, #tpu.memory_space<vmem>> -> memref<40xi32, #tpu.memory_space<vmem>>
    %dma_wait3A_128 = arith.constant 0 : i32
    %dma_wait3A_129 = arith.constant 0 : i32
    %dma_wait3A_130 = tpu.memref_slice %arg2[%dma_wait3A_128, %dma_wait3A_129] : memref<10000x128xf32, #tpu.memory_space<hbm>> -> memref<10000x128xf32, #tpu.memory_space<hbm>>
    tpu.wait_indirect_dma semaphore(%arg22 : memref<!tpu.dma_semaphore, #tpu.memory_space<semaphore_mem>>) src(%dma_wait3A_130 : memref<10000x128xf32, #tpu.memory_space<hbm>>) dst(%arg11 : memref<40x128xf32, #tpu.memory_space<vmem>>)
    %dma_wait3A_131 = arith.constant 121 : i32
    %dma_wait3A_132 = arith.constant 0 : i32
    %dma_wait3A_133 = tpu.memref_slice %arg9[%dma_wait3A_131, %dma_wait3A_132] : memref<125x40xi32, #tpu.memory_space<vmem>> -> memref<1x40xi32, #tpu.memory_space<vmem>>
    %dma_wait3A_134 = tpu.memref_squeeze %dma_wait3A_133 : memref<1x40xi32, #tpu.memory_space<vmem>> -> memref<40xi32, #tpu.memory_space<vmem>>
    %dma_wait3A_135 = arith.constant 0 : i32
    %dma_wait3A_136 = arith.constant 0 : i32
    %dma_wait3A_137 = tpu.memref_slice %arg3[%dma_wait3A_135, %dma_wait3A_136] : memref<10000x128xf32, #tpu.memory_space<hbm>> -> memref<10000x128xf32, #tpu.memory_space<hbm>>
    tpu.wait_indirect_dma semaphore(%arg22 : memref<!tpu.dma_semaphore, #tpu.memory_space<semaphore_mem>>) src(%dma_wait3A_137 : memref<10000x128xf32, #tpu.memory_space<hbm>>) dst(%arg17 : memref<40x128xf32, #tpu.memory_space<vmem>>)
    "tpu.region"() ({
      %run_scoped3A = tpu.sem_alloc : memref<!tpu.dma_semaphore, #tpu.memory_space<semaphore_mem>>
      %dma_start3A_231 = arith.constant 0 : i32
      %dma_start3A_232 = tpu.memref_slice %arg6[%multiple_of3A_109, %dma_start3A_231] : memref<160000x128xf32, #tpu.memory_space<hbm>> -> memref<40x128xf32, #tpu.memory_space<hbm>>
      %dma_start3A_233 = arith.constant 0 : i32
      %dma_start3A_234 = tpu.memref_slice %arg6[%multiple_of3A_109, %dma_start3A_233] : memref<160000x128xf32, #tpu.memory_space<hbm>> -> memref<40x128xf32, #tpu.memory_space<hbm>>
      tpu.enqueue_dma source(%arg11 : memref<40x128xf32, #tpu.memory_space<vmem>>) target(%dma_start3A_234 : memref<40x128xf32, #tpu.memory_space<hbm>>) target_semaphore(%run_scoped3A : memref<!tpu.dma_semaphore, #tpu.memory_space<semaphore_mem>>)
      %dma_wait3A_235 = arith.constant 0 : i32
      %dma_wait3A_236 = tpu.memref_slice %arg6[%multiple_of3A_109, %dma_wait3A_235] : memref<160000x128xf32, #tpu.memory_space<hbm>> -> memref<40x128xf32, #tpu.memory_space<hbm>>
      %dma_wait3A_237 = arith.constant 0 : i32
      %dma_wait3A_238 = tpu.memref_slice %arg6[%multiple_of3A_109, %dma_wait3A_237] : memref<160000x128xf32, #tpu.memory_space<hbm>> -> memref<40x128xf32, #tpu.memory_space<hbm>>
      tpu.wait_dma2 semaphore(%run_scoped3A : memref<!tpu.dma_semaphore, #tpu.memory_space<semaphore_mem>>) src(%arg11 : memref<40x128xf32, #tpu.memory_space<vmem>>) dst(%dma_wait3A_238 : memref<40x128xf32, #tpu.memory_space<hbm>>)
      tpu.yield
    }) : () -> ()
    "tpu.region"() ({
      %run_scoped3A = tpu.sem_alloc : memref<!tpu.dma_semaphore, #tpu.memory_space<semaphore_mem>>
      %dma_start3A_231 = arith.constant 0 : i32
      %dma_start3A_232 = tpu.memref_slice %arg7[%multiple_of3A_109, %dma_start3A_231] : memref<160000x128xf32, #tpu.memory_space<hbm>> -> memref<40x128xf32, #tpu.memory_space<hbm>>
      %dma_start3A_233 = arith.constant 0 : i32
      %dma_start3A_234 = tpu.memref_slice %arg7[%multiple_of3A_109, %dma_start3A_233] : memref<160000x128xf32, #tpu.memory_space<hbm>> -> memref<40x128xf32, #tpu.memory_space<hbm>>
      tpu.enqueue_dma source(%arg17 : memref<40x128xf32, #tpu.memory_space<vmem>>) target(%dma_start3A_234 : memref<40x128xf32, #tpu.memory_space<hbm>>) target_semaphore(%run_scoped3A : memref<!tpu.dma_semaphore, #tpu.memory_space<semaphore_mem>>)
      %dma_wait3A_235 = arith.constant 0 : i32
      %dma_wait3A_236 = tpu.memref_slice %arg7[%multiple_of3A_109, %dma_wait3A_235] : memref<160000x128xf32, #tpu.memory_space<hbm>> -> memref<40x128xf32, #tpu.memory_space<hbm>>
      %dma_wait3A_237 = arith.constant 0 : i32
      %dma_wait3A_238 = tpu.memref_slice %arg7[%multiple_of3A_109, %dma_wait3A_237] : memref<160000x128xf32, #tpu.memory_space<hbm>> -> memref<40x128xf32, #tpu.memory_space<hbm>>
      tpu.wait_dma2 semaphore(%run_scoped3A : memref<!tpu.dma_semaphore, #tpu.memory_space<semaphore_mem>>) src(%arg17 : memref<40x128xf32, #tpu.memory_space<vmem>>) dst(%dma_wait3A_238 : memref<40x128xf32, #tpu.memory_space<hbm>>)
      tpu.yield
    }) : () -> ()
    %add3A_138 = arith.constant 4880 : i32
    %add3A_139 = arith.addi %mul3A_2, %add3A_138 : i32
    %multiple_of3A_140 = tpu.assume_multiple %add3A_139, 8 : i32
    %dma_start3A_141 = arith.constant 122 : i32
    %dma_start3A_142 = arith.constant 0 : i32
    %dma_start3A_143 = tpu.memref_slice %arg8[%dma_start3A_141, %dma_start3A_142] : memref<125x40xi32, #tpu.memory_space<vmem>> -> memref<1x40xi32, #tpu.memory_space<vmem>>
    %dma_start3A_144 = tpu.memref_squeeze %dma_start3A_143 : memref<1x40xi32, #tpu.memory_space<vmem>> -> memref<40xi32, #tpu.memory_space<vmem>>
    %dma_start3A_145 = arith.constant 0 : i32
    %dma_start3A_146 = arith.constant 0 : i32
    %dma_start3A_147 = tpu.memref_slice %arg2[%dma_start3A_145, %dma_start3A_146] : memref<10000x128xf32, #tpu.memory_space<hbm>> -> memref<10000x128xf32, #tpu.memory_space<hbm>>
    tpu.enqueue_indirect_dma source(%dma_start3A_147 : memref<10000x128xf32, #tpu.memory_space<hbm>>) target(%arg12 : memref<40x128xf32, #tpu.memory_space<vmem>>) offsets(%dma_start3A_144 : memref<40xi32, #tpu.memory_space<vmem>>) semaphore(%arg22 : memref<!tpu.dma_semaphore, #tpu.memory_space<semaphore_mem>>)
    %dma_start3A_148 = arith.constant 122 : i32
    %dma_start3A_149 = arith.constant 0 : i32
    %dma_start3A_150 = tpu.memref_slice %arg9[%dma_start3A_148, %dma_start3A_149] : memref<125x40xi32, #tpu.memory_space<vmem>> -> memref<1x40xi32, #tpu.memory_space<vmem>>
    %dma_start3A_151 = tpu.memref_squeeze %dma_start3A_150 : memref<1x40xi32, #tpu.memory_space<vmem>> -> memref<40xi32, #tpu.memory_space<vmem>>
    %dma_start3A_152 = arith.constant 0 : i32
    %dma_start3A_153 = arith.constant 0 : i32
    %dma_start3A_154 = tpu.memref_slice %arg3[%dma_start3A_152, %dma_start3A_153] : memref<10000x128xf32, #tpu.memory_space<hbm>> -> memref<10000x128xf32, #tpu.memory_space<hbm>>
    tpu.enqueue_indirect_dma source(%dma_start3A_154 : memref<10000x128xf32, #tpu.memory_space<hbm>>) target(%arg18 : memref<40x128xf32, #tpu.memory_space<vmem>>) offsets(%dma_start3A_151 : memref<40xi32, #tpu.memory_space<vmem>>) semaphore(%arg22 : memref<!tpu.dma_semaphore, #tpu.memory_space<semaphore_mem>>)
    %dma_wait3A_155 = arith.constant 122 : i32
    %dma_wait3A_156 = arith.constant 0 : i32
    %dma_wait3A_157 = tpu.memref_slice %arg8[%dma_wait3A_155, %dma_wait3A_156] : memref<125x40xi32, #tpu.memory_space<vmem>> -> memref<1x40xi32, #tpu.memory_space<vmem>>
    %dma_wait3A_158 = tpu.memref_squeeze %dma_wait3A_157 : memref<1x40xi32, #tpu.memory_space<vmem>> -> memref<40xi32, #tpu.memory_space<vmem>>
    %dma_wait3A_159 = arith.constant 0 : i32
    %dma_wait3A_160 = arith.constant 0 : i32
    %dma_wait3A_161 = tpu.memref_slice %arg2[%dma_wait3A_159, %dma_wait3A_160] : memref<10000x128xf32, #tpu.memory_space<hbm>> -> memref<10000x128xf32, #tpu.memory_space<hbm>>
    tpu.wait_indirect_dma semaphore(%arg22 : memref<!tpu.dma_semaphore, #tpu.memory_space<semaphore_mem>>) src(%dma_wait3A_161 : memref<10000x128xf32, #tpu.memory_space<hbm>>) dst(%arg12 : memref<40x128xf32, #tpu.memory_space<vmem>>)
    %dma_wait3A_162 = arith.constant 122 : i32
    %dma_wait3A_163 = arith.constant 0 : i32
    %dma_wait3A_164 = tpu.memref_slice %arg9[%dma_wait3A_162, %dma_wait3A_163] : memref<125x40xi32, #tpu.memory_space<vmem>> -> memref<1x40xi32, #tpu.memory_space<vmem>>
    %dma_wait3A_165 = tpu.memref_squeeze %dma_wait3A_164 : memref<1x40xi32, #tpu.memory_space<vmem>> -> memref<40xi32, #tpu.memory_space<vmem>>
    %dma_wait3A_166 = arith.constant 0 : i32
    %dma_wait3A_167 = arith.constant 0 : i32
    %dma_wait3A_168 = tpu.memref_slice %arg3[%dma_wait3A_166, %dma_wait3A_167] : memref<10000x128xf32, #tpu.memory_space<hbm>> -> memref<10000x128xf32, #tpu.memory_space<hbm>>
    tpu.wait_indirect_dma semaphore(%arg22 : memref<!tpu.dma_semaphore, #tpu.memory_space<semaphore_mem>>) src(%dma_wait3A_168 : memref<10000x128xf32, #tpu.memory_space<hbm>>) dst(%arg18 : memref<40x128xf32, #tpu.memory_space<vmem>>)
    "tpu.region"() ({
      %run_scoped3A = tpu.sem_alloc : memref<!tpu.dma_semaphore, #tpu.memory_space<semaphore_mem>>
      %dma_start3A_231 = arith.constant 0 : i32
      %dma_start3A_232 = tpu.memref_slice %arg6[%multiple_of3A_140, %dma_start3A_231] : memref<160000x128xf32, #tpu.memory_space<hbm>> -> memref<40x128xf32, #tpu.memory_space<hbm>>
      %dma_start3A_233 = arith.constant 0 : i32
      %dma_start3A_234 = tpu.memref_slice %arg6[%multiple_of3A_140, %dma_start3A_233] : memref<160000x128xf32, #tpu.memory_space<hbm>> -> memref<40x128xf32, #tpu.memory_space<hbm>>
      tpu.enqueue_dma source(%arg12 : memref<40x128xf32, #tpu.memory_space<vmem>>) target(%dma_start3A_234 : memref<40x128xf32, #tpu.memory_space<hbm>>) target_semaphore(%run_scoped3A : memref<!tpu.dma_semaphore, #tpu.memory_space<semaphore_mem>>)
      %dma_wait3A_235 = arith.constant 0 : i32
      %dma_wait3A_236 = tpu.memref_slice %arg6[%multiple_of3A_140, %dma_wait3A_235] : memref<160000x128xf32, #tpu.memory_space<hbm>> -> memref<40x128xf32, #tpu.memory_space<hbm>>
      %dma_wait3A_237 = arith.constant 0 : i32
      %dma_wait3A_238 = tpu.memref_slice %arg6[%multiple_of3A_140, %dma_wait3A_237] : memref<160000x128xf32, #tpu.memory_space<hbm>> -> memref<40x128xf32, #tpu.memory_space<hbm>>
      tpu.wait_dma2 semaphore(%run_scoped3A : memref<!tpu.dma_semaphore, #tpu.memory_space<semaphore_mem>>) src(%arg12 : memref<40x128xf32, #tpu.memory_space<vmem>>) dst(%dma_wait3A_238 : memref<40x128xf32, #tpu.memory_space<hbm>>)
      tpu.yield
    }) : () -> ()
    "tpu.region"() ({
      %run_scoped3A = tpu.sem_alloc : memref<!tpu.dma_semaphore, #tpu.memory_space<semaphore_mem>>
      %dma_start3A_231 = arith.constant 0 : i32
      %dma_start3A_232 = tpu.memref_slice %arg7[%multiple_of3A_140, %dma_start3A_231] : memref<160000x128xf32, #tpu.memory_space<hbm>> -> memref<40x128xf32, #tpu.memory_space<hbm>>
      %dma_start3A_233 = arith.constant 0 : i32
      %dma_start3A_234 = tpu.memref_slice %arg7[%multiple_of3A_140, %dma_start3A_233] : memref<160000x128xf32, #tpu.memory_space<hbm>> -> memref<40x128xf32, #tpu.memory_space<hbm>>
      tpu.enqueue_dma source(%arg18 : memref<40x128xf32, #tpu.memory_space<vmem>>) target(%dma_start3A_234 : memref<40x128xf32, #tpu.memory_space<hbm>>) target_semaphore(%run_scoped3A : memref<!tpu.dma_semaphore, #tpu.memory_space<semaphore_mem>>)
      %dma_wait3A_235 = arith.constant 0 : i32
      %dma_wait3A_236 = tpu.memref_slice %arg7[%multiple_of3A_140, %dma_wait3A_235] : memref<160000x128xf32, #tpu.memory_space<hbm>> -> memref<40x128xf32, #tpu.memory_space<hbm>>
      %dma_wait3A_237 = arith.constant 0 : i32
      %dma_wait3A_238 = tpu.memref_slice %arg7[%multiple_of3A_140, %dma_wait3A_237] : memref<160000x128xf32, #tpu.memory_space<hbm>> -> memref<40x128xf32, #tpu.memory_space<hbm>>
      tpu.wait_dma2 semaphore(%run_scoped3A : memref<!tpu.dma_semaphore, #tpu.memory_space<semaphore_mem>>) src(%arg18 : memref<40x128xf32, #tpu.memory_space<vmem>>) dst(%dma_wait3A_238 : memref<40x128xf32, #tpu.memory_space<hbm>>)
      tpu.yield
    }) : () -> ()
    %add3A_169 = arith.constant 4920 : i32
    %add3A_170 = arith.addi %mul3A_2, %add3A_169 : i32
    %multiple_of3A_171 = tpu.assume_multiple %add3A_170, 8 : i32
    %dma_start3A_172 = arith.constant 123 : i32
    %dma_start3A_173 = arith.constant 0 : i32
    %dma_start3A_174 = tpu.memref_slice %arg8[%dma_start3A_172, %dma_start3A_173] : memref<125x40xi32, #tpu.memory_space<vmem>> -> memref<1x40xi32, #tpu.memory_space<vmem>>
    %dma_start3A_175 = tpu.memref_squeeze %dma_start3A_174 : memref<1x40xi32, #tpu.memory_space<vmem>> -> memref<40xi32, #tpu.memory_space<vmem>>
    %dma_start3A_176 = arith.constant 0 : i32
    %dma_start3A_177 = arith.constant 0 : i32
    %dma_start3A_178 = tpu.memref_slice %arg2[%dma_start3A_176, %dma_start3A_177] : memref<10000x128xf32, #tpu.memory_space<hbm>> -> memref<10000x128xf32, #tpu.memory_space<hbm>>
    tpu.enqueue_indirect_dma source(%dma_start3A_178 : memref<10000x128xf32, #tpu.memory_space<hbm>>) target(%arg13 : memref<40x128xf32, #tpu.memory_space<vmem>>) offsets(%dma_start3A_175 : memref<40xi32, #tpu.memory_space<vmem>>) semaphore(%arg22 : memref<!tpu.dma_semaphore, #tpu.memory_space<semaphore_mem>>)
    %dma_start3A_179 = arith.constant 123 : i32
    %dma_start3A_180 = arith.constant 0 : i32
    %dma_start3A_181 = tpu.memref_slice %arg9[%dma_start3A_179, %dma_start3A_180] : memref<125x40xi32, #tpu.memory_space<vmem>> -> memref<1x40xi32, #tpu.memory_space<vmem>>
    %dma_start3A_182 = tpu.memref_squeeze %dma_start3A_181 : memref<1x40xi32, #tpu.memory_space<vmem>> -> memref<40xi32, #tpu.memory_space<vmem>>
    %dma_start3A_183 = arith.constant 0 : i32
    %dma_start3A_184 = arith.constant 0 : i32
    %dma_start3A_185 = tpu.memref_slice %arg3[%dma_start3A_183, %dma_start3A_184] : memref<10000x128xf32, #tpu.memory_space<hbm>> -> memref<10000x128xf32, #tpu.memory_space<hbm>>
    tpu.enqueue_indirect_dma source(%dma_start3A_185 : memref<10000x128xf32, #tpu.memory_space<hbm>>) target(%arg19 : memref<40x128xf32, #tpu.memory_space<vmem>>) offsets(%dma_start3A_182 : memref<40xi32, #tpu.memory_space<vmem>>) semaphore(%arg22 : memref<!tpu.dma_semaphore, #tpu.memory_space<semaphore_mem>>)
    %dma_wait3A_186 = arith.constant 123 : i32
    %dma_wait3A_187 = arith.constant 0 : i32
    %dma_wait3A_188 = tpu.memref_slice %arg8[%dma_wait3A_186, %dma_wait3A_187] : memref<125x40xi32, #tpu.memory_space<vmem>> -> memref<1x40xi32, #tpu.memory_space<vmem>>
    %dma_wait3A_189 = tpu.memref_squeeze %dma_wait3A_188 : memref<1x40xi32, #tpu.memory_space<vmem>> -> memref<40xi32, #tpu.memory_space<vmem>>
    %dma_wait3A_190 = arith.constant 0 : i32
    %dma_wait3A_191 = arith.constant 0 : i32
    %dma_wait3A_192 = tpu.memref_slice %arg2[%dma_wait3A_190, %dma_wait3A_191] : memref<10000x128xf32, #tpu.memory_space<hbm>> -> memref<10000x128xf32, #tpu.memory_space<hbm>>
    tpu.wait_indirect_dma semaphore(%arg22 : memref<!tpu.dma_semaphore, #tpu.memory_space<semaphore_mem>>) src(%dma_wait3A_192 : memref<10000x128xf32, #tpu.memory_space<hbm>>) dst(%arg13 : memref<40x128xf32, #tpu.memory_space<vmem>>)
    %dma_wait3A_193 = arith.constant 123 : i32
    %dma_wait3A_194 = arith.constant 0 : i32
    %dma_wait3A_195 = tpu.memref_slice %arg9[%dma_wait3A_193, %dma_wait3A_194] : memref<125x40xi32, #tpu.memory_space<vmem>> -> memref<1x40xi32, #tpu.memory_space<vmem>>
    %dma_wait3A_196 = tpu.memref_squeeze %dma_wait3A_195 : memref<1x40xi32, #tpu.memory_space<vmem>> -> memref<40xi32, #tpu.memory_space<vmem>>
    %dma_wait3A_197 = arith.constant 0 : i32
    %dma_wait3A_198 = arith.constant 0 : i32
    %dma_wait3A_199 = tpu.memref_slice %arg3[%dma_wait3A_197, %dma_wait3A_198] : memref<10000x128xf32, #tpu.memory_space<hbm>> -> memref<10000x128xf32, #tpu.memory_space<hbm>>
    tpu.wait_indirect_dma semaphore(%arg22 : memref<!tpu.dma_semaphore, #tpu.memory_space<semaphore_mem>>) src(%dma_wait3A_199 : memref<10000x128xf32, #tpu.memory_space<hbm>>) dst(%arg19 : memref<40x128xf32, #tpu.memory_space<vmem>>)
    "tpu.region"() ({
      %run_scoped3A = tpu.sem_alloc : memref<!tpu.dma_semaphore, #tpu.memory_space<semaphore_mem>>
      %dma_start3A_231 = arith.constant 0 : i32
      %dma_start3A_232 = tpu.memref_slice %arg6[%multiple_of3A_171, %dma_start3A_231] : memref<160000x128xf32, #tpu.memory_space<hbm>> -> memref<40x128xf32, #tpu.memory_space<hbm>>
      %dma_start3A_233 = arith.constant 0 : i32
      %dma_start3A_234 = tpu.memref_slice %arg6[%multiple_of3A_171, %dma_start3A_233] : memref<160000x128xf32, #tpu.memory_space<hbm>> -> memref<40x128xf32, #tpu.memory_space<hbm>>
      tpu.enqueue_dma source(%arg13 : memref<40x128xf32, #tpu.memory_space<vmem>>) target(%dma_start3A_234 : memref<40x128xf32, #tpu.memory_space<hbm>>) target_semaphore(%run_scoped3A : memref<!tpu.dma_semaphore, #tpu.memory_space<semaphore_mem>>)
      %dma_wait3A_235 = arith.constant 0 : i32
      %dma_wait3A_236 = tpu.memref_slice %arg6[%multiple_of3A_171, %dma_wait3A_235] : memref<160000x128xf32, #tpu.memory_space<hbm>> -> memref<40x128xf32, #tpu.memory_space<hbm>>
      %dma_wait3A_237 = arith.constant 0 : i32
      %dma_wait3A_238 = tpu.memref_slice %arg6[%multiple_of3A_171, %dma_wait3A_237] : memref<160000x128xf32, #tpu.memory_space<hbm>> -> memref<40x128xf32, #tpu.memory_space<hbm>>
      tpu.wait_dma2 semaphore(%run_scoped3A : memref<!tpu.dma_semaphore, #tpu.memory_space<semaphore_mem>>) src(%arg13 : memref<40x128xf32, #tpu.memory_space<vmem>>) dst(%dma_wait3A_238 : memref<40x128xf32, #tpu.memory_space<hbm>>)
      tpu.yield
    }) : () -> ()
    "tpu.region"() ({
      %run_scoped3A = tpu.sem_alloc : memref<!tpu.dma_semaphore, #tpu.memory_space<semaphore_mem>>
      %dma_start3A_231 = arith.constant 0 : i32
      %dma_start3A_232 = tpu.memref_slice %arg7[%multiple_of3A_171, %dma_start3A_231] : memref<160000x128xf32, #tpu.memory_space<hbm>> -> memref<40x128xf32, #tpu.memory_space<hbm>>
      %dma_start3A_233 = arith.constant 0 : i32
      %dma_start3A_234 = tpu.memref_slice %arg7[%multiple_of3A_171, %dma_start3A_233] : memref<160000x128xf32, #tpu.memory_space<hbm>> -> memref<40x128xf32, #tpu.memory_space<hbm>>
      tpu.enqueue_dma source(%arg19 : memref<40x128xf32, #tpu.memory_space<vmem>>) target(%dma_start3A_234 : memref<40x128xf32, #tpu.memory_space<hbm>>) target_semaphore(%run_scoped3A : memref<!tpu.dma_semaphore, #tpu.memory_space<semaphore_mem>>)
      %dma_wait3A_235 = arith.constant 0 : i32
      %dma_wait3A_236 = tpu.memref_slice %arg7[%multiple_of3A_171, %dma_wait3A_235] : memref<160000x128xf32, #tpu.memory_space<hbm>> -> memref<40x128xf32, #tpu.memory_space<hbm>>
      %dma_wait3A_237 = arith.constant 0 : i32
      %dma_wait3A_238 = tpu.memref_slice %arg7[%multiple_of3A_171, %dma_wait3A_237] : memref<160000x128xf32, #tpu.memory_space<hbm>> -> memref<40x128xf32, #tpu.memory_space<hbm>>
      tpu.wait_dma2 semaphore(%run_scoped3A : memref<!tpu.dma_semaphore, #tpu.memory_space<semaphore_mem>>) src(%arg19 : memref<40x128xf32, #tpu.memory_space<vmem>>) dst(%dma_wait3A_238 : memref<40x128xf32, #tpu.memory_space<hbm>>)
      tpu.yield
    }) : () -> ()
    %add3A_200 = arith.constant 4960 : i32
    %add3A_201 = arith.addi %mul3A_2, %add3A_200 : i32
    %multiple_of3A_202 = tpu.assume_multiple %add3A_201, 8 : i32
    %dma_start3A_203 = arith.constant 124 : i32
    %dma_start3A_204 = arith.constant 0 : i32
    %dma_start3A_205 = tpu.memref_slice %arg8[%dma_start3A_203, %dma_start3A_204] : memref<125x40xi32, #tpu.memory_space<vmem>> -> memref<1x40xi32, #tpu.memory_space<vmem>>
    %dma_start3A_206 = tpu.memref_squeeze %dma_start3A_205 : memref<1x40xi32, #tpu.memory_space<vmem>> -> memref<40xi32, #tpu.memory_space<vmem>>
    %dma_start3A_207 = arith.constant 0 : i32
    %dma_start3A_208 = arith.constant 0 : i32
    %dma_start3A_209 = tpu.memref_slice %arg2[%dma_start3A_207, %dma_start3A_208] : memref<10000x128xf32, #tpu.memory_space<hbm>> -> memref<10000x128xf32, #tpu.memory_space<hbm>>
    tpu.enqueue_indirect_dma source(%dma_start3A_209 : memref<10000x128xf32, #tpu.memory_space<hbm>>) target(%arg14 : memref<40x128xf32, #tpu.memory_space<vmem>>) offsets(%dma_start3A_206 : memref<40xi32, #tpu.memory_space<vmem>>) semaphore(%arg22 : memref<!tpu.dma_semaphore, #tpu.memory_space<semaphore_mem>>)
    %dma_start3A_210 = arith.constant 124 : i32
    %dma_start3A_211 = arith.constant 0 : i32
    %dma_start3A_212 = tpu.memref_slice %arg9[%dma_start3A_210, %dma_start3A_211] : memref<125x40xi32, #tpu.memory_space<vmem>> -> memref<1x40xi32, #tpu.memory_space<vmem>>
    %dma_start3A_213 = tpu.memref_squeeze %dma_start3A_212 : memref<1x40xi32, #tpu.memory_space<vmem>> -> memref<40xi32, #tpu.memory_space<vmem>>
    %dma_start3A_214 = arith.constant 0 : i32
    %dma_start3A_215 = arith.constant 0 : i32
    %dma_start3A_216 = tpu.memref_slice %arg3[%dma_start3A_214, %dma_start3A_215] : memref<10000x128xf32, #tpu.memory_space<hbm>> -> memref<10000x128xf32, #tpu.memory_space<hbm>>
    tpu.enqueue_indirect_dma source(%dma_start3A_216 : memref<10000x128xf32, #tpu.memory_space<hbm>>) target(%arg20 : memref<40x128xf32, #tpu.memory_space<vmem>>) offsets(%dma_start3A_213 : memref<40xi32, #tpu.memory_space<vmem>>) semaphore(%arg22 : memref<!tpu.dma_semaphore, #tpu.memory_space<semaphore_mem>>)
    %dma_wait3A_217 = arith.constant 124 : i32
    %dma_wait3A_218 = arith.constant 0 : i32
    %dma_wait3A_219 = tpu.memref_slice %arg8[%dma_wait3A_217, %dma_wait3A_218] : memref<125x40xi32, #tpu.memory_space<vmem>> -> memref<1x40xi32, #tpu.memory_space<vmem>>
    %dma_wait3A_220 = tpu.memref_squeeze %dma_wait3A_219 : memref<1x40xi32, #tpu.memory_space<vmem>> -> memref<40xi32, #tpu.memory_space<vmem>>
    %dma_wait3A_221 = arith.constant 0 : i32
    %dma_wait3A_222 = arith.constant 0 : i32
    %dma_wait3A_223 = tpu.memref_slice %arg2[%dma_wait3A_221, %dma_wait3A_222] : memref<10000x128xf32, #tpu.memory_space<hbm>> -> memref<10000x128xf32, #tpu.memory_space<hbm>>
    tpu.wait_indirect_dma semaphore(%arg22 : memref<!tpu.dma_semaphore, #tpu.memory_space<semaphore_mem>>) src(%dma_wait3A_223 : memref<10000x128xf32, #tpu.memory_space<hbm>>) dst(%arg14 : memref<40x128xf32, #tpu.memory_space<vmem>>)
    %dma_wait3A_224 = arith.constant 124 : i32
    %dma_wait3A_225 = arith.constant 0 : i32
    %dma_wait3A_226 = tpu.memref_slice %arg9[%dma_wait3A_224, %dma_wait3A_225] : memref<125x40xi32, #tpu.memory_space<vmem>> -> memref<1x40xi32, #tpu.memory_space<vmem>>
    %dma_wait3A_227 = tpu.memref_squeeze %dma_wait3A_226 : memref<1x40xi32, #tpu.memory_space<vmem>> -> memref<40xi32, #tpu.memory_space<vmem>>
    %dma_wait3A_228 = arith.constant 0 : i32
    %dma_wait3A_229 = arith.constant 0 : i32
    %dma_wait3A_230 = tpu.memref_slice %arg3[%dma_wait3A_228, %dma_wait3A_229] : memref<10000x128xf32, #tpu.memory_space<hbm>> -> memref<10000x128xf32, #tpu.memory_space<hbm>>
    tpu.wait_indirect_dma semaphore(%arg22 : memref<!tpu.dma_semaphore, #tpu.memory_space<semaphore_mem>>) src(%dma_wait3A_230 : memref<10000x128xf32, #tpu.memory_space<hbm>>) dst(%arg20 : memref<40x128xf32, #tpu.memory_space<vmem>>)
    "tpu.region"() ({
      %run_scoped3A = tpu.sem_alloc : memref<!tpu.dma_semaphore, #tpu.memory_space<semaphore_mem>>
      %dma_start3A_231 = arith.constant 0 : i32
      %dma_start3A_232 = tpu.memref_slice %arg6[%multiple_of3A_202, %dma_start3A_231] : memref<160000x128xf32, #tpu.memory_space<hbm>> -> memref<40x128xf32, #tpu.memory_space<hbm>>
      %dma_start3A_233 = arith.constant 0 : i32
      %dma_start3A_234 = tpu.memref_slice %arg6[%multiple_of3A_202, %dma_start3A_233] : memref<160000x128xf32, #tpu.memory_space<hbm>> -> memref<40x128xf32, #tpu.memory_space<hbm>>
      tpu.enqueue_dma source(%arg14 : memref<40x128xf32, #tpu.memory_space<vmem>>) target(%dma_start3A_234 : memref<40x128xf32, #tpu.memory_space<hbm>>) target_semaphore(%run_scoped3A : memref<!tpu.dma_semaphore, #tpu.memory_space<semaphore_mem>>)
      %dma_wait3A_235 = arith.constant 0 : i32
      %dma_wait3A_236 = tpu.memref_slice %arg6[%multiple_of3A_202, %dma_wait3A_235] : memref<160000x128xf32, #tpu.memory_space<hbm>> -> memref<40x128xf32, #tpu.memory_space<hbm>>
      %dma_wait3A_237 = arith.constant 0 : i32
      %dma_wait3A_238 = tpu.memref_slice %arg6[%multiple_of3A_202, %dma_wait3A_237] : memref<160000x128xf32, #tpu.memory_space<hbm>> -> memref<40x128xf32, #tpu.memory_space<hbm>>
      tpu.wait_dma2 semaphore(%run_scoped3A : memref<!tpu.dma_semaphore, #tpu.memory_space<semaphore_mem>>) src(%arg14 : memref<40x128xf32, #tpu.memory_space<vmem>>) dst(%dma_wait3A_238 : memref<40x128xf32, #tpu.memory_space<hbm>>)
      tpu.yield
    }) : () -> ()
    "tpu.region"() ({
      %run_scoped3A = tpu.sem_alloc : memref<!tpu.dma_semaphore, #tpu.memory_space<semaphore_mem>>
      %dma_start3A_231 = arith.constant 0 : i32
      %dma_start3A_232 = tpu.memref_slice %arg7[%multiple_of3A_202, %dma_start3A_231] : memref<160000x128xf32, #tpu.memory_space<hbm>> -> memref<40x128xf32, #tpu.memory_space<hbm>>
      %dma_start3A_233 = arith.constant 0 : i32
      %dma_start3A_234 = tpu.memref_slice %arg7[%multiple_of3A_202, %dma_start3A_233] : memref<160000x128xf32, #tpu.memory_space<hbm>> -> memref<40x128xf32, #tpu.memory_space<hbm>>
      tpu.enqueue_dma source(%arg20 : memref<40x128xf32, #tpu.memory_space<vmem>>) target(%dma_start3A_234 : memref<40x128xf32, #tpu.memory_space<hbm>>) target_semaphore(%run_scoped3A : memref<!tpu.dma_semaphore, #tpu.memory_space<semaphore_mem>>)
      %dma_wait3A_235 = arith.constant 0 : i32
      %dma_wait3A_236 = tpu.memref_slice %arg7[%multiple_of3A_202, %dma_wait3A_235] : memref<160000x128xf32, #tpu.memory_space<hbm>> -> memref<40x128xf32, #tpu.memory_space<hbm>>
      %dma_wait3A_237 = arith.constant 0 : i32
      %dma_wait3A_238 = tpu.memref_slice %arg7[%multiple_of3A_202, %dma_wait3A_237] : memref<160000x128xf32, #tpu.memory_space<hbm>> -> memref<40x128xf32, #tpu.memory_space<hbm>>
      tpu.wait_dma2 semaphore(%run_scoped3A : memref<!tpu.dma_semaphore, #tpu.memory_space<semaphore_mem>>) src(%arg20 : memref<40x128xf32, #tpu.memory_space<vmem>>) dst(%dma_wait3A_238 : memref<40x128xf32, #tpu.memory_space<hbm>>)
      tpu.yield
    }) : () -> ()
    return
  }
}

#map = affine_map<(d0, d1) -> (0, 0)>
#map1 = affine_map<(d0, d1) -> (0, 0, 0)>
module attributes {stable_mosaic.version = 14 : i64} {
  func.func @_scatter_kernel(%arg0: i32, %arg1: i32, %arg2: memref<160000x128xf32, #tpu.memory_space<hbm>>, %arg3: memref<32x125x40xi32, #tpu.memory_space<hbm>>, %arg4: memref<640x128xf32, #tpu.memory_space<hbm>>, %arg5: memref<2x10240x128xf32, #tpu.memory_space<hbm>>, %arg6: memref<125x40xi32, #tpu.memory_space<vmem>>, %arg7: memref<40x128xf32, #tpu.memory_space<vmem>>, %arg8: memref<40x128xf32, #tpu.memory_space<vmem>>, %arg9: memref<40x128xf32, #tpu.memory_space<vmem>>, %arg10: memref<40x128xf32, #tpu.memory_space<vmem>>, %arg11: memref<10240x128xf32, #tpu.memory_space<vmem_shared>>, %arg12: memref<!tpu.dma_semaphore, #tpu.memory_space<semaphore_mem>>, %arg13: memref<!tpu.dma_semaphore, #tpu.memory_space<semaphore_mem>>, %arg14: memref<!tpu.dma_semaphore, #tpu.memory_space<semaphore_mem>>) attributes {dimension_semantics = [#tpu.dimension_semantics<core_parallel>, #tpu.dimension_semantics<subcore_parallel>], iteration_bounds = array<i64: 2, 16>, scalar_prefetch = 0 : i64, scratch_operands = 9 : i64, tpu.core_type = #tpu.core_type<sc_vector_subcore>, window_params = [{transform_indices = #map}, {transform_indices = #map1}, {transform_indices = #map}, {transform_indices = #map1}]} {
    %mul3A = arith.constant 2 : i32
    %mul3A_0 = arith.muli %arg1, %mul3A : i32
    %add3A = arith.addi %mul3A_0, %arg0 : i32
    %mul3A_1 = arith.constant 5000 : i32
    %mul3A_2 = arith.muli %add3A, %mul3A_1 : i32
    %mul3A_3 = arith.constant 640 : i32
    %mul3A_4 = arith.muli %arg1, %mul3A_3 : i32
    %multiple_of3A = tpu.assume_multiple %mul3A_4, 8 : i32
    "tpu.region"() ({
      %run_scoped3A_40 = tpu.sem_alloc : memref<!tpu.dma_semaphore, #tpu.memory_space<semaphore_mem>>
      %dma_start3A = arith.constant 0 : i32
      %dma_start3A_41 = arith.constant 0 : i32
      %dma_start3A_42 = tpu.memref_slice %arg3[%add3A, %dma_start3A, %dma_start3A_41] : memref<32x125x40xi32, #tpu.memory_space<hbm>> -> memref<1x125x40xi32, #tpu.memory_space<hbm>>
      %dma_start3A_43 = tpu.memref_squeeze %dma_start3A_42 : memref<1x125x40xi32, #tpu.memory_space<hbm>> -> memref<125x40xi32, #tpu.memory_space<hbm>>
      %dma_start3A_44 = arith.constant 0 : i32
      %dma_start3A_45 = arith.constant 0 : i32
      %dma_start3A_46 = tpu.memref_slice %arg3[%add3A, %dma_start3A_44, %dma_start3A_45] : memref<32x125x40xi32, #tpu.memory_space<hbm>> -> memref<1x125x40xi32, #tpu.memory_space<hbm>>
      %dma_start3A_47 = tpu.memref_squeeze %dma_start3A_46 : memref<1x125x40xi32, #tpu.memory_space<hbm>> -> memref<125x40xi32, #tpu.memory_space<hbm>>
      tpu.enqueue_dma source(%dma_start3A_47 : memref<125x40xi32, #tpu.memory_space<hbm>>) target(%arg6 : memref<125x40xi32, #tpu.memory_space<vmem>>) target_semaphore(%run_scoped3A_40 : memref<!tpu.dma_semaphore, #tpu.memory_space<semaphore_mem>>)
      %dma_wait3A_48 = arith.constant 0 : i32
      %dma_wait3A_49 = arith.constant 0 : i32
      %dma_wait3A_50 = tpu.memref_slice %arg3[%add3A, %dma_wait3A_48, %dma_wait3A_49] : memref<32x125x40xi32, #tpu.memory_space<hbm>> -> memref<1x125x40xi32, #tpu.memory_space<hbm>>
      %dma_wait3A_51 = tpu.memref_squeeze %dma_wait3A_50 : memref<1x125x40xi32, #tpu.memory_space<hbm>> -> memref<125x40xi32, #tpu.memory_space<hbm>>
      %dma_wait3A_52 = arith.constant 0 : i32
      %dma_wait3A_53 = arith.constant 0 : i32
      %dma_wait3A_54 = tpu.memref_slice %arg3[%add3A, %dma_wait3A_52, %dma_wait3A_53] : memref<32x125x40xi32, #tpu.memory_space<hbm>> -> memref<1x125x40xi32, #tpu.memory_space<hbm>>
      %dma_wait3A_55 = tpu.memref_squeeze %dma_wait3A_54 : memref<1x125x40xi32, #tpu.memory_space<hbm>> -> memref<125x40xi32, #tpu.memory_space<hbm>>
      tpu.wait_dma2 semaphore(%run_scoped3A_40 : memref<!tpu.dma_semaphore, #tpu.memory_space<semaphore_mem>>) src(%dma_wait3A_55 : memref<125x40xi32, #tpu.memory_space<hbm>>) dst(%arg6 : memref<125x40xi32, #tpu.memory_space<vmem>>)
      tpu.yield
    }) : () -> ()
    "tpu.region"() ({
      %run_scoped3A_40 = tpu.sem_alloc : memref<!tpu.dma_semaphore, #tpu.memory_space<semaphore_mem>>
      %dma_start3A = arith.constant 0 : i32
      %dma_start3A_41 = tpu.memref_slice %arg11[%multiple_of3A, %dma_start3A] : memref<10240x128xf32, #tpu.memory_space<vmem_shared>> -> memref<640x128xf32, #tpu.memory_space<vmem_shared>>
      tpu.enqueue_dma source(%arg4 : memref<640x128xf32, #tpu.memory_space<hbm>>) target(%dma_start3A_41 : memref<640x128xf32, #tpu.memory_space<vmem_shared>>) target_semaphore(%run_scoped3A_40 : memref<!tpu.dma_semaphore, #tpu.memory_space<semaphore_mem>>)
      %dma_wait3A_42 = arith.constant 0 : i32
      %dma_wait3A_43 = tpu.memref_slice %arg11[%multiple_of3A, %dma_wait3A_42] : memref<10240x128xf32, #tpu.memory_space<vmem_shared>> -> memref<640x128xf32, #tpu.memory_space<vmem_shared>>
      tpu.wait_dma2 semaphore(%run_scoped3A_40 : memref<!tpu.dma_semaphore, #tpu.memory_space<semaphore_mem>>) src(%arg4 : memref<640x128xf32, #tpu.memory_space<hbm>>) dst(%dma_wait3A_43 : memref<640x128xf32, #tpu.memory_space<vmem_shared>>)
      tpu.yield
    }) : () -> ()
    %barrier3A = arith.constant 0 : index
    tpu.barrier barrier_id(%barrier3A)
    %scan3A = arith.constant 0 : i32
    %scan3A_5 = arith.constant 31 : i32
    %scan3A_6 = arith.addi %scan3A, %scan3A_5 : i32
    %scan3A_7 = arith.constant 1 : i32
    scf.for %scan3A_40 = %scan3A to %scan3A_6 step %scan3A_7  : i32 {
      %mul3A_41 = arith.constant 1 : i32
      %mul3A_42 = arith.muli %scan3A_40, %mul3A_41 : i32
      %add3A_43 = arith.constant 0 : i32
      %add3A_44 = arith.addi %add3A_43, %mul3A_42 : i32
      %mul3A_45 = arith.constant 4 : i32
      %mul3A_46 = arith.muli %mul3A_45, %add3A_44 : i32
      %gt3A = arith.constant 0 : i32
      %gt3A_47 = arith.cmpi sgt, %add3A_44, %gt3A : i32
      %convert_element_type3A = arith.extui %gt3A_47 : i1 to i32
      %cond3A = arith.constant 0 : i32
      %cond3A_48 = arith.cmpi ne, %convert_element_type3A, %cond3A : i32
      scf.if %cond3A_48 {
        %dma_wait3A_153 = arith.constant 0 : i32
        %dma_wait3A_154 = arith.constant 0 : i32
        %dma_wait3A_155 = tpu.memref_slice %arg6[%dma_wait3A_153, %dma_wait3A_154] : memref<125x40xi32, #tpu.memory_space<vmem>> -> memref<1x40xi32, #tpu.memory_space<vmem>>
        %dma_wait3A_156 = tpu.memref_squeeze %dma_wait3A_155 : memref<1x40xi32, #tpu.memory_space<vmem>> -> memref<40xi32, #tpu.memory_space<vmem>>
        %dma_wait3A_157 = arith.constant 0 : i32
        %dma_wait3A_158 = arith.constant 0 : i32
        %dma_wait3A_159 = tpu.memref_slice %arg11[%dma_wait3A_157, %dma_wait3A_158] : memref<10240x128xf32, #tpu.memory_space<vmem_shared>> -> memref<10240x128xf32, #tpu.memory_space<vmem_shared>>
        tpu.wait_indirect_dma semaphore(%arg13 : memref<!tpu.dma_semaphore, #tpu.memory_space<semaphore_mem>>) src(%arg7 : memref<40x128xf32, #tpu.memory_space<vmem>>) dst(%dma_wait3A_159 : memref<10240x128xf32, #tpu.memory_space<vmem_shared>>)
        %dma_wait3A_160 = arith.constant 0 : i32
        %dma_wait3A_161 = arith.constant 0 : i32
        %dma_wait3A_162 = tpu.memref_slice %arg6[%dma_wait3A_160, %dma_wait3A_161] : memref<125x40xi32, #tpu.memory_space<vmem>> -> memref<1x40xi32, #tpu.memory_space<vmem>>
        %dma_wait3A_163 = tpu.memref_squeeze %dma_wait3A_162 : memref<1x40xi32, #tpu.memory_space<vmem>> -> memref<40xi32, #tpu.memory_space<vmem>>
        %dma_wait3A_164 = arith.constant 0 : i32
        %dma_wait3A_165 = arith.constant 0 : i32
        %dma_wait3A_166 = tpu.memref_slice %arg11[%dma_wait3A_164, %dma_wait3A_165] : memref<10240x128xf32, #tpu.memory_space<vmem_shared>> -> memref<10240x128xf32, #tpu.memory_space<vmem_shared>>
        tpu.wait_indirect_dma semaphore(%arg13 : memref<!tpu.dma_semaphore, #tpu.memory_space<semaphore_mem>>) src(%arg8 : memref<40x128xf32, #tpu.memory_space<vmem>>) dst(%dma_wait3A_166 : memref<10240x128xf32, #tpu.memory_space<vmem_shared>>)
      } else {
      }
      %add3A_49 = arith.constant 0 : i32
      %add3A_50 = arith.addi %mul3A_46, %add3A_49 : i32
      %mul3A_51 = arith.constant 40 : i32
      %mul3A_52 = arith.muli %add3A_50, %mul3A_51 : i32
      %add3A_53 = arith.addi %mul3A_2, %mul3A_52 : i32
      %multiple_of3A_54 = tpu.assume_multiple %add3A_53, 8 : i32
      %dma_start3A = arith.constant 0 : i32
      %dma_start3A_55 = tpu.memref_slice %arg2[%multiple_of3A_54, %dma_start3A] : memref<160000x128xf32, #tpu.memory_space<hbm>> -> memref<40x128xf32, #tpu.memory_space<hbm>>
      %dma_start3A_56 = arith.constant 0 : i32
      %dma_start3A_57 = tpu.memref_slice %arg2[%multiple_of3A_54, %dma_start3A_56] : memref<160000x128xf32, #tpu.memory_space<hbm>> -> memref<40x128xf32, #tpu.memory_space<hbm>>
      tpu.enqueue_dma source(%dma_start3A_57 : memref<40x128xf32, #tpu.memory_space<hbm>>) target(%arg7 : memref<40x128xf32, #tpu.memory_space<vmem>>) target_semaphore(%arg12 : memref<!tpu.dma_semaphore, #tpu.memory_space<semaphore_mem>>)
      %add3A_58 = arith.constant 1 : i32
      %add3A_59 = arith.addi %mul3A_46, %add3A_58 : i32
      %mul3A_60 = arith.constant 40 : i32
      %mul3A_61 = arith.muli %add3A_59, %mul3A_60 : i32
      %add3A_62 = arith.addi %mul3A_2, %mul3A_61 : i32
      %multiple_of3A_63 = tpu.assume_multiple %add3A_62, 8 : i32
      %dma_start3A_64 = arith.constant 0 : i32
      %dma_start3A_65 = tpu.memref_slice %arg2[%multiple_of3A_63, %dma_start3A_64] : memref<160000x128xf32, #tpu.memory_space<hbm>> -> memref<40x128xf32, #tpu.memory_space<hbm>>
      %dma_start3A_66 = arith.constant 0 : i32
      %dma_start3A_67 = tpu.memref_slice %arg2[%multiple_of3A_63, %dma_start3A_66] : memref<160000x128xf32, #tpu.memory_space<hbm>> -> memref<40x128xf32, #tpu.memory_space<hbm>>
      tpu.enqueue_dma source(%dma_start3A_67 : memref<40x128xf32, #tpu.memory_space<hbm>>) target(%arg8 : memref<40x128xf32, #tpu.memory_space<vmem>>) target_semaphore(%arg12 : memref<!tpu.dma_semaphore, #tpu.memory_space<semaphore_mem>>)
      %dma_wait3A_68 = arith.constant 0 : i32
      %dma_wait3A_69 = arith.constant 0 : i32
      %dma_wait3A_70 = tpu.memref_slice %arg2[%dma_wait3A_68, %dma_wait3A_69] : memref<160000x128xf32, #tpu.memory_space<hbm>> -> memref<40x128xf32, #tpu.memory_space<hbm>>
      %dma_wait3A_71 = arith.constant 0 : i32
      %dma_wait3A_72 = arith.constant 0 : i32
      %dma_wait3A_73 = tpu.memref_slice %arg2[%dma_wait3A_71, %dma_wait3A_72] : memref<160000x128xf32, #tpu.memory_space<hbm>> -> memref<40x128xf32, #tpu.memory_space<hbm>>
      tpu.wait_dma2 semaphore(%arg12 : memref<!tpu.dma_semaphore, #tpu.memory_space<semaphore_mem>>) src(%dma_wait3A_73 : memref<40x128xf32, #tpu.memory_space<hbm>>) dst(%arg7 : memref<40x128xf32, #tpu.memory_space<vmem>>)
      %dma_wait3A_74 = arith.constant 0 : i32
      %dma_wait3A_75 = arith.constant 0 : i32
      %dma_wait3A_76 = tpu.memref_slice %arg2[%dma_wait3A_74, %dma_wait3A_75] : memref<160000x128xf32, #tpu.memory_space<hbm>> -> memref<40x128xf32, #tpu.memory_space<hbm>>
      %dma_wait3A_77 = arith.constant 0 : i32
      %dma_wait3A_78 = arith.constant 0 : i32
      %dma_wait3A_79 = tpu.memref_slice %arg2[%dma_wait3A_77, %dma_wait3A_78] : memref<160000x128xf32, #tpu.memory_space<hbm>> -> memref<40x128xf32, #tpu.memory_space<hbm>>
      tpu.wait_dma2 semaphore(%arg12 : memref<!tpu.dma_semaphore, #tpu.memory_space<semaphore_mem>>) src(%dma_wait3A_79 : memref<40x128xf32, #tpu.memory_space<hbm>>) dst(%arg8 : memref<40x128xf32, #tpu.memory_space<vmem>>)
      %add3A_80 = arith.constant 0 : i32
      %add3A_81 = arith.addi %mul3A_46, %add3A_80 : i32
      %dma_start3A_82 = arith.constant 0 : i32
      %dma_start3A_83 = tpu.memref_slice %arg6[%add3A_81, %dma_start3A_82] : memref<125x40xi32, #tpu.memory_space<vmem>> -> memref<1x40xi32, #tpu.memory_space<vmem>>
      %dma_start3A_84 = tpu.memref_squeeze %dma_start3A_83 : memref<1x40xi32, #tpu.memory_space<vmem>> -> memref<40xi32, #tpu.memory_space<vmem>>
      %dma_start3A_85 = arith.constant 0 : i32
      %dma_start3A_86 = arith.constant 0 : i32
      %dma_start3A_87 = tpu.memref_slice %arg11[%dma_start3A_85, %dma_start3A_86] : memref<10240x128xf32, #tpu.memory_space<vmem_shared>> -> memref<10240x128xf32, #tpu.memory_space<vmem_shared>>
      tpu.enqueue_indirect_dma source(%arg7 : memref<40x128xf32, #tpu.memory_space<vmem>>) target(%dma_start3A_87 : memref<10240x128xf32, #tpu.memory_space<vmem_shared>>) offsets(%dma_start3A_84 : memref<40xi32, #tpu.memory_space<vmem>>) semaphore(%arg13 : memref<!tpu.dma_semaphore, #tpu.memory_space<semaphore_mem>>) {add = true}
      %add3A_88 = arith.constant 1 : i32
      %add3A_89 = arith.addi %mul3A_46, %add3A_88 : i32
      %dma_start3A_90 = arith.constant 0 : i32
      %dma_start3A_91 = tpu.memref_slice %arg6[%add3A_89, %dma_start3A_90] : memref<125x40xi32, #tpu.memory_space<vmem>> -> memref<1x40xi32, #tpu.memory_space<vmem>>
      %dma_start3A_92 = tpu.memref_squeeze %dma_start3A_91 : memref<1x40xi32, #tpu.memory_space<vmem>> -> memref<40xi32, #tpu.memory_space<vmem>>
      %dma_start3A_93 = arith.constant 0 : i32
      %dma_start3A_94 = arith.constant 0 : i32
      %dma_start3A_95 = tpu.memref_slice %arg11[%dma_start3A_93, %dma_start3A_94] : memref<10240x128xf32, #tpu.memory_space<vmem_shared>> -> memref<10240x128xf32, #tpu.memory_space<vmem_shared>>
      tpu.enqueue_indirect_dma source(%arg8 : memref<40x128xf32, #tpu.memory_space<vmem>>) target(%dma_start3A_95 : memref<10240x128xf32, #tpu.memory_space<vmem_shared>>) offsets(%dma_start3A_92 : memref<40xi32, #tpu.memory_space<vmem>>) semaphore(%arg13 : memref<!tpu.dma_semaphore, #tpu.memory_space<semaphore_mem>>) {add = true}
      %gt3A_96 = arith.constant 0 : i32
      %gt3A_97 = arith.cmpi sgt, %add3A_44, %gt3A_96 : i32
      %convert_element_type3A_98 = arith.extui %gt3A_97 : i1 to i32
      %cond3A_99 = arith.constant 0 : i32
      %cond3A_100 = arith.cmpi ne, %convert_element_type3A_98, %cond3A_99 : i32
      scf.if %cond3A_100 {
        %dma_wait3A_153 = arith.constant 0 : i32
        %dma_wait3A_154 = arith.constant 0 : i32
        %dma_wait3A_155 = tpu.memref_slice %arg6[%dma_wait3A_153, %dma_wait3A_154] : memref<125x40xi32, #tpu.memory_space<vmem>> -> memref<1x40xi32, #tpu.memory_space<vmem>>
        %dma_wait3A_156 = tpu.memref_squeeze %dma_wait3A_155 : memref<1x40xi32, #tpu.memory_space<vmem>> -> memref<40xi32, #tpu.memory_space<vmem>>
        %dma_wait3A_157 = arith.constant 0 : i32
        %dma_wait3A_158 = arith.constant 0 : i32
        %dma_wait3A_159 = tpu.memref_slice %arg11[%dma_wait3A_157, %dma_wait3A_158] : memref<10240x128xf32, #tpu.memory_space<vmem_shared>> -> memref<10240x128xf32, #tpu.memory_space<vmem_shared>>
        tpu.wait_indirect_dma semaphore(%arg14 : memref<!tpu.dma_semaphore, #tpu.memory_space<semaphore_mem>>) src(%arg9 : memref<40x128xf32, #tpu.memory_space<vmem>>) dst(%dma_wait3A_159 : memref<10240x128xf32, #tpu.memory_space<vmem_shared>>)
        %dma_wait3A_160 = arith.constant 0 : i32
        %dma_wait3A_161 = arith.constant 0 : i32
        %dma_wait3A_162 = tpu.memref_slice %arg6[%dma_wait3A_160, %dma_wait3A_161] : memref<125x40xi32, #tpu.memory_space<vmem>> -> memref<1x40xi32, #tpu.memory_space<vmem>>
        %dma_wait3A_163 = tpu.memref_squeeze %dma_wait3A_162 : memref<1x40xi32, #tpu.memory_space<vmem>> -> memref<40xi32, #tpu.memory_space<vmem>>
        %dma_wait3A_164 = arith.constant 0 : i32
        %dma_wait3A_165 = arith.constant 0 : i32
        %dma_wait3A_166 = tpu.memref_slice %arg11[%dma_wait3A_164, %dma_wait3A_165] : memref<10240x128xf32, #tpu.memory_space<vmem_shared>> -> memref<10240x128xf32, #tpu.memory_space<vmem_shared>>
        tpu.wait_indirect_dma semaphore(%arg14 : memref<!tpu.dma_semaphore, #tpu.memory_space<semaphore_mem>>) src(%arg10 : memref<40x128xf32, #tpu.memory_space<vmem>>) dst(%dma_wait3A_166 : memref<10240x128xf32, #tpu.memory_space<vmem_shared>>)
      } else {
      }
      %add3A_101 = arith.constant 2 : i32
      %add3A_102 = arith.addi %mul3A_46, %add3A_101 : i32
      %add3A_103 = arith.constant 0 : i32
      %add3A_104 = arith.addi %add3A_102, %add3A_103 : i32
      %mul3A_105 = arith.constant 40 : i32
      %mul3A_106 = arith.muli %add3A_104, %mul3A_105 : i32
      %add3A_107 = arith.addi %mul3A_2, %mul3A_106 : i32
      %multiple_of3A_108 = tpu.assume_multiple %add3A_107, 8 : i32
      %dma_start3A_109 = arith.constant 0 : i32
      %dma_start3A_110 = tpu.memref_slice %arg2[%multiple_of3A_108, %dma_start3A_109] : memref<160000x128xf32, #tpu.memory_space<hbm>> -> memref<40x128xf32, #tpu.memory_space<hbm>>
      %dma_start3A_111 = arith.constant 0 : i32
      %dma_start3A_112 = tpu.memref_slice %arg2[%multiple_of3A_108, %dma_start3A_111] : memref<160000x128xf32, #tpu.memory_space<hbm>> -> memref<40x128xf32, #tpu.memory_space<hbm>>
      tpu.enqueue_dma source(%dma_start3A_112 : memref<40x128xf32, #tpu.memory_space<hbm>>) target(%arg9 : memref<40x128xf32, #tpu.memory_space<vmem>>) target_semaphore(%arg12 : memref<!tpu.dma_semaphore, #tpu.memory_space<semaphore_mem>>)
      %add3A_113 = arith.constant 1 : i32
      %add3A_114 = arith.addi %add3A_102, %add3A_113 : i32
      %mul3A_115 = arith.constant 40 : i32
      %mul3A_116 = arith.muli %add3A_114, %mul3A_115 : i32
      %add3A_117 = arith.addi %mul3A_2, %mul3A_116 : i32
      %multiple_of3A_118 = tpu.assume_multiple %add3A_117, 8 : i32
      %dma_start3A_119 = arith.constant 0 : i32
      %dma_start3A_120 = tpu.memref_slice %arg2[%multiple_of3A_118, %dma_start3A_119] : memref<160000x128xf32, #tpu.memory_space<hbm>> -> memref<40x128xf32, #tpu.memory_space<hbm>>
      %dma_start3A_121 = arith.constant 0 : i32
      %dma_start3A_122 = tpu.memref_slice %arg2[%multiple_of3A_118, %dma_start3A_121] : memref<160000x128xf32, #tpu.memory_space<hbm>> -> memref<40x128xf32, #tpu.memory_space<hbm>>
      tpu.enqueue_dma source(%dma_start3A_122 : memref<40x128xf32, #tpu.memory_space<hbm>>) target(%arg10 : memref<40x128xf32, #tpu.memory_space<vmem>>) target_semaphore(%arg12 : memref<!tpu.dma_semaphore, #tpu.memory_space<semaphore_mem>>)
      %dma_wait3A_123 = arith.constant 0 : i32
      %dma_wait3A_124 = arith.constant 0 : i32
      %dma_wait3A_125 = tpu.memref_slice %arg2[%dma_wait3A_123, %dma_wait3A_124] : memref<160000x128xf32, #tpu.memory_space<hbm>> -> memref<40x128xf32, #tpu.memory_space<hbm>>
      %dma_wait3A_126 = arith.constant 0 : i32
      %dma_wait3A_127 = arith.constant 0 : i32
      %dma_wait3A_128 = tpu.memref_slice %arg2[%dma_wait3A_126, %dma_wait3A_127] : memref<160000x128xf32, #tpu.memory_space<hbm>> -> memref<40x128xf32, #tpu.memory_space<hbm>>
      tpu.wait_dma2 semaphore(%arg12 : memref<!tpu.dma_semaphore, #tpu.memory_space<semaphore_mem>>) src(%dma_wait3A_128 : memref<40x128xf32, #tpu.memory_space<hbm>>) dst(%arg9 : memref<40x128xf32, #tpu.memory_space<vmem>>)
      %dma_wait3A_129 = arith.constant 0 : i32
      %dma_wait3A_130 = arith.constant 0 : i32
      %dma_wait3A_131 = tpu.memref_slice %arg2[%dma_wait3A_129, %dma_wait3A_130] : memref<160000x128xf32, #tpu.memory_space<hbm>> -> memref<40x128xf32, #tpu.memory_space<hbm>>
      %dma_wait3A_132 = arith.constant 0 : i32
      %dma_wait3A_133 = arith.constant 0 : i32
      %dma_wait3A_134 = tpu.memref_slice %arg2[%dma_wait3A_132, %dma_wait3A_133] : memref<160000x128xf32, #tpu.memory_space<hbm>> -> memref<40x128xf32, #tpu.memory_space<hbm>>
      tpu.wait_dma2 semaphore(%arg12 : memref<!tpu.dma_semaphore, #tpu.memory_space<semaphore_mem>>) src(%dma_wait3A_134 : memref<40x128xf32, #tpu.memory_space<hbm>>) dst(%arg10 : memref<40x128xf32, #tpu.memory_space<vmem>>)
      %add3A_135 = arith.constant 2 : i32
      %add3A_136 = arith.addi %mul3A_46, %add3A_135 : i32
      %add3A_137 = arith.constant 0 : i32
      %add3A_138 = arith.addi %add3A_136, %add3A_137 : i32
      %dma_start3A_139 = arith.constant 0 : i32
      %dma_start3A_140 = tpu.memref_slice %arg6[%add3A_138, %dma_start3A_139] : memref<125x40xi32, #tpu.memory_space<vmem>> -> memref<1x40xi32, #tpu.memory_space<vmem>>
      %dma_start3A_141 = tpu.memref_squeeze %dma_start3A_140 : memref<1x40xi32, #tpu.memory_space<vmem>> -> memref<40xi32, #tpu.memory_space<vmem>>
      %dma_start3A_142 = arith.constant 0 : i32
      %dma_start3A_143 = arith.constant 0 : i32
      %dma_start3A_144 = tpu.memref_slice %arg11[%dma_start3A_142, %dma_start3A_143] : memref<10240x128xf32, #tpu.memory_space<vmem_shared>> -> memref<10240x128xf32, #tpu.memory_space<vmem_shared>>
      tpu.enqueue_indirect_dma source(%arg9 : memref<40x128xf32, #tpu.memory_space<vmem>>) target(%dma_start3A_144 : memref<10240x128xf32, #tpu.memory_space<vmem_shared>>) offsets(%dma_start3A_141 : memref<40xi32, #tpu.memory_space<vmem>>) semaphore(%arg14 : memref<!tpu.dma_semaphore, #tpu.memory_space<semaphore_mem>>) {add = true}
      %add3A_145 = arith.constant 1 : i32
      %add3A_146 = arith.addi %add3A_136, %add3A_145 : i32
      %dma_start3A_147 = arith.constant 0 : i32
      %dma_start3A_148 = tpu.memref_slice %arg6[%add3A_146, %dma_start3A_147] : memref<125x40xi32, #tpu.memory_space<vmem>> -> memref<1x40xi32, #tpu.memory_space<vmem>>
      %dma_start3A_149 = tpu.memref_squeeze %dma_start3A_148 : memref<1x40xi32, #tpu.memory_space<vmem>> -> memref<40xi32, #tpu.memory_space<vmem>>
      %dma_start3A_150 = arith.constant 0 : i32
      %dma_start3A_151 = arith.constant 0 : i32
      %dma_start3A_152 = tpu.memref_slice %arg11[%dma_start3A_150, %dma_start3A_151] : memref<10240x128xf32, #tpu.memory_space<vmem_shared>> -> memref<10240x128xf32, #tpu.memory_space<vmem_shared>>
      tpu.enqueue_indirect_dma source(%arg10 : memref<40x128xf32, #tpu.memory_space<vmem>>) target(%dma_start3A_152 : memref<10240x128xf32, #tpu.memory_space<vmem_shared>>) offsets(%dma_start3A_149 : memref<40xi32, #tpu.memory_space<vmem>>) semaphore(%arg14 : memref<!tpu.dma_semaphore, #tpu.memory_space<semaphore_mem>>) {add = true}
    }
    %scan3A_8 = arith.constant 31 : i32
    %dma_wait3A = arith.constant 0 : i32
    %dma_wait3A_9 = arith.constant 0 : i32
    %dma_wait3A_10 = tpu.memref_slice %arg6[%dma_wait3A, %dma_wait3A_9] : memref<125x40xi32, #tpu.memory_space<vmem>> -> memref<1x40xi32, #tpu.memory_space<vmem>>
    %dma_wait3A_11 = tpu.memref_squeeze %dma_wait3A_10 : memref<1x40xi32, #tpu.memory_space<vmem>> -> memref<40xi32, #tpu.memory_space<vmem>>
    %dma_wait3A_12 = arith.constant 0 : i32
    %dma_wait3A_13 = arith.constant 0 : i32
    %dma_wait3A_14 = tpu.memref_slice %arg11[%dma_wait3A_12, %dma_wait3A_13] : memref<10240x128xf32, #tpu.memory_space<vmem_shared>> -> memref<10240x128xf32, #tpu.memory_space<vmem_shared>>
    tpu.wait_indirect_dma semaphore(%arg13 : memref<!tpu.dma_semaphore, #tpu.memory_space<semaphore_mem>>) src(%arg7 : memref<40x128xf32, #tpu.memory_space<vmem>>) dst(%dma_wait3A_14 : memref<10240x128xf32, #tpu.memory_space<vmem_shared>>)
    %dma_wait3A_15 = arith.constant 0 : i32
    %dma_wait3A_16 = arith.constant 0 : i32
    %dma_wait3A_17 = tpu.memref_slice %arg6[%dma_wait3A_15, %dma_wait3A_16] : memref<125x40xi32, #tpu.memory_space<vmem>> -> memref<1x40xi32, #tpu.memory_space<vmem>>
    %dma_wait3A_18 = tpu.memref_squeeze %dma_wait3A_17 : memref<1x40xi32, #tpu.memory_space<vmem>> -> memref<40xi32, #tpu.memory_space<vmem>>
    %dma_wait3A_19 = arith.constant 0 : i32
    %dma_wait3A_20 = arith.constant 0 : i32
    %dma_wait3A_21 = tpu.memref_slice %arg11[%dma_wait3A_19, %dma_wait3A_20] : memref<10240x128xf32, #tpu.memory_space<vmem_shared>> -> memref<10240x128xf32, #tpu.memory_space<vmem_shared>>
    tpu.wait_indirect_dma semaphore(%arg13 : memref<!tpu.dma_semaphore, #tpu.memory_space<semaphore_mem>>) src(%arg8 : memref<40x128xf32, #tpu.memory_space<vmem>>) dst(%dma_wait3A_21 : memref<10240x128xf32, #tpu.memory_space<vmem_shared>>)
    %dma_wait3A_22 = arith.constant 0 : i32
    %dma_wait3A_23 = arith.constant 0 : i32
    %dma_wait3A_24 = tpu.memref_slice %arg6[%dma_wait3A_22, %dma_wait3A_23] : memref<125x40xi32, #tpu.memory_space<vmem>> -> memref<1x40xi32, #tpu.memory_space<vmem>>
    %dma_wait3A_25 = tpu.memref_squeeze %dma_wait3A_24 : memref<1x40xi32, #tpu.memory_space<vmem>> -> memref<40xi32, #tpu.memory_space<vmem>>
    %dma_wait3A_26 = arith.constant 0 : i32
    %dma_wait3A_27 = arith.constant 0 : i32
    %dma_wait3A_28 = tpu.memref_slice %arg11[%dma_wait3A_26, %dma_wait3A_27] : memref<10240x128xf32, #tpu.memory_space<vmem_shared>> -> memref<10240x128xf32, #tpu.memory_space<vmem_shared>>
    tpu.wait_indirect_dma semaphore(%arg14 : memref<!tpu.dma_semaphore, #tpu.memory_space<semaphore_mem>>) src(%arg9 : memref<40x128xf32, #tpu.memory_space<vmem>>) dst(%dma_wait3A_28 : memref<10240x128xf32, #tpu.memory_space<vmem_shared>>)
    %dma_wait3A_29 = arith.constant 0 : i32
    %dma_wait3A_30 = arith.constant 0 : i32
    %dma_wait3A_31 = tpu.memref_slice %arg6[%dma_wait3A_29, %dma_wait3A_30] : memref<125x40xi32, #tpu.memory_space<vmem>> -> memref<1x40xi32, #tpu.memory_space<vmem>>
    %dma_wait3A_32 = tpu.memref_squeeze %dma_wait3A_31 : memref<1x40xi32, #tpu.memory_space<vmem>> -> memref<40xi32, #tpu.memory_space<vmem>>
    %dma_wait3A_33 = arith.constant 0 : i32
    %dma_wait3A_34 = arith.constant 0 : i32
    %dma_wait3A_35 = tpu.memref_slice %arg11[%dma_wait3A_33, %dma_wait3A_34] : memref<10240x128xf32, #tpu.memory_space<vmem_shared>> -> memref<10240x128xf32, #tpu.memory_space<vmem_shared>>
    tpu.wait_indirect_dma semaphore(%arg14 : memref<!tpu.dma_semaphore, #tpu.memory_space<semaphore_mem>>) src(%arg10 : memref<40x128xf32, #tpu.memory_space<vmem>>) dst(%dma_wait3A_35 : memref<10240x128xf32, #tpu.memory_space<vmem_shared>>)
    %add3A_36 = arith.constant 4960 : i32
    %add3A_37 = arith.addi %mul3A_2, %add3A_36 : i32
    %multiple_of3A_38 = tpu.assume_multiple %add3A_37, 8 : i32
    "tpu.region"() ({
      %run_scoped3A_40 = tpu.sem_alloc : memref<!tpu.dma_semaphore, #tpu.memory_space<semaphore_mem>>
      %dma_start3A = arith.constant 0 : i32
      %dma_start3A_41 = tpu.memref_slice %arg2[%multiple_of3A_38, %dma_start3A] : memref<160000x128xf32, #tpu.memory_space<hbm>> -> memref<40x128xf32, #tpu.memory_space<hbm>>
      %dma_start3A_42 = arith.constant 0 : i32
      %dma_start3A_43 = tpu.memref_slice %arg2[%multiple_of3A_38, %dma_start3A_42] : memref<160000x128xf32, #tpu.memory_space<hbm>> -> memref<40x128xf32, #tpu.memory_space<hbm>>
      tpu.enqueue_dma source(%dma_start3A_43 : memref<40x128xf32, #tpu.memory_space<hbm>>) target(%arg7 : memref<40x128xf32, #tpu.memory_space<vmem>>) target_semaphore(%run_scoped3A_40 : memref<!tpu.dma_semaphore, #tpu.memory_space<semaphore_mem>>)
      %dma_wait3A_44 = arith.constant 0 : i32
      %dma_wait3A_45 = tpu.memref_slice %arg2[%multiple_of3A_38, %dma_wait3A_44] : memref<160000x128xf32, #tpu.memory_space<hbm>> -> memref<40x128xf32, #tpu.memory_space<hbm>>
      %dma_wait3A_46 = arith.constant 0 : i32
      %dma_wait3A_47 = tpu.memref_slice %arg2[%multiple_of3A_38, %dma_wait3A_46] : memref<160000x128xf32, #tpu.memory_space<hbm>> -> memref<40x128xf32, #tpu.memory_space<hbm>>
      tpu.wait_dma2 semaphore(%run_scoped3A_40 : memref<!tpu.dma_semaphore, #tpu.memory_space<semaphore_mem>>) src(%dma_wait3A_47 : memref<40x128xf32, #tpu.memory_space<hbm>>) dst(%arg7 : memref<40x128xf32, #tpu.memory_space<vmem>>)
      tpu.yield
    }) : () -> ()
    %run_scoped3A = arith.constant 124 : i32
    "tpu.region"() ({
      %run_scoped3A_40 = tpu.sem_alloc : memref<!tpu.dma_semaphore, #tpu.memory_space<semaphore_mem>>
      %dma_start3A = arith.constant 0 : i32
      %dma_start3A_41 = tpu.memref_slice %arg6[%run_scoped3A, %dma_start3A] : memref<125x40xi32, #tpu.memory_space<vmem>> -> memref<1x40xi32, #tpu.memory_space<vmem>>
      %dma_start3A_42 = tpu.memref_squeeze %dma_start3A_41 : memref<1x40xi32, #tpu.memory_space<vmem>> -> memref<40xi32, #tpu.memory_space<vmem>>
      %dma_start3A_43 = arith.constant 0 : i32
      %dma_start3A_44 = arith.constant 0 : i32
      %dma_start3A_45 = tpu.memref_slice %arg11[%dma_start3A_43, %dma_start3A_44] : memref<10240x128xf32, #tpu.memory_space<vmem_shared>> -> memref<10240x128xf32, #tpu.memory_space<vmem_shared>>
      tpu.enqueue_indirect_dma source(%arg7 : memref<40x128xf32, #tpu.memory_space<vmem>>) target(%dma_start3A_45 : memref<10240x128xf32, #tpu.memory_space<vmem_shared>>) offsets(%dma_start3A_42 : memref<40xi32, #tpu.memory_space<vmem>>) semaphore(%run_scoped3A_40 : memref<!tpu.dma_semaphore, #tpu.memory_space<semaphore_mem>>) {add = true}
      %dma_wait3A_46 = arith.constant 0 : i32
      %dma_wait3A_47 = tpu.memref_slice %arg6[%run_scoped3A, %dma_wait3A_46] : memref<125x40xi32, #tpu.memory_space<vmem>> -> memref<1x40xi32, #tpu.memory_space<vmem>>
      %dma_wait3A_48 = tpu.memref_squeeze %dma_wait3A_47 : memref<1x40xi32, #tpu.memory_space<vmem>> -> memref<40xi32, #tpu.memory_space<vmem>>
      %dma_wait3A_49 = arith.constant 0 : i32
      %dma_wait3A_50 = arith.constant 0 : i32
      %dma_wait3A_51 = tpu.memref_slice %arg11[%dma_wait3A_49, %dma_wait3A_50] : memref<10240x128xf32, #tpu.memory_space<vmem_shared>> -> memref<10240x128xf32, #tpu.memory_space<vmem_shared>>
      tpu.wait_indirect_dma semaphore(%run_scoped3A_40 : memref<!tpu.dma_semaphore, #tpu.memory_space<semaphore_mem>>) src(%arg7 : memref<40x128xf32, #tpu.memory_space<vmem>>) dst(%dma_wait3A_51 : memref<10240x128xf32, #tpu.memory_space<vmem_shared>>)
      tpu.yield
    }) : () -> ()
    %barrier3A_39 = arith.constant 0 : index
    tpu.barrier barrier_id(%barrier3A_39)
    "tpu.region"() ({
      %run_scoped3A_40 = tpu.sem_alloc : memref<!tpu.dma_semaphore, #tpu.memory_space<semaphore_mem>>
      %dma_start3A = arith.constant 0 : i32
      %dma_start3A_41 = tpu.memref_slice %arg5[%arg0, %multiple_of3A, %dma_start3A] : memref<2x10240x128xf32, #tpu.memory_space<hbm>> -> memref<1x640x128xf32, #tpu.memory_space<hbm>>
      %dma_start3A_42 = tpu.memref_squeeze %dma_start3A_41 : memref<1x640x128xf32, #tpu.memory_space<hbm>> -> memref<640x128xf32, #tpu.memory_space<hbm>>
      %dma_start3A_43 = arith.constant 0 : i32
      %dma_start3A_44 = tpu.memref_slice %arg11[%multiple_of3A, %dma_start3A_43] : memref<10240x128xf32, #tpu.memory_space<vmem_shared>> -> memref<640x128xf32, #tpu.memory_space<vmem_shared>>
      tpu.enqueue_dma source(%dma_start3A_44 : memref<640x128xf32, #tpu.memory_space<vmem_shared>>) target(%dma_start3A_42 : memref<640x128xf32, #tpu.memory_space<hbm>>) target_semaphore(%run_scoped3A_40 : memref<!tpu.dma_semaphore, #tpu.memory_space<semaphore_mem>>)
      %dma_wait3A_45 = arith.constant 0 : i32
      %dma_wait3A_46 = tpu.memref_slice %arg5[%arg0, %multiple_of3A, %dma_wait3A_45] : memref<2x10240x128xf32, #tpu.memory_space<hbm>> -> memref<1x640x128xf32, #tpu.memory_space<hbm>>
      %dma_wait3A_47 = tpu.memref_squeeze %dma_wait3A_46 : memref<1x640x128xf32, #tpu.memory_space<hbm>> -> memref<640x128xf32, #tpu.memory_space<hbm>>
      %dma_wait3A_48 = arith.constant 0 : i32
      %dma_wait3A_49 = tpu.memref_slice %arg11[%multiple_of3A, %dma_wait3A_48] : memref<10240x128xf32, #tpu.memory_space<vmem_shared>> -> memref<640x128xf32, #tpu.memory_space<vmem_shared>>
      tpu.wait_dma2 semaphore(%run_scoped3A_40 : memref<!tpu.dma_semaphore, #tpu.memory_space<semaphore_mem>>) src(%dma_wait3A_49 : memref<640x128xf32, #tpu.memory_space<vmem_shared>>) dst(%dma_wait3A_47 : memref<640x128xf32, #tpu.memory_space<hbm>>)
      tpu.yield
    }) : () -> ()
    return
  }
}

#map = affine_map<(d0, d1) -> (0, 0)>
#map1 = affine_map<(d0, d1) -> (0, 0, 0)>
module attributes {stable_mosaic.version = 14 : i64} {
  func.func @_scatter_kernel(%arg0: i32, %arg1: i32, %arg2: memref<160000x128xf32, #tpu.memory_space<hbm>>, %arg3: memref<32x125x40xi32, #tpu.memory_space<hbm>>, %arg4: memref<640x128xf32, #tpu.memory_space<hbm>>, %arg5: memref<2x10240x128xf32, #tpu.memory_space<hbm>>, %arg6: memref<125x40xi32, #tpu.memory_space<vmem>>, %arg7: memref<40x128xf32, #tpu.memory_space<vmem>>, %arg8: memref<40x128xf32, #tpu.memory_space<vmem>>, %arg9: memref<40x128xf32, #tpu.memory_space<vmem>>, %arg10: memref<40x128xf32, #tpu.memory_space<vmem>>, %arg11: memref<10240x128xf32, #tpu.memory_space<vmem_shared>>, %arg12: memref<!tpu.dma_semaphore, #tpu.memory_space<semaphore_mem>>, %arg13: memref<!tpu.dma_semaphore, #tpu.memory_space<semaphore_mem>>, %arg14: memref<!tpu.dma_semaphore, #tpu.memory_space<semaphore_mem>>) attributes {dimension_semantics = [#tpu.dimension_semantics<core_parallel>, #tpu.dimension_semantics<subcore_parallel>], iteration_bounds = array<i64: 2, 16>, scalar_prefetch = 0 : i64, scratch_operands = 9 : i64, tpu.core_type = #tpu.core_type<sc_vector_subcore>, window_params = [{transform_indices = #map}, {transform_indices = #map1}, {transform_indices = #map}, {transform_indices = #map1}]} {
    %mul3A = arith.constant 2 : i32
    %mul3A_0 = arith.muli %arg1, %mul3A : i32
    %add3A = arith.addi %mul3A_0, %arg0 : i32
    %mul3A_1 = arith.constant 5000 : i32
    %mul3A_2 = arith.muli %add3A, %mul3A_1 : i32
    %mul3A_3 = arith.constant 640 : i32
    %mul3A_4 = arith.muli %arg1, %mul3A_3 : i32
    %multiple_of3A = tpu.assume_multiple %mul3A_4, 8 : i32
    "tpu.region"() ({
      %run_scoped3A_40 = tpu.sem_alloc : memref<!tpu.dma_semaphore, #tpu.memory_space<semaphore_mem>>
      %dma_start3A = arith.constant 0 : i32
      %dma_start3A_41 = arith.constant 0 : i32
      %dma_start3A_42 = tpu.memref_slice %arg3[%add3A, %dma_start3A, %dma_start3A_41] : memref<32x125x40xi32, #tpu.memory_space<hbm>> -> memref<1x125x40xi32, #tpu.memory_space<hbm>>
      %dma_start3A_43 = tpu.memref_squeeze %dma_start3A_42 : memref<1x125x40xi32, #tpu.memory_space<hbm>> -> memref<125x40xi32, #tpu.memory_space<hbm>>
      %dma_start3A_44 = arith.constant 0 : i32
      %dma_start3A_45 = arith.constant 0 : i32
      %dma_start3A_46 = tpu.memref_slice %arg3[%add3A, %dma_start3A_44, %dma_start3A_45] : memref<32x125x40xi32, #tpu.memory_space<hbm>> -> memref<1x125x40xi32, #tpu.memory_space<hbm>>
      %dma_start3A_47 = tpu.memref_squeeze %dma_start3A_46 : memref<1x125x40xi32, #tpu.memory_space<hbm>> -> memref<125x40xi32, #tpu.memory_space<hbm>>
      tpu.enqueue_dma source(%dma_start3A_47 : memref<125x40xi32, #tpu.memory_space<hbm>>) target(%arg6 : memref<125x40xi32, #tpu.memory_space<vmem>>) target_semaphore(%run_scoped3A_40 : memref<!tpu.dma_semaphore, #tpu.memory_space<semaphore_mem>>)
      %dma_wait3A_48 = arith.constant 0 : i32
      %dma_wait3A_49 = arith.constant 0 : i32
      %dma_wait3A_50 = tpu.memref_slice %arg3[%add3A, %dma_wait3A_48, %dma_wait3A_49] : memref<32x125x40xi32, #tpu.memory_space<hbm>> -> memref<1x125x40xi32, #tpu.memory_space<hbm>>
      %dma_wait3A_51 = tpu.memref_squeeze %dma_wait3A_50 : memref<1x125x40xi32, #tpu.memory_space<hbm>> -> memref<125x40xi32, #tpu.memory_space<hbm>>
      %dma_wait3A_52 = arith.constant 0 : i32
      %dma_wait3A_53 = arith.constant 0 : i32
      %dma_wait3A_54 = tpu.memref_slice %arg3[%add3A, %dma_wait3A_52, %dma_wait3A_53] : memref<32x125x40xi32, #tpu.memory_space<hbm>> -> memref<1x125x40xi32, #tpu.memory_space<hbm>>
      %dma_wait3A_55 = tpu.memref_squeeze %dma_wait3A_54 : memref<1x125x40xi32, #tpu.memory_space<hbm>> -> memref<125x40xi32, #tpu.memory_space<hbm>>
      tpu.wait_dma2 semaphore(%run_scoped3A_40 : memref<!tpu.dma_semaphore, #tpu.memory_space<semaphore_mem>>) src(%dma_wait3A_55 : memref<125x40xi32, #tpu.memory_space<hbm>>) dst(%arg6 : memref<125x40xi32, #tpu.memory_space<vmem>>)
      tpu.yield
    }) : () -> ()
    "tpu.region"() ({
      %run_scoped3A_40 = tpu.sem_alloc : memref<!tpu.dma_semaphore, #tpu.memory_space<semaphore_mem>>
      %dma_start3A = arith.constant 0 : i32
      %dma_start3A_41 = tpu.memref_slice %arg11[%multiple_of3A, %dma_start3A] : memref<10240x128xf32, #tpu.memory_space<vmem_shared>> -> memref<640x128xf32, #tpu.memory_space<vmem_shared>>
      tpu.enqueue_dma source(%arg4 : memref<640x128xf32, #tpu.memory_space<hbm>>) target(%dma_start3A_41 : memref<640x128xf32, #tpu.memory_space<vmem_shared>>) target_semaphore(%run_scoped3A_40 : memref<!tpu.dma_semaphore, #tpu.memory_space<semaphore_mem>>)
      %dma_wait3A_42 = arith.constant 0 : i32
      %dma_wait3A_43 = tpu.memref_slice %arg11[%multiple_of3A, %dma_wait3A_42] : memref<10240x128xf32, #tpu.memory_space<vmem_shared>> -> memref<640x128xf32, #tpu.memory_space<vmem_shared>>
      tpu.wait_dma2 semaphore(%run_scoped3A_40 : memref<!tpu.dma_semaphore, #tpu.memory_space<semaphore_mem>>) src(%arg4 : memref<640x128xf32, #tpu.memory_space<hbm>>) dst(%dma_wait3A_43 : memref<640x128xf32, #tpu.memory_space<vmem_shared>>)
      tpu.yield
    }) : () -> ()
    %barrier3A = arith.constant 0 : index
    tpu.barrier barrier_id(%barrier3A)
    %scan3A = arith.constant 0 : i32
    %scan3A_5 = arith.constant 31 : i32
    %scan3A_6 = arith.addi %scan3A, %scan3A_5 : i32
    %scan3A_7 = arith.constant 1 : i32
    scf.for %scan3A_40 = %scan3A to %scan3A_6 step %scan3A_7  : i32 {
      %mul3A_41 = arith.constant 1 : i32
      %mul3A_42 = arith.muli %scan3A_40, %mul3A_41 : i32
      %add3A_43 = arith.constant 0 : i32
      %add3A_44 = arith.addi %add3A_43, %mul3A_42 : i32
      %mul3A_45 = arith.constant 4 : i32
      %mul3A_46 = arith.muli %mul3A_45, %add3A_44 : i32
      %gt3A = arith.constant 0 : i32
      %gt3A_47 = arith.cmpi sgt, %add3A_44, %gt3A : i32
      %convert_element_type3A = arith.extui %gt3A_47 : i1 to i32
      %cond3A = arith.constant 0 : i32
      %cond3A_48 = arith.cmpi ne, %convert_element_type3A, %cond3A : i32
      scf.if %cond3A_48 {
        %dma_wait3A_153 = arith.constant 0 : i32
        %dma_wait3A_154 = arith.constant 0 : i32
        %dma_wait3A_155 = tpu.memref_slice %arg6[%dma_wait3A_153, %dma_wait3A_154] : memref<125x40xi32, #tpu.memory_space<vmem>> -> memref<1x40xi32, #tpu.memory_space<vmem>>
        %dma_wait3A_156 = tpu.memref_squeeze %dma_wait3A_155 : memref<1x40xi32, #tpu.memory_space<vmem>> -> memref<40xi32, #tpu.memory_space<vmem>>
        %dma_wait3A_157 = arith.constant 0 : i32
        %dma_wait3A_158 = arith.constant 0 : i32
        %dma_wait3A_159 = tpu.memref_slice %arg11[%dma_wait3A_157, %dma_wait3A_158] : memref<10240x128xf32, #tpu.memory_space<vmem_shared>> -> memref<10240x128xf32, #tpu.memory_space<vmem_shared>>
        tpu.wait_indirect_dma semaphore(%arg13 : memref<!tpu.dma_semaphore, #tpu.memory_space<semaphore_mem>>) src(%arg7 : memref<40x128xf32, #tpu.memory_space<vmem>>) dst(%dma_wait3A_159 : memref<10240x128xf32, #tpu.memory_space<vmem_shared>>)
        %dma_wait3A_160 = arith.constant 0 : i32
        %dma_wait3A_161 = arith.constant 0 : i32
        %dma_wait3A_162 = tpu.memref_slice %arg6[%dma_wait3A_160, %dma_wait3A_161] : memref<125x40xi32, #tpu.memory_space<vmem>> -> memref<1x40xi32, #tpu.memory_space<vmem>>
        %dma_wait3A_163 = tpu.memref_squeeze %dma_wait3A_162 : memref<1x40xi32, #tpu.memory_space<vmem>> -> memref<40xi32, #tpu.memory_space<vmem>>
        %dma_wait3A_164 = arith.constant 0 : i32
        %dma_wait3A_165 = arith.constant 0 : i32
        %dma_wait3A_166 = tpu.memref_slice %arg11[%dma_wait3A_164, %dma_wait3A_165] : memref<10240x128xf32, #tpu.memory_space<vmem_shared>> -> memref<10240x128xf32, #tpu.memory_space<vmem_shared>>
        tpu.wait_indirect_dma semaphore(%arg13 : memref<!tpu.dma_semaphore, #tpu.memory_space<semaphore_mem>>) src(%arg8 : memref<40x128xf32, #tpu.memory_space<vmem>>) dst(%dma_wait3A_166 : memref<10240x128xf32, #tpu.memory_space<vmem_shared>>)
      } else {
      }
      %add3A_49 = arith.constant 0 : i32
      %add3A_50 = arith.addi %mul3A_46, %add3A_49 : i32
      %mul3A_51 = arith.constant 40 : i32
      %mul3A_52 = arith.muli %add3A_50, %mul3A_51 : i32
      %add3A_53 = arith.addi %mul3A_2, %mul3A_52 : i32
      %multiple_of3A_54 = tpu.assume_multiple %add3A_53, 8 : i32
      %dma_start3A = arith.constant 0 : i32
      %dma_start3A_55 = tpu.memref_slice %arg2[%multiple_of3A_54, %dma_start3A] : memref<160000x128xf32, #tpu.memory_space<hbm>> -> memref<40x128xf32, #tpu.memory_space<hbm>>
      %dma_start3A_56 = arith.constant 0 : i32
      %dma_start3A_57 = tpu.memref_slice %arg2[%multiple_of3A_54, %dma_start3A_56] : memref<160000x128xf32, #tpu.memory_space<hbm>> -> memref<40x128xf32, #tpu.memory_space<hbm>>
      tpu.enqueue_dma source(%dma_start3A_57 : memref<40x128xf32, #tpu.memory_space<hbm>>) target(%arg7 : memref<40x128xf32, #tpu.memory_space<vmem>>) target_semaphore(%arg12 : memref<!tpu.dma_semaphore, #tpu.memory_space<semaphore_mem>>)
      %add3A_58 = arith.constant 1 : i32
      %add3A_59 = arith.addi %mul3A_46, %add3A_58 : i32
      %mul3A_60 = arith.constant 40 : i32
      %mul3A_61 = arith.muli %add3A_59, %mul3A_60 : i32
      %add3A_62 = arith.addi %mul3A_2, %mul3A_61 : i32
      %multiple_of3A_63 = tpu.assume_multiple %add3A_62, 8 : i32
      %dma_start3A_64 = arith.constant 0 : i32
      %dma_start3A_65 = tpu.memref_slice %arg2[%multiple_of3A_63, %dma_start3A_64] : memref<160000x128xf32, #tpu.memory_space<hbm>> -> memref<40x128xf32, #tpu.memory_space<hbm>>
      %dma_start3A_66 = arith.constant 0 : i32
      %dma_start3A_67 = tpu.memref_slice %arg2[%multiple_of3A_63, %dma_start3A_66] : memref<160000x128xf32, #tpu.memory_space<hbm>> -> memref<40x128xf32, #tpu.memory_space<hbm>>
      tpu.enqueue_dma source(%dma_start3A_67 : memref<40x128xf32, #tpu.memory_space<hbm>>) target(%arg8 : memref<40x128xf32, #tpu.memory_space<vmem>>) target_semaphore(%arg12 : memref<!tpu.dma_semaphore, #tpu.memory_space<semaphore_mem>>)
      %dma_wait3A_68 = arith.constant 0 : i32
      %dma_wait3A_69 = arith.constant 0 : i32
      %dma_wait3A_70 = tpu.memref_slice %arg2[%dma_wait3A_68, %dma_wait3A_69] : memref<160000x128xf32, #tpu.memory_space<hbm>> -> memref<40x128xf32, #tpu.memory_space<hbm>>
      %dma_wait3A_71 = arith.constant 0 : i32
      %dma_wait3A_72 = arith.constant 0 : i32
      %dma_wait3A_73 = tpu.memref_slice %arg2[%dma_wait3A_71, %dma_wait3A_72] : memref<160000x128xf32, #tpu.memory_space<hbm>> -> memref<40x128xf32, #tpu.memory_space<hbm>>
      tpu.wait_dma2 semaphore(%arg12 : memref<!tpu.dma_semaphore, #tpu.memory_space<semaphore_mem>>) src(%dma_wait3A_73 : memref<40x128xf32, #tpu.memory_space<hbm>>) dst(%arg7 : memref<40x128xf32, #tpu.memory_space<vmem>>)
      %dma_wait3A_74 = arith.constant 0 : i32
      %dma_wait3A_75 = arith.constant 0 : i32
      %dma_wait3A_76 = tpu.memref_slice %arg2[%dma_wait3A_74, %dma_wait3A_75] : memref<160000x128xf32, #tpu.memory_space<hbm>> -> memref<40x128xf32, #tpu.memory_space<hbm>>
      %dma_wait3A_77 = arith.constant 0 : i32
      %dma_wait3A_78 = arith.constant 0 : i32
      %dma_wait3A_79 = tpu.memref_slice %arg2[%dma_wait3A_77, %dma_wait3A_78] : memref<160000x128xf32, #tpu.memory_space<hbm>> -> memref<40x128xf32, #tpu.memory_space<hbm>>
      tpu.wait_dma2 semaphore(%arg12 : memref<!tpu.dma_semaphore, #tpu.memory_space<semaphore_mem>>) src(%dma_wait3A_79 : memref<40x128xf32, #tpu.memory_space<hbm>>) dst(%arg8 : memref<40x128xf32, #tpu.memory_space<vmem>>)
      %add3A_80 = arith.constant 0 : i32
      %add3A_81 = arith.addi %mul3A_46, %add3A_80 : i32
      %dma_start3A_82 = arith.constant 0 : i32
      %dma_start3A_83 = tpu.memref_slice %arg6[%add3A_81, %dma_start3A_82] : memref<125x40xi32, #tpu.memory_space<vmem>> -> memref<1x40xi32, #tpu.memory_space<vmem>>
      %dma_start3A_84 = tpu.memref_squeeze %dma_start3A_83 : memref<1x40xi32, #tpu.memory_space<vmem>> -> memref<40xi32, #tpu.memory_space<vmem>>
      %dma_start3A_85 = arith.constant 0 : i32
      %dma_start3A_86 = arith.constant 0 : i32
      %dma_start3A_87 = tpu.memref_slice %arg11[%dma_start3A_85, %dma_start3A_86] : memref<10240x128xf32, #tpu.memory_space<vmem_shared>> -> memref<10240x128xf32, #tpu.memory_space<vmem_shared>>
      tpu.enqueue_indirect_dma source(%arg7 : memref<40x128xf32, #tpu.memory_space<vmem>>) target(%dma_start3A_87 : memref<10240x128xf32, #tpu.memory_space<vmem_shared>>) offsets(%dma_start3A_84 : memref<40xi32, #tpu.memory_space<vmem>>) semaphore(%arg13 : memref<!tpu.dma_semaphore, #tpu.memory_space<semaphore_mem>>) {add = true}
      %add3A_88 = arith.constant 1 : i32
      %add3A_89 = arith.addi %mul3A_46, %add3A_88 : i32
      %dma_start3A_90 = arith.constant 0 : i32
      %dma_start3A_91 = tpu.memref_slice %arg6[%add3A_89, %dma_start3A_90] : memref<125x40xi32, #tpu.memory_space<vmem>> -> memref<1x40xi32, #tpu.memory_space<vmem>>
      %dma_start3A_92 = tpu.memref_squeeze %dma_start3A_91 : memref<1x40xi32, #tpu.memory_space<vmem>> -> memref<40xi32, #tpu.memory_space<vmem>>
      %dma_start3A_93 = arith.constant 0 : i32
      %dma_start3A_94 = arith.constant 0 : i32
      %dma_start3A_95 = tpu.memref_slice %arg11[%dma_start3A_93, %dma_start3A_94] : memref<10240x128xf32, #tpu.memory_space<vmem_shared>> -> memref<10240x128xf32, #tpu.memory_space<vmem_shared>>
      tpu.enqueue_indirect_dma source(%arg8 : memref<40x128xf32, #tpu.memory_space<vmem>>) target(%dma_start3A_95 : memref<10240x128xf32, #tpu.memory_space<vmem_shared>>) offsets(%dma_start3A_92 : memref<40xi32, #tpu.memory_space<vmem>>) semaphore(%arg13 : memref<!tpu.dma_semaphore, #tpu.memory_space<semaphore_mem>>) {add = true}
      %gt3A_96 = arith.constant 0 : i32
      %gt3A_97 = arith.cmpi sgt, %add3A_44, %gt3A_96 : i32
      %convert_element_type3A_98 = arith.extui %gt3A_97 : i1 to i32
      %cond3A_99 = arith.constant 0 : i32
      %cond3A_100 = arith.cmpi ne, %convert_element_type3A_98, %cond3A_99 : i32
      scf.if %cond3A_100 {
        %dma_wait3A_153 = arith.constant 0 : i32
        %dma_wait3A_154 = arith.constant 0 : i32
        %dma_wait3A_155 = tpu.memref_slice %arg6[%dma_wait3A_153, %dma_wait3A_154] : memref<125x40xi32, #tpu.memory_space<vmem>> -> memref<1x40xi32, #tpu.memory_space<vmem>>
        %dma_wait3A_156 = tpu.memref_squeeze %dma_wait3A_155 : memref<1x40xi32, #tpu.memory_space<vmem>> -> memref<40xi32, #tpu.memory_space<vmem>>
        %dma_wait3A_157 = arith.constant 0 : i32
        %dma_wait3A_158 = arith.constant 0 : i32
        %dma_wait3A_159 = tpu.memref_slice %arg11[%dma_wait3A_157, %dma_wait3A_158] : memref<10240x128xf32, #tpu.memory_space<vmem_shared>> -> memref<10240x128xf32, #tpu.memory_space<vmem_shared>>
        tpu.wait_indirect_dma semaphore(%arg14 : memref<!tpu.dma_semaphore, #tpu.memory_space<semaphore_mem>>) src(%arg9 : memref<40x128xf32, #tpu.memory_space<vmem>>) dst(%dma_wait3A_159 : memref<10240x128xf32, #tpu.memory_space<vmem_shared>>)
        %dma_wait3A_160 = arith.constant 0 : i32
        %dma_wait3A_161 = arith.constant 0 : i32
        %dma_wait3A_162 = tpu.memref_slice %arg6[%dma_wait3A_160, %dma_wait3A_161] : memref<125x40xi32, #tpu.memory_space<vmem>> -> memref<1x40xi32, #tpu.memory_space<vmem>>
        %dma_wait3A_163 = tpu.memref_squeeze %dma_wait3A_162 : memref<1x40xi32, #tpu.memory_space<vmem>> -> memref<40xi32, #tpu.memory_space<vmem>>
        %dma_wait3A_164 = arith.constant 0 : i32
        %dma_wait3A_165 = arith.constant 0 : i32
        %dma_wait3A_166 = tpu.memref_slice %arg11[%dma_wait3A_164, %dma_wait3A_165] : memref<10240x128xf32, #tpu.memory_space<vmem_shared>> -> memref<10240x128xf32, #tpu.memory_space<vmem_shared>>
        tpu.wait_indirect_dma semaphore(%arg14 : memref<!tpu.dma_semaphore, #tpu.memory_space<semaphore_mem>>) src(%arg10 : memref<40x128xf32, #tpu.memory_space<vmem>>) dst(%dma_wait3A_166 : memref<10240x128xf32, #tpu.memory_space<vmem_shared>>)
      } else {
      }
      %add3A_101 = arith.constant 2 : i32
      %add3A_102 = arith.addi %mul3A_46, %add3A_101 : i32
      %add3A_103 = arith.constant 0 : i32
      %add3A_104 = arith.addi %add3A_102, %add3A_103 : i32
      %mul3A_105 = arith.constant 40 : i32
      %mul3A_106 = arith.muli %add3A_104, %mul3A_105 : i32
      %add3A_107 = arith.addi %mul3A_2, %mul3A_106 : i32
      %multiple_of3A_108 = tpu.assume_multiple %add3A_107, 8 : i32
      %dma_start3A_109 = arith.constant 0 : i32
      %dma_start3A_110 = tpu.memref_slice %arg2[%multiple_of3A_108, %dma_start3A_109] : memref<160000x128xf32, #tpu.memory_space<hbm>> -> memref<40x128xf32, #tpu.memory_space<hbm>>
      %dma_start3A_111 = arith.constant 0 : i32
      %dma_start3A_112 = tpu.memref_slice %arg2[%multiple_of3A_108, %dma_start3A_111] : memref<160000x128xf32, #tpu.memory_space<hbm>> -> memref<40x128xf32, #tpu.memory_space<hbm>>
      tpu.enqueue_dma source(%dma_start3A_112 : memref<40x128xf32, #tpu.memory_space<hbm>>) target(%arg9 : memref<40x128xf32, #tpu.memory_space<vmem>>) target_semaphore(%arg12 : memref<!tpu.dma_semaphore, #tpu.memory_space<semaphore_mem>>)
      %add3A_113 = arith.constant 1 : i32
      %add3A_114 = arith.addi %add3A_102, %add3A_113 : i32
      %mul3A_115 = arith.constant 40 : i32
      %mul3A_116 = arith.muli %add3A_114, %mul3A_115 : i32
      %add3A_117 = arith.addi %mul3A_2, %mul3A_116 : i32
      %multiple_of3A_118 = tpu.assume_multiple %add3A_117, 8 : i32
      %dma_start3A_119 = arith.constant 0 : i32
      %dma_start3A_120 = tpu.memref_slice %arg2[%multiple_of3A_118, %dma_start3A_119] : memref<160000x128xf32, #tpu.memory_space<hbm>> -> memref<40x128xf32, #tpu.memory_space<hbm>>
      %dma_start3A_121 = arith.constant 0 : i32
      %dma_start3A_122 = tpu.memref_slice %arg2[%multiple_of3A_118, %dma_start3A_121] : memref<160000x128xf32, #tpu.memory_space<hbm>> -> memref<40x128xf32, #tpu.memory_space<hbm>>
      tpu.enqueue_dma source(%dma_start3A_122 : memref<40x128xf32, #tpu.memory_space<hbm>>) target(%arg10 : memref<40x128xf32, #tpu.memory_space<vmem>>) target_semaphore(%arg12 : memref<!tpu.dma_semaphore, #tpu.memory_space<semaphore_mem>>)
      %dma_wait3A_123 = arith.constant 0 : i32
      %dma_wait3A_124 = arith.constant 0 : i32
      %dma_wait3A_125 = tpu.memref_slice %arg2[%dma_wait3A_123, %dma_wait3A_124] : memref<160000x128xf32, #tpu.memory_space<hbm>> -> memref<40x128xf32, #tpu.memory_space<hbm>>
      %dma_wait3A_126 = arith.constant 0 : i32
      %dma_wait3A_127 = arith.constant 0 : i32
      %dma_wait3A_128 = tpu.memref_slice %arg2[%dma_wait3A_126, %dma_wait3A_127] : memref<160000x128xf32, #tpu.memory_space<hbm>> -> memref<40x128xf32, #tpu.memory_space<hbm>>
      tpu.wait_dma2 semaphore(%arg12 : memref<!tpu.dma_semaphore, #tpu.memory_space<semaphore_mem>>) src(%dma_wait3A_128 : memref<40x128xf32, #tpu.memory_space<hbm>>) dst(%arg9 : memref<40x128xf32, #tpu.memory_space<vmem>>)
      %dma_wait3A_129 = arith.constant 0 : i32
      %dma_wait3A_130 = arith.constant 0 : i32
      %dma_wait3A_131 = tpu.memref_slice %arg2[%dma_wait3A_129, %dma_wait3A_130] : memref<160000x128xf32, #tpu.memory_space<hbm>> -> memref<40x128xf32, #tpu.memory_space<hbm>>
      %dma_wait3A_132 = arith.constant 0 : i32
      %dma_wait3A_133 = arith.constant 0 : i32
      %dma_wait3A_134 = tpu.memref_slice %arg2[%dma_wait3A_132, %dma_wait3A_133] : memref<160000x128xf32, #tpu.memory_space<hbm>> -> memref<40x128xf32, #tpu.memory_space<hbm>>
      tpu.wait_dma2 semaphore(%arg12 : memref<!tpu.dma_semaphore, #tpu.memory_space<semaphore_mem>>) src(%dma_wait3A_134 : memref<40x128xf32, #tpu.memory_space<hbm>>) dst(%arg10 : memref<40x128xf32, #tpu.memory_space<vmem>>)
      %add3A_135 = arith.constant 2 : i32
      %add3A_136 = arith.addi %mul3A_46, %add3A_135 : i32
      %add3A_137 = arith.constant 0 : i32
      %add3A_138 = arith.addi %add3A_136, %add3A_137 : i32
      %dma_start3A_139 = arith.constant 0 : i32
      %dma_start3A_140 = tpu.memref_slice %arg6[%add3A_138, %dma_start3A_139] : memref<125x40xi32, #tpu.memory_space<vmem>> -> memref<1x40xi32, #tpu.memory_space<vmem>>
      %dma_start3A_141 = tpu.memref_squeeze %dma_start3A_140 : memref<1x40xi32, #tpu.memory_space<vmem>> -> memref<40xi32, #tpu.memory_space<vmem>>
      %dma_start3A_142 = arith.constant 0 : i32
      %dma_start3A_143 = arith.constant 0 : i32
      %dma_start3A_144 = tpu.memref_slice %arg11[%dma_start3A_142, %dma_start3A_143] : memref<10240x128xf32, #tpu.memory_space<vmem_shared>> -> memref<10240x128xf32, #tpu.memory_space<vmem_shared>>
      tpu.enqueue_indirect_dma source(%arg9 : memref<40x128xf32, #tpu.memory_space<vmem>>) target(%dma_start3A_144 : memref<10240x128xf32, #tpu.memory_space<vmem_shared>>) offsets(%dma_start3A_141 : memref<40xi32, #tpu.memory_space<vmem>>) semaphore(%arg14 : memref<!tpu.dma_semaphore, #tpu.memory_space<semaphore_mem>>) {add = true}
      %add3A_145 = arith.constant 1 : i32
      %add3A_146 = arith.addi %add3A_136, %add3A_145 : i32
      %dma_start3A_147 = arith.constant 0 : i32
      %dma_start3A_148 = tpu.memref_slice %arg6[%add3A_146, %dma_start3A_147] : memref<125x40xi32, #tpu.memory_space<vmem>> -> memref<1x40xi32, #tpu.memory_space<vmem>>
      %dma_start3A_149 = tpu.memref_squeeze %dma_start3A_148 : memref<1x40xi32, #tpu.memory_space<vmem>> -> memref<40xi32, #tpu.memory_space<vmem>>
      %dma_start3A_150 = arith.constant 0 : i32
      %dma_start3A_151 = arith.constant 0 : i32
      %dma_start3A_152 = tpu.memref_slice %arg11[%dma_start3A_150, %dma_start3A_151] : memref<10240x128xf32, #tpu.memory_space<vmem_shared>> -> memref<10240x128xf32, #tpu.memory_space<vmem_shared>>
      tpu.enqueue_indirect_dma source(%arg10 : memref<40x128xf32, #tpu.memory_space<vmem>>) target(%dma_start3A_152 : memref<10240x128xf32, #tpu.memory_space<vmem_shared>>) offsets(%dma_start3A_149 : memref<40xi32, #tpu.memory_space<vmem>>) semaphore(%arg14 : memref<!tpu.dma_semaphore, #tpu.memory_space<semaphore_mem>>) {add = true}
    }
    %scan3A_8 = arith.constant 31 : i32
    %dma_wait3A = arith.constant 0 : i32
    %dma_wait3A_9 = arith.constant 0 : i32
    %dma_wait3A_10 = tpu.memref_slice %arg6[%dma_wait3A, %dma_wait3A_9] : memref<125x40xi32, #tpu.memory_space<vmem>> -> memref<1x40xi32, #tpu.memory_space<vmem>>
    %dma_wait3A_11 = tpu.memref_squeeze %dma_wait3A_10 : memref<1x40xi32, #tpu.memory_space<vmem>> -> memref<40xi32, #tpu.memory_space<vmem>>
    %dma_wait3A_12 = arith.constant 0 : i32
    %dma_wait3A_13 = arith.constant 0 : i32
    %dma_wait3A_14 = tpu.memref_slice %arg11[%dma_wait3A_12, %dma_wait3A_13] : memref<10240x128xf32, #tpu.memory_space<vmem_shared>> -> memref<10240x128xf32, #tpu.memory_space<vmem_shared>>
    tpu.wait_indirect_dma semaphore(%arg13 : memref<!tpu.dma_semaphore, #tpu.memory_space<semaphore_mem>>) src(%arg7 : memref<40x128xf32, #tpu.memory_space<vmem>>) dst(%dma_wait3A_14 : memref<10240x128xf32, #tpu.memory_space<vmem_shared>>)
    %dma_wait3A_15 = arith.constant 0 : i32
    %dma_wait3A_16 = arith.constant 0 : i32
    %dma_wait3A_17 = tpu.memref_slice %arg6[%dma_wait3A_15, %dma_wait3A_16] : memref<125x40xi32, #tpu.memory_space<vmem>> -> memref<1x40xi32, #tpu.memory_space<vmem>>
    %dma_wait3A_18 = tpu.memref_squeeze %dma_wait3A_17 : memref<1x40xi32, #tpu.memory_space<vmem>> -> memref<40xi32, #tpu.memory_space<vmem>>
    %dma_wait3A_19 = arith.constant 0 : i32
    %dma_wait3A_20 = arith.constant 0 : i32
    %dma_wait3A_21 = tpu.memref_slice %arg11[%dma_wait3A_19, %dma_wait3A_20] : memref<10240x128xf32, #tpu.memory_space<vmem_shared>> -> memref<10240x128xf32, #tpu.memory_space<vmem_shared>>
    tpu.wait_indirect_dma semaphore(%arg13 : memref<!tpu.dma_semaphore, #tpu.memory_space<semaphore_mem>>) src(%arg8 : memref<40x128xf32, #tpu.memory_space<vmem>>) dst(%dma_wait3A_21 : memref<10240x128xf32, #tpu.memory_space<vmem_shared>>)
    %dma_wait3A_22 = arith.constant 0 : i32
    %dma_wait3A_23 = arith.constant 0 : i32
    %dma_wait3A_24 = tpu.memref_slice %arg6[%dma_wait3A_22, %dma_wait3A_23] : memref<125x40xi32, #tpu.memory_space<vmem>> -> memref<1x40xi32, #tpu.memory_space<vmem>>
    %dma_wait3A_25 = tpu.memref_squeeze %dma_wait3A_24 : memref<1x40xi32, #tpu.memory_space<vmem>> -> memref<40xi32, #tpu.memory_space<vmem>>
    %dma_wait3A_26 = arith.constant 0 : i32
    %dma_wait3A_27 = arith.constant 0 : i32
    %dma_wait3A_28 = tpu.memref_slice %arg11[%dma_wait3A_26, %dma_wait3A_27] : memref<10240x128xf32, #tpu.memory_space<vmem_shared>> -> memref<10240x128xf32, #tpu.memory_space<vmem_shared>>
    tpu.wait_indirect_dma semaphore(%arg14 : memref<!tpu.dma_semaphore, #tpu.memory_space<semaphore_mem>>) src(%arg9 : memref<40x128xf32, #tpu.memory_space<vmem>>) dst(%dma_wait3A_28 : memref<10240x128xf32, #tpu.memory_space<vmem_shared>>)
    %dma_wait3A_29 = arith.constant 0 : i32
    %dma_wait3A_30 = arith.constant 0 : i32
    %dma_wait3A_31 = tpu.memref_slice %arg6[%dma_wait3A_29, %dma_wait3A_30] : memref<125x40xi32, #tpu.memory_space<vmem>> -> memref<1x40xi32, #tpu.memory_space<vmem>>
    %dma_wait3A_32 = tpu.memref_squeeze %dma_wait3A_31 : memref<1x40xi32, #tpu.memory_space<vmem>> -> memref<40xi32, #tpu.memory_space<vmem>>
    %dma_wait3A_33 = arith.constant 0 : i32
    %dma_wait3A_34 = arith.constant 0 : i32
    %dma_wait3A_35 = tpu.memref_slice %arg11[%dma_wait3A_33, %dma_wait3A_34] : memref<10240x128xf32, #tpu.memory_space<vmem_shared>> -> memref<10240x128xf32, #tpu.memory_space<vmem_shared>>
    tpu.wait_indirect_dma semaphore(%arg14 : memref<!tpu.dma_semaphore, #tpu.memory_space<semaphore_mem>>) src(%arg10 : memref<40x128xf32, #tpu.memory_space<vmem>>) dst(%dma_wait3A_35 : memref<10240x128xf32, #tpu.memory_space<vmem_shared>>)
    %add3A_36 = arith.constant 4960 : i32
    %add3A_37 = arith.addi %mul3A_2, %add3A_36 : i32
    %multiple_of3A_38 = tpu.assume_multiple %add3A_37, 8 : i32
    "tpu.region"() ({
      %run_scoped3A_40 = tpu.sem_alloc : memref<!tpu.dma_semaphore, #tpu.memory_space<semaphore_mem>>
      %dma_start3A = arith.constant 0 : i32
      %dma_start3A_41 = tpu.memref_slice %arg2[%multiple_of3A_38, %dma_start3A] : memref<160000x128xf32, #tpu.memory_space<hbm>> -> memref<40x128xf32, #tpu.memory_space<hbm>>
      %dma_start3A_42 = arith.constant 0 : i32
      %dma_start3A_43 = tpu.memref_slice %arg2[%multiple_of3A_38, %dma_start3A_42] : memref<160000x128xf32, #tpu.memory_space<hbm>> -> memref<40x128xf32, #tpu.memory_space<hbm>>
      tpu.enqueue_dma source(%dma_start3A_43 : memref<40x128xf32, #tpu.memory_space<hbm>>) target(%arg7 : memref<40x128xf32, #tpu.memory_space<vmem>>) target_semaphore(%run_scoped3A_40 : memref<!tpu.dma_semaphore, #tpu.memory_space<semaphore_mem>>)
      %dma_wait3A_44 = arith.constant 0 : i32
      %dma_wait3A_45 = tpu.memref_slice %arg2[%multiple_of3A_38, %dma_wait3A_44] : memref<160000x128xf32, #tpu.memory_space<hbm>> -> memref<40x128xf32, #tpu.memory_space<hbm>>
      %dma_wait3A_46 = arith.constant 0 : i32
      %dma_wait3A_47 = tpu.memref_slice %arg2[%multiple_of3A_38, %dma_wait3A_46] : memref<160000x128xf32, #tpu.memory_space<hbm>> -> memref<40x128xf32, #tpu.memory_space<hbm>>
      tpu.wait_dma2 semaphore(%run_scoped3A_40 : memref<!tpu.dma_semaphore, #tpu.memory_space<semaphore_mem>>) src(%dma_wait3A_47 : memref<40x128xf32, #tpu.memory_space<hbm>>) dst(%arg7 : memref<40x128xf32, #tpu.memory_space<vmem>>)
      tpu.yield
    }) : () -> ()
    %run_scoped3A = arith.constant 124 : i32
    "tpu.region"() ({
      %run_scoped3A_40 = tpu.sem_alloc : memref<!tpu.dma_semaphore, #tpu.memory_space<semaphore_mem>>
      %dma_start3A = arith.constant 0 : i32
      %dma_start3A_41 = tpu.memref_slice %arg6[%run_scoped3A, %dma_start3A] : memref<125x40xi32, #tpu.memory_space<vmem>> -> memref<1x40xi32, #tpu.memory_space<vmem>>
      %dma_start3A_42 = tpu.memref_squeeze %dma_start3A_41 : memref<1x40xi32, #tpu.memory_space<vmem>> -> memref<40xi32, #tpu.memory_space<vmem>>
      %dma_start3A_43 = arith.constant 0 : i32
      %dma_start3A_44 = arith.constant 0 : i32
      %dma_start3A_45 = tpu.memref_slice %arg11[%dma_start3A_43, %dma_start3A_44] : memref<10240x128xf32, #tpu.memory_space<vmem_shared>> -> memref<10240x128xf32, #tpu.memory_space<vmem_shared>>
      tpu.enqueue_indirect_dma source(%arg7 : memref<40x128xf32, #tpu.memory_space<vmem>>) target(%dma_start3A_45 : memref<10240x128xf32, #tpu.memory_space<vmem_shared>>) offsets(%dma_start3A_42 : memref<40xi32, #tpu.memory_space<vmem>>) semaphore(%run_scoped3A_40 : memref<!tpu.dma_semaphore, #tpu.memory_space<semaphore_mem>>) {add = true}
      %dma_wait3A_46 = arith.constant 0 : i32
      %dma_wait3A_47 = tpu.memref_slice %arg6[%run_scoped3A, %dma_wait3A_46] : memref<125x40xi32, #tpu.memory_space<vmem>> -> memref<1x40xi32, #tpu.memory_space<vmem>>
      %dma_wait3A_48 = tpu.memref_squeeze %dma_wait3A_47 : memref<1x40xi32, #tpu.memory_space<vmem>> -> memref<40xi32, #tpu.memory_space<vmem>>
      %dma_wait3A_49 = arith.constant 0 : i32
      %dma_wait3A_50 = arith.constant 0 : i32
      %dma_wait3A_51 = tpu.memref_slice %arg11[%dma_wait3A_49, %dma_wait3A_50] : memref<10240x128xf32, #tpu.memory_space<vmem_shared>> -> memref<10240x128xf32, #tpu.memory_space<vmem_shared>>
      tpu.wait_indirect_dma semaphore(%run_scoped3A_40 : memref<!tpu.dma_semaphore, #tpu.memory_space<semaphore_mem>>) src(%arg7 : memref<40x128xf32, #tpu.memory_space<vmem>>) dst(%dma_wait3A_51 : memref<10240x128xf32, #tpu.memory_space<vmem_shared>>)
      tpu.yield
    }) : () -> ()
    %barrier3A_39 = arith.constant 0 : index
    tpu.barrier barrier_id(%barrier3A_39)
    "tpu.region"() ({
      %run_scoped3A_40 = tpu.sem_alloc : memref<!tpu.dma_semaphore, #tpu.memory_space<semaphore_mem>>
      %dma_start3A = arith.constant 0 : i32
      %dma_start3A_41 = tpu.memref_slice %arg5[%arg0, %multiple_of3A, %dma_start3A] : memref<2x10240x128xf32, #tpu.memory_space<hbm>> -> memref<1x640x128xf32, #tpu.memory_space<hbm>>
      %dma_start3A_42 = tpu.memref_squeeze %dma_start3A_41 : memref<1x640x128xf32, #tpu.memory_space<hbm>> -> memref<640x128xf32, #tpu.memory_space<hbm>>
      %dma_start3A_43 = arith.constant 0 : i32
      %dma_start3A_44 = tpu.memref_slice %arg11[%multiple_of3A, %dma_start3A_43] : memref<10240x128xf32, #tpu.memory_space<vmem_shared>> -> memref<640x128xf32, #tpu.memory_space<vmem_shared>>
      tpu.enqueue_dma source(%dma_start3A_44 : memref<640x128xf32, #tpu.memory_space<vmem_shared>>) target(%dma_start3A_42 : memref<640x128xf32, #tpu.memory_space<hbm>>) target_semaphore(%run_scoped3A_40 : memref<!tpu.dma_semaphore, #tpu.memory_space<semaphore_mem>>)
      %dma_wait3A_45 = arith.constant 0 : i32
      %dma_wait3A_46 = tpu.memref_slice %arg5[%arg0, %multiple_of3A, %dma_wait3A_45] : memref<2x10240x128xf32, #tpu.memory_space<hbm>> -> memref<1x640x128xf32, #tpu.memory_space<hbm>>
      %dma_wait3A_47 = tpu.memref_squeeze %dma_wait3A_46 : memref<1x640x128xf32, #tpu.memory_space<hbm>> -> memref<640x128xf32, #tpu.memory_space<hbm>>
      %dma_wait3A_48 = arith.constant 0 : i32
      %dma_wait3A_49 = tpu.memref_slice %arg11[%multiple_of3A, %dma_wait3A_48] : memref<10240x128xf32, #tpu.memory_space<vmem_shared>> -> memref<640x128xf32, #tpu.memory_space<vmem_shared>>
      tpu.wait_dma2 semaphore(%run_scoped3A_40 : memref<!tpu.dma_semaphore, #tpu.memory_space<semaphore_mem>>) src(%dma_wait3A_49 : memref<640x128xf32, #tpu.memory_space<vmem_shared>>) dst(%dma_wait3A_47 : memref<640x128xf32, #tpu.memory_space<hbm>>)
      tpu.yield
    }) : () -> ()
    return
  }
}

module attributes {stable_mosaic.version = 14 : i64} {
  func.func @_pq_body(%arg0: i32, %arg1: memref<400x128xf32, #tpu.memory_space<vmem>>, %arg2: memref<128x128xf32, #tpu.memory_space<vmem>>, %arg3: memref<128x128xf32, #tpu.memory_space<vmem>>, %arg4: memref<400x128xf32, #tpu.memory_space<vmem>>, %arg5: memref<400x128xf32, #tpu.memory_space<vmem>>) attributes {dimension_semantics = [#tpu.dimension_semantics<arbitrary>], iteration_bounds = array<i64: 25>, scalar_prefetch = 0 : i64, scratch_operands = 0 : i64, tpu.core_type = #tpu.core_type<tc>, window_params = [{transform_indices = @transform_0, window_bounds = array<i64: 400, 128>}, {pipeline_mode = #tpu.pipeline_mode<synchronous>, transform_indices = @transform_1, window_bounds = array<i64: 128, 128>}, {pipeline_mode = #tpu.pipeline_mode<synchronous>, transform_indices = @transform_2, window_bounds = array<i64: 128, 128>}, {transform_indices = @transform_3, window_bounds = array<i64: 400, 128>}, {transform_indices = @transform_4, window_bounds = array<i64: 400, 128>}]} {
    %get3A = arith.constant 0 : index
    %get3A_0 = arith.constant 0 : index
    %get3A_1 = vector.load %arg1[%get3A, %get3A_0] : memref<400x128xf32, #tpu.memory_space<vmem>>, vector<400x128xf32>
    %get3A_2 = arith.constant 0 : index
    %get3A_3 = arith.constant 0 : index
    %get3A_4 = vector.load %arg2[%get3A_2, %get3A_3] : memref<128x128xf32, #tpu.memory_space<vmem>>, vector<128x128xf32>
    %dot_general3A = arith.constant dense<0.000000e+00> : vector<400x128xf32>
    %dot_general3A_5 = tpu.matmul %get3A_1, %get3A_4, %dot_general3A {dimension_numbers = #tpu.dot_dimension_numbers<[1], [0], [0], [1], [0, 0, 1, 1], [], []>, precision = #tpu.contract_precision<fp32>, transpose_lhs_hint = false} : vector<400x128xf32>, vector<128x128xf32>, vector<400x128xf32> -> vector<400x128xf32>
    %swap3A = arith.constant 0 : index
    %swap3A_6 = arith.constant 0 : index
    %swap3A_7 = vector.load %arg4[%swap3A, %swap3A_6] : memref<400x128xf32, #tpu.memory_space<vmem>>, vector<400x128xf32>
    tpu.vector_store %arg4[%swap3A, %swap3A_6], %dot_general3A_5 {strides = array<i32>} : memref<400x128xf32, #tpu.memory_space<vmem>>, vector<400x128xf32>,
    %get3A_8 = arith.constant 0 : index
    %get3A_9 = arith.constant 0 : index
    %get3A_10 = vector.load %arg3[%get3A_8, %get3A_9] : memref<128x128xf32, #tpu.memory_space<vmem>>, vector<128x128xf32>
    %dot_general3A_11 = arith.constant dense<0.000000e+00> : vector<400x128xf32>
    %dot_general3A_12 = tpu.matmul %get3A_1, %get3A_10, %dot_general3A_11 {dimension_numbers = #tpu.dot_dimension_numbers<[1], [0], [0], [1], [0, 0, 1, 1], [], []>, precision = #tpu.contract_precision<fp32>, transpose_lhs_hint = false} : vector<400x128xf32>, vector<128x128xf32>, vector<400x128xf32> -> vector<400x128xf32>
    %swap3A_13 = arith.constant 0 : index
    %swap3A_14 = arith.constant 0 : index
    %swap3A_15 = vector.load %arg5[%swap3A_13, %swap3A_14] : memref<400x128xf32, #tpu.memory_space<vmem>>, vector<400x128xf32>
    tpu.vector_store %arg5[%swap3A_13, %swap3A_14], %dot_general3A_12 {strides = array<i32>} : memref<400x128xf32, #tpu.memory_space<vmem>>, vector<400x128xf32>,
    return
  }
  func.func @transform_0(%arg0: i32) -> (i32, i32) {
    %c0_i32 = arith.constant 0 : i32
    %c0_i32_0 = arith.constant 0 : i32
    return %arg0, %c0_i32 : i32, i32
  }
  func.func @transform_1(%arg0: i32) -> (i32, i32) {
    %c0_i32 = arith.constant 0 : i32
    %c0_i32_0 = arith.constant 0 : i32
    %c0_i32_1 = arith.constant 0 : i32
    return %c0_i32, %c0_i32_0 : i32, i32
  }
  func.func @transform_2(%arg0: i32) -> (i32, i32) {
    %c0_i32 = arith.constant 0 : i32
    %c0_i32_0 = arith.constant 0 : i32
    %c0_i32_1 = arith.constant 0 : i32
    return %c0_i32, %c0_i32_0 : i32, i32
  }
  func.func @transform_3(%arg0: i32) -> (i32, i32) {
    %c0_i32 = arith.constant 0 : i32
    %c0_i32_0 = arith.constant 0 : i32
    return %arg0, %c0_i32 : i32, i32
  }
  func.func @transform_4(%arg0: i32) -> (i32, i32) {
    %c0_i32 = arith.constant 0 : i32
    %c0_i32_0 = arith.constant 0 : i32
    return %arg0, %c0_i32 : i32, i32
  }
}

module attributes {stable_mosaic.version = 14 : i64} {
  func.func @_out_body(%arg0: i32, %arg1: memref<2x400x128xf32, #tpu.memory_space<vmem>>, %arg2: memref<2x400x128xf32, #tpu.memory_space<vmem>>, %arg3: memref<2x400x128xf32, #tpu.memory_space<vmem>>, %arg4: memref<128x128xf32, #tpu.memory_space<vmem>>, %arg5: memref<1x128xf32, #tpu.memory_space<vmem>>, %arg6: memref<400x128xf32, #tpu.memory_space<vmem>>) attributes {dimension_semantics = [#tpu.dimension_semantics<arbitrary>], iteration_bounds = array<i64: 25>, scalar_prefetch = 0 : i64, scratch_operands = 0 : i64, tpu.core_type = #tpu.core_type<tc>, window_params = [{transform_indices = @transform_0, window_bounds = array<i64: 2, 400, 128>}, {transform_indices = @transform_1, window_bounds = array<i64: 2, 400, 128>}, {transform_indices = @transform_2, window_bounds = array<i64: 2, 400, 128>}, {pipeline_mode = #tpu.pipeline_mode<synchronous>, transform_indices = @transform_3, window_bounds = array<i64: 128, 128>}, {pipeline_mode = #tpu.pipeline_mode<synchronous>, transform_indices = @transform_4, window_bounds = array<i64: 1, 128>}, {transform_indices = @transform_5, window_bounds = array<i64: 400, 128>}]} {
    %get3A = arith.constant 0 : index
    %get3A_0 = arith.constant 0 : index
    %get3A_1 = arith.constant 0 : index
    %get3A_2 = vector.load %arg1[%get3A, %get3A_0, %get3A_1] : memref<2x400x128xf32, #tpu.memory_space<vmem>>, vector<1x400x128xf32>
    %get3A_3 = vector.shape_cast %get3A_2 : vector<1x400x128xf32> to vector<400x128xf32>
    %get3A_4 = arith.constant 1 : index
    %get3A_5 = arith.constant 0 : index
    %get3A_6 = arith.constant 0 : index
    %get3A_7 = vector.load %arg1[%get3A_4, %get3A_5, %get3A_6] : memref<2x400x128xf32, #tpu.memory_space<vmem>>, vector<1x400x128xf32>
    %get3A_8 = vector.shape_cast %get3A_7 : vector<1x400x128xf32> to vector<400x128xf32>
    %add3A = arith.addf %get3A_3, %get3A_8 : vector<400x128xf32>
    %get3A_9 = arith.constant 0 : index
    %get3A_10 = arith.constant 0 : index
    %get3A_11 = arith.constant 0 : index
    %get3A_12 = vector.load %arg2[%get3A_9, %get3A_10, %get3A_11] : memref<2x400x128xf32, #tpu.memory_space<vmem>>, vector<1x400x128xf32>
    %get3A_13 = vector.shape_cast %get3A_12 : vector<1x400x128xf32> to vector<400x128xf32>
    %add3A_14 = arith.addf %add3A, %get3A_13 : vector<400x128xf32>
    %get3A_15 = arith.constant 1 : index
    %get3A_16 = arith.constant 0 : index
    %get3A_17 = arith.constant 0 : index
    %get3A_18 = vector.load %arg2[%get3A_15, %get3A_16, %get3A_17] : memref<2x400x128xf32, #tpu.memory_space<vmem>>, vector<1x400x128xf32>
    %get3A_19 = vector.shape_cast %get3A_18 : vector<1x400x128xf32> to vector<400x128xf32>
    %add3A_20 = arith.addf %add3A_14, %get3A_19 : vector<400x128xf32>
    %get3A_21 = arith.constant 0 : index
    %get3A_22 = arith.constant 0 : index
    %get3A_23 = arith.constant 0 : index
    %get3A_24 = vector.load %arg3[%get3A_21, %get3A_22, %get3A_23] : memref<2x400x128xf32, #tpu.memory_space<vmem>>, vector<1x400x1xf32>
    %get3A_25 = vector.shape_cast %get3A_24 : vector<1x400x1xf32> to vector<400x1xf32>
    %get3A_26 = arith.constant 1 : index
    %get3A_27 = arith.constant 0 : index
    %get3A_28 = arith.constant 0 : index
    %get3A_29 = vector.load %arg3[%get3A_26, %get3A_27, %get3A_28] : memref<2x400x128xf32, #tpu.memory_space<vmem>>, vector<1x400x1xf32>
    %get3A_30 = vector.shape_cast %get3A_29 : vector<1x400x1xf32> to vector<400x1xf32>
    %add3A_31 = arith.addf %get3A_25, %get3A_30 : vector<400x1xf32>
    %get3A_32 = arith.constant 0 : index
    %get3A_33 = arith.constant 0 : index
    %get3A_34 = vector.load %arg4[%get3A_32, %get3A_33] : memref<128x128xf32, #tpu.memory_space<vmem>>, vector<128x128xf32>
    %dot_general3A = arith.constant dense<0.000000e+00> : vector<400x128xf32>
    %dot_general3A_35 = tpu.matmul %add3A_20, %get3A_34, %dot_general3A {dimension_numbers = #tpu.dot_dimension_numbers<[1], [0], [0], [1], [0, 0, 1, 1], [], []>, precision = #tpu.contract_precision<fp32>, transpose_lhs_hint = false} : vector<400x128xf32>, vector<128x128xf32>, vector<400x128xf32> -> vector<400x128xf32>
    %get3A_36 = arith.constant 0 : index
    %get3A_37 = arith.constant 0 : index
    %get3A_38 = vector.load %arg5[%get3A_36, %get3A_37] : memref<1x128xf32, #tpu.memory_space<vmem>>, vector<1x128xf32>
    %mul3A = vector.broadcast %add3A_31 : vector<400x1xf32> to vector<400x128xf32>
    %mul3A_39 = vector.broadcast %get3A_38 : vector<1x128xf32> to vector<400x128xf32>
    %mul3A_40 = arith.mulf %mul3A, %mul3A_39 : vector<400x128xf32>
    %add3A_41 = arith.addf %dot_general3A_35, %mul3A_40 : vector<400x128xf32>
    %max3A = arith.constant 1.000000e+00 : f32
    %max3A_42 = vector.broadcast %max3A : f32 to vector<400x1xf32>
    %max3A_43 = arith.maximumf %add3A_31, %max3A_42 : vector<400x1xf32>
    %div3A = vector.broadcast %max3A_43 : vector<400x1xf32> to vector<400x128xf32>
    %div3A_44 = arith.divf %add3A_41, %div3A : vector<400x128xf32>
    %swap3A = arith.constant 0 : index
    %swap3A_45 = arith.constant 0 : index
    %swap3A_46 = vector.load %arg6[%swap3A, %swap3A_45] : memref<400x128xf32, #tpu.memory_space<vmem>>, vector<400x128xf32>
    tpu.vector_store %arg6[%swap3A, %swap3A_45], %div3A_44 {strides = array<i32>} : memref<400x128xf32, #tpu.memory_space<vmem>>, vector<400x128xf32>,
    return
  }
  func.func @transform_0(%arg0: i32) -> (i32, i32, i32) {
    %c0_i32 = arith.constant 0 : i32
    %c0_i32_0 = arith.constant 0 : i32
    %c0_i32_1 = arith.constant 0 : i32
    return %c0_i32, %arg0, %c0_i32_0 : i32, i32, i32
  }
  func.func @transform_1(%arg0: i32) -> (i32, i32, i32) {
    %c0_i32 = arith.constant 0 : i32
    %c0_i32_0 = arith.constant 0 : i32
    %c0_i32_1 = arith.constant 0 : i32
    return %c0_i32, %arg0, %c0_i32_0 : i32, i32, i32
  }
  func.func @transform_2(%arg0: i32) -> (i32, i32, i32) {
    %c0_i32 = arith.constant 0 : i32
    %c0_i32_0 = arith.constant 0 : i32
    %c0_i32_1 = arith.constant 0 : i32
    return %c0_i32, %arg0, %c0_i32_0 : i32, i32, i32
  }
  func.func @transform_3(%arg0: i32) -> (i32, i32) {
    %c0_i32 = arith.constant 0 : i32
    %c0_i32_0 = arith.constant 0 : i32
    %c0_i32_1 = arith.constant 0 : i32
    return %c0_i32, %c0_i32_0 : i32, i32
  }
  func.func @transform_4(%arg0: i32) -> (i32, i32) {
    %c0_i32 = arith.constant 0 : i32
    %c0_i32_0 = arith.constant 0 : i32
    %c0_i32_1 = arith.constant 0 : i32
    return %c0_i32, %c0_i32_0 : i32, i32
  }
  func.func @transform_5(%arg0: i32) -> (i32, i32) {
    %c0_i32 = arith.constant 0 : i32
    %c0_i32_0 = arith.constant 0 : i32
    return %arg0, %c0_i32 : i32, i32
  }
}

module attributes {stable_mosaic.version = 14 : i64} {
  func.func @_mlp_body(%arg0: i32, %arg1: memref<3200x128xf32, #tpu.memory_space<vmem>>, %arg2: memref<3200x128xf32, #tpu.memory_space<vmem>>, %arg3: memref<3200x4xf32, #tpu.memory_space<vmem>>, %arg4: memref<4x128xf32, #tpu.memory_space<vmem>>, %arg5: memref<1x128xf32, #tpu.memory_space<vmem>>, %arg6: memref<1x128xf32, #tpu.memory_space<vmem>>, %arg7: memref<1x128xf32, #tpu.memory_space<vmem>>, %arg8: memref<128x128xf32, #tpu.memory_space<vmem>>, %arg9: memref<3200x128xf32, #tpu.memory_space<vmem>>) attributes {dimension_semantics = [#tpu.dimension_semantics<arbitrary>], iteration_bounds = array<i64: 50>, scalar_prefetch = 0 : i64, scratch_operands = 0 : i64, tpu.core_type = #tpu.core_type<tc>, window_params = [{transform_indices = @transform_0, window_bounds = array<i64: 3200, 128>}, {transform_indices = @transform_1, window_bounds = array<i64: 3200, 128>}, {transform_indices = @transform_2, window_bounds = array<i64: 3200, 4>}, {pipeline_mode = #tpu.pipeline_mode<synchronous>, transform_indices = @transform_3, window_bounds = array<i64: 4, 128>}, {pipeline_mode = #tpu.pipeline_mode<synchronous>, transform_indices = @transform_4, window_bounds = array<i64: 1, 128>}, {pipeline_mode = #tpu.pipeline_mode<synchronous>, transform_indices = @transform_5, window_bounds = array<i64: 1, 128>}, {pipeline_mode = #tpu.pipeline_mode<synchronous>, transform_indices = @transform_6, window_bounds = array<i64: 1, 128>}, {pipeline_mode = #tpu.pipeline_mode<synchronous>, transform_indices = @transform_7, window_bounds = array<i64: 128, 128>}, {transform_indices = @transform_8, window_bounds = array<i64: 3200, 128>}]} {
    %get3A = arith.constant 0 : index
    %get3A_0 = arith.constant 0 : index
    %get3A_1 = vector.load %arg1[%get3A, %get3A_0] : memref<3200x128xf32, #tpu.memory_space<vmem>>, vector<3200x128xf32>
    %get3A_2 = arith.constant 0 : index
    %get3A_3 = arith.constant 0 : index
    %get3A_4 = vector.load %arg2[%get3A_2, %get3A_3] : memref<3200x128xf32, #tpu.memory_space<vmem>>, vector<3200x128xf32>
    %add3A = arith.addf %get3A_1, %get3A_4 : vector<3200x128xf32>
    %get3A_5 = arith.constant 0 : index
    %get3A_6 = arith.constant 0 : index
    %get3A_7 = vector.load %arg3[%get3A_5, %get3A_6] : memref<3200x4xf32, #tpu.memory_space<vmem>>, vector<3200x4xf32>
    %get3A_8 = arith.constant 0 : index
    %get3A_9 = arith.constant 0 : index
    %get3A_10 = vector.load %arg4[%get3A_8, %get3A_9] : memref<4x128xf32, #tpu.memory_space<vmem>>, vector<4x128xf32>
    %dot_general3A = arith.constant dense<0.000000e+00> : vector<3200x128xf32>
    %dot_general3A_11 = tpu.matmul %get3A_7, %get3A_10, %dot_general3A {dimension_numbers = #tpu.dot_dimension_numbers<[1], [0], [0], [1], [0, 0, 1, 1], [], []>, precision = #tpu.contract_precision<fp32>, transpose_lhs_hint = false} : vector<3200x4xf32>, vector<4x128xf32>, vector<3200x128xf32> -> vector<3200x128xf32>
    %add3A_12 = arith.addf %add3A, %dot_general3A_11 : vector<3200x128xf32>
    %get3A_13 = arith.constant 0 : index
    %get3A_14 = arith.constant 0 : index
    %get3A_15 = vector.load %arg5[%get3A_13, %get3A_14] : memref<1x128xf32, #tpu.memory_space<vmem>>, vector<1x128xf32>
    %add3A_16 = vector.broadcast %get3A_15 : vector<1x128xf32> to vector<3200x128xf32>
    %add3A_17 = arith.addf %add3A_12, %add3A_16 : vector<3200x128xf32>
    %get3A_18 = arith.constant 0 : index
    %get3A_19 = arith.constant 0 : index
    %get3A_20 = vector.load %arg8[%get3A_18, %get3A_19] : memref<128x128xf32, #tpu.memory_space<vmem>>, vector<128x128xf32>
    %convert_element_type3A = arith.truncf %get3A_20 : vector<128x128xf32> to vector<128x128xbf16>
    %convert_element_type3A_21 = arith.truncf %add3A_17 : vector<3200x128xf32> to vector<3200x128xbf16>
    %dot_general3A_22 = arith.constant dense<0.000000e+00> : vector<3200x128xf32>
    %dot_general3A_23 = tpu.matmul %convert_element_type3A_21, %convert_element_type3A, %dot_general3A_22 {dimension_numbers = #tpu.dot_dimension_numbers<[1], [0], [0], [1], [0, 0, 1, 1], [], []>, transpose_lhs_hint = false} : vector<3200x128xbf16>, vector<128x128xbf16>, vector<3200x128xf32> -> vector<3200x128xf32>
    %mul3A = arith.mulf %add3A_17, %add3A_17 : vector<3200x128xf32>
    %convert_element_type3A_24 = arith.truncf %mul3A : vector<3200x128xf32> to vector<3200x128xbf16>
    %dot_general3A_25 = arith.constant dense<0.000000e+00> : vector<3200x128xf32>
    %dot_general3A_26 = tpu.matmul %convert_element_type3A_24, %convert_element_type3A, %dot_general3A_25 {dimension_numbers = #tpu.dot_dimension_numbers<[1], [0], [0], [1], [0, 0, 1, 1], [], []>, transpose_lhs_hint = false} : vector<3200x128xbf16>, vector<128x128xbf16>, vector<3200x128xf32> -> vector<3200x128xf32>
    %mul3A_27 = arith.mulf %dot_general3A_23, %dot_general3A_23 : vector<3200x128xf32>
    %sub3A = arith.subf %dot_general3A_26, %mul3A_27 : vector<3200x128xf32>
    %sub3A_28 = arith.subf %add3A_17, %dot_general3A_23 : vector<3200x128xf32>
    %add3A_29 = arith.constant 9.99999974E-6 : f32
    %add3A_30 = vector.broadcast %add3A_29 : f32 to vector<3200x128xf32>
    %add3A_31 = arith.addf %sub3A, %add3A_30 : vector<3200x128xf32>
    %rsqrt3A = math.rsqrt %add3A_31 : vector<3200x128xf32>
    %mul3A_32 = arith.mulf %sub3A_28, %rsqrt3A : vector<3200x128xf32>
    %get3A_33 = arith.constant 0 : index
    %get3A_34 = arith.constant 0 : index
    %get3A_35 = vector.load %arg6[%get3A_33, %get3A_34] : memref<1x128xf32, #tpu.memory_space<vmem>>, vector<1x128xf32>
    %mul3A_36 = vector.broadcast %get3A_35 : vector<1x128xf32> to vector<3200x128xf32>
    %mul3A_37 = arith.mulf %mul3A_32, %mul3A_36 : vector<3200x128xf32>
    %get3A_38 = arith.constant 0 : index
    %get3A_39 = arith.constant 0 : index
    %get3A_40 = vector.load %arg7[%get3A_38, %get3A_39] : memref<1x128xf32, #tpu.memory_space<vmem>>, vector<1x128xf32>
    %add3A_41 = vector.broadcast %get3A_40 : vector<1x128xf32> to vector<3200x128xf32>
    %add3A_42 = arith.addf %mul3A_37, %add3A_41 : vector<3200x128xf32>
    %logistic3A = arith.negf %add3A_42 : vector<3200x128xf32>
    %logistic3A_43 = math.exp %logistic3A : vector<3200x128xf32>
    %logistic3A_44 = arith.constant 1.000000e+00 : f32
    %logistic3A_45 = vector.broadcast %logistic3A_44 : f32 to vector<3200x128xf32>
    %logistic3A_46 = arith.addf %logistic3A_45, %logistic3A_43 : vector<3200x128xf32>
    %logistic3A_47 = arith.divf %logistic3A_45, %logistic3A_46 : vector<3200x128xf32>
    %mul3A_48 = arith.mulf %add3A_42, %logistic3A_47 : vector<3200x128xf32>
    %swap3A = arith.constant 0 : index
    %swap3A_49 = arith.constant 0 : index
    %swap3A_50 = vector.load %arg9[%swap3A, %swap3A_49] : memref<3200x128xf32, #tpu.memory_space<vmem>>, vector<3200x128xf32>
    tpu.vector_store %arg9[%swap3A, %swap3A_49], %mul3A_48 {strides = array<i32>} : memref<3200x128xf32, #tpu.memory_space<vmem>>, vector<3200x128xf32>,
    return
  }
  func.func @transform_0(%arg0: i32) -> (i32, i32) {
    %c0_i32 = arith.constant 0 : i32
    %c0_i32_0 = arith.constant 0 : i32
    return %arg0, %c0_i32 : i32, i32
  }
  func.func @transform_1(%arg0: i32) -> (i32, i32) {
    %c0_i32 = arith.constant 0 : i32
    %c0_i32_0 = arith.constant 0 : i32
    return %arg0, %c0_i32 : i32, i32
  }
  func.func @transform_2(%arg0: i32) -> (i32, i32) {
    %c0_i32 = arith.constant 0 : i32
    %c0_i32_0 = arith.constant 0 : i32
    return %arg0, %c0_i32 : i32, i32
  }
  func.func @transform_3(%arg0: i32) -> (i32, i32) {
    %c0_i32 = arith.constant 0 : i32
    %c0_i32_0 = arith.constant 0 : i32
    %c0_i32_1 = arith.constant 0 : i32
    return %c0_i32, %c0_i32_0 : i32, i32
  }
  func.func @transform_4(%arg0: i32) -> (i32, i32) {
    %c0_i32 = arith.constant 0 : i32
    %c0_i32_0 = arith.constant 0 : i32
    %c0_i32_1 = arith.constant 0 : i32
    return %c0_i32, %c0_i32_0 : i32, i32
  }
  func.func @transform_5(%arg0: i32) -> (i32, i32) {
    %c0_i32 = arith.constant 0 : i32
    %c0_i32_0 = arith.constant 0 : i32
    %c0_i32_1 = arith.constant 0 : i32
    return %c0_i32, %c0_i32_0 : i32, i32
  }
  func.func @transform_6(%arg0: i32) -> (i32, i32) {
    %c0_i32 = arith.constant 0 : i32
    %c0_i32_0 = arith.constant 0 : i32
    %c0_i32_1 = arith.constant 0 : i32
    return %c0_i32, %c0_i32_0 : i32, i32
  }
  func.func @transform_7(%arg0: i32) -> (i32, i32) {
    %c0_i32 = arith.constant 0 : i32
    %c0_i32_0 = arith.constant 0 : i32
    %c0_i32_1 = arith.constant 0 : i32
    return %c0_i32, %c0_i32_0 : i32, i32
  }
  func.func @transform_8(%arg0: i32) -> (i32, i32) {
    %c0_i32 = arith.constant 0 : i32
    %c0_i32_0 = arith.constant 0 : i32
    return %arg0, %c0_i32 : i32, i32
  }
}

</mosaic_0001>

<sc_bundles>
// kernel: kernel.11.cloned.1.call-start
scs
__scs_entry_jumppad:
0x0: {  	(pc) =	sbr.rel $0x88, $3  }
0x1: {  	(tag) =	ssettag $0x0;
	lr =	simm.s32 $0x1  }
0x2: {  	[smem:$0x3F98] =	sst lr;
	_ =	strace $0xD0000000  }
0x3: {  	_ = 	snop  }
0x4: {  	_ = 	snop  }
0x5: {  	_ = 	snop  }
0x6: {  	_ = 	snop  }
0x7: {  	_ = 	snop  }
__scs_overlays_trampoline_lowered:
0x8: {  	[smem:$0x3FA7] =	sst s0  }
0x9: {  	[smem:$0x3FA8] =	sst s1  }
0xa: {  	[smem:$0x3FA9] =	sst s2  }
0xb: {  	[smem:$0x3FAA] =	sst s3  }
0xc: {  	[smem:$0x3FAB] =	sst s4  }
0xd: {  	[smem:$0x3FAC] =	sst s5  }
0xe: {  	[smem:$0x3FAD] =	sst s6  }
0xf: {  	[smem:$0x3FAE] =	sst s7  }
0x10: {  	[smem:$0x3FAF] =	sst s8  }
0x11: {  	[smem:$0x3FB0] =	sst s9;
	s0 =	simm.s32 @!p0 $0x0  }
0x12: {  	s1 =	sld [smem:$0x3F96];
	s0 =	simm.s32 @p0 $0x1  }
0x13: {  	[smem:$0x3FB1] =	sst s0;
	s0 =	simm.s32 @!p1 $0x0  }
0x14: {  	s2 =	sld [smem:$0x3F95];
	s0 =	simm.s32 @p1 $0x1  }
0x15: {  	[smem:$0x3FB2] =	sst s0;
	s0 =	simm.s32 @!p2 $0x0  }
0x16: {  	s3 =	sld [smem:$0x3FDB];
	s0 =	simm.s32 @p2 $0x1  }
0x17: {  	s4 =	simm.s32 $0x1BF5;
	[smem:$0x3FB4] =	sst s0  }
0x18: {  	s0 =	sld [smem:$0x3F97];
	_ =	swait.ge [sflag:s4], $0x0  }
0x19: {  	s7 =	sld [smem:$0x3F98]  }
0x1a: {  	s8 =	sadd.s32 $0xFFFFE003, lr  }
0x1b: {  	s9 =	sadd.s32 $0xFFFFFEF7, lr;
	s5 =	simm.s32 $0xFFFFFFFF;
	p2 =	slt.u32 s8, $0xFFFFF086  }
0x1c: {  	p1 =	slt.u32 s9, $0xF7A;
	s5 =	simm.s32 @!p2 $0x0  }
0x1d: {  	s5 =	simm.s32 @p1 $0x1;
	p0 =	seq.s32 s7, s2  }
0x1e: {  	s7 =	smul.u32 @!p0 $0xF7A, s2;
	p2 =	seq.s32 @!p0 s5, $0x0  }
0x1f: {  	s9 =	smul.u32 $0xF7A, s1;
	s8 =	simm.s32 @!p0 $0x1BF5;
	p2 =	por !p2, p0  }
0x20: {  	[sflag:s8] =	ssyncset.s32 @!p0 $0xFFFFF086;
	s6 =	sadd.s32 @!p0 s3, s7;
	s7 =	simm.s32 @!p0 $0x108  }
0x21: {  	s3 =	sadd.s32 s3, s9;
	s6 =	sadd.s32 @!p0 $0x88, s6;
	s7 =	simm.s32 @p2 $0x1082  }
0x22: {  	[simem:s7], [sflag:s8] =	dma.local @!p0 [hbm:s6], $0xF7A  }
0x23: {  	s9 =	sor.u32 $0xD0000000, s2;
	s6 =	simm.s32 $0x108;
	_ =	swait.ge @!p0 [sflag:s8], $0x0  }
0x24: {  	s3 =	sadd.s32 $0x88, s3;
	s6 =	simm.s32 @!p1 $0x1082;
	[sflag:s4] =	ssyncset.s32 $0xFFFFF086  }
0x25: {  	[simem:s6], [sflag:s4] =	dma.local [hbm:s3], $0xF7A  }
0x26: {  	[smem:$0x3F98] =	sst s1;
	(tag) =	ssettag s2;
	_ =	strace s9  }
0x27: {  	s1 =	sld [smem:$0x3FA8]  }
0x28: {  	s2 =	sld [smem:$0x3FA9]  }
0x29: {  	s4 =	sld [smem:$0x3FAB]  }
0x2a: {  	p0 =	seq.s32 s5, $0x0;
	s5 =	sld [smem:$0x3FAC]  }
0x2b: {  	s6 =	sld [smem:$0x3FAD]  }
0x2c: {  	s7 =	sld [smem:$0x3FAE]  }
0x2d: {  	s3 =	simm.s32 $0x108;
	s8 =	sld [smem:$0x3FAF]  }
0x2e: {  	s3 =	simm.s32 @!p0 $0x1082;
	s9 =	sld [smem:$0x3FB0]  }
0x2f: {  	lr =	sadd.s32 s0, s3;
	s0 =	sld [smem:$0x3FA7]  }
0x30: {  	s3 =	sld [smem:$0x3FAA]  }
0x31: {  	[smem:$0x3FB3] =	sst s10  }
0x32: {  	s10 =	sld [smem:$0x3FB1];
	_ =	sdelay $0x3  }
0x33: {  	p0 =	seq.s32 s10, $0x1;
	s10 =	sld [smem:$0x3FB3];
	_ =	sdelay $0x3  }
0x34: {  	[smem:$0x3FB3] =	sst s10  }
0x35: {  	s10 =	sld [smem:$0x3FB2];
	_ =	sdelay $0x3  }
0x36: {  	p1 =	seq.s32 s10, $0x1;
	s10 =	sld [smem:$0x3FB3];
	_ =	sdelay $0x3  }
0x37: {  	[smem:$0x3FB3] =	sst s10  }
0x38: {  	s10 =	sld [smem:$0x3FB4]  }
0x39: {  	_ = 	snop;
	(pc) =	sbr.ind lr, $3  }
0x3a: {  	_ = 	snop  }
0x3b: {  	_ = 	snop  }
0x3c: {  	p2 =	seq.s32 s10, $0x1;
	s10 =	sld [smem:$0x3FB3]  }
0x3d: {  	_ =	shalt  }
0x3e: {  	_ =	shalt  }
0x3f: {  	_ =	shalt  }
0x40: {  	_ =	shalt  }
0x41: {  	_ =	shalt  }
0x42: {  	_ =	shalt  }
0x43: {  	_ =	shalt  }
0x44: {  	_ =	shalt  }
0x45: {  	_ =	shalt  }
0x46: {  	_ =	shalt  }
0x47: {  	_ =	shalt  }
0x48: {  	_ =	shalt  }
0x49: {  	_ =	shalt  }
0x4a: {  	_ =	shalt  }
0x4b: {  	_ =	shalt  }
0x4c: {  	_ =	shalt  }
0x4d: {  	_ =	shalt  }
0x4e: {  	_ =	shalt  }
0x4f: {  	_ =	shalt  }
0x50: {  	_ =	shalt  }
0x51: {  	_ =	shalt  }
0x52: {  	_ =	shalt  }
0x53: {  	_ =	shalt  }
0x54: {  	_ =	shalt  }
0x55: {  	_ =	shalt  }
0x56: {  	_ =	shalt  }
0x57: {  	_ =	shalt  }
0x58: {  	_ =	shalt  }
0x59: {  	_ =	shalt  }
0x5a: {  	_ =	shalt  }
0x5b: {  	_ =	shalt  }
0x5c: {  	_ =	shalt  }
0x5d: {  	_ =	shalt  }
0x5e: {  	_ =	shalt  }
0x5f: {  	_ =	shalt  }
0x60: {  	_ =	shalt  }
0x61: {  	_ =	shalt  }
0x62: {  	_ =	shalt  }
0x63: {  	_ =	shalt  }
0x64: {  	_ =	shalt  }
0x65: {  	_ =	shalt  }
0x66: {  	_ =	shalt  }
0x67: {  	_ =	shalt  }
0x68: {  	_ =	shalt  }
0x69: {  	_ =	shalt  }
0x6a: {  	_ =	shalt  }
0x6b: {  	_ =	shalt  }
0x6c: {  	_ =	shalt  }
0x6d: {  	_ =	shalt  }
0x6e: {  	_ =	shalt  }
0x6f: {  	_ =	shalt  }
0x70: {  	_ =	shalt  }
0x71: {  	_ =	shalt  }
0x72: {  	_ =	shalt  }
0x73: {  	_ =	shalt  }
0x74: {  	_ =	shalt  }
0x75: {  	_ =	shalt  }
0x76: {  	_ =	shalt  }
0x77: {  	_ =	shalt  }
0x78: {  	_ =	shalt  }
0x79: {  	_ =	shalt  }
0x7a: {  	_ =	shalt  }
0x7b: {  	_ =	shalt  }
0x7c: {  	_ =	shalt  }
0x7d: {  	_ =	shalt  }
0x7e: {  	_ =	shalt  }
0x7f: {  	_ =	shalt  }
0x80: {  	_ =	shalt  }
0x81: {  	_ =	shalt  }
0x82: {  	_ =	shalt  }
0x83: {  	_ =	shalt  }
0x84: {  	_ =	shalt  }
0x85: {  	_ =	shalt  }
0x86: {  	_ =	shalt  }
0x87: {  	_ =	shalt  }
.Lfunc_end0:
.L_simem_size_0:
called_computation_lowered:
.L_overlay_start_0:
0x88: {  	s2 =	sld [smem:$0x3FD9]  }
0x89: {  	s3 =	sld [smem:$0x3FFE];
	_ =	sdelay $0x1  }
0x8a: {  	s1 =	srdreg.scid  }
0x8b: {  	s0 =	sand.u32 $0x1, s1  }
0x8c: {  	s17 =	sshll.u32 s0, $0xA;
	s2 =	sadd.s32 s3, s2  }
0x8d: {  	s2 =	sadd.s32 s2, s17  }
0x8e: {  	[smem:$0x3FBF] =	sst s2  }
0x8f: {  	_ = 	snop  }
0x90: {  	s2 =	sld [smem:$0x3FD0];
	(tm) =	ssettm $0x1  }
0x91: {  	s18 =	sld [smem:$0x3FFB];
	_ =	sdelay $0x3  }
0x92: {  	_ =	strace s18  }
0x93: {  	s3 =	sld [smem:$0x3FFC];
	_ =	sdelay $0x3  }
0x94: {  	_ =	strace s3  }
0x95: {  	s3 =	sld [smem:$0x3FFD];
	_ =	sdelay $0x3  }
0x96: {  	_ =	strace s3  }
0x97: {  	_ =	strace $0x8FFFFFFF  }
0x98: {  	s19 =	sld [smem:$0x3FDB];
	_ =	sdelay $0x1  }
0x99: {  	s4 =	simm.s32 $_scs_section_size  }
0x9a: {  	s5 =	simm.s32 $_size__tile_overlayer_lowered;
	s6 =	simm.s32 $_tile_overlayer_lowered  }
0x9b: {  	s22 =	simm.s32 $0x1BFF;
	s21 =	sshll.u32 s6, $0x1;
	s3 =	sadd.s32 s4, s19  }
0x9c: {  	s7 =	simm.s32 $0x0;
	s20 =	sshll.u32 s5, $0x1;
	s5 =	sadd.s32 s21, s3  }
0x9d: {  	[timem:s7], [sflag:s22] =	dma.local [hbm:s5], s20  }
0x9e: {  	_ =	swait.ge [sflag:s22], s20  }
0x9f: {  	s4 =	ssub.s32 $0x0, s20;
	[sflag:s22] =	ssyncset.done $0x0  }
0xa0: {  	[sflag:s22] =	ssyncadd.s32 s4;
	_ =	sdelay $0x1  }
0xa1: {  	s23 =	simm.s32 $0x1B8B  }
0xa2: {  	_ =	swait.ge [sflag:s23], $0x1  }
0xa3: {  	[sflag:s23] =	ssyncset.done $0x0  }
0xa4: {  	s25 =	simm.s32 $0x1B8E;
	s24 =	sld [smem:$0x3FFE];
	[sflag:s23] =	ssyncadd.s32 $0xFFFFFFFF  }
0xa5: {  	s26 =	simm.s32 $execute0_lowered;
	[smem:$0x3FD2] =	sst s25  }
0xa6: {  	s5 =	sshll.u32 s26, $0x1;
	_ =	strace $0x80000046;
	[dreg:$0x1] =	wrdreg $0xFFFFFFFF  }
0xa7: {  	s28 =	simm.s32 $_size_execute0_lowered;
	s3 =	sadd.s32 s3, s5;
	[dreg:$0x0] =	wrdreg $0x0  }
0xa8: {  	s5 =	sshll.u32 s28, $0x1;
	[dreg:$0x2] =	wrdreg s3  }
0xa9: {  	[dreg:$0x3] =	wrdreg s5  }
0xaa: {  	[dreg:$0x4] =	wrdreg $0xC0  }
0xab: {  	_ =	task [dreg:s7], $0x5FFFF  }
0xac: {  	[dreg:$0x1] =	wrdreg $0xFFFFFFFF  }
0xad: {  	[dreg:$0x0] =	wrdreg $0x60  }
0xae: {  	[dreg:$0x2] =	wrdreg s2  }
0xaf: {  	[dreg:$0x3] =	wrdreg s24  }
0xb0: {  	[dreg:$0x4] =	wrdreg $0xA  }
0xb1: {  	_ =	task.clear_ibuf [dreg:s7], $0x5FFFF;
	_ =	strace $0x90000046  }
0xb2: {  	s29 =	simm.s32 $0xA;
	_ =	strace $0x80000048  }
0xb3: {  	_ =	swait.ge [sflag:s29], $0x1  }
0xb4: {  	[sflag:s29] =	ssyncadd.s32 $0xFFFFFFFF  }
0xb5: {  	_ =	strace $0x90000048  }
0xb6: {  	_ =	sfence  }
0xb7: {  	s30 =	sld [smem:$0x0];
	_ =	sdelay $0x2  }
0xb8: {  	s31 =	sshll.u32 s1, $0xD;
	s1 =	sshrl.u32 s1, $0x2  }
0xb9: {  	s3 =	sand.u32 $0x4000, s31;
	s1 =	sadd.s32 s1, s30  }
0xba: {  	s0 =	sor.u32 s3, s0;
	s1 =	sshll.u32 s1, $0x11  }
0xbb: {  	s0 =	sor.u32 s1, s0  }
0xbc: {  	s0 =	sadd.s32 $0x8F2B, s0  }
0xbd: {  	[sflag:s0] =	ssyncadd.remote.s32 $0x1  }
0xbe: {  	_ =	sfence.sel $0xFFFF  }
0xbf: {  	[dreg:$0x0] =	wrdreg $0xFFFFFFFF;
	(pc) =	sbr.abs _section_cstart, $3  }
0xc0: {  	[dreg:$0x1] =	wrdreg $0xFFFFFFFF  }
0xc1: {  	_ =	task.clear_ibuf [dreg:s7], $0x2FFFF;
	_ =	strace $0x9FFFFFFF  }
0xc2: {  	(tm) =	ssettm $0x7FFFFFFF  }
0xc3: {  	_ =	shalt  }
tec
execute0_lowered:
.L_overlay_start_1:
0x0: {  	(tag) =	ssettag $0x1  }
0x1: {  	s1 =	rddreg [dreg:$0x0]  }
0x2: {  	s0 =	rddreg [dreg:$0x1];
	s3 =	simm.s32 $0x0  }
0x3: {  	s2 =	srdreg.scid;
	s10 =	stileid.u32;
	s28 =	simm.s32 $0xBC00  }
0x4: {  	s29 =	simm.s32 $0x13400;
	s30 =	simm.s32 $0xD000;
	s31 =	simm.s32 $0x14800  }
0x5: {  	[smem:$0x7FF] =	sst s3;
	s2 =	sand.u32 $0x1, s2;
	s5 =	sshll.u32 s10, $0x1  }
0x6: {  	s4 =	sadd.s32 $0x23200, s0;
	s8 =	sadd.s32 $0x4A400, s0;
	s10 =	smul.u32 $0x27100, s10  }
0x7: {  	s5 =	sor.u32 s2, s5;
	s7 =	ssub.s32 $0x2, s2;
	s2 =	smul.u32 $0x13880, s2  }
0x8: {  	_ =	strace $0x80000047;
	s6 =	sshll.u32 s5, $0xB;
	s5 =	smul.u32 $0x9C400, s5  }
0x9: {  	s9 =	sshrl.u32 s7, $0x1;
	s24 =	sadd.s32 s10, s8;
	s6 =	sadd.s32 s6, s0  }
0xa: {  	s0 =	sadd.s32 $0x2BB400, s0;
	s7 =	ssub.s32 s7, s9;
	s15 =	sadd.s32 $0x3200, s6  }
0xb: {  	s5 =	sshrl.u32 s5, $0x3;
	s6 =	sadd.s32 $0x13200, s6;
	[dreg:$0x5] =	wrdreg s15  }
0xc: {  	s25 =	sadd.s32 s10, s0;
	[dreg:$0x6] =	wrdreg s6;
	s16 =	sadd.s32 $0x12C00, s5  }
0xd: {  	s18 =	sadd.s32 $0x12E80, s5;
	s20 =	sadd.s32 $0x13100, s5;
	s22 =	sadd.s32 $0x13380, s5  }
0xe: {  	s5 =	sadd.s32 $0x13600, s5;
	s26 =	sadd.s32 s2, s25;
	s25 =	simm.s32 $0xA800  }
0xf: {  	s17 =	sadd.s32 s8, s16;
	s6 =	sadd.s32 s0, s16;
	[dreg:$0x4] =	wrdreg s26  }
0x10: {  	s19 =	sadd.s32 s8, s18;
	s21 =	sadd.s32 s8, s20;
	[dreg:$0x7] =	wrdreg s17  }
0x11: {  	s23 =	sadd.s32 s8, s22;
	s14 =	sadd.s32 s0, s22;
	[dreg:$0x8] =	wrdreg s6  }
0x12: {  	s15 =	sadd.s32 s8, s5;
	s16 =	sadd.s32 s0, s5;
	[dreg:$0x9] =	wrdreg s19  }
0x13: {  	s22 =	simm.s32 $0xF800;
	s26 =	simm.s32 $0x12000;
	[dreg:$0xb] =	wrdreg s21  }
0x14: {  	s5 =	simm.s32 $0x2;
	s6 =	sadd.s32 s0, s18;
	[dreg:$0xd] =	wrdreg s23  }
0x15: {  	s17 =	smax.u32 s7, $0x1;
	s18 =	simm.s32 $0x3;
	s21 =	simm.s32 $0x8000  }
0x16: {  	s23 =	simm.s32 $0x9400;
	s19 =	simm.s32 $0x1;
	[dreg:$0xa] =	wrdreg s6  }
0x17: {  	s6 =	sadd.s32 s0, s20;
	s20 =	simm.s32 $0x28;
	s0 =	simm.s32 $0xE400  }
0x18: {  	[dreg:$0xc] =	wrdreg s6;
	s6 =	sadd.s32 s2, s24;
	s24 =	simm.s32 $0x10C00  }
0x19: {  	s2 =	simm.s32 $0x15C00;
	[dreg:$0x3] =	wrdreg s6;
	s6 =	simm.s32 $0x0  }
.LBB2_1:
0x1a: {  	s7 =	rddreg [dreg:$0x5]  }
0x1b: {  	[tilespmem:s3], [sflag:$0x3] =	stream.linear.gather [hbm4b:s7+s3], $0x3E80, $0x38;
	[tilespmem:$0x17000] =	vst v63  }
0x1c: {  	_ =	swait.ge [sflag:s18], $0x3E80  }
0x1d: {  	[sflag:s18] =	ssyncset.done $0x0  }
0x1e: {  	s8 =	simm.s32 $0x4000;
	s12 =	rddreg [dreg:$0x6];
	[sflag:s18] =	ssyncadd.s32 $0xFFFFC180  }
0x1f: {  	[tilespmem:s8], [sflag:$0x3] =	stream.linear.gather [hbm4b:s12+s3], $0x3E80, $0x38;
	[tilespmem:$0x17000] =	vst v63  }
0x20: {  	p0 =	por $0x1, $0x1;
	_ =	swait.ge [sflag:s18], $0x3E80  }
0x21: {  	p0 =	por p0, p0;
	[sflag:s18] =	ssyncset.done $0x0  }
0x22: {  	s7 =	simm.s32 @!p0 $0x2;
	[sflag:s18] =	ssyncadd.s32 $0xFFFFC180  }
0x23: {  	_ =	swait.ge @!p0 [sflag:s7], $0x1400  }
0x24: {  	[sflag:s7] =	ssyncset.done @!p0 $0x0  }
0x25: {  	[sflag:s7] =	ssyncadd.s32 @!p0 $0xFFFFEC00  }
0x26: {  	_ =	swait.ge @!p0 [sflag:s7], $0x1400  }
0x27: {  	[sflag:s7] =	ssyncset.done @!p0 $0x0  }
0x28: {  	[sflag:s7] =	ssyncadd.s32 @!p0 $0xFFFFEC00  }
0x29: {  	_ =	swait.ge @!p0 [sflag:s7], $0x1400  }
0x2a: {  	[sflag:s7] =	ssyncset.done @!p0 $0x0  }
0x2b: {  	[sflag:s7] =	ssyncadd.s32 @!p0 $0xFFFFEC00  }
0x2c: {  	_ =	swait.ge @!p0 [sflag:s7], $0x1400  }
0x2d: {  	[sflag:s7] =	ssyncset.done @!p0 $0x0  }
0x2e: {  	[sflag:s7] =	ssyncadd.s32 @!p0 $0xFFFFEC00  }
0x2f: {  	_ =	swait.ge @!p0 [sflag:s7], $0x1400  }
0x30: {  	[sflag:s7] =	ssyncset.done @!p0 $0x0  }
0x31: {  	[sflag:s7] =	ssyncadd.s32 @!p0 $0xFFFFEC00  }
0x32: {  	_ =	swait.ge @!p0 [sflag:s7], $0x1400  }
0x33: {  	[sflag:s7] =	ssyncset.done @!p0 $0x0  }
0x34: {  	s13 =	simm.s32 $0x0;
	[sflag:s7] =	ssyncadd.s32 @!p0 $0xFFFFEC00  }
0x35: {  	[tilespmem:s21], [sflag:$0x1] =	stream.indirect.gather [hbm4b:s1+s20], $0x80, s13, s20, $0xb8;
	[tilespmem:$0x17000] =	vst v63  }
0x36: {  	s9 =	simm.s32 $0x4000  }
0x37: {  	[tilespmem:s22], [sflag:$0x1] =	stream.indirect.gather [hbm4b:s4+s20], $0x80, s9, s20, $0xb8;
	[tilespmem:$0x17000] =	vst v63  }
0x38: {  	s10 =	simm.s32 $0x80  }
0x39: {  	[tilespmem:s23], [sflag:$0x1] =	stream.indirect.gather [hbm4b:s1+s20], $0x80, s10, s20, $0xb8;
	[tilespmem:$0x17000] =	vst v63  }
0x3a: {  	s11 =	simm.s32 $0x4080  }
0x3b: {  	[tilespmem:s24], [sflag:$0x1] =	stream.indirect.gather [hbm4b:s4+s20], $0x80, s11, s20, $0xb8;
	[tilespmem:$0x17000] =	vst v63  }
0x3c: {  	s12 =	simm.s32 $0x100  }
0x3d: {  	[tilespmem:s25], [sflag:$0x1] =	stream.indirect.gather [hbm4b:s1+s20], $0x80, s12, s20, $0xb8;
	[tilespmem:$0x17000] =	vst v63  }
0x3e: {  	s13 =	simm.s32 $0x4100  }
0x3f: {  	[tilespmem:s26], [sflag:$0x1] =	stream.indirect.gather [hbm4b:s4+s20], $0x80, s13, s20, $0xb8;
	[tilespmem:$0x17000] =	vst v63  }
0x40: {  	_ =	swait.ge @!p0 [sflag:s7], $0x1400  }
0x41: {  	[sflag:s7] =	ssyncset.done @!p0 $0x0  }
0x42: {  	[sflag:s7] =	ssyncadd.s32 @!p0 $0xFFFFEC00  }
0x43: {  	_ =	swait.ge @!p0 [sflag:s7], $0x1400  }
0x44: {  	[sflag:s7] =	ssyncset.done @!p0 $0x0  }
0x45: {  	[sflag:s7] =	ssyncadd.s32 @!p0 $0xFFFFEC00  }
0x46: {  	_ =	swait.ge @!p0 [sflag:s7], $0x1400  }
0x47: {  	[sflag:s7] =	ssyncset.done @!p0 $0x0  }
0x48: {  	[sflag:s7] =	ssyncadd.s32 @!p0 $0xFFFFEC00  }
0x49: {  	_ =	swait.ge @!p0 [sflag:s7], $0x1400  }
0x4a: {  	[sflag:s7] =	ssyncset.done @!p0 $0x0  }
0x4b: {  	[sflag:s7] =	ssyncadd.s32 @!p0 $0xFFFFEC00  }
0x4c: {  	_ =	swait.ge @!p0 [sflag:s7], $0x1400  }
0x4d: {  	[sflag:s7] =	ssyncset.done @!p0 $0x0  }
0x4e: {  	[sflag:s7] =	ssyncadd.s32 @!p0 $0xFFFFEC00  }
0x4f: {  	_ =	swait.ge @!p0 [sflag:s7], $0x1400  }
0x50: {  	[sflag:s7] =	ssyncset.done @!p0 $0x0  }
0x51: {  	s9 =	simm.s32 $0x180;
	[sflag:s7] =	ssyncadd.s32 @!p0 $0xFFFFEC00  }
0x52: {  	[tilespmem:s28], [sflag:$0x1] =	stream.indirect.gather [hbm4b:s1+s20], $0x80, s9, s20, $0xb8;
	[tilespmem:$0x17000] =	vst v63  }
0x53: {  	s10 =	simm.s32 $0x4180  }
0x54: {  	[tilespmem:s29], [sflag:$0x1] =	stream.indirect.gather [hbm4b:s4+s20], $0x80, s10, s20, $0xb8;
	[tilespmem:$0x17000] =	vst v63  }
0x55: {  	s11 =	simm.s32 $0x200  }
0x56: {  	[tilespmem:s30], [sflag:$0x1] =	stream.indirect.gather [hbm4b:s1+s20], $0x80, s11, s20, $0xb8;
	[tilespmem:$0x17000] =	vst v63  }
0x57: {  	s12 =	simm.s32 $0x4200  }
0x58: {  	[tilespmem:s31], [sflag:$0x1] =	stream.indirect.gather [hbm4b:s4+s20], $0x80, s12, s20, $0xb8;
	[tilespmem:$0x17000] =	vst v63  }
0x59: {  	s13 =	simm.s32 $0x280  }
0x5a: {  	[tilespmem:s0], [sflag:$0x1] =	stream.indirect.gather [hbm4b:s1+s20], $0x80, s13, s20, $0xb8;
	[tilespmem:$0x17000] =	vst v63  }
0x5b: {  	s8 =	simm.s32 $0x4280  }
0x5c: {  	[tilespmem:s2], [sflag:$0x1] =	stream.indirect.gather [hbm4b:s4+s20], $0x80, s8, s20, $0xb8;
	[tilespmem:$0x17000] =	vst v63  }
0x5d: {  	_ =	swait.ge [sflag:s19], $0x1400  }
0x5e: {  	[sflag:s19] =	ssyncset.done $0x0  }
0x5f: {  	[sflag:s19] =	ssyncadd.s32 $0xFFFFEC00  }
0x60: {  	_ =	swait.ge [sflag:s19], $0x1400  }
0x61: {  	[sflag:s19] =	ssyncset.done $0x0  }
0x62: {  	[sflag:s19] =	ssyncadd.s32 $0xFFFFEC00  }
0x63: {  	_ =	swait.ge [sflag:s19], $0x1400  }
0x64: {  	[sflag:s19] =	ssyncset.done $0x0  }
0x65: {  	[sflag:s19] =	ssyncadd.s32 $0xFFFFEC00  }
0x66: {  	_ =	swait.ge [sflag:s19], $0x1400  }
0x67: {  	[sflag:s19] =	ssyncset.done $0x0  }
0x68: {  	[sflag:s19] =	ssyncadd.s32 $0xFFFFEC00  }
0x69: {  	_ =	swait.ge [sflag:s19], $0x1400  }
0x6a: {  	[sflag:s19] =	ssyncset.done $0x0  }
0x6b: {  	[sflag:s19] =	ssyncadd.s32 $0xFFFFEC00  }
0x6c: {  	_ =	swait.ge [sflag:s19], $0x1400  }
0x6d: {  	s9 =	rddreg [dreg:$0x3];
	[sflag:s19] =	ssyncset.done $0x0  }
0x6e: {  	s10 =	rddreg [dreg:$0x4];
	[sflag:s19] =	ssyncadd.s32 $0xFFFFEC00;
	s7 =	sadd.s32 $0x0, s9  }
0x6f: {  	[hbm4b:s7+s3] =	stream.linear.scatter [tilespmem:s21], [sflag:$0x2], $0x1400, $0x38;
	[tilespmem:$0x17000] =	vst v63  }
0x70: {  	s8 =	sadd.s32 $0x0, s10  }
0x71: {  	[hbm4b:s8+s3] =	stream.linear.scatter [tilespmem:s22], [sflag:$0x2], $0x1400, $0x38;
	[tilespmem:$0x17000] =	vst v63  }
0x72: {  	s9 =	sadd.s32 $0x280, s7  }
0x73: {  	[hbm4b:s9+s3] =	stream.linear.scatter [tilespmem:s23], [sflag:$0x2], $0x1400, $0x38;
	[tilespmem:$0x17000] =	vst v63  }
0x74: {  	s11 =	sadd.s32 $0x280, s8  }
0x75: {  	[hbm4b:s11+s3] =	stream.linear.scatter [tilespmem:s24], [sflag:$0x2], $0x1400, $0x38;
	[tilespmem:$0x17000] =	vst v63  }
0x76: {  	s12 =	sadd.s32 $0x500, s7  }
0x77: {  	[hbm4b:s12+s3] =	stream.linear.scatter [tilespmem:s25], [sflag:$0x2], $0x1400, $0x38;
	[tilespmem:$0x17000] =	vst v63  }
0x78: {  	s13 =	sadd.s32 $0x500, s8  }
0x79: {  	[hbm4b:s13+s3] =	stream.linear.scatter [tilespmem:s26], [sflag:$0x2], $0x1400, $0x38;
	[tilespmem:$0x17000] =	vst v63  }
0x7a: {  	_ =	swait.ge [sflag:s19], $0x1400  }
0x7b: {  	[sflag:s19] =	ssyncset.done $0x0  }
0x7c: {  	[sflag:s19] =	ssyncadd.s32 $0xFFFFEC00  }
0x7d: {  	_ =	swait.ge [sflag:s19], $0x1400  }
0x7e: {  	[sflag:s19] =	ssyncset.done $0x0  }
0x7f: {  	[sflag:s19] =	ssyncadd.s32 $0xFFFFEC00  }
0x80: {  	_ =	swait.ge [sflag:s19], $0x1400  }
0x81: {  	[sflag:s19] =	ssyncset.done $0x0  }
0x82: {  	[sflag:s19] =	ssyncadd.s32 $0xFFFFEC00  }
0x83: {  	_ =	swait.ge [sflag:s19], $0x1400  }
0x84: {  	[sflag:s19] =	ssyncset.done $0x0  }
0x85: {  	[sflag:s19] =	ssyncadd.s32 $0xFFFFEC00  }
0x86: {  	_ =	swait.ge [sflag:s19], $0x1400  }
0x87: {  	[sflag:s19] =	ssyncset.done $0x0  }
0x88: {  	[sflag:s19] =	ssyncadd.s32 $0xFFFFEC00  }
0x89: {  	_ =	swait.ge [sflag:s19], $0x1400  }
0x8a: {  	[sflag:s19] =	ssyncset.done $0x0  }
0x8b: {  	s10 =	sadd.s32 $0x780, s7;
	[sflag:s19] =	ssyncadd.s32 $0xFFFFEC00  }
0x8c: {  	[hbm4b:s10+s3] =	stream.linear.scatter [tilespmem:s28], [sflag:$0x2], $0x1400, $0x38;
	[tilespmem:$0x17000] =	vst v63  }
0x8d: {  	s11 =	sadd.s32 $0x780, s8  }
0x8e: {  	[hbm4b:s11+s3] =	stream.linear.scatter [tilespmem:s29], [sflag:$0x2], $0x1400, $0x38;
	[tilespmem:$0x17000] =	vst v63  }
0x8f: {  	s12 =	sadd.s32 $0xA00, s7  }
0x90: {  	[hbm4b:s12+s3] =	stream.linear.scatter [tilespmem:s30], [sflag:$0x2], $0x1400, $0x38;
	[tilespmem:$0x17000] =	vst v63  }
0x91: {  	p6 =	por $0x0, $0x0;
	s13 =	sadd.s32 $0xA00, s8  }
0x92: {  	[hbm4b:s13+s3] =	stream.linear.scatter [tilespmem:s31], [sflag:$0x2], $0x1400, $0x38;
	[tilespmem:$0x17000] =	vst v63  }
0x93: {  	p0 =	por p6, p6;
	s9 =	simm.s32 $0x1E00;
	s7 =	sadd.s32 $0xC80, s7  }
0x94: {  	[hbm4b:s7+s3] =	stream.linear.scatter [tilespmem:s0], [sflag:$0x2], $0x1400, $0x38;
	[tilespmem:$0x17000] =	vst v63  }
0x95: {  	s10 =	sadd.s32 $0xC80, s8;
	s8 =	simm.s32 $0xC00;
	s7 =	simm.s32 $0xF00  }
.LBB2_2:
0x96: {  	[hbm4b:s10+s3] =	stream.linear.scatter [tilespmem:s2], [sflag:$0x2], $0x1400, $0x38;
	[tilespmem:$0x17000] =	vst v63  }
0x97: {  	s11 =	simm.s32 @!p0 $0x2  }
0x98: {  	_ =	swait.ge @!p0 [sflag:s11], $0x1400  }
0x99: {  	[sflag:s11] =	ssyncset.done @!p0 $0x0  }
0x9a: {  	[sflag:s11] =	ssyncadd.s32 @!p0 $0xFFFFEC00  }
0x9b: {  	_ =	swait.ge @!p0 [sflag:s11], $0x1400  }
0x9c: {  	[sflag:s11] =	ssyncset.done @!p0 $0x0  }
0x9d: {  	[sflag:s11] =	ssyncadd.s32 @!p0 $0xFFFFEC00  }
0x9e: {  	_ =	swait.ge @!p0 [sflag:s11], $0x1400  }
0x9f: {  	[sflag:s11] =	ssyncset.done @!p0 $0x0  }
0xa0: {  	[sflag:s11] =	ssyncadd.s32 @!p0 $0xFFFFEC00  }
0xa1: {  	_ =	swait.ge @!p0 [sflag:s11], $0x1400  }
0xa2: {  	[sflag:s11] =	ssyncset.done @!p0 $0x0  }
0xa3: {  	[sflag:s11] =	ssyncadd.s32 @!p0 $0xFFFFEC00  }
0xa4: {  	_ =	swait.ge @!p0 [sflag:s11], $0x1400  }
0xa5: {  	[sflag:s11] =	ssyncset.done @!p0 $0x0  }
0xa6: {  	[sflag:s11] =	ssyncadd.s32 @!p0 $0xFFFFEC00  }
0xa7: {  	_ =	swait.ge @!p0 [sflag:s11], $0x1400  }
0xa8: {  	[sflag:s11] =	ssyncset.done @!p0 $0x0  }
0xa9: {  	s12 =	sshra.s32 s8, $0x2;
	[sflag:s11] =	ssyncadd.s32 @!p0 $0xFFFFEC00  }
0xaa: {  	[tilespmem:s21], [sflag:$0x1] =	stream.indirect.gather [hbm4b:s1+s20], $0x80, s12, s20, $0xb8;
	[tilespmem:$0x17000] =	vst v63  }
0xab: {  	s13 =	sadd.s32 $0x4000, s12  }
0xac: {  	[tilespmem:s22], [sflag:$0x1] =	stream.indirect.gather [hbm4b:s4+s20], $0x80, s13, s20, $0xb8;
	[tilespmem:$0x17000] =	vst v63  }
0xad: {  	s13 =	sadd.s32 $0x80, s12  }
0xae: {  	[tilespmem:s23], [sflag:$0x1] =	stream.indirect.gather [hbm4b:s1+s20], $0x80, s13, s20, $0xb8;
	[tilespmem:$0x17000] =	vst v63  }
0xaf: {  	s13 =	sadd.s32 $0x4080, s12  }
0xb0: {  	[tilespmem:s24], [sflag:$0x1] =	stream.indirect.gather [hbm4b:s4+s20], $0x80, s13, s20, $0xb8;
	[tilespmem:$0x17000] =	vst v63  }
0xb1: {  	s13 =	sadd.s32 $0x100, s12  }
0xb2: {  	[tilespmem:s25], [sflag:$0x1] =	stream.indirect.gather [hbm4b:s1+s20], $0x80, s13, s20, $0xb8;
	[tilespmem:$0x17000] =	vst v63  }
0xb3: {  	s13 =	sadd.s32 $0x4100, s12  }
0xb4: {  	[tilespmem:s26], [sflag:$0x1] =	stream.indirect.gather [hbm4b:s4+s20], $0x80, s13, s20, $0xb8;
	[tilespmem:$0x17000] =	vst v63  }
0xb5: {  	_ =	swait.ge @!p0 [sflag:s11], $0x1400  }
0xb6: {  	[sflag:s11] =	ssyncset.done @!p0 $0x0  }
0xb7: {  	[sflag:s11] =	ssyncadd.s32 @!p0 $0xFFFFEC00  }
0xb8: {  	_ =	swait.ge @!p0 [sflag:s11], $0x1400  }
0xb9: {  	[sflag:s11] =	ssyncset.done @!p0 $0x0  }
0xba: {  	[sflag:s11] =	ssyncadd.s32 @!p0 $0xFFFFEC00  }
0xbb: {  	_ =	swait.ge @!p0 [sflag:s11], $0x1400  }
0xbc: {  	[sflag:s11] =	ssyncset.done @!p0 $0x0  }
0xbd: {  	[sflag:s11] =	ssyncadd.s32 @!p0 $0xFFFFEC00  }
0xbe: {  	_ =	swait.ge @!p0 [sflag:s11], $0x1400  }
0xbf: {  	[sflag:s11] =	ssyncset.done @!p0 $0x0  }
0xc0: {  	[sflag:s11] =	ssyncadd.s32 @!p0 $0xFFFFEC00  }
0xc1: {  	_ =	swait.ge @!p0 [sflag:s11], $0x1400  }
0xc2: {  	[sflag:s11] =	ssyncset.done @!p0 $0x0  }
0xc3: {  	[sflag:s11] =	ssyncadd.s32 @!p0 $0xFFFFEC00  }
0xc4: {  	_ =	swait.ge @!p0 [sflag:s11], $0x1400  }
0xc5: {  	[sflag:s11] =	ssyncset.done @!p0 $0x0  }
0xc6: {  	s13 =	sadd.s32 $0x180, s12;
	[sflag:s11] =	ssyncadd.s32 @!p0 $0xFFFFEC00  }
0xc7: {  	[tilespmem:s28], [sflag:$0x1] =	stream.indirect.gather [hbm4b:s1+s20], $0x80, s13, s20, $0xb8;
	[tilespmem:$0x17000] =	vst v63  }
0xc8: {  	s13 =	sadd.s32 $0x4180, s12  }
0xc9: {  	[tilespmem:s29], [sflag:$0x1] =	stream.indirect.gather [hbm4b:s4+s20], $0x80, s13, s20, $0xb8;
	[tilespmem:$0x17000] =	vst v63  }
0xca: {  	s13 =	sadd.s32 $0x200, s12  }
0xcb: {  	[tilespmem:s30], [sflag:$0x1] =	stream.indirect.gather [hbm4b:s1+s20], $0x80, s13, s20, $0xb8;
	[tilespmem:$0x17000] =	vst v63  }
0xcc: {  	s13 =	sadd.s32 $0x4200, s12  }
0xcd: {  	[tilespmem:s31], [sflag:$0x1] =	stream.indirect.gather [hbm4b:s4+s20], $0x80, s13, s20, $0xb8;
	[tilespmem:$0x17000] =	vst v63  }
0xce: {  	s13 =	sadd.s32 $0x280, s12  }
0xcf: {  	[tilespmem:s0], [sflag:$0x1] =	stream.indirect.gather [hbm4b:s1+s20], $0x80, s13, s20, $0xb8;
	[tilespmem:$0x17000] =	vst v63  }
0xd0: {  	s13 =	sadd.s32 $0x4280, s12  }
0xd1: {  	[tilespmem:s2], [sflag:$0x1] =	stream.indirect.gather [hbm4b:s4+s20], $0x80, s13, s20, $0xb8;
	[tilespmem:$0x17000] =	vst v63  }
0xd2: {  	_ =	swait.ge [sflag:s19], $0x1400  }
0xd3: {  	[sflag:s19] =	ssyncset.done $0x0  }
0xd4: {  	[sflag:s19] =	ssyncadd.s32 $0xFFFFEC00  }
0xd5: {  	_ =	swait.ge [sflag:s19], $0x1400  }
0xd6: {  	[sflag:s19] =	ssyncset.done $0x0  }
0xd7: {  	[sflag:s19] =	ssyncadd.s32 $0xFFFFEC00  }
0xd8: {  	_ =	swait.ge [sflag:s19], $0x1400  }
0xd9: {  	[sflag:s19] =	ssyncset.done $0x0  }
0xda: {  	[sflag:s19] =	ssyncadd.s32 $0xFFFFEC00  }
0xdb: {  	_ =	swait.ge [sflag:s19], $0x1400  }
0xdc: {  	[sflag:s19] =	ssyncset.done $0x0  }
0xdd: {  	[sflag:s19] =	ssyncadd.s32 $0xFFFFEC00  }
0xde: {  	_ =	swait.ge [sflag:s19], $0x1400  }
0xdf: {  	[sflag:s19] =	ssyncset.done $0x0  }
0xe0: {  	[sflag:s19] =	ssyncadd.s32 $0xFFFFEC00  }
0xe1: {  	_ =	swait.ge [sflag:s19], $0x1400  }
0xe2: {  	s12 =	rddreg [dreg:$0x3];
	[sflag:s19] =	ssyncset.done $0x0  }
0xe3: {  	s13 =	rddreg [dreg:$0x4];
	[sflag:s19] =	ssyncadd.s32 $0xFFFFEC00;
	s11 =	sadd.s32 s7, s12  }
0xe4: {  	[hbm4b:s11+s3] =	stream.linear.scatter [tilespmem:s21], [sflag:$0x2], $0x1400, $0x38;
	[tilespmem:$0x17000] =	vst v63  }
0xe5: {  	s12 =	sadd.s32 s7, s13  }
0xe6: {  	[hbm4b:s12+s3] =	stream.linear.scatter [tilespmem:s22], [sflag:$0x2], $0x1400, $0x38;
	[tilespmem:$0x17000] =	vst v63  }
0xe7: {  	s13 =	sadd.s32 $0x280, s11  }
0xe8: {  	[hbm4b:s13+s3] =	stream.linear.scatter [tilespmem:s23], [sflag:$0x2], $0x1400, $0x38;
	[tilespmem:$0x17000] =	vst v63  }
0xe9: {  	s13 =	sadd.s32 $0x280, s12  }
0xea: {  	[hbm4b:s13+s3] =	stream.linear.scatter [tilespmem:s24], [sflag:$0x2], $0x1400, $0x38;
	[tilespmem:$0x17000] =	vst v63  }
0xeb: {  	s13 =	sadd.s32 $0x500, s11  }
0xec: {  	[hbm4b:s13+s3] =	stream.linear.scatter [tilespmem:s25], [sflag:$0x2], $0x1400, $0x38;
	[tilespmem:$0x17000] =	vst v63  }
0xed: {  	s13 =	sadd.s32 $0x500, s12  }
0xee: {  	[hbm4b:s13+s3] =	stream.linear.scatter [tilespmem:s26], [sflag:$0x2], $0x1400, $0x38;
	[tilespmem:$0x17000] =	vst v63  }
0xef: {  	_ =	swait.ge [sflag:s19], $0x1400  }
0xf0: {  	[sflag:s19] =	ssyncset.done $0x0  }
0xf1: {  	[sflag:s19] =	ssyncadd.s32 $0xFFFFEC00  }
0xf2: {  	_ =	swait.ge [sflag:s19], $0x1400  }
0xf3: {  	[sflag:s19] =	ssyncset.done $0x0  }
0xf4: {  	[sflag:s19] =	ssyncadd.s32 $0xFFFFEC00  }
0xf5: {  	_ =	swait.ge [sflag:s19], $0x1400  }
0xf6: {  	[sflag:s19] =	ssyncset.done $0x0  }
0xf7: {  	[sflag:s19] =	ssyncadd.s32 $0xFFFFEC00  }
0xf8: {  	_ =	swait.ge [sflag:s19], $0x1400  }
0xf9: {  	[sflag:s19] =	ssyncset.done $0x0  }
0xfa: {  	[sflag:s19] =	ssyncadd.s32 $0xFFFFEC00  }
0xfb: {  	_ =	swait.ge [sflag:s19], $0x1400  }
0xfc: {  	[sflag:s19] =	ssyncset.done $0x0  }
0xfd: {  	[sflag:s19] =	ssyncadd.s32 $0xFFFFEC00  }
0xfe: {  	_ =	swait.ge [sflag:s19], $0x1400  }
0xff: {  	[sflag:s19] =	ssyncset.done $0x0  }
0x100: {  	s13 =	sadd.s32 $0x780, s11;
	[sflag:s19] =	ssyncadd.s32 $0xFFFFEC00  }
0x101: {  	[hbm4b:s13+s3] =	stream.linear.scatter [tilespmem:s28], [sflag:$0x2], $0x1400, $0x38;
	[tilespmem:$0x17000] =	vst v63  }
0x102: {  	s10 =	smov.u32 s9;
	s9 =	sadd.s32 $0xF00, s9;
	s13 =	sadd.s32 $0x780, s12  }
0x103: {  	[hbm4b:s13+s3] =	stream.linear.scatter [tilespmem:s29], [sflag:$0x2], $0x1400, $0x38;
	[tilespmem:$0x17000] =	vst v63  }
0x104: {  	p1 =	sne.s32 s9, $0x12C00;
	s13 =	sadd.s32 $0xA00, s11  }
0x105: {  	[hbm4b:s13+s3] =	stream.linear.scatter [tilespmem:s30], [sflag:$0x2], $0x1400, $0x38;
	[tilespmem:$0x17000] =	vst v63  }
.Ltmp0:
0x106: {  	p2 =	seq.s32 s10, $0x0;
	(pc) =	sbr.rel @p1 .LBB2_2-.Ltmp0, $4  }
0x107: {  	s8 =	sadd.s32 $0xC00, s8;
	p0 =	por p2, p2;
	s13 =	sadd.s32 $0xA00, s12  }
0x108: {  	[hbm4b:s13+s3] =	stream.linear.scatter [tilespmem:s31], [sflag:$0x2], $0x1400, $0x38;
	[tilespmem:$0x17000] =	vst v63  }
0x109: {  	s7 =	smov.u32 s10;
	s10 =	sadd.s32 $0xC80, s12;
	s13 =	sadd.s32 $0xC80, s11  }
0x10a: {  	[hbm4b:s13+s3] =	stream.linear.scatter [tilespmem:s0], [sflag:$0x2], $0x1400, $0x38;
	[tilespmem:$0x17000] =	vst v63  }
0x10b: {  	[hbm4b:s10+s3] =	stream.linear.scatter [tilespmem:s2], [sflag:$0x2], $0x1400, $0x38;
	[tilespmem:$0x17000] =	vst v63  }
0x10c: {  	s9 =	simm.s32 @!p0 $0x2  }
0x10d: {  	_ =	swait.ge @!p0 [sflag:s9], $0x1400  }
0x10e: {  	[sflag:s9] =	ssyncset.done @!p0 $0x0  }
0x10f: {  	[sflag:s9] =	ssyncadd.s32 @!p0 $0xFFFFEC00  }
0x110: {  	_ =	swait.ge @!p0 [sflag:s9], $0x1400  }
0x111: {  	[sflag:s9] =	ssyncset.done @!p0 $0x0  }
0x112: {  	[sflag:s9] =	ssyncadd.s32 @!p0 $0xFFFFEC00  }
0x113: {  	_ =	swait.ge @!p0 [sflag:s9], $0x1400  }
0x114: {  	[sflag:s9] =	ssyncset.done @!p0 $0x0  }
0x115: {  	[sflag:s9] =	ssyncadd.s32 @!p0 $0xFFFFEC00  }
0x116: {  	_ =	swait.ge @!p0 [sflag:s9], $0x1400  }
0x117: {  	[sflag:s9] =	ssyncset.done @!p0 $0x0  }
0x118: {  	[sflag:s9] =	ssyncadd.s32 @!p0 $0xFFFFEC00  }
0x119: {  	_ =	swait.ge @!p0 [sflag:s9], $0x1400  }
0x11a: {  	[sflag:s9] =	ssyncset.done @!p0 $0x0  }
0x11b: {  	[sflag:s9] =	ssyncadd.s32 @!p0 $0xFFFFEC00  }
0x11c: {  	_ =	swait.ge @!p0 [sflag:s9], $0x1400  }
0x11d: {  	[sflag:s9] =	ssyncset.done @!p0 $0x0  }
0x11e: {  	s8 =	sshra.s32 s8, $0x2;
	[sflag:s9] =	ssyncadd.s32 @!p0 $0xFFFFEC00  }
0x11f: {  	[tilespmem:s21], [sflag:$0x1] =	stream.indirect.gather [hbm4b:s1+s20], $0x80, s8, s20, $0xb8;
	[tilespmem:$0x17000] =	vst v63  }
0x120: {  	s12 =	sadd.s32 $0x4000, s8  }
0x121: {  	[tilespmem:s22], [sflag:$0x1] =	stream.indirect.gather [hbm4b:s4+s20], $0x80, s12, s20, $0xb8;
	[tilespmem:$0x17000] =	vst v63  }
0x122: {  	s13 =	sadd.s32 $0x80, s8  }
0x123: {  	[tilespmem:s23], [sflag:$0x1] =	stream.indirect.gather [hbm4b:s1+s20], $0x80, s13, s20, $0xb8;
	[tilespmem:$0x17000] =	vst v63  }
0x124: {  	s11 =	sadd.s32 $0x4080, s8  }
0x125: {  	[tilespmem:s24], [sflag:$0x1] =	stream.indirect.gather [hbm4b:s4+s20], $0x80, s11, s20, $0xb8;
	[tilespmem:$0x17000] =	vst v63  }
0x126: {  	s12 =	sadd.s32 $0x100, s8  }
0x127: {  	[tilespmem:s25], [sflag:$0x1] =	stream.indirect.gather [hbm4b:s1+s20], $0x80, s12, s20, $0xb8;
	[tilespmem:$0x17000] =	vst v63  }
0x128: {  	s13 =	sadd.s32 $0x4100, s8  }
0x129: {  	[tilespmem:s26], [sflag:$0x1] =	stream.indirect.gather [hbm4b:s4+s20], $0x80, s13, s20, $0xb8;
	[tilespmem:$0x17000] =	vst v63  }
0x12a: {  	_ =	swait.ge @!p0 [sflag:s9], $0x1400  }
0x12b: {  	[sflag:s9] =	ssyncset.done @!p0 $0x0  }
0x12c: {  	[sflag:s9] =	ssyncadd.s32 @!p0 $0xFFFFEC00  }
0x12d: {  	_ =	swait.ge @!p0 [sflag:s9], $0x1400  }
0x12e: {  	[sflag:s9] =	ssyncset.done @!p0 $0x0  }
0x12f: {  	[sflag:s9] =	ssyncadd.s32 @!p0 $0xFFFFEC00  }
0x130: {  	_ =	swait.ge @!p0 [sflag:s9], $0x1400  }
0x131: {  	[sflag:s9] =	ssyncset.done @!p0 $0x0  }
0x132: {  	[sflag:s9] =	ssyncadd.s32 @!p0 $0xFFFFEC00  }
0x133: {  	_ =	swait.ge @!p0 [sflag:s9], $0x1400  }
0x134: {  	[sflag:s9] =	ssyncset.done @!p0 $0x0  }
0x135: {  	[sflag:s9] =	ssyncadd.s32 @!p0 $0xFFFFEC00  }
0x136: {  	_ =	swait.ge @!p0 [sflag:s9], $0x1400  }
0x137: {  	[sflag:s9] =	ssyncset.done @!p0 $0x0  }
0x138: {  	[sflag:s9] =	ssyncadd.s32 @!p0 $0xFFFFEC00  }
0x139: {  	_ =	swait.ge @!p0 [sflag:s9], $0x1400  }
0x13a: {  	[sflag:s9] =	ssyncset.done @!p0 $0x0  }
0x13b: {  	s11 =	sadd.s32 $0x180, s8;
	[sflag:s9] =	ssyncadd.s32 @!p0 $0xFFFFEC00  }
0x13c: {  	[tilespmem:s28], [sflag:$0x1] =	stream.indirect.gather [hbm4b:s1+s20], $0x80, s11, s20, $0xb8;
	[tilespmem:$0x17000] =	vst v63  }
0x13d: {  	s12 =	sadd.s32 $0x4180, s8  }
0x13e: {  	[tilespmem:s29], [sflag:$0x1] =	stream.indirect.gather [hbm4b:s4+s20], $0x80, s12, s20, $0xb8;
	[tilespmem:$0x17000] =	vst v63  }
0x13f: {  	s13 =	sadd.s32 $0x200, s8  }
0x140: {  	[tilespmem:s30], [sflag:$0x1] =	stream.indirect.gather [hbm4b:s1+s20], $0x80, s13, s20, $0xb8;
	[tilespmem:$0x17000] =	vst v63  }
0x141: {  	s10 =	sadd.s32 $0x4200, s8  }
0x142: {  	[tilespmem:s31], [sflag:$0x1] =	stream.indirect.gather [hbm4b:s4+s20], $0x80, s10, s20, $0xb8;
	[tilespmem:$0x17000] =	vst v63  }
0x143: {  	s11 =	sadd.s32 $0x280, s8  }
0x144: {  	[tilespmem:s0], [sflag:$0x1] =	stream.indirect.gather [hbm4b:s1+s20], $0x80, s11, s20, $0xb8;
	[tilespmem:$0x17000] =	vst v63  }
0x145: {  	s8 =	sadd.s32 $0x4280, s8  }
0x146: {  	[tilespmem:s2], [sflag:$0x1] =	stream.indirect.gather [hbm4b:s4+s20], $0x80, s8, s20, $0xb8;
	[tilespmem:$0x17000] =	vst v63  }
0x147: {  	_ =	swait.ge [sflag:s19], $0x1400  }
0x148: {  	[sflag:s19] =	ssyncset.done $0x0  }
0x149: {  	[sflag:s19] =	ssyncadd.s32 $0xFFFFEC00  }
0x14a: {  	_ =	swait.ge [sflag:s19], $0x1400  }
0x14b: {  	[sflag:s19] =	ssyncset.done $0x0  }
0x14c: {  	[sflag:s19] =	ssyncadd.s32 $0xFFFFEC00  }
0x14d: {  	_ =	swait.ge [sflag:s19], $0x1400  }
0x14e: {  	[sflag:s19] =	ssyncset.done $0x0  }
0x14f: {  	[sflag:s19] =	ssyncadd.s32 $0xFFFFEC00  }
0x150: {  	_ =	swait.ge [sflag:s19], $0x1400  }
0x151: {  	[sflag:s19] =	ssyncset.done $0x0  }
0x152: {  	[sflag:s19] =	ssyncadd.s32 $0xFFFFEC00  }
0x153: {  	_ =	swait.ge [sflag:s19], $0x1400  }
0x154: {  	[sflag:s19] =	ssyncset.done $0x0  }
0x155: {  	[sflag:s19] =	ssyncadd.s32 $0xFFFFEC00  }
0x156: {  	_ =	swait.ge [sflag:s19], $0x1400  }
0x157: {  	s12 =	rddreg [dreg:$0x3];
	[sflag:s19] =	ssyncset.done $0x0  }
0x158: {  	s13 =	rddreg [dreg:$0x4];
	[sflag:s19] =	ssyncadd.s32 $0xFFFFEC00;
	s8 =	sadd.s32 s7, s12  }
0x159: {  	[hbm4b:s8+s3] =	stream.linear.scatter [tilespmem:s21], [sflag:$0x2], $0x1400, $0x38;
	[tilespmem:$0x17000] =	vst v63  }
0x15a: {  	s7 =	sadd.s32 s7, s13  }
0x15b: {  	[hbm4b:s7+s3] =	stream.linear.scatter [tilespmem:s22], [sflag:$0x2], $0x1400, $0x38;
	[tilespmem:$0x17000] =	vst v63  }
0x15c: {  	s10 =	sadd.s32 $0x280, s8  }
0x15d: {  	[hbm4b:s10+s3] =	stream.linear.scatter [tilespmem:s23], [sflag:$0x2], $0x1400, $0x38;
	[tilespmem:$0x17000] =	vst v63  }
0x15e: {  	s11 =	sadd.s32 $0x280, s7  }
0x15f: {  	[hbm4b:s11+s3] =	stream.linear.scatter [tilespmem:s24], [sflag:$0x2], $0x1400, $0x38;
	[tilespmem:$0x17000] =	vst v63  }
0x160: {  	s12 =	sadd.s32 $0x500, s8  }
0x161: {  	[hbm4b:s12+s3] =	stream.linear.scatter [tilespmem:s25], [sflag:$0x2], $0x1400, $0x38;
	[tilespmem:$0x17000] =	vst v63  }
0x162: {  	s13 =	sadd.s32 $0x500, s7  }
0x163: {  	[hbm4b:s13+s3] =	stream.linear.scatter [tilespmem:s26], [sflag:$0x2], $0x1400, $0x38;
	[tilespmem:$0x17000] =	vst v63  }
0x164: {  	_ =	swait.ge [sflag:s19], $0x1400  }
0x165: {  	[sflag:s19] =	ssyncset.done $0x0  }
0x166: {  	[sflag:s19] =	ssyncadd.s32 $0xFFFFEC00  }
0x167: {  	_ =	swait.ge [sflag:s19], $0x1400  }
0x168: {  	[sflag:s19] =	ssyncset.done $0x0  }
0x169: {  	[sflag:s19] =	ssyncadd.s32 $0xFFFFEC00  }
0x16a: {  	_ =	swait.ge [sflag:s19], $0x1400  }
0x16b: {  	[sflag:s19] =	ssyncset.done $0x0  }
0x16c: {  	[sflag:s19] =	ssyncadd.s32 $0xFFFFEC00  }
0x16d: {  	_ =	swait.ge [sflag:s19], $0x1400  }
0x16e: {  	[sflag:s19] =	ssyncset.done $0x0  }
0x16f: {  	[sflag:s19] =	ssyncadd.s32 $0xFFFFEC00  }
0x170: {  	_ =	swait.ge [sflag:s19], $0x1400  }
0x171: {  	[sflag:s19] =	ssyncset.done $0x0  }
0x172: {  	[sflag:s19] =	ssyncadd.s32 $0xFFFFEC00  }
0x173: {  	_ =	swait.ge [sflag:s19], $0x1400  }
0x174: {  	[sflag:s19] =	ssyncset.done $0x0  }
0x175: {  	s10 =	sadd.s32 $0x780, s8;
	[sflag:s19] =	ssyncadd.s32 $0xFFFFEC00  }
0x176: {  	[hbm4b:s10+s3] =	stream.linear.scatter [tilespmem:s28], [sflag:$0x2], $0x1400, $0x38;
	[tilespmem:$0x17000] =	vst v63  }
0x177: {  	s11 =	sadd.s32 $0x780, s7  }
0x178: {  	[hbm4b:s11+s3] =	stream.linear.scatter [tilespmem:s29], [sflag:$0x2], $0x1400, $0x38;
	[tilespmem:$0x17000] =	vst v63  }
0x179: {  	s12 =	sadd.s32 $0xA00, s8  }
0x17a: {  	[hbm4b:s12+s3] =	stream.linear.scatter [tilespmem:s30], [sflag:$0x2], $0x1400, $0x38;
	[tilespmem:$0x17000] =	vst v63  }
0x17b: {  	s13 =	sadd.s32 $0xA00, s7  }
0x17c: {  	[hbm4b:s13+s3] =	stream.linear.scatter [tilespmem:s31], [sflag:$0x2], $0x1400, $0x38;
	[tilespmem:$0x17000] =	vst v63  }
0x17d: {  	s8 =	sadd.s32 $0xC80, s8  }
0x17e: {  	[hbm4b:s8+s3] =	stream.linear.scatter [tilespmem:s0], [sflag:$0x2], $0x1400, $0x38;
	[tilespmem:$0x17000] =	vst v63  }
0x17f: {  	s7 =	sadd.s32 $0xC80, s7  }
0x180: {  	[hbm4b:s7+s3] =	stream.linear.scatter [tilespmem:s2], [sflag:$0x2], $0x1400, $0x38;
	[tilespmem:$0x17000] =	vst v63  }
0x181: {  	_ =	swait.ge [sflag:s5], $0x1400  }
0x182: {  	[sflag:s5] =	ssyncset.done $0x0  }
0x183: {  	[sflag:s5] =	ssyncadd.s32 $0xFFFFEC00  }
0x184: {  	_ =	swait.ge [sflag:s5], $0x1400  }
0x185: {  	[sflag:s5] =	ssyncset.done $0x0  }
0x186: {  	[sflag:s5] =	ssyncadd.s32 $0xFFFFEC00  }
0x187: {  	_ =	swait.ge [sflag:s5], $0x1400  }
0x188: {  	[sflag:s5] =	ssyncset.done $0x0  }
0x189: {  	[sflag:s5] =	ssyncadd.s32 $0xFFFFEC00  }
0x18a: {  	_ =	swait.ge [sflag:s5], $0x1400  }
0x18b: {  	[sflag:s5] =	ssyncset.done $0x0  }
0x18c: {  	[sflag:s5] =	ssyncadd.s32 $0xFFFFEC00  }
0x18d: {  	_ =	swait.ge [sflag:s5], $0x1400  }
0x18e: {  	[sflag:s5] =	ssyncset.done $0x0  }
0x18f: {  	[sflag:s5] =	ssyncadd.s32 $0xFFFFEC00  }
0x190: {  	_ =	swait.ge [sflag:s5], $0x1400  }
0x191: {  	[sflag:s5] =	ssyncset.done $0x0  }
0x192: {  	[sflag:s5] =	ssyncadd.s32 $0xFFFFEC00  }
0x193: {  	_ =	swait.ge [sflag:s5], $0x1400  }
0x194: {  	[sflag:s5] =	ssyncset.done $0x0  }
0x195: {  	[sflag:s5] =	ssyncadd.s32 $0xFFFFEC00  }
0x196: {  	_ =	swait.ge [sflag:s5], $0x1400  }
0x197: {  	[sflag:s5] =	ssyncset.done $0x0  }
0x198: {  	[sflag:s5] =	ssyncadd.s32 $0xFFFFEC00  }
0x199: {  	_ =	swait.ge [sflag:s5], $0x1400  }
0x19a: {  	[sflag:s5] =	ssyncset.done $0x0  }
0x19b: {  	[sflag:s5] =	ssyncadd.s32 $0xFFFFEC00  }
0x19c: {  	_ =	swait.ge [sflag:s5], $0x1400  }
0x19d: {  	[sflag:s5] =	ssyncset.done $0x0  }
0x19e: {  	[sflag:s5] =	ssyncadd.s32 $0xFFFFEC00  }
0x19f: {  	_ =	swait.ge [sflag:s5], $0x1400  }
0x1a0: {  	[sflag:s5] =	ssyncset.done $0x0  }
0x1a1: {  	[sflag:s5] =	ssyncadd.s32 $0xFFFFEC00  }
0x1a2: {  	_ =	swait.ge [sflag:s5], $0x1400  }
0x1a3: {  	[sflag:s5] =	ssyncset.done $0x0  }
0x1a4: {  	s9 =	simm.s32 $0x3C00;
	[sflag:s5] =	ssyncadd.s32 $0xFFFFEC00  }
0x1a5: {  	[tilespmem:s21], [sflag:$0x1] =	stream.indirect.gather [hbm4b:s1+s20], $0x80, s9, s20, $0xb8;
	[tilespmem:$0x17000] =	vst v63  }
0x1a6: {  	s10 =	simm.s32 $0x7C00  }
0x1a7: {  	[tilespmem:s22], [sflag:$0x1] =	stream.indirect.gather [hbm4b:s4+s20], $0x80, s10, s20, $0xb8;
	[tilespmem:$0x17000] =	vst v63  }
0x1a8: {  	_ =	swait.ge [sflag:s19], $0x1400  }
0x1a9: {  	[sflag:s19] =	ssyncset.done $0x0  }
0x1aa: {  	[sflag:s19] =	ssyncadd.s32 $0xFFFFEC00  }
0x1ab: {  	_ =	swait.ge [sflag:s19], $0x1400  }
0x1ac: {  	[sflag:s19] =	ssyncset.done $0x0  }
0x1ad: {  	s11 =	rddreg [dreg:$0x7];
	[sflag:s19] =	ssyncadd.s32 $0xFFFFEC00  }
0x1ae: {  	[hbm4b:s11+s3] =	stream.linear.scatter [tilespmem:s21], [sflag:$0x3], $0x1400, $0x38;
	[tilespmem:$0x17000] =	vst v63  }
0x1af: {  	_ =	swait.ge [sflag:s18], $0x1400  }
0x1b0: {  	[sflag:s18] =	ssyncset.done $0x0  }
0x1b1: {  	s12 =	rddreg [dreg:$0x8];
	[sflag:s18] =	ssyncadd.s32 $0xFFFFEC00  }
0x1b2: {  	[hbm4b:s12+s3] =	stream.linear.scatter [tilespmem:s22], [sflag:$0x3], $0x1400, $0x38;
	[tilespmem:$0x17000] =	vst v63  }
0x1b3: {  	_ =	swait.ge [sflag:s18], $0x1400  }
0x1b4: {  	[sflag:s18] =	ssyncset.done $0x0  }
0x1b5: {  	s13 =	simm.s32 $0x3C80;
	[sflag:s18] =	ssyncadd.s32 $0xFFFFEC00  }
0x1b6: {  	[tilespmem:s23], [sflag:$0x1] =	stream.indirect.gather [hbm4b:s1+s20], $0x80, s13, s20, $0xb8;
	[tilespmem:$0x17000] =	vst v63  }
0x1b7: {  	s8 =	simm.s32 $0x7C80  }
0x1b8: {  	[tilespmem:s24], [sflag:$0x1] =	stream.indirect.gather [hbm4b:s4+s20], $0x80, s8, s20, $0xb8;
	[tilespmem:$0x17000] =	vst v63  }
0x1b9: {  	_ =	swait.ge [sflag:s19], $0x1400  }
0x1ba: {  	[sflag:s19] =	ssyncset.done $0x0  }
0x1bb: {  	[sflag:s19] =	ssyncadd.s32 $0xFFFFEC00  }
0x1bc: {  	_ =	swait.ge [sflag:s19], $0x1400  }
0x1bd: {  	[sflag:s19] =	ssyncset.done $0x0  }
0x1be: {  	s9 =	rddreg [dreg:$0x9];
	[sflag:s19] =	ssyncadd.s32 $0xFFFFEC00  }
0x1bf: {  	[hbm4b:s9+s3] =	stream.linear.scatter [tilespmem:s23], [sflag:$0x3], $0x1400, $0x38;
	[tilespmem:$0x17000] =	vst v63  }
0x1c0: {  	_ =	swait.ge [sflag:s18], $0x1400  }
0x1c1: {  	[sflag:s18] =	ssyncset.done $0x0  }
0x1c2: {  	s10 =	rddreg [dreg:$0xa];
	[sflag:s18] =	ssyncadd.s32 $0xFFFFEC00  }
0x1c3: {  	[hbm4b:s10+s3] =	stream.linear.scatter [tilespmem:s24], [sflag:$0x3], $0x1400, $0x38;
	[tilespmem:$0x17000] =	vst v63  }
0x1c4: {  	_ =	swait.ge [sflag:s18], $0x1400  }
0x1c5: {  	[sflag:s18] =	ssyncset.done $0x0  }
0x1c6: {  	s11 =	simm.s32 $0x3D00;
	[sflag:s18] =	ssyncadd.s32 $0xFFFFEC00  }
0x1c7: {  	[tilespmem:s25], [sflag:$0x1] =	stream.indirect.gather [hbm4b:s1+s20], $0x80, s11, s20, $0xb8;
	[tilespmem:$0x17000] =	vst v63  }
0x1c8: {  	s12 =	simm.s32 $0x7D00  }
0x1c9: {  	[tilespmem:s26], [sflag:$0x1] =	stream.indirect.gather [hbm4b:s4+s20], $0x80, s12, s20, $0xb8;
	[tilespmem:$0x17000] =	vst v63  }
0x1ca: {  	_ =	swait.ge [sflag:s19], $0x1400  }
0x1cb: {  	[sflag:s19] =	ssyncset.done $0x0  }
0x1cc: {  	[sflag:s19] =	ssyncadd.s32 $0xFFFFEC00  }
0x1cd: {  	_ =	swait.ge [sflag:s19], $0x1400  }
0x1ce: {  	[sflag:s19] =	ssyncset.done $0x0  }
0x1cf: {  	s13 =	rddreg [dreg:$0xb];
	[sflag:s19] =	ssyncadd.s32 $0xFFFFEC00  }
0x1d0: {  	[hbm4b:s13+s3] =	stream.linear.scatter [tilespmem:s25], [sflag:$0x3], $0x1400, $0x38;
	[tilespmem:$0x17000] =	vst v63  }
0x1d1: {  	_ =	swait.ge [sflag:s18], $0x1400  }
0x1d2: {  	[sflag:s18] =	ssyncset.done $0x0  }
0x1d3: {  	s8 =	rddreg [dreg:$0xc];
	[sflag:s18] =	ssyncadd.s32 $0xFFFFEC00  }
0x1d4: {  	[hbm4b:s8+s3] =	stream.linear.scatter [tilespmem:s26], [sflag:$0x3], $0x1400, $0x38;
	[tilespmem:$0x17000] =	vst v63  }
0x1d5: {  	_ =	swait.ge [sflag:s18], $0x1400  }
0x1d6: {  	[sflag:s18] =	ssyncset.done $0x0  }
0x1d7: {  	s9 =	simm.s32 $0x3D80;
	[sflag:s18] =	ssyncadd.s32 $0xFFFFEC00  }
0x1d8: {  	[tilespmem:s28], [sflag:$0x1] =	stream.indirect.gather [hbm4b:s1+s20], $0x80, s9, s20, $0xb8;
	[tilespmem:$0x17000] =	vst v63  }
0x1d9: {  	s10 =	simm.s32 $0x7D80  }
0x1da: {  	[tilespmem:s29], [sflag:$0x1] =	stream.indirect.gather [hbm4b:s4+s20], $0x80, s10, s20, $0xb8;
	[tilespmem:$0x17000] =	vst v63  }
0x1db: {  	_ =	swait.ge [sflag:s19], $0x1400  }
0x1dc: {  	[sflag:s19] =	ssyncset.done $0x0  }
0x1dd: {  	[sflag:s19] =	ssyncadd.s32 $0xFFFFEC00  }
0x1de: {  	_ =	swait.ge [sflag:s19], $0x1400  }
0x1df: {  	[sflag:s19] =	ssyncset.done $0x0  }
0x1e0: {  	s11 =	rddreg [dreg:$0xd];
	[sflag:s19] =	ssyncadd.s32 $0xFFFFEC00  }
0x1e1: {  	[hbm4b:s11+s3] =	stream.linear.scatter [tilespmem:s28], [sflag:$0x3], $0x1400, $0x38;
	[tilespmem:$0x17000] =	vst v63  }
0x1e2: {  	_ =	swait.ge [sflag:s18], $0x1400  }
0x1e3: {  	[sflag:s18] =	ssyncset.done $0x0  }
0x1e4: {  	[sflag:s18] =	ssyncadd.s32 $0xFFFFEC00  }
0x1e5: {  	[hbm4b:s14+s3] =	stream.linear.scatter [tilespmem:s29], [sflag:$0x3], $0x1400, $0x38;
	[tilespmem:$0x17000] =	vst v63  }
0x1e6: {  	_ =	swait.ge [sflag:s18], $0x1400  }
0x1e7: {  	[sflag:s18] =	ssyncset.done $0x0  }
0x1e8: {  	s12 =	simm.s32 $0x3E00;
	[sflag:s18] =	ssyncadd.s32 $0xFFFFEC00  }
0x1e9: {  	[tilespmem:s30], [sflag:$0x1] =	stream.indirect.gather [hbm4b:s1+s20], $0x80, s12, s20, $0xb8;
	[tilespmem:$0x17000] =	vst v63  }
0x1ea: {  	s13 =	simm.s32 $0x7E00  }
0x1eb: {  	[tilespmem:s31], [sflag:$0x1] =	stream.indirect.gather [hbm4b:s4+s20], $0x80, s13, s20, $0xb8;
	[tilespmem:$0x17000] =	vst v63  }
0x1ec: {  	_ =	swait.ge [sflag:s19], $0x1400  }
0x1ed: {  	[sflag:s19] =	ssyncset.done $0x0  }
0x1ee: {  	[sflag:s19] =	ssyncadd.s32 $0xFFFFEC00  }
0x1ef: {  	_ =	swait.ge [sflag:s19], $0x1400  }
0x1f0: {  	[sflag:s19] =	ssyncset.done $0x0  }
0x1f1: {  	[sflag:s19] =	ssyncadd.s32 $0xFFFFEC00  }
0x1f2: {  	[hbm4b:s15+s3] =	stream.linear.scatter [tilespmem:s30], [sflag:$0x3], $0x1400, $0x38;
	[tilespmem:$0x17000] =	vst v63  }
0x1f3: {  	s6 =	sadd.s32 $0x1, s6;
	_ =	swait.ge [sflag:s18], $0x1400  }
0x1f4: {  	p0 =	sne.s32 s6, s17;
	[sflag:s18] =	ssyncset.done $0x0  }
.Ltmp1:
0x1f5: {  	[sflag:s18] =	ssyncadd.s32 $0xFFFFEC00;
	(pc) =	sbr.rel @p0 .LBB2_1-.Ltmp1, $4  }
0x1f6: {  	[hbm4b:s16+s3] =	stream.linear.scatter [tilespmem:s31], [sflag:$0x3], $0x1400, $0x38;
	[tilespmem:$0x17000] =	vst v63  }
0x1f7: {  	_ =	swait.ge [sflag:s18], $0x1400  }
0x1f8: {  	[sflag:s18] =	ssyncset.done $0x0  }
0x1f9: {  	[sflag:s18] =	ssyncadd.s32 $0xFFFFEC00  }
0x1fa: {  	_ =	sfence.sel $0x180000  }
0x1fb: {  	[bflag:$0x0] =	sbarrier.arrive $0xFFFF  }
0x1fc: {  	_ =	strace $0x90000047  }
0x1fd: {  	s0 =	stileid.u32;
	[bflag:$0x2] =	sbarrier.arrive $0xFFFF  }
0x1fe: {  	p0 =	sne.s32 s0, $0x0;
	s0 =	rddreg [dreg:$0x2]  }
0x1ff: {  	s0 =	sadd.s32 @!p0 $0x100000, s0  }
0x200: {  	[sflag:s0] =	ssyncadd.tile.s32 @!p0 $0x1;
	_ =	shalt  }
.Lfunc_end2:
_tile_overlayer_lowered:
.L_overlay_start_2:
0x201: {  	(tag) =	ssettag $0x2  }
0x202: {  	s0 =	rddreg [dreg:$0x0];
	s2 =	stileid.u32  }
0x203: {  	s1 =	rddreg [dreg:$0x1];
	p0 =	sne.s32 s2, $0x0  }
0x204: {  	s3 =	rddreg [dreg:$0x2];
	[bflag:$0x3] =	sbarrier.arrive $0xFFFF;
	s2 =	simm.s32 @!p0 $0x1C03  }
0x205: {  	[timem:s3], [sflag:s2] =	dma.local @!p0 [hbm:s0], s1  }
0x206: {  	s0 =	simm.s32 @!p0 $0x3  }
0x207: {  	_ =	swait.ge @!p0 [sflag:s0], s1  }
0x208: {  	s1 =	ssub.s32 @!p0 $0x0, s1;
	[sflag:s0] =	ssyncset.done @!p0 $0x0  }
0x209: {  	[sflag:s0] =	ssyncadd.s32 @!p0 s1  }
0x20a: {  	[bflag:$0x3] =	sbarrier.arrive $0xFFFF  }
0x20b: {  	_ =	shalt  }

// kernel: kernel.14.cloned.1.call-start
scs
__scs_entry_jumppad:
0x0: {  	(pc) =	sbr.rel $0x88, $3  }
0x1: {  	(tag) =	ssettag $0x0;
	lr =	simm.s32 $0x1  }
0x2: {  	[smem:$0x3F98] =	sst lr;
	_ =	strace $0xD0000000  }
0x3: {  	_ = 	snop  }
0x4: {  	_ = 	snop  }
0x5: {  	_ = 	snop  }
0x6: {  	_ = 	snop  }
0x7: {  	_ = 	snop  }
__scs_overlays_trampoline_lowered:
0x8: {  	[smem:$0x3FA7] =	sst s0  }
0x9: {  	[smem:$0x3FA8] =	sst s1  }
0xa: {  	[smem:$0x3FA9] =	sst s2  }
0xb: {  	[smem:$0x3FAA] =	sst s3  }
0xc: {  	[smem:$0x3FAB] =	sst s4  }
0xd: {  	[smem:$0x3FAC] =	sst s5  }
0xe: {  	[smem:$0x3FAD] =	sst s6  }
0xf: {  	[smem:$0x3FAE] =	sst s7  }
0x10: {  	[smem:$0x3FAF] =	sst s8  }
0x11: {  	[smem:$0x3FB0] =	sst s9;
	s0 =	simm.s32 @!p0 $0x0  }
0x12: {  	s1 =	sld [smem:$0x3F96];
	s0 =	simm.s32 @p0 $0x1  }
0x13: {  	[smem:$0x3FB1] =	sst s0;
	s0 =	simm.s32 @!p1 $0x0  }
0x14: {  	s2 =	sld [smem:$0x3F95];
	s0 =	simm.s32 @p1 $0x1  }
0x15: {  	[smem:$0x3FB2] =	sst s0;
	s0 =	simm.s32 @!p2 $0x0  }
0x16: {  	s3 =	sld [smem:$0x3FDB];
	s0 =	simm.s32 @p2 $0x1  }
0x17: {  	s4 =	simm.s32 $0x1BF5;
	[smem:$0x3FB4] =	sst s0  }
0x18: {  	s0 =	sld [smem:$0x3F97];
	_ =	swait.ge [sflag:s4], $0x0  }
0x19: {  	s7 =	sld [smem:$0x3F98]  }
0x1a: {  	s8 =	sadd.s32 $0xFFFFE003, lr  }
0x1b: {  	s9 =	sadd.s32 $0xFFFFFEF7, lr;
	s5 =	simm.s32 $0xFFFFFFFF;
	p2 =	slt.u32 s8, $0xFFFFF086  }
0x1c: {  	p1 =	slt.u32 s9, $0xF7A;
	s5 =	simm.s32 @!p2 $0x0  }
0x1d: {  	s5 =	simm.s32 @p1 $0x1;
	p0 =	seq.s32 s7, s2  }
0x1e: {  	s7 =	smul.u32 @!p0 $0xF7A, s2;
	p2 =	seq.s32 @!p0 s5, $0x0  }
0x1f: {  	s9 =	smul.u32 $0xF7A, s1;
	s8 =	simm.s32 @!p0 $0x1BF5;
	p2 =	por !p2, p0  }
0x20: {  	[sflag:s8] =	ssyncset.s32 @!p0 $0xFFFFF086;
	s6 =	sadd.s32 @!p0 s3, s7;
	s7 =	simm.s32 @!p0 $0x108  }
0x21: {  	s3 =	sadd.s32 s3, s9;
	s6 =	sadd.s32 @!p0 $0x88, s6;
	s7 =	simm.s32 @p2 $0x1082  }
0x22: {  	[simem:s7], [sflag:s8] =	dma.local @!p0 [hbm:s6], $0xF7A  }
0x23: {  	s9 =	sor.u32 $0xD0000000, s2;
	s6 =	simm.s32 $0x108;
	_ =	swait.ge @!p0 [sflag:s8], $0x0  }
0x24: {  	s3 =	sadd.s32 $0x88, s3;
	s6 =	simm.s32 @!p1 $0x1082;
	[sflag:s4] =	ssyncset.s32 $0xFFFFF086  }
0x25: {  	[simem:s6], [sflag:s4] =	dma.local [hbm:s3], $0xF7A  }
0x26: {  	[smem:$0x3F98] =	sst s1;
	(tag) =	ssettag s2;
	_ =	strace s9  }
0x27: {  	s1 =	sld [smem:$0x3FA8]  }
0x28: {  	s2 =	sld [smem:$0x3FA9]  }
0x29: {  	s4 =	sld [smem:$0x3FAB]  }
0x2a: {  	p0 =	seq.s32 s5, $0x0;
	s5 =	sld [smem:$0x3FAC]  }
0x2b: {  	s6 =	sld [smem:$0x3FAD]  }
0x2c: {  	s7 =	sld [smem:$0x3FAE]  }
0x2d: {  	s3 =	simm.s32 $0x108;
	s8 =	sld [smem:$0x3FAF]  }
0x2e: {  	s3 =	simm.s32 @!p0 $0x1082;
	s9 =	sld [smem:$0x3FB0]  }
0x2f: {  	lr =	sadd.s32 s0, s3;
	s0 =	sld [smem:$0x3FA7]  }
0x30: {  	s3 =	sld [smem:$0x3FAA]  }
0x31: {  	[smem:$0x3FB3] =	sst s10  }
0x32: {  	s10 =	sld [smem:$0x3FB1];
	_ =	sdelay $0x3  }
0x33: {  	p0 =	seq.s32 s10, $0x1;
	s10 =	sld [smem:$0x3FB3];
	_ =	sdelay $0x3  }
0x34: {  	[smem:$0x3FB3] =	sst s10  }
0x35: {  	s10 =	sld [smem:$0x3FB2];
	_ =	sdelay $0x3  }
0x36: {  	p1 =	seq.s32 s10, $0x1;
	s10 =	sld [smem:$0x3FB3];
	_ =	sdelay $0x3  }
0x37: {  	[smem:$0x3FB3] =	sst s10  }
0x38: {  	s10 =	sld [smem:$0x3FB4]  }
0x39: {  	_ = 	snop;
	(pc) =	sbr.ind lr, $3  }
0x3a: {  	_ = 	snop  }
0x3b: {  	_ = 	snop  }
0x3c: {  	p2 =	seq.s32 s10, $0x1;
	s10 =	sld [smem:$0x3FB3]  }
0x3d: {  	_ =	shalt  }
0x3e: {  	_ =	shalt  }
0x3f: {  	_ =	shalt  }
0x40: {  	_ =	shalt  }
0x41: {  	_ =	shalt  }
0x42: {  	_ =	shalt  }
0x43: {  	_ =	shalt  }
0x44: {  	_ =	shalt  }
0x45: {  	_ =	shalt  }
0x46: {  	_ =	shalt  }
0x47: {  	_ =	shalt  }
0x48: {  	_ =	shalt  }
0x49: {  	_ =	shalt  }
0x4a: {  	_ =	shalt  }
0x4b: {  	_ =	shalt  }
0x4c: {  	_ =	shalt  }
0x4d: {  	_ =	shalt  }
0x4e: {  	_ =	shalt  }
0x4f: {  	_ =	shalt  }
0x50: {  	_ =	shalt  }
0x51: {  	_ =	shalt  }
0x52: {  	_ =	shalt  }
0x53: {  	_ =	shalt  }
0x54: {  	_ =	shalt  }
0x55: {  	_ =	shalt  }
0x56: {  	_ =	shalt  }
0x57: {  	_ =	shalt  }
0x58: {  	_ =	shalt  }
0x59: {  	_ =	shalt  }
0x5a: {  	_ =	shalt  }
0x5b: {  	_ =	shalt  }
0x5c: {  	_ =	shalt  }
0x5d: {  	_ =	shalt  }
0x5e: {  	_ =	shalt  }
0x5f: {  	_ =	shalt  }
0x60: {  	_ =	shalt  }
0x61: {  	_ =	shalt  }
0x62: {  	_ =	shalt  }
0x63: {  	_ =	shalt  }
0x64: {  	_ =	shalt  }
0x65: {  	_ =	shalt  }
0x66: {  	_ =	shalt  }
0x67: {  	_ =	shalt  }
0x68: {  	_ =	shalt  }
0x69: {  	_ =	shalt  }
0x6a: {  	_ =	shalt  }
0x6b: {  	_ =	shalt  }
0x6c: {  	_ =	shalt  }
0x6d: {  	_ =	shalt  }
0x6e: {  	_ =	shalt  }
0x6f: {  	_ =	shalt  }
0x70: {  	_ =	shalt  }
0x71: {  	_ =	shalt  }
0x72: {  	_ =	shalt  }
0x73: {  	_ =	shalt  }
0x74: {  	_ =	shalt  }
0x75: {  	_ =	shalt  }
0x76: {  	_ =	shalt  }
0x77: {  	_ =	shalt  }
0x78: {  	_ =	shalt  }
0x79: {  	_ =	shalt  }
0x7a: {  	_ =	shalt  }
0x7b: {  	_ =	shalt  }
0x7c: {  	_ =	shalt  }
0x7d: {  	_ =	shalt  }
0x7e: {  	_ =	shalt  }
0x7f: {  	_ =	shalt  }
0x80: {  	_ =	shalt  }
0x81: {  	_ =	shalt  }
0x82: {  	_ =	shalt  }
0x83: {  	_ =	shalt  }
0x84: {  	_ =	shalt  }
0x85: {  	_ =	shalt  }
0x86: {  	_ =	shalt  }
0x87: {  	_ =	shalt  }
.Lfunc_end0:
.L_simem_size_0:
called_computation.1_lowered:
.L_overlay_start_0:
0x88: {  	s2 =	sld [smem:$0x3FD9]  }
0x89: {  	s3 =	sld [smem:$0x3FFE];
	_ =	sdelay $0x1  }
0x8a: {  	s1 =	srdreg.scid  }
0x8b: {  	s0 =	sand.u32 $0x1, s1  }
0x8c: {  	s17 =	sshll.u32 s0, $0xA;
	s2 =	sadd.s32 s3, s2  }
0x8d: {  	s2 =	sadd.s32 s2, s17  }
0x8e: {  	[smem:$0x3FBF] =	sst s2  }
0x8f: {  	_ = 	snop  }
0x90: {  	(tm) =	ssettm $0x1  }
0x91: {  	s18 =	sld [smem:$0x3FFB];
	_ =	sdelay $0x3  }
0x92: {  	_ =	strace s18  }
0x93: {  	s2 =	sld [smem:$0x3FFC];
	_ =	sdelay $0x3  }
0x94: {  	_ =	strace s2  }
0x95: {  	s2 =	sld [smem:$0x3FFD];
	_ =	sdelay $0x3  }
0x96: {  	_ =	strace s2  }
0x97: {  	_ =	strace $0x8FFFFFFF  }
0x98: {  	s19 =	sld [smem:$0x3FDB];
	_ =	sdelay $0x1  }
0x99: {  	s20 =	simm.s32 $_scs_section_size  }
0x9a: {  	s4 =	simm.s32 $_size__tile_overlayer_lowered;
	s5 =	simm.s32 $_tile_overlayer_lowered  }
0x9b: {  	s6 =	simm.s32 $0x1BFF;
	s21 =	sshll.u32 s5, $0x1;
	s3 =	sadd.s32 s20, s19  }
0x9c: {  	s22 =	simm.s32 $0x0;
	s4 =	sshll.u32 s4, $0x1;
	s5 =	sadd.s32 s21, s3  }
0x9d: {  	[timem:s22], [sflag:s6] =	dma.local [hbm:s5], s4  }
0x9e: {  	_ =	swait.ge [sflag:s6], s4  }
0x9f: {  	s4 =	ssub.s32 $0x0, s4;
	[sflag:s6] =	ssyncset.done $0x0  }
0xa0: {  	[sflag:s6] =	ssyncadd.s32 s4;
	_ =	sdelay $0x1  }
0xa1: {  	s23 =	simm.s32 $0x1B8B  }
0xa2: {  	_ =	swait.ge [sflag:s23], $0x1  }
0xa3: {  	[sflag:s23] =	ssyncset.done $0x0  }
0xa4: {  	[sflag:s23] =	ssyncadd.s32 $0xFFFFFFFF  }
0xa5: {  	s4 =	sld [smem:$0x0]  }
0xa6: {  	s5 =	sand.u32 $0xFFFFFFFE, s1  }
0xa7: {  	p0 =	sne.s32 s1, s5  }
0xa8: {  	s5 =	sshll.u32 @p0 s5, $0xE  }
0xa9: {  	s5 =	sadd.s32 @p0 $0x11B8D, s5;
	s6 =	sshll.u32 @p0 s4, $0x11  }
0xaa: {  	s5 =	sor.u32 @p0 s6, s5  }
0xab: {  	[sflag:s5] =	ssyncadd.remote.s32 @p0 $0x1;
	_ =	sdelay $0x1  }
0xac: {  	s5 =	simm.s32 @p0 $0x1B8D  }
0xad: {  	_ =	swait.eq @p0 [sflag:s5], $0x1  }
0xae: {  	[sflag:s5] =	ssyncadd.s32 @p0 $0xFFFFFFFF  }
0xaf: {  	s6 =	sshll.u32 @!p0 s1, $0xE  }
0xb0: {  	s6 =	sor.u32 @!p0 $0x4000, s6;
	s5 =	simm.s32 @!p0 $0x1B8D  }
0xb1: {  	s4 =	sshll.u32 @!p0 s4, $0x11;
	s6 =	sadd.s32 @!p0 $0x11B8D, s6;
	_ =	swait.eq @!p0 [sflag:s5], $0x1  }
0xb2: {  	s4 =	sor.u32 @!p0 s4, s6;
	[sflag:s5] =	ssyncadd.s32 @!p0 $0xFFFFFFFF  }
0xb3: {  	s25 =	simm.s32 $0x1B8E;
	s24 =	sld [smem:$0x3FFE];
	[sflag:s4] =	ssyncadd.remote.s32 @!p0 $0x1  }
0xb4: {  	s26 =	simm.s32 $execute0_lowered;
	[smem:$0x3FD2] =	sst s25  }
0xb5: {  	s5 =	sshll.u32 s26, $0x1;
	_ =	strace $0x8000004F;
	[dreg:$0x1] =	wrdreg $0xFFFFFFFF  }
0xb6: {  	s28 =	simm.s32 $_size_execute0_lowered;
	s3 =	sadd.s32 s3, s5;
	[dreg:$0x0] =	wrdreg $0x0  }
0xb7: {  	s5 =	sshll.u32 s28, $0x1;
	[dreg:$0x2] =	wrdreg s3  }
0xb8: {  	[dreg:$0x3] =	wrdreg s5  }
0xb9: {  	[dreg:$0x4] =	wrdreg $0xC0  }
0xba: {  	_ =	task [dreg:s22], $0x5FFFF  }
0xbb: {  	[dreg:$0x1] =	wrdreg $0xFFFFFFFF  }
0xbc: {  	[dreg:$0x0] =	wrdreg $0x60  }
0xbd: {  	[dreg:$0x2] =	wrdreg s24  }
0xbe: {  	[dreg:$0x3] =	wrdreg $0x90000  }
0xbf: {  	[dreg:$0x4] =	wrdreg $0xA  }
0xc0: {  	_ =	task.clear_ibuf [dreg:s22], $0x5FFFF;
	_ =	strace $0x9000004F  }
0xc1: {  	s29 =	simm.s32 $0xA;
	_ =	strace $0x80000051  }
0xc2: {  	_ =	swait.ge [sflag:s29], $0x1  }
0xc3: {  	[sflag:s29] =	ssyncadd.s32 $0xFFFFFFFF  }
0xc4: {  	_ =	strace $0x90000051  }
0xc5: {  	_ =	sfence  }
0xc6: {  	s30 =	sld [smem:$0x0];
	_ =	sdelay $0x2  }
0xc7: {  	s31 =	sshll.u32 s1, $0xD;
	s1 =	sshrl.u32 s1, $0x2  }
0xc8: {  	s4 =	sand.u32 $0x4000, s31;
	s1 =	sadd.s32 s1, s30  }
0xc9: {  	s0 =	sor.u32 s4, s0;
	s1 =	sshll.u32 s1, $0x11  }
0xca: {  	s0 =	sor.u32 s1, s0  }
0xcb: {  	s0 =	sadd.s32 $0x8F2B, s0  }
0xcc: {  	[sflag:s0] =	ssyncadd.remote.s32 $0x1  }
0xcd: {  	_ =	sfence.sel $0xFFFF  }
0xce: {  	[dreg:$0x0] =	wrdreg $0xFFFFFFFF;
	(pc) =	sbr.abs _section_cstart, $3  }
0xcf: {  	[dreg:$0x1] =	wrdreg $0xFFFFFFFF  }
0xd0: {  	_ =	task.clear_ibuf [dreg:s22], $0x2FFFF;
	_ =	strace $0x9FFFFFFF  }
0xd1: {  	(tm) =	ssettm $0x7FFFFFFF  }
tec
execute0_lowered:
.L_overlay_start_1:
0x0: {  	(tag) =	ssettag $0x1  }
0x1: {  	s5 =	rddreg [dreg:$0x0]  }
0x2: {  	s2 =	rddreg [dreg:$0x1]  }
0x3: {  	s0 =	rddreg [dreg:$0x2]  }
0x4: {  	s4 =	srdreg.scid;
	s3 =	simm.s32 $0x0;
	s1 =	stileid.u32  }
0x5: {  	s15 =	simm.s32 $0x1;
	s16 =	simm.s32 $0x28;
	s17 =	simm.s32 $0x6800  }
0x6: {  	s18 =	simm.s32 $0x7C00;
	s19 =	simm.s32 $0x2;
	s20 =	simm.s32 $0x3  }
0x7: {  	s21 =	simm.s32 $0x3E00;
	s22 =	simm.s32 $0x0;
	s9 =	smul.u32 $0x14000, s1  }
0x8: {  	s7 =	sand.u32 $0x1, s4;
	[smem:$0x7FF] =	sst s3;
	s28 =	smul.u32 $0x50000, s1  }
0x9: {  	s24 =	sshll.u32 s1, $0x1;
	s10 =	sadd.s32 $0xD15C00, s5;
	s29 =	smul.u32 $0x27100, s1  }
0xa: {  	s31 =	sshll.u32 s1, $0x6;
	s6 =	smul.u32 $0x140000, s7;
	_ =	strace $0x80000050  }
0xb: {  	s8 =	sor.u32 s7, s24;
	s25 =	ssub.s32 $0x2, s7;
	s14 =	smul.u32 $0x13880, s7  }
0xc: {  	s4 =	sshll.u32 s8, $0xB;
	s8 =	smul.u32 $0x9C400, s8;
	s26 =	sshrl.u32 s25, $0x1  }
0xd: {  	s30 =	sadd.s32 s29, s10;
	s11 =	sadd.s32 s4, s5;
	s6 =	sadd.s32 s9, s6  }
0xe: {  	s4 =	sadd.s32 $0xA3E400, s5;
	s9 =	ssub.s32 s25, s26;
	s6 =	sshrl.u32 s6, $0x3  }
0xf: {  	s8 =	sshrl.u32 s8, $0x3;
	s12 =	sadd.s32 s6, s5;
	s5 =	sadd.s32 $0x3200, s11  }
0x10: {  	s6 =	sshrl.u32 s28, $0x2;
	s8 =	sadd.s32 s10, s8;
	s10 =	simm.s32 $0x4  }
0x11: {  	s11 =	sor.u32 $0x1C04, s31;
	s13 =	sadd.s32 s6, s2;
	s6 =	sadd.s32 $0x13600, s8  }
0x12: {  	s7 =	sadd.s32 $0xAA4C00, s12;
	s8 =	smax.u32 s9, $0x1;
	s9 =	sadd.s32 s14, s30  }
0x13: {  	s14 =	simm.s32 $0x5400;
	s12 =	sshrl.u32 s13, $0x3;
	s13 =	simm.s32 $0x4000  }
.LBB2_1:
0x14: {  	[tilespmem:s3], [sflag:$0x4] =	stream.linear.gather [hbm4b:s5+s3], $0x3E80, $0x38;
	[tilespmem:$0x1D000] =	vst v63  }
0x15: {  	_ =	swait.ge [sflag:s10], $0x3E80  }
0x16: {  	[sflag:s10] =	ssyncset.done $0x0  }
0x17: {  	[sflag:s10] =	ssyncadd.s32 $0xFFFFC180  }
0x18: {  	[spmem:s12], [sflag:s11] =	dma.local [hbm:s4], $0x2800  }
0x19: {  	_ =	swait.ge [sflag:s10], $0x2800  }
0x1a: {  	[sflag:s10] =	ssyncset.done $0x0  }
0x1b: {  	p0 =	por $0x1, $0x1;
	[sflag:s10] =	ssyncadd.s32 $0xFFFFD800  }
0x1c: {  	s23 =	simm.s32 @!p0 $0x2;
	[bflag:$0x0] =	sbarrier.arrive $0xFFFF  }
0x1d: {  	_ =	swait.ge @!p0 [sflag:s23], $0x1400  }
0x1e: {  	[sflag:s23] =	ssyncset.done @!p0 $0x0  }
0x1f: {  	[sflag:s23] =	ssyncadd.s32 @!p0 $0xFFFFEC00  }
0x20: {  	_ =	swait.ge @!p0 [sflag:s23], $0x1400  }
0x21: {  	[sflag:s23] =	ssyncset.done @!p0 $0x0  }
0x22: {  	[sflag:s23] =	ssyncadd.s32 @!p0 $0xFFFFEC00  }
0x23: {  	[tilespmem:s13], [sflag:$0x1] =	stream.linear.gather [hbm4b:s9+s3], $0x1400, $0x38;
	[tilespmem:$0x1D000] =	vst v63  }
0x24: {  	s25 =	sadd.s32 $0x280, s9  }
0x25: {  	[tilespmem:s14], [sflag:$0x1] =	stream.linear.gather [hbm4b:s25+s3], $0x1400, $0x38;
	[tilespmem:$0x1D000] =	vst v63  }
0x26: {  	_ =	swait.ge [sflag:s15], $0x1400  }
0x27: {  	[sflag:s15] =	ssyncset.done $0x0  }
0x28: {  	[sflag:s15] =	ssyncadd.s32 $0xFFFFEC00  }
0x29: {  	_ =	swait.ge [sflag:s15], $0x1400  }
0x2a: {  	[sflag:s15] =	ssyncset.done $0x0  }
0x2b: {  	s26 =	simm.s32 $0x0;
	[sflag:s15] =	ssyncadd.s32 $0xFFFFEC00  }
0x2c: {  	[spmem:s2] =	stream.indirect.scatter.add.f32 [tilespmem:s13], [sflag:$0x2], $0x80, s26, s16, $0xb8;
	[tilespmem:$0x1D000] =	vst v63  }
0x2d: {  	s28 =	simm.s32 $0x80;
	s24 =	simm.s32 @!p0 $0x3  }
0x2e: {  	[spmem:s2] =	stream.indirect.scatter.add.f32 [tilespmem:s14], [sflag:$0x2], $0x80, s28, s16, $0xb8;
	[tilespmem:$0x1D000] =	vst v63  }
0x2f: {  	_ =	swait.ge @!p0 [sflag:s24], $0x1400  }
0x30: {  	[sflag:s24] =	ssyncset.done @!p0 $0x0  }
0x31: {  	[sflag:s24] =	ssyncadd.s32 @!p0 $0xFFFFEC00  }
0x32: {  	_ =	swait.ge @!p0 [sflag:s24], $0x1400  }
0x33: {  	[sflag:s24] =	ssyncset.done @!p0 $0x0  }
0x34: {  	s29 =	sadd.s32 $0x500, s9;
	[sflag:s24] =	ssyncadd.s32 @!p0 $0xFFFFEC00  }
0x35: {  	[tilespmem:s17], [sflag:$0x1] =	stream.linear.gather [hbm4b:s29+s3], $0x1400, $0x38;
	[tilespmem:$0x1D000] =	vst v63  }
0x36: {  	s30 =	sadd.s32 $0x780, s9  }
0x37: {  	[tilespmem:s18], [sflag:$0x1] =	stream.linear.gather [hbm4b:s30+s3], $0x1400, $0x38;
	[tilespmem:$0x1D000] =	vst v63  }
0x38: {  	_ =	swait.ge [sflag:s15], $0x1400  }
0x39: {  	[sflag:s15] =	ssyncset.done $0x0  }
0x3a: {  	[sflag:s15] =	ssyncadd.s32 $0xFFFFEC00  }
0x3b: {  	s31 =	simm.s32 $0x100;
	s23 =	simm.s32 $0x800;
	_ =	swait.ge [sflag:s15], $0x1400  }
0x3c: {  	s25 =	simm.s32 $0x1000;
	s26 =	simm.s32 $0x180;
	[sflag:s15] =	ssyncset.done $0x0  }
0x3d: {  	p0 =	por $0x0, $0x0;
	s24 =	smov.u32 s9;
	[sflag:s15] =	ssyncadd.s32 $0xFFFFEC00  }
0x3e: {  	[spmem:s2] =	stream.indirect.scatter.add.f32 [tilespmem:s17], [sflag:$0x3], $0x80, s31, s16, $0xb8;
	[tilespmem:$0x1D000] =	vst v63  }
.LBB2_2:
0x3f: {  	s28 =	simm.s32 @!p0 $0x2  }
0x40: {  	s24 =	sadd.s32 $0xA00, s24;
	s29 =	smov.u32 s25;
	s25 =	sadd.s32 $0x800, s25  }
0x41: {  	[spmem:s2] =	stream.indirect.scatter.add.f32 [tilespmem:s18], [sflag:$0x3], $0x80, s26, s16, $0xb8;
	[tilespmem:$0x1D000] =	vst v63  }
0x42: {  	p1 =	sne.s32 s25, $0xF800;
	_ =	swait.ge @!p0 [sflag:s28], $0x1400  }
0x43: {  	[sflag:s28] =	ssyncset.done @!p0 $0x0  }
0x44: {  	[sflag:s28] =	ssyncadd.s32 @!p0 $0xFFFFEC00  }
0x45: {  	_ =	swait.ge @!p0 [sflag:s28], $0x1400  }
0x46: {  	[sflag:s28] =	ssyncset.done @!p0 $0x0  }
0x47: {  	[sflag:s28] =	ssyncadd.s32 @!p0 $0xFFFFEC00  }
0x48: {  	[tilespmem:s13], [sflag:$0x1] =	stream.linear.gather [hbm4b:s24+s3], $0x1400, $0x38;
	[tilespmem:$0x1D000] =	vst v63  }
0x49: {  	s26 =	sadd.s32 $0x280, s24  }
0x4a: {  	[tilespmem:s14], [sflag:$0x1] =	stream.linear.gather [hbm4b:s26+s3], $0x1400, $0x38;
	[tilespmem:$0x1D000] =	vst v63  }
0x4b: {  	_ =	swait.ge [sflag:s15], $0x1400  }
0x4c: {  	[sflag:s15] =	ssyncset.done $0x0  }
0x4d: {  	[sflag:s15] =	ssyncadd.s32 $0xFFFFEC00  }
0x4e: {  	_ =	swait.ge [sflag:s15], $0x1400  }
0x4f: {  	[sflag:s15] =	ssyncset.done $0x0  }
0x50: {  	s28 =	sshra.s32 s23, $0x2;
	s23 =	smov.u32 s29;
	[sflag:s15] =	ssyncadd.s32 $0xFFFFEC00  }
0x51: {  	[spmem:s2] =	stream.indirect.scatter.add.f32 [tilespmem:s13], [sflag:$0x2], $0x80, s28, s16, $0xb8;
	[tilespmem:$0x1D000] =	vst v63  }
0x52: {  	s29 =	simm.s32 @!p0 $0x3;
	s26 =	sadd.s32 $0x80, s28  }
0x53: {  	[spmem:s2] =	stream.indirect.scatter.add.f32 [tilespmem:s14], [sflag:$0x2], $0x80, s26, s16, $0xb8;
	[tilespmem:$0x1D000] =	vst v63  }
0x54: {  	_ =	swait.ge @!p0 [sflag:s29], $0x1400  }
0x55: {  	[sflag:s29] =	ssyncset.done @!p0 $0x0  }
0x56: {  	[sflag:s29] =	ssyncadd.s32 @!p0 $0xFFFFEC00  }
0x57: {  	_ =	swait.ge @!p0 [sflag:s29], $0x1400  }
0x58: {  	[sflag:s29] =	ssyncset.done @!p0 $0x0  }
0x59: {  	s26 =	sadd.s32 $0x500, s24;
	[sflag:s29] =	ssyncadd.s32 @!p0 $0xFFFFEC00  }
0x5a: {  	[tilespmem:s17], [sflag:$0x1] =	stream.linear.gather [hbm4b:s26+s3], $0x1400, $0x38;
	[tilespmem:$0x1D000] =	vst v63  }
0x5b: {  	s26 =	sadd.s32 $0x780, s24  }
0x5c: {  	[tilespmem:s18], [sflag:$0x1] =	stream.linear.gather [hbm4b:s26+s3], $0x1400, $0x38;
	[tilespmem:$0x1D000] =	vst v63  }
0x5d: {  	_ =	swait.ge [sflag:s15], $0x1400  }
0x5e: {  	[sflag:s15] =	ssyncset.done $0x0  }
.Ltmp0:
0x5f: {  	[sflag:s15] =	ssyncadd.s32 $0xFFFFEC00;
	(pc) =	sbr.rel @p1 .LBB2_2-.Ltmp0, $4  }
0x60: {  	_ =	swait.ge [sflag:s15], $0x1400  }
0x61: {  	s26 =	sadd.s32 $0x180, s28;
	[sflag:s15] =	ssyncset.done $0x0  }
0x62: {  	p0 =	seq.s32 s23, $0x0;
	s28 =	sadd.s32 $0x100, s28;
	[sflag:s15] =	ssyncadd.s32 $0xFFFFEC00  }
0x63: {  	[spmem:s2] =	stream.indirect.scatter.add.f32 [tilespmem:s17], [sflag:$0x3], $0x80, s28, s16, $0xb8;
	[tilespmem:$0x1D000] =	vst v63  }
0x64: {  	s25 =	simm.s32 @!p0 $0x2  }
0x65: {  	[spmem:s2] =	stream.indirect.scatter.add.f32 [tilespmem:s18], [sflag:$0x3], $0x80, s26, s16, $0xb8;
	[tilespmem:$0x1D000] =	vst v63  }
0x66: {  	_ =	swait.ge @!p0 [sflag:s25], $0x1400  }
0x67: {  	[sflag:s25] =	ssyncset.done @!p0 $0x0  }
0x68: {  	[sflag:s25] =	ssyncadd.s32 @!p0 $0xFFFFEC00  }
0x69: {  	_ =	swait.ge @!p0 [sflag:s25], $0x1400  }
0x6a: {  	[sflag:s25] =	ssyncset.done @!p0 $0x0  }
0x6b: {  	s24 =	sadd.s32 $0xA00, s24;
	[sflag:s25] =	ssyncadd.s32 @!p0 $0xFFFFEC00  }
0x6c: {  	[tilespmem:s13], [sflag:$0x1] =	stream.linear.gather [hbm4b:s24+s3], $0x1400, $0x38;
	[tilespmem:$0x1D000] =	vst v63  }
0x6d: {  	s28 =	sadd.s32 $0x280, s24  }
0x6e: {  	[tilespmem:s14], [sflag:$0x1] =	stream.linear.gather [hbm4b:s28+s3], $0x1400, $0x38;
	[tilespmem:$0x1D000] =	vst v63  }
0x6f: {  	_ =	swait.ge [sflag:s15], $0x1400  }
0x70: {  	[sflag:s15] =	ssyncset.done $0x0  }
0x71: {  	[sflag:s15] =	ssyncadd.s32 $0xFFFFEC00  }
0x72: {  	_ =	swait.ge [sflag:s15], $0x1400  }
0x73: {  	[sflag:s15] =	ssyncset.done $0x0  }
0x74: {  	s23 =	sshra.s32 s23, $0x2;
	[sflag:s15] =	ssyncadd.s32 $0xFFFFEC00  }
0x75: {  	[spmem:s2] =	stream.indirect.scatter.add.f32 [tilespmem:s13], [sflag:$0x2], $0x80, s23, s16, $0xb8;
	[tilespmem:$0x1D000] =	vst v63  }
0x76: {  	s26 =	simm.s32 @!p0 $0x3;
	s29 =	sadd.s32 $0x80, s23  }
0x77: {  	[spmem:s2] =	stream.indirect.scatter.add.f32 [tilespmem:s14], [sflag:$0x2], $0x80, s29, s16, $0xb8;
	[tilespmem:$0x1D000] =	vst v63  }
0x78: {  	_ =	swait.ge @!p0 [sflag:s26], $0x1400  }
0x79: {  	[sflag:s26] =	ssyncset.done @!p0 $0x0  }
0x7a: {  	[sflag:s26] =	ssyncadd.s32 @!p0 $0xFFFFEC00  }
0x7b: {  	_ =	swait.ge @!p0 [sflag:s26], $0x1400  }
0x7c: {  	[sflag:s26] =	ssyncset.done @!p0 $0x0  }
0x7d: {  	s30 =	sadd.s32 $0x500, s24;
	[sflag:s26] =	ssyncadd.s32 @!p0 $0xFFFFEC00  }
0x7e: {  	[tilespmem:s17], [sflag:$0x1] =	stream.linear.gather [hbm4b:s30+s3], $0x1400, $0x38;
	[tilespmem:$0x1D000] =	vst v63  }
0x7f: {  	s24 =	sadd.s32 $0x780, s24  }
0x80: {  	[tilespmem:s18], [sflag:$0x1] =	stream.linear.gather [hbm4b:s24+s3], $0x1400, $0x38;
	[tilespmem:$0x1D000] =	vst v63  }
0x81: {  	_ =	swait.ge [sflag:s15], $0x1400  }
0x82: {  	[sflag:s15] =	ssyncset.done $0x0  }
0x83: {  	[sflag:s15] =	ssyncadd.s32 $0xFFFFEC00  }
0x84: {  	_ =	swait.ge [sflag:s15], $0x1400  }
0x85: {  	[sflag:s15] =	ssyncset.done $0x0  }
0x86: {  	s31 =	sadd.s32 $0x100, s23;
	[sflag:s15] =	ssyncadd.s32 $0xFFFFEC00  }
0x87: {  	[spmem:s2] =	stream.indirect.scatter.add.f32 [tilespmem:s17], [sflag:$0x3], $0x80, s31, s16, $0xb8;
	[tilespmem:$0x1D000] =	vst v63  }
0x88: {  	s23 =	sadd.s32 $0x180, s23  }
0x89: {  	[spmem:s2] =	stream.indirect.scatter.add.f32 [tilespmem:s18], [sflag:$0x3], $0x80, s23, s16, $0xb8;
	[tilespmem:$0x1D000] =	vst v63  }
0x8a: {  	_ =	swait.ge [sflag:s19], $0x1400  }
0x8b: {  	[sflag:s19] =	ssyncset.done $0x0  }
0x8c: {  	[sflag:s19] =	ssyncadd.s32 $0xFFFFEC00  }
0x8d: {  	_ =	swait.ge [sflag:s19], $0x1400  }
0x8e: {  	[sflag:s19] =	ssyncset.done $0x0  }
0x8f: {  	[sflag:s19] =	ssyncadd.s32 $0xFFFFEC00  }
0x90: {  	_ =	swait.ge [sflag:s20], $0x1400  }
0x91: {  	[sflag:s20] =	ssyncset.done $0x0  }
0x92: {  	[sflag:s20] =	ssyncadd.s32 $0xFFFFEC00  }
0x93: {  	_ =	swait.ge [sflag:s20], $0x1400  }
0x94: {  	[sflag:s20] =	ssyncset.done $0x0  }
0x95: {  	[sflag:s20] =	ssyncadd.s32 $0xFFFFEC00  }
0x96: {  	[tilespmem:s13], [sflag:$0x4] =	stream.linear.gather [hbm4b:s6+s3], $0x1400, $0x38;
	[tilespmem:$0x1D000] =	vst v63  }
0x97: {  	_ =	swait.ge [sflag:s10], $0x1400  }
0x98: {  	[sflag:s10] =	ssyncset.done $0x0  }
0x99: {  	[sflag:s10] =	ssyncadd.s32 $0xFFFFEC00  }
0x9a: {  	[spmem:s2] =	stream.indirect.scatter.add.f32 [tilespmem:s13], [sflag:$0x4], $0x80, s21, s16, $0xb8;
	[tilespmem:$0x1D000] =	vst v63  }
0x9b: {  	_ =	swait.ge [sflag:s10], $0x1400  }
0x9c: {  	s22 =	sadd.s32 $0x1, s22;
	[sflag:s10] =	ssyncset.done $0x0  }
0x9d: {  	p0 =	sne.s32 s22, s8;
	[sflag:s10] =	ssyncadd.s32 $0xFFFFEC00  }
.Ltmp1:
0x9e: {  	[bflag:$0x0] =	sbarrier.arrive $0xFFFF;
	(pc) =	sbr.rel @p0 .LBB2_1-.Ltmp1, $4  }
0x9f: {  	[hbm:s7], [sflag:s11] =	dma.local [spmem:s12], $0x2800  }
0xa0: {  	_ =	swait.ge [sflag:s10], $0x2800  }
0xa1: {  	[sflag:s10] =	ssyncset.done $0x0  }
0xa2: {  	[sflag:s10] =	ssyncadd.s32 $0xFFFFD800  }
0xa3: {  	_ =	sfence.sel $0x180000  }
0xa4: {  	[bflag:$0x0] =	sbarrier.arrive $0xFFFF  }
0xa5: {  	p0 =	sne.s32 s1, $0x0;
	_ =	strace $0x90000050  }
0xa6: {  	s0 =	sadd.s32 @!p0 $0x100000, s0;
	[bflag:$0x2] =	sbarrier.arrive $0xFFFF  }
0xa7: {  	[sflag:s0] =	ssyncadd.tile.s32 @!p0 $0x1;
	_ =	shalt  }
.Lfunc_end2:
_tile_overlayer_lowered:
.L_overlay_start_2:
0xa8: {  	(tag) =	ssettag $0x2  }
0xa9: {  	s0 =	rddreg [dreg:$0x0];
	s2 =	stileid.u32  }
0xaa: {  	s1 =	rddreg [dreg:$0x1];
	p0 =	sne.s32 s2, $0x0  }
0xab: {  	s3 =	rddreg [dreg:$0x2];
	[bflag:$0x3] =	sbarrier.arrive $0xFFFF;
	s2 =	simm.s32 @!p0 $0x1C04  }
0xac: {  	[timem:s3], [sflag:s2] =	dma.local @!p0 [hbm:s0], s1  }
0xad: {  	s0 =	simm.s32 @!p0 $0x4  }
0xae: {  	_ =	swait.ge @!p0 [sflag:s0], s1  }
0xaf: {  	s1 =	ssub.s32 @!p0 $0x0, s1;
	[sflag:s0] =	ssyncset.done @!p0 $0x0  }
0xb0: {  	[sflag:s0] =	ssyncadd.s32 @!p0 s1  }
0xb1: {  	[bflag:$0x3] =	sbarrier.arrive $0xFFFF  }
0xb2: {  	_ =	shalt  }

// kernel: kernel.17.cloned.1.call-start
scs
__scs_entry_jumppad:
0x0: {  	(pc) =	sbr.rel $0x88, $3  }
0x1: {  	(tag) =	ssettag $0x0;
	lr =	simm.s32 $0x1  }
0x2: {  	[smem:$0x3F98] =	sst lr;
	_ =	strace $0xD0000000  }
0x3: {  	_ = 	snop  }
0x4: {  	_ = 	snop  }
0x5: {  	_ = 	snop  }
0x6: {  	_ = 	snop  }
0x7: {  	_ = 	snop  }
__scs_overlays_trampoline_lowered:
0x8: {  	[smem:$0x3FA7] =	sst s0  }
0x9: {  	[smem:$0x3FA8] =	sst s1  }
0xa: {  	[smem:$0x3FA9] =	sst s2  }
0xb: {  	[smem:$0x3FAA] =	sst s3  }
0xc: {  	[smem:$0x3FAB] =	sst s4  }
0xd: {  	[smem:$0x3FAC] =	sst s5  }
0xe: {  	[smem:$0x3FAD] =	sst s6  }
0xf: {  	[smem:$0x3FAE] =	sst s7  }
0x10: {  	[smem:$0x3FAF] =	sst s8  }
0x11: {  	[smem:$0x3FB0] =	sst s9;
	s0 =	simm.s32 @!p0 $0x0  }
0x12: {  	s1 =	sld [smem:$0x3F96];
	s0 =	simm.s32 @p0 $0x1  }
0x13: {  	[smem:$0x3FB1] =	sst s0;
	s0 =	simm.s32 @!p1 $0x0  }
0x14: {  	s2 =	sld [smem:$0x3F95];
	s0 =	simm.s32 @p1 $0x1  }
0x15: {  	[smem:$0x3FB2] =	sst s0;
	s0 =	simm.s32 @!p2 $0x0  }
0x16: {  	s3 =	sld [smem:$0x3FDB];
	s0 =	simm.s32 @p2 $0x1  }
0x17: {  	s4 =	simm.s32 $0x1BF5;
	[smem:$0x3FB4] =	sst s0  }
0x18: {  	s0 =	sld [smem:$0x3F97];
	_ =	swait.ge [sflag:s4], $0x0  }
0x19: {  	s7 =	sld [smem:$0x3F98]  }
0x1a: {  	s8 =	sadd.s32 $0xFFFFE003, lr  }
0x1b: {  	s9 =	sadd.s32 $0xFFFFFEF7, lr;
	s5 =	simm.s32 $0xFFFFFFFF;
	p2 =	slt.u32 s8, $0xFFFFF086  }
0x1c: {  	p1 =	slt.u32 s9, $0xF7A;
	s5 =	simm.s32 @!p2 $0x0  }
0x1d: {  	s5 =	simm.s32 @p1 $0x1;
	p0 =	seq.s32 s7, s2  }
0x1e: {  	s7 =	smul.u32 @!p0 $0xF7A, s2;
	p2 =	seq.s32 @!p0 s5, $0x0  }
0x1f: {  	s9 =	smul.u32 $0xF7A, s1;
	s8 =	simm.s32 @!p0 $0x1BF5;
	p2 =	por !p2, p0  }
0x20: {  	[sflag:s8] =	ssyncset.s32 @!p0 $0xFFFFF086;
	s6 =	sadd.s32 @!p0 s3, s7;
	s7 =	simm.s32 @!p0 $0x108  }
0x21: {  	s3 =	sadd.s32 s3, s9;
	s6 =	sadd.s32 @!p0 $0x88, s6;
	s7 =	simm.s32 @p2 $0x1082  }
0x22: {  	[simem:s7], [sflag:s8] =	dma.local @!p0 [hbm:s6], $0xF7A  }
0x23: {  	s9 =	sor.u32 $0xD0000000, s2;
	s6 =	simm.s32 $0x108;
	_ =	swait.ge @!p0 [sflag:s8], $0x0  }
0x24: {  	s3 =	sadd.s32 $0x88, s3;
	s6 =	simm.s32 @!p1 $0x1082;
	[sflag:s4] =	ssyncset.s32 $0xFFFFF086  }
0x25: {  	[simem:s6], [sflag:s4] =	dma.local [hbm:s3], $0xF7A  }
0x26: {  	[smem:$0x3F98] =	sst s1;
	(tag) =	ssettag s2;
	_ =	strace s9  }
0x27: {  	s1 =	sld [smem:$0x3FA8]  }
0x28: {  	s2 =	sld [smem:$0x3FA9]  }
0x29: {  	s4 =	sld [smem:$0x3FAB]  }
0x2a: {  	p0 =	seq.s32 s5, $0x0;
	s5 =	sld [smem:$0x3FAC]  }
0x2b: {  	s6 =	sld [smem:$0x3FAD]  }
0x2c: {  	s7 =	sld [smem:$0x3FAE]  }
0x2d: {  	s3 =	simm.s32 $0x108;
	s8 =	sld [smem:$0x3FAF]  }
0x2e: {  	s3 =	simm.s32 @!p0 $0x1082;
	s9 =	sld [smem:$0x3FB0]  }
0x2f: {  	lr =	sadd.s32 s0, s3;
	s0 =	sld [smem:$0x3FA7]  }
0x30: {  	s3 =	sld [smem:$0x3FAA]  }
0x31: {  	[smem:$0x3FB3] =	sst s10  }
0x32: {  	s10 =	sld [smem:$0x3FB1];
	_ =	sdelay $0x3  }
0x33: {  	p0 =	seq.s32 s10, $0x1;
	s10 =	sld [smem:$0x3FB3];
	_ =	sdelay $0x3  }
0x34: {  	[smem:$0x3FB3] =	sst s10  }
0x35: {  	s10 =	sld [smem:$0x3FB2];
	_ =	sdelay $0x3  }
0x36: {  	p1 =	seq.s32 s10, $0x1;
	s10 =	sld [smem:$0x3FB3];
	_ =	sdelay $0x3  }
0x37: {  	[smem:$0x3FB3] =	sst s10  }
0x38: {  	s10 =	sld [smem:$0x3FB4]  }
0x39: {  	_ = 	snop;
	(pc) =	sbr.ind lr, $3  }
0x3a: {  	_ = 	snop  }
0x3b: {  	_ = 	snop  }
0x3c: {  	p2 =	seq.s32 s10, $0x1;
	s10 =	sld [smem:$0x3FB3]  }
0x3d: {  	_ =	shalt  }
0x3e: {  	_ =	shalt  }
0x3f: {  	_ =	shalt  }
0x40: {  	_ =	shalt  }
0x41: {  	_ =	shalt  }
0x42: {  	_ =	shalt  }
0x43: {  	_ =	shalt  }
0x44: {  	_ =	shalt  }
0x45: {  	_ =	shalt  }
0x46: {  	_ =	shalt  }
0x47: {  	_ =	shalt  }
0x48: {  	_ =	shalt  }
0x49: {  	_ =	shalt  }
0x4a: {  	_ =	shalt  }
0x4b: {  	_ =	shalt  }
0x4c: {  	_ =	shalt  }
0x4d: {  	_ =	shalt  }
0x4e: {  	_ =	shalt  }
0x4f: {  	_ =	shalt  }
0x50: {  	_ =	shalt  }
0x51: {  	_ =	shalt  }
0x52: {  	_ =	shalt  }
0x53: {  	_ =	shalt  }
0x54: {  	_ =	shalt  }
0x55: {  	_ =	shalt  }
0x56: {  	_ =	shalt  }
0x57: {  	_ =	shalt  }
0x58: {  	_ =	shalt  }
0x59: {  	_ =	shalt  }
0x5a: {  	_ =	shalt  }
0x5b: {  	_ =	shalt  }
0x5c: {  	_ =	shalt  }
0x5d: {  	_ =	shalt  }
0x5e: {  	_ =	shalt  }
0x5f: {  	_ =	shalt  }
0x60: {  	_ =	shalt  }
0x61: {  	_ =	shalt  }
0x62: {  	_ =	shalt  }
0x63: {  	_ =	shalt  }
0x64: {  	_ =	shalt  }
0x65: {  	_ =	shalt  }
0x66: {  	_ =	shalt  }
0x67: {  	_ =	shalt  }
0x68: {  	_ =	shalt  }
0x69: {  	_ =	shalt  }
0x6a: {  	_ =	shalt  }
0x6b: {  	_ =	shalt  }
0x6c: {  	_ =	shalt  }
0x6d: {  	_ =	shalt  }
0x6e: {  	_ =	shalt  }
0x6f: {  	_ =	shalt  }
0x70: {  	_ =	shalt  }
0x71: {  	_ =	shalt  }
0x72: {  	_ =	shalt  }
0x73: {  	_ =	shalt  }
0x74: {  	_ =	shalt  }
0x75: {  	_ =	shalt  }
0x76: {  	_ =	shalt  }
0x77: {  	_ =	shalt  }
0x78: {  	_ =	shalt  }
0x79: {  	_ =	shalt  }
0x7a: {  	_ =	shalt  }
0x7b: {  	_ =	shalt  }
0x7c: {  	_ =	shalt  }
0x7d: {  	_ =	shalt  }
0x7e: {  	_ =	shalt  }
0x7f: {  	_ =	shalt  }
0x80: {  	_ =	shalt  }
0x81: {  	_ =	shalt  }
0x82: {  	_ =	shalt  }
0x83: {  	_ =	shalt  }
0x84: {  	_ =	shalt  }
0x85: {  	_ =	shalt  }
0x86: {  	_ =	shalt  }
0x87: {  	_ =	shalt  }
.Lfunc_end0:
.L_simem_size_0:
called_computation.2_lowered:
.L_overlay_start_0:
0x88: {  	s2 =	sld [smem:$0x3FD9]  }
0x89: {  	s3 =	sld [smem:$0x3FFE];
	_ =	sdelay $0x1  }
0x8a: {  	s1 =	srdreg.scid  }
0x8b: {  	s0 =	sand.u32 $0x1, s1  }
0x8c: {  	s17 =	sshll.u32 s0, $0xA;
	s2 =	sadd.s32 s3, s2  }
0x8d: {  	s2 =	sadd.s32 s2, s17  }
0x8e: {  	[smem:$0x3FBF] =	sst s2  }
0x8f: {  	_ = 	snop  }
0x90: {  	s18 =	sld [smem:$0x3FD0];
	(tm) =	ssettm $0x1  }
0x91: {  	s19 =	sld [smem:$0x3FFB];
	_ =	sdelay $0x3  }
0x92: {  	_ =	strace s19  }
0x93: {  	s2 =	sld [smem:$0x3FFC];
	_ =	sdelay $0x3  }
0x94: {  	_ =	strace s2  }
0x95: {  	s2 =	sld [smem:$0x3FFD];
	_ =	sdelay $0x3  }
0x96: {  	_ =	strace s2  }
0x97: {  	_ =	strace $0x8FFFFFFF  }
0x98: {  	s20 =	sld [smem:$0x3FDB];
	_ =	sdelay $0x1  }
0x99: {  	s4 =	simm.s32 $_scs_section_size  }
0x9a: {  	s5 =	simm.s32 $_size__tile_overlayer_lowered;
	s6 =	simm.s32 $_tile_overlayer_lowered  }
0x9b: {  	s7 =	simm.s32 $0x1BFF;
	s21 =	sshll.u32 s6, $0x1;
	s4 =	sadd.s32 s4, s20  }
0x9c: {  	s22 =	simm.s32 $0x0;
	s5 =	sshll.u32 s5, $0x1;
	s6 =	sadd.s32 s21, s4  }
0x9d: {  	[timem:s22], [sflag:s7] =	dma.local [hbm:s6], s5  }
0x9e: {  	_ =	swait.ge [sflag:s7], s5  }
0x9f: {  	s5 =	ssub.s32 $0x0, s5;
	[sflag:s7] =	ssyncset.done $0x0  }
0xa0: {  	[sflag:s7] =	ssyncadd.s32 s5;
	_ =	sdelay $0x1  }
0xa1: {  	s23 =	simm.s32 $0x1B8B  }
0xa2: {  	_ =	swait.ge [sflag:s23], $0x1  }
0xa3: {  	[sflag:s23] =	ssyncset.done $0x0  }
0xa4: {  	[sflag:s23] =	ssyncadd.s32 $0xFFFFFFFF  }
0xa5: {  	s5 =	sld [smem:$0x0]  }
0xa6: {  	s6 =	sand.u32 $0xFFFFFFFE, s1  }
0xa7: {  	p0 =	sne.s32 s1, s6  }
0xa8: {  	s6 =	sshll.u32 @p0 s6, $0xE  }
0xa9: {  	s6 =	sadd.s32 @p0 $0x11B8D, s6;
	s7 =	sshll.u32 @p0 s5, $0x11  }
0xaa: {  	s6 =	sor.u32 @p0 s7, s6  }
0xab: {  	[sflag:s6] =	ssyncadd.remote.s32 @p0 $0x1;
	_ =	sdelay $0x1  }
0xac: {  	s6 =	simm.s32 @p0 $0x1B8D  }
0xad: {  	_ =	swait.eq @p0 [sflag:s6], $0x1  }
0xae: {  	[sflag:s6] =	ssyncadd.s32 @p0 $0xFFFFFFFF  }
0xaf: {  	s7 =	sshll.u32 @!p0 s1, $0xE  }
0xb0: {  	s7 =	sor.u32 @!p0 $0x4000, s7;
	s6 =	simm.s32 @!p0 $0x1B8D  }
0xb1: {  	s5 =	sshll.u32 @!p0 s5, $0x11;
	s7 =	sadd.s32 @!p0 $0x11B8D, s7;
	_ =	swait.eq @!p0 [sflag:s6], $0x1  }
0xb2: {  	s5 =	sor.u32 @!p0 s5, s7;
	[sflag:s6] =	ssyncadd.s32 @!p0 $0xFFFFFFFF  }
0xb3: {  	s25 =	simm.s32 $0x1B8E;
	s24 =	sld [smem:$0x3FFE];
	[sflag:s5] =	ssyncadd.remote.s32 @!p0 $0x1  }
0xb4: {  	s26 =	simm.s32 $execute0_lowered;
	[smem:$0x3FD2] =	sst s25  }
0xb5: {  	s6 =	sshll.u32 s26, $0x1;
	_ =	strace $0x80000049;
	[dreg:$0x1] =	wrdreg $0xFFFFFFFF  }
0xb6: {  	s28 =	simm.s32 $_size_execute0_lowered;
	s4 =	sadd.s32 s4, s6;
	[dreg:$0x0] =	wrdreg $0x0  }
0xb7: {  	s6 =	sshll.u32 s28, $0x1;
	[dreg:$0x2] =	wrdreg s4  }
0xb8: {  	[dreg:$0x3] =	wrdreg s6  }
0xb9: {  	[dreg:$0x4] =	wrdreg $0xC0  }
0xba: {  	_ =	task [dreg:s22], $0x5FFFF  }
0xbb: {  	[dreg:$0x1] =	wrdreg $0xFFFFFFFF  }
0xbc: {  	[dreg:$0x0] =	wrdreg $0x60  }
0xbd: {  	[dreg:$0x2] =	wrdreg s18  }
0xbe: {  	[dreg:$0x3] =	wrdreg s24  }
0xbf: {  	[dreg:$0x4] =	wrdreg $0xB  }
0xc0: {  	_ =	task.clear_ibuf [dreg:s22], $0x5FFFF;
	_ =	strace $0x90000049  }
0xc1: {  	s29 =	simm.s32 $0xB;
	_ =	strace $0x8000004B  }
0xc2: {  	_ =	swait.ge [sflag:s29], $0x1  }
0xc3: {  	[sflag:s29] =	ssyncadd.s32 $0xFFFFFFFF  }
0xc4: {  	_ =	strace $0x9000004B  }
0xc5: {  	_ =	sfence  }
0xc6: {  	s30 =	sld [smem:$0x0];
	_ =	sdelay $0x2  }
0xc7: {  	s31 =	sshll.u32 s1, $0xD;
	s1 =	sshrl.u32 s1, $0x2  }
0xc8: {  	s4 =	sand.u32 $0x4000, s31;
	s1 =	sadd.s32 s1, s30  }
0xc9: {  	s0 =	sor.u32 s4, s0;
	s1 =	sshll.u32 s1, $0x11  }
0xca: {  	s0 =	sor.u32 s1, s0  }
0xcb: {  	s0 =	sadd.s32 $0x8F2B, s0  }
0xcc: {  	[sflag:s0] =	ssyncadd.remote.s32 $0x1  }
0xcd: {  	_ =	sfence.sel $0xFFFF  }
0xce: {  	[dreg:$0x0] =	wrdreg $0xFFFFFFFF;
	(pc) =	sbr.abs _section_cstart, $3  }
0xcf: {  	[dreg:$0x1] =	wrdreg $0xFFFFFFFF  }
0xd0: {  	_ =	task.clear_ibuf [dreg:s22], $0x2FFFF;
	_ =	strace $0x9FFFFFFF  }
0xd1: {  	(tm) =	ssettm $0x7FFFFFFF  }
tec
execute0_lowered:
.L_overlay_start_1:
0x0: {  	(tag) =	ssettag $0x1  }
0x1: {  	s2 =	rddreg [dreg:$0x0]  }
0x2: {  	s0 =	rddreg [dreg:$0x1];
	s1 =	srdreg.scid  }
0x3: {  	s10 =	stileid.u32;
	s3 =	simm.s32 $0x0;
	s28 =	simm.s32 $0xBC00  }
0x4: {  	s29 =	simm.s32 $0x13400;
	s30 =	simm.s32 $0xD000;
	s31 =	simm.s32 $0x14800  }
0x5: {  	s1 =	sand.u32 $0x1, s1;
	s4 =	sshll.u32 s10, $0x1;
	[smem:$0x7FF] =	sst s3  }
0x6: {  	s7 =	sadd.s32 $0x54C400, s0;
	s10 =	smul.u32 $0x27100, s10;
	s5 =	sor.u32 s1, s4  }
0x7: {  	_ =	strace $0x8000004A;
	s8 =	ssub.s32 $0x2, s1;
	s1 =	smul.u32 $0x13880, s1  }
0x8: {  	s4 =	sadd.s32 $0x23200, s0;
	s6 =	sshll.u32 s5, $0xB;
	s5 =	smul.u32 $0x9C400, s5  }
0x9: {  	s9 =	sshrl.u32 s8, $0x1;
	s24 =	sadd.s32 s10, s7;
	s6 =	sadd.s32 s6, s0  }
0xa: {  	s0 =	sadd.s32 $0x7BD400, s0;
	s8 =	ssub.s32 s8, s9;
	s11 =	sadd.s32 $0x52C400, s6  }
0xb: {  	s5 =	sshrl.u32 s5, $0x3;
	s6 =	sadd.s32 $0x53C400, s6;
	[dreg:$0x5] =	wrdreg s11  }
0xc: {  	s25 =	sadd.s32 s10, s0;
	[dreg:$0x6] =	wrdreg s6;
	s16 =	sadd.s32 $0x12C00, s5  }
0xd: {  	s18 =	sadd.s32 $0x12E80, s5;
	s20 =	sadd.s32 $0x13100, s5;
	s22 =	sadd.s32 $0x13380, s5  }
0xe: {  	s5 =	sadd.s32 $0x13600, s5;
	s26 =	sadd.s32 s1, s25;
	s25 =	simm.s32 $0xA800  }
0xf: {  	s17 =	sadd.s32 s7, s16;
	s6 =	sadd.s32 s0, s16;
	[dreg:$0x4] =	wrdreg s26  }
0x10: {  	s19 =	sadd.s32 s7, s18;
	s21 =	sadd.s32 s7, s20;
	[dreg:$0x7] =	wrdreg s17  }
0x11: {  	s23 =	sadd.s32 s7, s22;
	s14 =	sadd.s32 s0, s22;
	[dreg:$0x8] =	wrdreg s6  }
0x12: {  	s15 =	sadd.s32 s7, s5;
	s16 =	sadd.s32 s0, s5;
	[dreg:$0x9] =	wrdreg s19  }
0x13: {  	s22 =	simm.s32 $0xF800;
	s26 =	simm.s32 $0x12000;
	[dreg:$0xb] =	wrdreg s21  }
0x14: {  	s5 =	simm.s32 $0x2;
	s6 =	sadd.s32 s0, s18;
	[dreg:$0xd] =	wrdreg s23  }
0x15: {  	s17 =	smax.u32 s8, $0x1;
	s18 =	simm.s32 $0x3;
	s21 =	simm.s32 $0x8000  }
0x16: {  	s23 =	simm.s32 $0x9400;
	s19 =	simm.s32 $0x1;
	[dreg:$0xa] =	wrdreg s6  }
0x17: {  	s6 =	sadd.s32 s0, s20;
	s20 =	simm.s32 $0x28;
	s0 =	simm.s32 $0xE400  }
0x18: {  	[dreg:$0xc] =	wrdreg s6;
	s6 =	sadd.s32 s1, s24;
	s24 =	simm.s32 $0x10C00  }
0x19: {  	s1 =	simm.s32 $0x15C00;
	[dreg:$0x3] =	wrdreg s6;
	s6 =	simm.s32 $0x0  }
.LBB2_1:
0x1a: {  	s7 =	rddreg [dreg:$0x5]  }
0x1b: {  	[tilespmem:s3], [sflag:$0x3] =	stream.linear.gather [hbm4b:s7+s3], $0x3E80, $0x38;
	[tilespmem:$0x17000] =	vst v63  }
0x1c: {  	_ =	swait.ge [sflag:s18], $0x3E80  }
0x1d: {  	[sflag:s18] =	ssyncset.done $0x0  }
0x1e: {  	s8 =	simm.s32 $0x4000;
	s12 =	rddreg [dreg:$0x6];
	[sflag:s18] =	ssyncadd.s32 $0xFFFFC180  }
0x1f: {  	[tilespmem:s8], [sflag:$0x3] =	stream.linear.gather [hbm4b:s12+s3], $0x3E80, $0x38;
	[tilespmem:$0x17000] =	vst v63  }
0x20: {  	p0 =	por $0x1, $0x1;
	_ =	swait.ge [sflag:s18], $0x3E80  }
0x21: {  	p0 =	por p0, p0;
	[sflag:s18] =	ssyncset.done $0x0  }
0x22: {  	s7 =	simm.s32 @!p0 $0x2;
	[sflag:s18] =	ssyncadd.s32 $0xFFFFC180  }
0x23: {  	_ =	swait.ge @!p0 [sflag:s7], $0x1400  }
0x24: {  	[sflag:s7] =	ssyncset.done @!p0 $0x0  }
0x25: {  	[sflag:s7] =	ssyncadd.s32 @!p0 $0xFFFFEC00  }
0x26: {  	_ =	swait.ge @!p0 [sflag:s7], $0x1400  }
0x27: {  	[sflag:s7] =	ssyncset.done @!p0 $0x0  }
0x28: {  	[sflag:s7] =	ssyncadd.s32 @!p0 $0xFFFFEC00  }
0x29: {  	_ =	swait.ge @!p0 [sflag:s7], $0x1400  }
0x2a: {  	[sflag:s7] =	ssyncset.done @!p0 $0x0  }
0x2b: {  	[sflag:s7] =	ssyncadd.s32 @!p0 $0xFFFFEC00  }
0x2c: {  	_ =	swait.ge @!p0 [sflag:s7], $0x1400  }
0x2d: {  	[sflag:s7] =	ssyncset.done @!p0 $0x0  }
0x2e: {  	[sflag:s7] =	ssyncadd.s32 @!p0 $0xFFFFEC00  }
0x2f: {  	_ =	swait.ge @!p0 [sflag:s7], $0x1400  }
0x30: {  	[sflag:s7] =	ssyncset.done @!p0 $0x0  }
0x31: {  	[sflag:s7] =	ssyncadd.s32 @!p0 $0xFFFFEC00  }
0x32: {  	_ =	swait.ge @!p0 [sflag:s7], $0x1400  }
0x33: {  	[sflag:s7] =	ssyncset.done @!p0 $0x0  }
0x34: {  	s13 =	simm.s32 $0x0;
	[sflag:s7] =	ssyncadd.s32 @!p0 $0xFFFFEC00  }
0x35: {  	[tilespmem:s21], [sflag:$0x1] =	stream.indirect.gather [hbm4b:s2+s20], $0x80, s13, s20, $0xb8;
	[tilespmem:$0x17000] =	vst v63  }
0x36: {  	s9 =	simm.s32 $0x4000  }
0x37: {  	[tilespmem:s22], [sflag:$0x1] =	stream.indirect.gather [hbm4b:s4+s20], $0x80, s9, s20, $0xb8;
	[tilespmem:$0x17000] =	vst v63  }
0x38: {  	s10 =	simm.s32 $0x80  }
0x39: {  	[tilespmem:s23], [sflag:$0x1] =	stream.indirect.gather [hbm4b:s2+s20], $0x80, s10, s20, $0xb8;
	[tilespmem:$0x17000] =	vst v63  }
0x3a: {  	s11 =	simm.s32 $0x4080  }
0x3b: {  	[tilespmem:s24], [sflag:$0x1] =	stream.indirect.gather [hbm4b:s4+s20], $0x80, s11, s20, $0xb8;
	[tilespmem:$0x17000] =	vst v63  }
0x3c: {  	s12 =	simm.s32 $0x100  }
0x3d: {  	[tilespmem:s25], [sflag:$0x1] =	stream.indirect.gather [hbm4b:s2+s20], $0x80, s12, s20, $0xb8;
	[tilespmem:$0x17000] =	vst v63  }
0x3e: {  	s13 =	simm.s32 $0x4100  }
0x3f: {  	[tilespmem:s26], [sflag:$0x1] =	stream.indirect.gather [hbm4b:s4+s20], $0x80, s13, s20, $0xb8;
	[tilespmem:$0x17000] =	vst v63  }
0x40: {  	_ =	swait.ge @!p0 [sflag:s7], $0x1400  }
0x41: {  	[sflag:s7] =	ssyncset.done @!p0 $0x0  }
0x42: {  	[sflag:s7] =	ssyncadd.s32 @!p0 $0xFFFFEC00  }
0x43: {  	_ =	swait.ge @!p0 [sflag:s7], $0x1400  }
0x44: {  	[sflag:s7] =	ssyncset.done @!p0 $0x0  }
0x45: {  	[sflag:s7] =	ssyncadd.s32 @!p0 $0xFFFFEC00  }
0x46: {  	_ =	swait.ge @!p0 [sflag:s7], $0x1400  }
0x47: {  	[sflag:s7] =	ssyncset.done @!p0 $0x0  }
0x48: {  	[sflag:s7] =	ssyncadd.s32 @!p0 $0xFFFFEC00  }
0x49: {  	_ =	swait.ge @!p0 [sflag:s7], $0x1400  }
0x4a: {  	[sflag:s7] =	ssyncset.done @!p0 $0x0  }
0x4b: {  	[sflag:s7] =	ssyncadd.s32 @!p0 $0xFFFFEC00  }
0x4c: {  	_ =	swait.ge @!p0 [sflag:s7], $0x1400  }
0x4d: {  	[sflag:s7] =	ssyncset.done @!p0 $0x0  }
0x4e: {  	[sflag:s7] =	ssyncadd.s32 @!p0 $0xFFFFEC00  }
0x4f: {  	_ =	swait.ge @!p0 [sflag:s7], $0x1400  }
0x50: {  	[sflag:s7] =	ssyncset.done @!p0 $0x0  }
0x51: {  	s9 =	simm.s32 $0x180;
	[sflag:s7] =	ssyncadd.s32 @!p0 $0xFFFFEC00  }
0x52: {  	[tilespmem:s28], [sflag:$0x1] =	stream.indirect.gather [hbm4b:s2+s20], $0x80, s9, s20, $0xb8;
	[tilespmem:$0x17000] =	vst v63  }
0x53: {  	s10 =	simm.s32 $0x4180  }
0x54: {  	[tilespmem:s29], [sflag:$0x1] =	stream.indirect.gather [hbm4b:s4+s20], $0x80, s10, s20, $0xb8;
	[tilespmem:$0x17000] =	vst v63  }
0x55: {  	s11 =	simm.s32 $0x200  }
0x56: {  	[tilespmem:s30], [sflag:$0x1] =	stream.indirect.gather [hbm4b:s2+s20], $0x80, s11, s20, $0xb8;
	[tilespmem:$0x17000] =	vst v63  }
0x57: {  	s12 =	simm.s32 $0x4200  }
0x58: {  	[tilespmem:s31], [sflag:$0x1] =	stream.indirect.gather [hbm4b:s4+s20], $0x80, s12, s20, $0xb8;
	[tilespmem:$0x17000] =	vst v63  }
0x59: {  	s13 =	simm.s32 $0x280  }
0x5a: {  	[tilespmem:s0], [sflag:$0x1] =	stream.indirect.gather [hbm4b:s2+s20], $0x80, s13, s20, $0xb8;
	[tilespmem:$0x17000] =	vst v63  }
0x5b: {  	s8 =	simm.s32 $0x4280  }
0x5c: {  	[tilespmem:s1], [sflag:$0x1] =	stream.indirect.gather [hbm4b:s4+s20], $0x80, s8, s20, $0xb8;
	[tilespmem:$0x17000] =	vst v63  }
0x5d: {  	_ =	swait.ge [sflag:s19], $0x1400  }
0x5e: {  	[sflag:s19] =	ssyncset.done $0x0  }
0x5f: {  	[sflag:s19] =	ssyncadd.s32 $0xFFFFEC00  }
0x60: {  	_ =	swait.ge [sflag:s19], $0x1400  }
0x61: {  	[sflag:s19] =	ssyncset.done $0x0  }
0x62: {  	[sflag:s19] =	ssyncadd.s32 $0xFFFFEC00  }
0x63: {  	_ =	swait.ge [sflag:s19], $0x1400  }
0x64: {  	[sflag:s19] =	ssyncset.done $0x0  }
0x65: {  	[sflag:s19] =	ssyncadd.s32 $0xFFFFEC00  }
0x66: {  	_ =	swait.ge [sflag:s19], $0x1400  }
0x67: {  	[sflag:s19] =	ssyncset.done $0x0  }
0x68: {  	[sflag:s19] =	ssyncadd.s32 $0xFFFFEC00  }
0x69: {  	_ =	swait.ge [sflag:s19], $0x1400  }
0x6a: {  	[sflag:s19] =	ssyncset.done $0x0  }
0x6b: {  	[sflag:s19] =	ssyncadd.s32 $0xFFFFEC00  }
0x6c: {  	_ =	swait.ge [sflag:s19], $0x1400  }
0x6d: {  	s9 =	rddreg [dreg:$0x3];
	[sflag:s19] =	ssyncset.done $0x0  }
0x6e: {  	s10 =	rddreg [dreg:$0x4];
	[sflag:s19] =	ssyncadd.s32 $0xFFFFEC00;
	s7 =	sadd.s32 $0x0, s9  }
0x6f: {  	[hbm4b:s7+s3] =	stream.linear.scatter [tilespmem:s21], [sflag:$0x2], $0x1400, $0x38;
	[tilespmem:$0x17000] =	vst v63  }
0x70: {  	s8 =	sadd.s32 $0x0, s10  }
0x71: {  	[hbm4b:s8+s3] =	stream.linear.scatter [tilespmem:s22], [sflag:$0x2], $0x1400, $0x38;
	[tilespmem:$0x17000] =	vst v63  }
0x72: {  	s9 =	sadd.s32 $0x280, s7  }
0x73: {  	[hbm4b:s9+s3] =	stream.linear.scatter [tilespmem:s23], [sflag:$0x2], $0x1400, $0x38;
	[tilespmem:$0x17000] =	vst v63  }
0x74: {  	s11 =	sadd.s32 $0x280, s8  }
0x75: {  	[hbm4b:s11+s3] =	stream.linear.scatter [tilespmem:s24], [sflag:$0x2], $0x1400, $0x38;
	[tilespmem:$0x17000] =	vst v63  }
0x76: {  	s12 =	sadd.s32 $0x500, s7  }
0x77: {  	[hbm4b:s12+s3] =	stream.linear.scatter [tilespmem:s25], [sflag:$0x2], $0x1400, $0x38;
	[tilespmem:$0x17000] =	vst v63  }
0x78: {  	s13 =	sadd.s32 $0x500, s8  }
0x79: {  	[hbm4b:s13+s3] =	stream.linear.scatter [tilespmem:s26], [sflag:$0x2], $0x1400, $0x38;
	[tilespmem:$0x17000] =	vst v63  }
0x7a: {  	_ =	swait.ge [sflag:s19], $0x1400  }
0x7b: {  	[sflag:s19] =	ssyncset.done $0x0  }
0x7c: {  	[sflag:s19] =	ssyncadd.s32 $0xFFFFEC00  }
0x7d: {  	_ =	swait.ge [sflag:s19], $0x1400  }
0x7e: {  	[sflag:s19] =	ssyncset.done $0x0  }
0x7f: {  	[sflag:s19] =	ssyncadd.s32 $0xFFFFEC00  }
0x80: {  	_ =	swait.ge [sflag:s19], $0x1400  }
0x81: {  	[sflag:s19] =	ssyncset.done $0x0  }
0x82: {  	[sflag:s19] =	ssyncadd.s32 $0xFFFFEC00  }
0x83: {  	_ =	swait.ge [sflag:s19], $0x1400  }
0x84: {  	[sflag:s19] =	ssyncset.done $0x0  }
0x85: {  	[sflag:s19] =	ssyncadd.s32 $0xFFFFEC00  }
0x86: {  	_ =	swait.ge [sflag:s19], $0x1400  }
0x87: {  	[sflag:s19] =	ssyncset.done $0x0  }
0x88: {  	[sflag:s19] =	ssyncadd.s32 $0xFFFFEC00  }
0x89: {  	_ =	swait.ge [sflag:s19], $0x1400  }
0x8a: {  	[sflag:s19] =	ssyncset.done $0x0  }
0x8b: {  	s10 =	sadd.s32 $0x780, s7;
	[sflag:s19] =	ssyncadd.s32 $0xFFFFEC00  }
0x8c: {  	[hbm4b:s10+s3] =	stream.linear.scatter [tilespmem:s28], [sflag:$0x2], $0x1400, $0x38;
	[tilespmem:$0x17000] =	vst v63  }
0x8d: {  	s11 =	sadd.s32 $0x780, s8  }
0x8e: {  	[hbm4b:s11+s3] =	stream.linear.scatter [tilespmem:s29], [sflag:$0x2], $0x1400, $0x38;
	[tilespmem:$0x17000] =	vst v63  }
0x8f: {  	s12 =	sadd.s32 $0xA00, s7  }
0x90: {  	[hbm4b:s12+s3] =	stream.linear.scatter [tilespmem:s30], [sflag:$0x2], $0x1400, $0x38;
	[tilespmem:$0x17000] =	vst v63  }
0x91: {  	p6 =	por $0x0, $0x0;
	s13 =	sadd.s32 $0xA00, s8  }
0x92: {  	[hbm4b:s13+s3] =	stream.linear.scatter [tilespmem:s31], [sflag:$0x2], $0x1400, $0x38;
	[tilespmem:$0x17000] =	vst v63  }
0x93: {  	p0 =	por p6, p6;
	s9 =	simm.s32 $0x1E00;
	s7 =	sadd.s32 $0xC80, s7  }
0x94: {  	[hbm4b:s7+s3] =	stream.linear.scatter [tilespmem:s0], [sflag:$0x2], $0x1400, $0x38;
	[tilespmem:$0x17000] =	vst v63  }
0x95: {  	s10 =	sadd.s32 $0xC80, s8;
	s8 =	simm.s32 $0xC00;
	s7 =	simm.s32 $0xF00  }
.LBB2_2:
0x96: {  	[hbm4b:s10+s3] =	stream.linear.scatter [tilespmem:s1], [sflag:$0x2], $0x1400, $0x38;
	[tilespmem:$0x17000] =	vst v63  }
0x97: {  	s11 =	simm.s32 @!p0 $0x2  }
0x98: {  	_ =	swait.ge @!p0 [sflag:s11], $0x1400  }
0x99: {  	[sflag:s11] =	ssyncset.done @!p0 $0x0  }
0x9a: {  	[sflag:s11] =	ssyncadd.s32 @!p0 $0xFFFFEC00  }
0x9b: {  	_ =	swait.ge @!p0 [sflag:s11], $0x1400  }
0x9c: {  	[sflag:s11] =	ssyncset.done @!p0 $0x0  }
0x9d: {  	[sflag:s11] =	ssyncadd.s32 @!p0 $0xFFFFEC00  }
0x9e: {  	_ =	swait.ge @!p0 [sflag:s11], $0x1400  }
0x9f: {  	[sflag:s11] =	ssyncset.done @!p0 $0x0  }
0xa0: {  	[sflag:s11] =	ssyncadd.s32 @!p0 $0xFFFFEC00  }
0xa1: {  	_ =	swait.ge @!p0 [sflag:s11], $0x1400  }
0xa2: {  	[sflag:s11] =	ssyncset.done @!p0 $0x0  }
0xa3: {  	[sflag:s11] =	ssyncadd.s32 @!p0 $0xFFFFEC00  }
0xa4: {  	_ =	swait.ge @!p0 [sflag:s11], $0x1400  }
0xa5: {  	[sflag:s11] =	ssyncset.done @!p0 $0x0  }
0xa6: {  	[sflag:s11] =	ssyncadd.s32 @!p0 $0xFFFFEC00  }
0xa7: {  	_ =	swait.ge @!p0 [sflag:s11], $0x1400  }
0xa8: {  	[sflag:s11] =	ssyncset.done @!p0 $0x0  }
0xa9: {  	s12 =	sshra.s32 s8, $0x2;
	[sflag:s11] =	ssyncadd.s32 @!p0 $0xFFFFEC00  }
0xaa: {  	[tilespmem:s21], [sflag:$0x1] =	stream.indirect.gather [hbm4b:s2+s20], $0x80, s12, s20, $0xb8;
	[tilespmem:$0x17000] =	vst v63  }
0xab: {  	s13 =	sadd.s32 $0x4000, s12  }
0xac: {  	[tilespmem:s22], [sflag:$0x1] =	stream.indirect.gather [hbm4b:s4+s20], $0x80, s13, s20, $0xb8;
	[tilespmem:$0x17000] =	vst v63  }
0xad: {  	s13 =	sadd.s32 $0x80, s12  }
0xae: {  	[tilespmem:s23], [sflag:$0x1] =	stream.indirect.gather [hbm4b:s2+s20], $0x80, s13, s20, $0xb8;
	[tilespmem:$0x17000] =	vst v63  }
0xaf: {  	s13 =	sadd.s32 $0x4080, s12  }
0xb0: {  	[tilespmem:s24], [sflag:$0x1] =	stream.indirect.gather [hbm4b:s4+s20], $0x80, s13, s20, $0xb8;
	[tilespmem:$0x17000] =	vst v63  }
0xb1: {  	s13 =	sadd.s32 $0x100, s12  }
0xb2: {  	[tilespmem:s25], [sflag:$0x1] =	stream.indirect.gather [hbm4b:s2+s20], $0x80, s13, s20, $0xb8;
	[tilespmem:$0x17000] =	vst v63  }
0xb3: {  	s13 =	sadd.s32 $0x4100, s12  }
0xb4: {  	[tilespmem:s26], [sflag:$0x1] =	stream.indirect.gather [hbm4b:s4+s20], $0x80, s13, s20, $0xb8;
	[tilespmem:$0x17000] =	vst v63  }
0xb5: {  	_ =	swait.ge @!p0 [sflag:s11], $0x1400  }
0xb6: {  	[sflag:s11] =	ssyncset.done @!p0 $0x0  }
0xb7: {  	[sflag:s11] =	ssyncadd.s32 @!p0 $0xFFFFEC00  }
0xb8: {  	_ =	swait.ge @!p0 [sflag:s11], $0x1400  }
0xb9: {  	[sflag:s11] =	ssyncset.done @!p0 $0x0  }
0xba: {  	[sflag:s11] =	ssyncadd.s32 @!p0 $0xFFFFEC00  }
0xbb: {  	_ =	swait.ge @!p0 [sflag:s11], $0x1400  }
0xbc: {  	[sflag:s11] =	ssyncset.done @!p0 $0x0  }
0xbd: {  	[sflag:s11] =	ssyncadd.s32 @!p0 $0xFFFFEC00  }
0xbe: {  	_ =	swait.ge @!p0 [sflag:s11], $0x1400  }
0xbf: {  	[sflag:s11] =	ssyncset.done @!p0 $0x0  }
0xc0: {  	[sflag:s11] =	ssyncadd.s32 @!p0 $0xFFFFEC00  }
0xc1: {  	_ =	swait.ge @!p0 [sflag:s11], $0x1400  }
0xc2: {  	[sflag:s11] =	ssyncset.done @!p0 $0x0  }
0xc3: {  	[sflag:s11] =	ssyncadd.s32 @!p0 $0xFFFFEC00  }
0xc4: {  	_ =	swait.ge @!p0 [sflag:s11], $0x1400  }
0xc5: {  	[sflag:s11] =	ssyncset.done @!p0 $0x0  }
0xc6: {  	s13 =	sadd.s32 $0x180, s12;
	[sflag:s11] =	ssyncadd.s32 @!p0 $0xFFFFEC00  }
0xc7: {  	[tilespmem:s28], [sflag:$0x1] =	stream.indirect.gather [hbm4b:s2+s20], $0x80, s13, s20, $0xb8;
	[tilespmem:$0x17000] =	vst v63  }
0xc8: {  	s13 =	sadd.s32 $0x4180, s12  }
0xc9: {  	[tilespmem:s29], [sflag:$0x1] =	stream.indirect.gather [hbm4b:s4+s20], $0x80, s13, s20, $0xb8;
	[tilespmem:$0x17000] =	vst v63  }
0xca: {  	s13 =	sadd.s32 $0x200, s12  }
0xcb: {  	[tilespmem:s30], [sflag:$0x1] =	stream.indirect.gather [hbm4b:s2+s20], $0x80, s13, s20, $0xb8;
	[tilespmem:$0x17000] =	vst v63  }
0xcc: {  	s13 =	sadd.s32 $0x4200, s12  }
0xcd: {  	[tilespmem:s31], [sflag:$0x1] =	stream.indirect.gather [hbm4b:s4+s20], $0x80, s13, s20, $0xb8;
	[tilespmem:$0x17000] =	vst v63  }
0xce: {  	s13 =	sadd.s32 $0x280, s12  }
0xcf: {  	[tilespmem:s0], [sflag:$0x1] =	stream.indirect.gather [hbm4b:s2+s20], $0x80, s13, s20, $0xb8;
	[tilespmem:$0x17000] =	vst v63  }
0xd0: {  	s13 =	sadd.s32 $0x4280, s12  }
0xd1: {  	[tilespmem:s1], [sflag:$0x1] =	stream.indirect.gather [hbm4b:s4+s20], $0x80, s13, s20, $0xb8;
	[tilespmem:$0x17000] =	vst v63  }
0xd2: {  	_ =	swait.ge [sflag:s19], $0x1400  }
0xd3: {  	[sflag:s19] =	ssyncset.done $0x0  }
0xd4: {  	[sflag:s19] =	ssyncadd.s32 $0xFFFFEC00  }
0xd5: {  	_ =	swait.ge [sflag:s19], $0x1400  }
0xd6: {  	[sflag:s19] =	ssyncset.done $0x0  }
0xd7: {  	[sflag:s19] =	ssyncadd.s32 $0xFFFFEC00  }
0xd8: {  	_ =	swait.ge [sflag:s19], $0x1400  }
0xd9: {  	[sflag:s19] =	ssyncset.done $0x0  }
0xda: {  	[sflag:s19] =	ssyncadd.s32 $0xFFFFEC00  }
0xdb: {  	_ =	swait.ge [sflag:s19], $0x1400  }
0xdc: {  	[sflag:s19] =	ssyncset.done $0x0  }
0xdd: {  	[sflag:s19] =	ssyncadd.s32 $0xFFFFEC00  }
0xde: {  	_ =	swait.ge [sflag:s19], $0x1400  }
0xdf: {  	[sflag:s19] =	ssyncset.done $0x0  }
0xe0: {  	[sflag:s19] =	ssyncadd.s32 $0xFFFFEC00  }
0xe1: {  	_ =	swait.ge [sflag:s19], $0x1400  }
0xe2: {  	s12 =	rddreg [dreg:$0x3];
	[sflag:s19] =	ssyncset.done $0x0  }
0xe3: {  	s13 =	rddreg [dreg:$0x4];
	[sflag:s19] =	ssyncadd.s32 $0xFFFFEC00;
	s11 =	sadd.s32 s7, s12  }
0xe4: {  	[hbm4b:s11+s3] =	stream.linear.scatter [tilespmem:s21], [sflag:$0x2], $0x1400, $0x38;
	[tilespmem:$0x17000] =	vst v63  }
0xe5: {  	s12 =	sadd.s32 s7, s13  }
0xe6: {  	[hbm4b:s12+s3] =	stream.linear.scatter [tilespmem:s22], [sflag:$0x2], $0x1400, $0x38;
	[tilespmem:$0x17000] =	vst v63  }
0xe7: {  	s13 =	sadd.s32 $0x280, s11  }
0xe8: {  	[hbm4b:s13+s3] =	stream.linear.scatter [tilespmem:s23], [sflag:$0x2], $0x1400, $0x38;
	[tilespmem:$0x17000] =	vst v63  }
0xe9: {  	s13 =	sadd.s32 $0x280, s12  }
0xea: {  	[hbm4b:s13+s3] =	stream.linear.scatter [tilespmem:s24], [sflag:$0x2], $0x1400, $0x38;
	[tilespmem:$0x17000] =	vst v63  }
0xeb: {  	s13 =	sadd.s32 $0x500, s11  }
0xec: {  	[hbm4b:s13+s3] =	stream.linear.scatter [tilespmem:s25], [sflag:$0x2], $0x1400, $0x38;
	[tilespmem:$0x17000] =	vst v63  }
0xed: {  	s13 =	sadd.s32 $0x500, s12  }
0xee: {  	[hbm4b:s13+s3] =	stream.linear.scatter [tilespmem:s26], [sflag:$0x2], $0x1400, $0x38;
	[tilespmem:$0x17000] =	vst v63  }
0xef: {  	_ =	swait.ge [sflag:s19], $0x1400  }
0xf0: {  	[sflag:s19] =	ssyncset.done $0x0  }
0xf1: {  	[sflag:s19] =	ssyncadd.s32 $0xFFFFEC00  }
0xf2: {  	_ =	swait.ge [sflag:s19], $0x1400  }
0xf3: {  	[sflag:s19] =	ssyncset.done $0x0  }
0xf4: {  	[sflag:s19] =	ssyncadd.s32 $0xFFFFEC00  }
0xf5: {  	_ =	swait.ge [sflag:s19], $0x1400  }
0xf6: {  	[sflag:s19] =	ssyncset.done $0x0  }
0xf7: {  	[sflag:s19] =	ssyncadd.s32 $0xFFFFEC00  }
0xf8: {  	_ =	swait.ge [sflag:s19], $0x1400  }
0xf9: {  	[sflag:s19] =	ssyncset.done $0x0  }
0xfa: {  	[sflag:s19] =	ssyncadd.s32 $0xFFFFEC00  }
0xfb: {  	_ =	swait.ge [sflag:s19], $0x1400  }
0xfc: {  	[sflag:s19] =	ssyncset.done $0x0  }
0xfd: {  	[sflag:s19] =	ssyncadd.s32 $0xFFFFEC00  }
0xfe: {  	_ =	swait.ge [sflag:s19], $0x1400  }
0xff: {  	[sflag:s19] =	ssyncset.done $0x0  }
0x100: {  	s13 =	sadd.s32 $0x780, s11;
	[sflag:s19] =	ssyncadd.s32 $0xFFFFEC00  }
0x101: {  	[hbm4b:s13+s3] =	stream.linear.scatter [tilespmem:s28], [sflag:$0x2], $0x1400, $0x38;
	[tilespmem:$0x17000] =	vst v63  }
0x102: {  	s10 =	smov.u32 s9;
	s9 =	sadd.s32 $0xF00, s9;
	s13 =	sadd.s32 $0x780, s12  }
0x103: {  	[hbm4b:s13+s3] =	stream.linear.scatter [tilespmem:s29], [sflag:$0x2], $0x1400, $0x38;
	[tilespmem:$0x17000] =	vst v63  }
0x104: {  	p1 =	sne.s32 s9, $0x12C00;
	s13 =	sadd.s32 $0xA00, s11  }
0x105: {  	[hbm4b:s13+s3] =	stream.linear.scatter [tilespmem:s30], [sflag:$0x2], $0x1400, $0x38;
	[tilespmem:$0x17000] =	vst v63  }
.Ltmp0:
0x106: {  	p2 =	seq.s32 s10, $0x0;
	(pc) =	sbr.rel @p1 .LBB2_2-.Ltmp0, $4  }
0x107: {  	s8 =	sadd.s32 $0xC00, s8;
	p0 =	por p2, p2;
	s13 =	sadd.s32 $0xA00, s12  }
0x108: {  	[hbm4b:s13+s3] =	stream.linear.scatter [tilespmem:s31], [sflag:$0x2], $0x1400, $0x38;
	[tilespmem:$0x17000] =	vst v63  }
0x109: {  	s7 =	smov.u32 s10;
	s10 =	sadd.s32 $0xC80, s12;
	s13 =	sadd.s32 $0xC80, s11  }
0x10a: {  	[hbm4b:s13+s3] =	stream.linear.scatter [tilespmem:s0], [sflag:$0x2], $0x1400, $0x38;
	[tilespmem:$0x17000] =	vst v63  }
0x10b: {  	[hbm4b:s10+s3] =	stream.linear.scatter [tilespmem:s1], [sflag:$0x2], $0x1400, $0x38;
	[tilespmem:$0x17000] =	vst v63  }
0x10c: {  	s9 =	simm.s32 @!p0 $0x2  }
0x10d: {  	_ =	swait.ge @!p0 [sflag:s9], $0x1400  }
0x10e: {  	[sflag:s9] =	ssyncset.done @!p0 $0x0  }
0x10f: {  	[sflag:s9] =	ssyncadd.s32 @!p0 $0xFFFFEC00  }
0x110: {  	_ =	swait.ge @!p0 [sflag:s9], $0x1400  }
0x111: {  	[sflag:s9] =	ssyncset.done @!p0 $0x0  }
0x112: {  	[sflag:s9] =	ssyncadd.s32 @!p0 $0xFFFFEC00  }
0x113: {  	_ =	swait.ge @!p0 [sflag:s9], $0x1400  }
0x114: {  	[sflag:s9] =	ssyncset.done @!p0 $0x0  }
0x115: {  	[sflag:s9] =	ssyncadd.s32 @!p0 $0xFFFFEC00  }
0x116: {  	_ =	swait.ge @!p0 [sflag:s9], $0x1400  }
0x117: {  	[sflag:s9] =	ssyncset.done @!p0 $0x0  }
0x118: {  	[sflag:s9] =	ssyncadd.s32 @!p0 $0xFFFFEC00  }
0x119: {  	_ =	swait.ge @!p0 [sflag:s9], $0x1400  }
0x11a: {  	[sflag:s9] =	ssyncset.done @!p0 $0x0  }
0x11b: {  	[sflag:s9] =	ssyncadd.s32 @!p0 $0xFFFFEC00  }
0x11c: {  	_ =	swait.ge @!p0 [sflag:s9], $0x1400  }
0x11d: {  	[sflag:s9] =	ssyncset.done @!p0 $0x0  }
0x11e: {  	s8 =	sshra.s32 s8, $0x2;
	[sflag:s9] =	ssyncadd.s32 @!p0 $0xFFFFEC00  }
0x11f: {  	[tilespmem:s21], [sflag:$0x1] =	stream.indirect.gather [hbm4b:s2+s20], $0x80, s8, s20, $0xb8;
	[tilespmem:$0x17000] =	vst v63  }
0x120: {  	s12 =	sadd.s32 $0x4000, s8  }
0x121: {  	[tilespmem:s22], [sflag:$0x1] =	stream.indirect.gather [hbm4b:s4+s20], $0x80, s12, s20, $0xb8;
	[tilespmem:$0x17000] =	vst v63  }
0x122: {  	s13 =	sadd.s32 $0x80, s8  }
0x123: {  	[tilespmem:s23], [sflag:$0x1] =	stream.indirect.gather [hbm4b:s2+s20], $0x80, s13, s20, $0xb8;
	[tilespmem:$0x17000] =	vst v63  }
0x124: {  	s11 =	sadd.s32 $0x4080, s8  }
0x125: {  	[tilespmem:s24], [sflag:$0x1] =	stream.indirect.gather [hbm4b:s4+s20], $0x80, s11, s20, $0xb8;
	[tilespmem:$0x17000] =	vst v63  }
0x126: {  	s12 =	sadd.s32 $0x100, s8  }
0x127: {  	[tilespmem:s25], [sflag:$0x1] =	stream.indirect.gather [hbm4b:s2+s20], $0x80, s12, s20, $0xb8;
	[tilespmem:$0x17000] =	vst v63  }
0x128: {  	s13 =	sadd.s32 $0x4100, s8  }
0x129: {  	[tilespmem:s26], [sflag:$0x1] =	stream.indirect.gather [hbm4b:s4+s20], $0x80, s13, s20, $0xb8;
	[tilespmem:$0x17000] =	vst v63  }
0x12a: {  	_ =	swait.ge @!p0 [sflag:s9], $0x1400  }
0x12b: {  	[sflag:s9] =	ssyncset.done @!p0 $0x0  }
0x12c: {  	[sflag:s9] =	ssyncadd.s32 @!p0 $0xFFFFEC00  }
0x12d: {  	_ =	swait.ge @!p0 [sflag:s9], $0x1400  }
0x12e: {  	[sflag:s9] =	ssyncset.done @!p0 $0x0  }
0x12f: {  	[sflag:s9] =	ssyncadd.s32 @!p0 $0xFFFFEC00  }
0x130: {  	_ =	swait.ge @!p0 [sflag:s9], $0x1400  }
0x131: {  	[sflag:s9] =	ssyncset.done @!p0 $0x0  }
0x132: {  	[sflag:s9] =	ssyncadd.s32 @!p0 $0xFFFFEC00  }
0x133: {  	_ =	swait.ge @!p0 [sflag:s9], $0x1400  }
0x134: {  	[sflag:s9] =	ssyncset.done @!p0 $0x0  }
0x135: {  	[sflag:s9] =	ssyncadd.s32 @!p0 $0xFFFFEC00  }
0x136: {  	_ =	swait.ge @!p0 [sflag:s9], $0x1400  }
0x137: {  	[sflag:s9] =	ssyncset.done @!p0 $0x0  }
0x138: {  	[sflag:s9] =	ssyncadd.s32 @!p0 $0xFFFFEC00  }
0x139: {  	_ =	swait.ge @!p0 [sflag:s9], $0x1400  }
0x13a: {  	[sflag:s9] =	ssyncset.done @!p0 $0x0  }
0x13b: {  	s11 =	sadd.s32 $0x180, s8;
	[sflag:s9] =	ssyncadd.s32 @!p0 $0xFFFFEC00  }
0x13c: {  	[tilespmem:s28], [sflag:$0x1] =	stream.indirect.gather [hbm4b:s2+s20], $0x80, s11, s20, $0xb8;
	[tilespmem:$0x17000] =	vst v63  }
0x13d: {  	s12 =	sadd.s32 $0x4180, s8  }
0x13e: {  	[tilespmem:s29], [sflag:$0x1] =	stream.indirect.gather [hbm4b:s4+s20], $0x80, s12, s20, $0xb8;
	[tilespmem:$0x17000] =	vst v63  }
0x13f: {  	s13 =	sadd.s32 $0x200, s8  }
0x140: {  	[tilespmem:s30], [sflag:$0x1] =	stream.indirect.gather [hbm4b:s2+s20], $0x80, s13, s20, $0xb8;
	[tilespmem:$0x17000] =	vst v63  }
0x141: {  	s10 =	sadd.s32 $0x4200, s8  }
0x142: {  	[tilespmem:s31], [sflag:$0x1] =	stream.indirect.gather [hbm4b:s4+s20], $0x80, s10, s20, $0xb8;
	[tilespmem:$0x17000] =	vst v63  }
0x143: {  	s11 =	sadd.s32 $0x280, s8  }
0x144: {  	[tilespmem:s0], [sflag:$0x1] =	stream.indirect.gather [hbm4b:s2+s20], $0x80, s11, s20, $0xb8;
	[tilespmem:$0x17000] =	vst v63  }
0x145: {  	s8 =	sadd.s32 $0x4280, s8  }
0x146: {  	[tilespmem:s1], [sflag:$0x1] =	stream.indirect.gather [hbm4b:s4+s20], $0x80, s8, s20, $0xb8;
	[tilespmem:$0x17000] =	vst v63  }
0x147: {  	_ =	swait.ge [sflag:s19], $0x1400  }
0x148: {  	[sflag:s19] =	ssyncset.done $0x0  }
0x149: {  	[sflag:s19] =	ssyncadd.s32 $0xFFFFEC00  }
0x14a: {  	_ =	swait.ge [sflag:s19], $0x1400  }
0x14b: {  	[sflag:s19] =	ssyncset.done $0x0  }
0x14c: {  	[sflag:s19] =	ssyncadd.s32 $0xFFFFEC00  }
0x14d: {  	_ =	swait.ge [sflag:s19], $0x1400  }
0x14e: {  	[sflag:s19] =	ssyncset.done $0x0  }
0x14f: {  	[sflag:s19] =	ssyncadd.s32 $0xFFFFEC00  }
0x150: {  	_ =	swait.ge [sflag:s19], $0x1400  }
0x151: {  	[sflag:s19] =	ssyncset.done $0x0  }
0x152: {  	[sflag:s19] =	ssyncadd.s32 $0xFFFFEC00  }
0x153: {  	_ =	swait.ge [sflag:s19], $0x1400  }
0x154: {  	[sflag:s19] =	ssyncset.done $0x0  }
0x155: {  	[sflag:s19] =	ssyncadd.s32 $0xFFFFEC00  }
0x156: {  	_ =	swait.ge [sflag:s19], $0x1400  }
0x157: {  	s12 =	rddreg [dreg:$0x3];
	[sflag:s19] =	ssyncset.done $0x0  }
0x158: {  	s13 =	rddreg [dreg:$0x4];
	[sflag:s19] =	ssyncadd.s32 $0xFFFFEC00;
	s8 =	sadd.s32 s7, s12  }
0x159: {  	[hbm4b:s8+s3] =	stream.linear.scatter [tilespmem:s21], [sflag:$0x2], $0x1400, $0x38;
	[tilespmem:$0x17000] =	vst v63  }
0x15a: {  	s7 =	sadd.s32 s7, s13  }
0x15b: {  	[hbm4b:s7+s3] =	stream.linear.scatter [tilespmem:s22], [sflag:$0x2], $0x1400, $0x38;
	[tilespmem:$0x17000] =	vst v63  }
0x15c: {  	s10 =	sadd.s32 $0x280, s8  }
0x15d: {  	[hbm4b:s10+s3] =	stream.linear.scatter [tilespmem:s23], [sflag:$0x2], $0x1400, $0x38;
	[tilespmem:$0x17000] =	vst v63  }
0x15e: {  	s11 =	sadd.s32 $0x280, s7  }
0x15f: {  	[hbm4b:s11+s3] =	stream.linear.scatter [tilespmem:s24], [sflag:$0x2], $0x1400, $0x38;
	[tilespmem:$0x17000] =	vst v63  }
0x160: {  	s12 =	sadd.s32 $0x500, s8  }
0x161: {  	[hbm4b:s12+s3] =	stream.linear.scatter [tilespmem:s25], [sflag:$0x2], $0x1400, $0x38;
	[tilespmem:$0x17000] =	vst v63  }
0x162: {  	s13 =	sadd.s32 $0x500, s7  }
0x163: {  	[hbm4b:s13+s3] =	stream.linear.scatter [tilespmem:s26], [sflag:$0x2], $0x1400, $0x38;
	[tilespmem:$0x17000] =	vst v63  }
0x164: {  	_ =	swait.ge [sflag:s19], $0x1400  }
0x165: {  	[sflag:s19] =	ssyncset.done $0x0  }
0x166: {  	[sflag:s19] =	ssyncadd.s32 $0xFFFFEC00  }
0x167: {  	_ =	swait.ge [sflag:s19], $0x1400  }
0x168: {  	[sflag:s19] =	ssyncset.done $0x0  }
0x169: {  	[sflag:s19] =	ssyncadd.s32 $0xFFFFEC00  }
0x16a: {  	_ =	swait.ge [sflag:s19], $0x1400  }
0x16b: {  	[sflag:s19] =	ssyncset.done $0x0  }
0x16c: {  	[sflag:s19] =	ssyncadd.s32 $0xFFFFEC00  }
0x16d: {  	_ =	swait.ge [sflag:s19], $0x1400  }
0x16e: {  	[sflag:s19] =	ssyncset.done $0x0  }
0x16f: {  	[sflag:s19] =	ssyncadd.s32 $0xFFFFEC00  }
0x170: {  	_ =	swait.ge [sflag:s19], $0x1400  }
0x171: {  	[sflag:s19] =	ssyncset.done $0x0  }
0x172: {  	[sflag:s19] =	ssyncadd.s32 $0xFFFFEC00  }
0x173: {  	_ =	swait.ge [sflag:s19], $0x1400  }
0x174: {  	[sflag:s19] =	ssyncset.done $0x0  }
0x175: {  	s10 =	sadd.s32 $0x780, s8;
	[sflag:s19] =	ssyncadd.s32 $0xFFFFEC00  }
0x176: {  	[hbm4b:s10+s3] =	stream.linear.scatter [tilespmem:s28], [sflag:$0x2], $0x1400, $0x38;
	[tilespmem:$0x17000] =	vst v63  }
0x177: {  	s11 =	sadd.s32 $0x780, s7  }
0x178: {  	[hbm4b:s11+s3] =	stream.linear.scatter [tilespmem:s29], [sflag:$0x2], $0x1400, $0x38;
	[tilespmem:$0x17000] =	vst v63  }
0x179: {  	s12 =	sadd.s32 $0xA00, s8  }
0x17a: {  	[hbm4b:s12+s3] =	stream.linear.scatter [tilespmem:s30], [sflag:$0x2], $0x1400, $0x38;
	[tilespmem:$0x17000] =	vst v63  }
0x17b: {  	s13 =	sadd.s32 $0xA00, s7  }
0x17c: {  	[hbm4b:s13+s3] =	stream.linear.scatter [tilespmem:s31], [sflag:$0x2], $0x1400, $0x38;
	[tilespmem:$0x17000] =	vst v63  }
0x17d: {  	s8 =	sadd.s32 $0xC80, s8  }
0x17e: {  	[hbm4b:s8+s3] =	stream.linear.scatter [tilespmem:s0], [sflag:$0x2], $0x1400, $0x38;
	[tilespmem:$0x17000] =	vst v63  }
0x17f: {  	s7 =	sadd.s32 $0xC80, s7  }
0x180: {  	[hbm4b:s7+s3] =	stream.linear.scatter [tilespmem:s1], [sflag:$0x2], $0x1400, $0x38;
	[tilespmem:$0x17000] =	vst v63  }
0x181: {  	_ =	swait.ge [sflag:s5], $0x1400  }
0x182: {  	[sflag:s5] =	ssyncset.done $0x0  }
0x183: {  	[sflag:s5] =	ssyncadd.s32 $0xFFFFEC00  }
0x184: {  	_ =	swait.ge [sflag:s5], $0x1400  }
0x185: {  	[sflag:s5] =	ssyncset.done $0x0  }
0x186: {  	[sflag:s5] =	ssyncadd.s32 $0xFFFFEC00  }
0x187: {  	_ =	swait.ge [sflag:s5], $0x1400  }
0x188: {  	[sflag:s5] =	ssyncset.done $0x0  }
0x189: {  	[sflag:s5] =	ssyncadd.s32 $0xFFFFEC00  }
0x18a: {  	_ =	swait.ge [sflag:s5], $0x1400  }
0x18b: {  	[sflag:s5] =	ssyncset.done $0x0  }
0x18c: {  	[sflag:s5] =	ssyncadd.s32 $0xFFFFEC00  }
0x18d: {  	_ =	swait.ge [sflag:s5], $0x1400  }
0x18e: {  	[sflag:s5] =	ssyncset.done $0x0  }
0x18f: {  	[sflag:s5] =	ssyncadd.s32 $0xFFFFEC00  }
0x190: {  	_ =	swait.ge [sflag:s5], $0x1400  }
0x191: {  	[sflag:s5] =	ssyncset.done $0x0  }
0x192: {  	[sflag:s5] =	ssyncadd.s32 $0xFFFFEC00  }
0x193: {  	_ =	swait.ge [sflag:s5], $0x1400  }
0x194: {  	[sflag:s5] =	ssyncset.done $0x0  }
0x195: {  	[sflag:s5] =	ssyncadd.s32 $0xFFFFEC00  }
0x196: {  	_ =	swait.ge [sflag:s5], $0x1400  }
0x197: {  	[sflag:s5] =	ssyncset.done $0x0  }
0x198: {  	[sflag:s5] =	ssyncadd.s32 $0xFFFFEC00  }
0x199: {  	_ =	swait.ge [sflag:s5], $0x1400  }
0x19a: {  	[sflag:s5] =	ssyncset.done $0x0  }
0x19b: {  	[sflag:s5] =	ssyncadd.s32 $0xFFFFEC00  }
0x19c: {  	_ =	swait.ge [sflag:s5], $0x1400  }
0x19d: {  	[sflag:s5] =	ssyncset.done $0x0  }
0x19e: {  	[sflag:s5] =	ssyncadd.s32 $0xFFFFEC00  }
0x19f: {  	_ =	swait.ge [sflag:s5], $0x1400  }
0x1a0: {  	[sflag:s5] =	ssyncset.done $0x0  }
0x1a1: {  	[sflag:s5] =	ssyncadd.s32 $0xFFFFEC00  }
0x1a2: {  	_ =	swait.ge [sflag:s5], $0x1400  }
0x1a3: {  	[sflag:s5] =	ssyncset.done $0x0  }
0x1a4: {  	s9 =	simm.s32 $0x3C00;
	[sflag:s5] =	ssyncadd.s32 $0xFFFFEC00  }
0x1a5: {  	[tilespmem:s21], [sflag:$0x1] =	stream.indirect.gather [hbm4b:s2+s20], $0x80, s9, s20, $0xb8;
	[tilespmem:$0x17000] =	vst v63  }
0x1a6: {  	s10 =	simm.s32 $0x7C00  }
0x1a7: {  	[tilespmem:s22], [sflag:$0x1] =	stream.indirect.gather [hbm4b:s4+s20], $0x80, s10, s20, $0xb8;
	[tilespmem:$0x17000] =	vst v63  }
0x1a8: {  	_ =	swait.ge [sflag:s19], $0x1400  }
0x1a9: {  	[sflag:s19] =	ssyncset.done $0x0  }
0x1aa: {  	[sflag:s19] =	ssyncadd.s32 $0xFFFFEC00  }
0x1ab: {  	_ =	swait.ge [sflag:s19], $0x1400  }
0x1ac: {  	[sflag:s19] =	ssyncset.done $0x0  }
0x1ad: {  	s11 =	rddreg [dreg:$0x7];
	[sflag:s19] =	ssyncadd.s32 $0xFFFFEC00  }
0x1ae: {  	[hbm4b:s11+s3] =	stream.linear.scatter [tilespmem:s21], [sflag:$0x3], $0x1400, $0x38;
	[tilespmem:$0x17000] =	vst v63  }
0x1af: {  	_ =	swait.ge [sflag:s18], $0x1400  }
0x1b0: {  	[sflag:s18] =	ssyncset.done $0x0  }
0x1b1: {  	s12 =	rddreg [dreg:$0x8];
	[sflag:s18] =	ssyncadd.s32 $0xFFFFEC00  }
0x1b2: {  	[hbm4b:s12+s3] =	stream.linear.scatter [tilespmem:s22], [sflag:$0x3], $0x1400, $0x38;
	[tilespmem:$0x17000] =	vst v63  }
0x1b3: {  	_ =	swait.ge [sflag:s18], $0x1400  }
0x1b4: {  	[sflag:s18] =	ssyncset.done $0x0  }
0x1b5: {  	s13 =	simm.s32 $0x3C80;
	[sflag:s18] =	ssyncadd.s32 $0xFFFFEC00  }
0x1b6: {  	[tilespmem:s23], [sflag:$0x1] =	stream.indirect.gather [hbm4b:s2+s20], $0x80, s13, s20, $0xb8;
	[tilespmem:$0x17000] =	vst v63  }
0x1b7: {  	s8 =	simm.s32 $0x7C80  }
0x1b8: {  	[tilespmem:s24], [sflag:$0x1] =	stream.indirect.gather [hbm4b:s4+s20], $0x80, s8, s20, $0xb8;
	[tilespmem:$0x17000] =	vst v63  }
0x1b9: {  	_ =	swait.ge [sflag:s19], $0x1400  }
0x1ba: {  	[sflag:s19] =	ssyncset.done $0x0  }
0x1bb: {  	[sflag:s19] =	ssyncadd.s32 $0xFFFFEC00  }
0x1bc: {  	_ =	swait.ge [sflag:s19], $0x1400  }
0x1bd: {  	[sflag:s19] =	ssyncset.done $0x0  }
0x1be: {  	s9 =	rddreg [dreg:$0x9];
	[sflag:s19] =	ssyncadd.s32 $0xFFFFEC00  }
0x1bf: {  	[hbm4b:s9+s3] =	stream.linear.scatter [tilespmem:s23], [sflag:$0x3], $0x1400, $0x38;
	[tilespmem:$0x17000] =	vst v63  }
0x1c0: {  	_ =	swait.ge [sflag:s18], $0x1400  }
0x1c1: {  	[sflag:s18] =	ssyncset.done $0x0  }
0x1c2: {  	s10 =	rddreg [dreg:$0xa];
	[sflag:s18] =	ssyncadd.s32 $0xFFFFEC00  }
0x1c3: {  	[hbm4b:s10+s3] =	stream.linear.scatter [tilespmem:s24], [sflag:$0x3], $0x1400, $0x38;
	[tilespmem:$0x17000] =	vst v63  }
0x1c4: {  	_ =	swait.ge [sflag:s18], $0x1400  }
0x1c5: {  	[sflag:s18] =	ssyncset.done $0x0  }
0x1c6: {  	s11 =	simm.s32 $0x3D00;
	[sflag:s18] =	ssyncadd.s32 $0xFFFFEC00  }
0x1c7: {  	[tilespmem:s25], [sflag:$0x1] =	stream.indirect.gather [hbm4b:s2+s20], $0x80, s11, s20, $0xb8;
	[tilespmem:$0x17000] =	vst v63  }
0x1c8: {  	s12 =	simm.s32 $0x7D00  }
0x1c9: {  	[tilespmem:s26], [sflag:$0x1] =	stream.indirect.gather [hbm4b:s4+s20], $0x80, s12, s20, $0xb8;
	[tilespmem:$0x17000] =	vst v63  }
0x1ca: {  	_ =	swait.ge [sflag:s19], $0x1400  }
0x1cb: {  	[sflag:s19] =	ssyncset.done $0x0  }
0x1cc: {  	[sflag:s19] =	ssyncadd.s32 $0xFFFFEC00  }
0x1cd: {  	_ =	swait.ge [sflag:s19], $0x1400  }
0x1ce: {  	[sflag:s19] =	ssyncset.done $0x0  }
0x1cf: {  	s13 =	rddreg [dreg:$0xb];
	[sflag:s19] =	ssyncadd.s32 $0xFFFFEC00  }
0x1d0: {  	[hbm4b:s13+s3] =	stream.linear.scatter [tilespmem:s25], [sflag:$0x3], $0x1400, $0x38;
	[tilespmem:$0x17000] =	vst v63  }
0x1d1: {  	_ =	swait.ge [sflag:s18], $0x1400  }
0x1d2: {  	[sflag:s18] =	ssyncset.done $0x0  }
0x1d3: {  	s8 =	rddreg [dreg:$0xc];
	[sflag:s18] =	ssyncadd.s32 $0xFFFFEC00  }
0x1d4: {  	[hbm4b:s8+s3] =	stream.linear.scatter [tilespmem:s26], [sflag:$0x3], $0x1400, $0x38;
	[tilespmem:$0x17000] =	vst v63  }
0x1d5: {  	_ =	swait.ge [sflag:s18], $0x1400  }
0x1d6: {  	[sflag:s18] =	ssyncset.done $0x0  }
0x1d7: {  	s9 =	simm.s32 $0x3D80;
	[sflag:s18] =	ssyncadd.s32 $0xFFFFEC00  }
0x1d8: {  	[tilespmem:s28], [sflag:$0x1] =	stream.indirect.gather [hbm4b:s2+s20], $0x80, s9, s20, $0xb8;
	[tilespmem:$0x17000] =	vst v63  }
0x1d9: {  	s10 =	simm.s32 $0x7D80  }
0x1da: {  	[tilespmem:s29], [sflag:$0x1] =	stream.indirect.gather [hbm4b:s4+s20], $0x80, s10, s20, $0xb8;
	[tilespmem:$0x17000] =	vst v63  }
0x1db: {  	_ =	swait.ge [sflag:s19], $0x1400  }
0x1dc: {  	[sflag:s19] =	ssyncset.done $0x0  }
0x1dd: {  	[sflag:s19] =	ssyncadd.s32 $0xFFFFEC00  }
0x1de: {  	_ =	swait.ge [sflag:s19], $0x1400  }
0x1df: {  	[sflag:s19] =	ssyncset.done $0x0  }
0x1e0: {  	s11 =	rddreg [dreg:$0xd];
	[sflag:s19] =	ssyncadd.s32 $0xFFFFEC00  }
0x1e1: {  	[hbm4b:s11+s3] =	stream.linear.scatter [tilespmem:s28], [sflag:$0x3], $0x1400, $0x38;
	[tilespmem:$0x17000] =	vst v63  }
0x1e2: {  	_ =	swait.ge [sflag:s18], $0x1400  }
0x1e3: {  	[sflag:s18] =	ssyncset.done $0x0  }
0x1e4: {  	[sflag:s18] =	ssyncadd.s32 $0xFFFFEC00  }
0x1e5: {  	[hbm4b:s14+s3] =	stream.linear.scatter [tilespmem:s29], [sflag:$0x3], $0x1400, $0x38;
	[tilespmem:$0x17000] =	vst v63  }
0x1e6: {  	_ =	swait.ge [sflag:s18], $0x1400  }
0x1e7: {  	[sflag:s18] =	ssyncset.done $0x0  }
0x1e8: {  	s12 =	simm.s32 $0x3E00;
	[sflag:s18] =	ssyncadd.s32 $0xFFFFEC00  }
0x1e9: {  	[tilespmem:s30], [sflag:$0x1] =	stream.indirect.gather [hbm4b:s2+s20], $0x80, s12, s20, $0xb8;
	[tilespmem:$0x17000] =	vst v63  }
0x1ea: {  	s13 =	simm.s32 $0x7E00  }
0x1eb: {  	[tilespmem:s31], [sflag:$0x1] =	stream.indirect.gather [hbm4b:s4+s20], $0x80, s13, s20, $0xb8;
	[tilespmem:$0x17000] =	vst v63  }
0x1ec: {  	_ =	swait.ge [sflag:s19], $0x1400  }
0x1ed: {  	[sflag:s19] =	ssyncset.done $0x0  }
0x1ee: {  	[sflag:s19] =	ssyncadd.s32 $0xFFFFEC00  }
0x1ef: {  	_ =	swait.ge [sflag:s19], $0x1400  }
0x1f0: {  	[sflag:s19] =	ssyncset.done $0x0  }
0x1f1: {  	[sflag:s19] =	ssyncadd.s32 $0xFFFFEC00  }
0x1f2: {  	[hbm4b:s15+s3] =	stream.linear.scatter [tilespmem:s30], [sflag:$0x3], $0x1400, $0x38;
	[tilespmem:$0x17000] =	vst v63  }
0x1f3: {  	s6 =	sadd.s32 $0x1, s6;
	_ =	swait.ge [sflag:s18], $0x1400  }
0x1f4: {  	p0 =	sne.s32 s6, s17;
	[sflag:s18] =	ssyncset.done $0x0  }
.Ltmp1:
0x1f5: {  	[sflag:s18] =	ssyncadd.s32 $0xFFFFEC00;
	(pc) =	sbr.rel @p0 .LBB2_1-.Ltmp1, $4  }
0x1f6: {  	[hbm4b:s16+s3] =	stream.linear.scatter [tilespmem:s31], [sflag:$0x3], $0x1400, $0x38;
	[tilespmem:$0x17000] =	vst v63  }
0x1f7: {  	_ =	swait.ge [sflag:s18], $0x1400  }
0x1f8: {  	[sflag:s18] =	ssyncset.done $0x0  }
0x1f9: {  	[sflag:s18] =	ssyncadd.s32 $0xFFFFEC00  }
0x1fa: {  	_ =	sfence.sel $0x180000  }
0x1fb: {  	[bflag:$0x0] =	sbarrier.arrive $0xFFFF  }
0x1fc: {  	_ =	strace $0x9000004A  }
0x1fd: {  	s0 =	stileid.u32;
	[bflag:$0x2] =	sbarrier.arrive $0xFFFF  }
0x1fe: {  	p0 =	sne.s32 s0, $0x0;
	s0 =	rddreg [dreg:$0x2]  }
0x1ff: {  	s0 =	sadd.s32 @!p0 $0x100000, s0  }
0x200: {  	[sflag:s0] =	ssyncadd.tile.s32 @!p0 $0x1;
	_ =	shalt  }
.Lfunc_end2:
_tile_overlayer_lowered:
.L_overlay_start_2:
0x201: {  	(tag) =	ssettag $0x2  }
0x202: {  	s0 =	rddreg [dreg:$0x0];
	s2 =	stileid.u32  }
0x203: {  	s1 =	rddreg [dreg:$0x1];
	p0 =	sne.s32 s2, $0x0  }
0x204: {  	s3 =	rddreg [dreg:$0x2];
	[bflag:$0x3] =	sbarrier.arrive $0xFFFF;
	s2 =	simm.s32 @!p0 $0x1C03  }
0x205: {  	[timem:s3], [sflag:s2] =	dma.local @!p0 [hbm:s0], s1  }
0x206: {  	s0 =	simm.s32 @!p0 $0x3  }
0x207: {  	_ =	swait.ge @!p0 [sflag:s0], s1  }
0x208: {  	s1 =	ssub.s32 @!p0 $0x0, s1;
	[sflag:s0] =	ssyncset.done @!p0 $0x0  }
0x209: {  	[sflag:s0] =	ssyncadd.s32 @!p0 s1  }
0x20a: {  	[bflag:$0x3] =	sbarrier.arrive $0xFFFF  }
0x20b: {  	_ =	shalt  }

// kernel: kernel.20.cloned.1.call-start
scs
__scs_entry_jumppad:
0x0: {  	(pc) =	sbr.rel $0x88, $3  }
0x1: {  	(tag) =	ssettag $0x0;
	lr =	simm.s32 $0x1  }
0x2: {  	[smem:$0x3F98] =	sst lr;
	_ =	strace $0xD0000000  }
0x3: {  	_ = 	snop  }
0x4: {  	_ = 	snop  }
0x5: {  	_ = 	snop  }
0x6: {  	_ = 	snop  }
0x7: {  	_ = 	snop  }
__scs_overlays_trampoline_lowered:
0x8: {  	[smem:$0x3FA7] =	sst s0  }
0x9: {  	[smem:$0x3FA8] =	sst s1  }
0xa: {  	[smem:$0x3FA9] =	sst s2  }
0xb: {  	[smem:$0x3FAA] =	sst s3  }
0xc: {  	[smem:$0x3FAB] =	sst s4  }
0xd: {  	[smem:$0x3FAC] =	sst s5  }
0xe: {  	[smem:$0x3FAD] =	sst s6  }
0xf: {  	[smem:$0x3FAE] =	sst s7  }
0x10: {  	[smem:$0x3FAF] =	sst s8  }
0x11: {  	[smem:$0x3FB0] =	sst s9;
	s0 =	simm.s32 @!p0 $0x0  }
0x12: {  	s1 =	sld [smem:$0x3F96];
	s0 =	simm.s32 @p0 $0x1  }
0x13: {  	[smem:$0x3FB1] =	sst s0;
	s0 =	simm.s32 @!p1 $0x0  }
0x14: {  	s2 =	sld [smem:$0x3F95];
	s0 =	simm.s32 @p1 $0x1  }
0x15: {  	[smem:$0x3FB2] =	sst s0;
	s0 =	simm.s32 @!p2 $0x0  }
0x16: {  	s3 =	sld [smem:$0x3FDB];
	s0 =	simm.s32 @p2 $0x1  }
0x17: {  	s4 =	simm.s32 $0x1BF5;
	[smem:$0x3FB4] =	sst s0  }
0x18: {  	s0 =	sld [smem:$0x3F97];
	_ =	swait.ge [sflag:s4], $0x0  }
0x19: {  	s7 =	sld [smem:$0x3F98]  }
0x1a: {  	s8 =	sadd.s32 $0xFFFFE003, lr  }
0x1b: {  	s9 =	sadd.s32 $0xFFFFFEF7, lr;
	s5 =	simm.s32 $0xFFFFFFFF;
	p2 =	slt.u32 s8, $0xFFFFF086  }
0x1c: {  	p1 =	slt.u32 s9, $0xF7A;
	s5 =	simm.s32 @!p2 $0x0  }
0x1d: {  	s5 =	simm.s32 @p1 $0x1;
	p0 =	seq.s32 s7, s2  }
0x1e: {  	s7 =	smul.u32 @!p0 $0xF7A, s2;
	p2 =	seq.s32 @!p0 s5, $0x0  }
0x1f: {  	s9 =	smul.u32 $0xF7A, s1;
	s8 =	simm.s32 @!p0 $0x1BF5;
	p2 =	por !p2, p0  }
0x20: {  	[sflag:s8] =	ssyncset.s32 @!p0 $0xFFFFF086;
	s6 =	sadd.s32 @!p0 s3, s7;
	s7 =	simm.s32 @!p0 $0x108  }
0x21: {  	s3 =	sadd.s32 s3, s9;
	s6 =	sadd.s32 @!p0 $0x88, s6;
	s7 =	simm.s32 @p2 $0x1082  }
0x22: {  	[simem:s7], [sflag:s8] =	dma.local @!p0 [hbm:s6], $0xF7A  }
0x23: {  	s9 =	sor.u32 $0xD0000000, s2;
	s6 =	simm.s32 $0x108;
	_ =	swait.ge @!p0 [sflag:s8], $0x0  }
0x24: {  	s3 =	sadd.s32 $0x88, s3;
	s6 =	simm.s32 @!p1 $0x1082;
	[sflag:s4] =	ssyncset.s32 $0xFFFFF086  }
0x25: {  	[simem:s6], [sflag:s4] =	dma.local [hbm:s3], $0xF7A  }
0x26: {  	[smem:$0x3F98] =	sst s1;
	(tag) =	ssettag s2;
	_ =	strace s9  }
0x27: {  	s1 =	sld [smem:$0x3FA8]  }
0x28: {  	s2 =	sld [smem:$0x3FA9]  }
0x29: {  	s4 =	sld [smem:$0x3FAB]  }
0x2a: {  	p0 =	seq.s32 s5, $0x0;
	s5 =	sld [smem:$0x3FAC]  }
0x2b: {  	s6 =	sld [smem:$0x3FAD]  }
0x2c: {  	s7 =	sld [smem:$0x3FAE]  }
0x2d: {  	s3 =	simm.s32 $0x108;
	s8 =	sld [smem:$0x3FAF]  }
0x2e: {  	s3 =	simm.s32 @!p0 $0x1082;
	s9 =	sld [smem:$0x3FB0]  }
0x2f: {  	lr =	sadd.s32 s0, s3;
	s0 =	sld [smem:$0x3FA7]  }
0x30: {  	s3 =	sld [smem:$0x3FAA]  }
0x31: {  	[smem:$0x3FB3] =	sst s10  }
0x32: {  	s10 =	sld [smem:$0x3FB1];
	_ =	sdelay $0x3  }
0x33: {  	p0 =	seq.s32 s10, $0x1;
	s10 =	sld [smem:$0x3FB3];
	_ =	sdelay $0x3  }
0x34: {  	[smem:$0x3FB3] =	sst s10  }
0x35: {  	s10 =	sld [smem:$0x3FB2];
	_ =	sdelay $0x3  }
0x36: {  	p1 =	seq.s32 s10, $0x1;
	s10 =	sld [smem:$0x3FB3];
	_ =	sdelay $0x3  }
0x37: {  	[smem:$0x3FB3] =	sst s10  }
0x38: {  	s10 =	sld [smem:$0x3FB4]  }
0x39: {  	_ = 	snop;
	(pc) =	sbr.ind lr, $3  }
0x3a: {  	_ = 	snop  }
0x3b: {  	_ = 	snop  }
0x3c: {  	p2 =	seq.s32 s10, $0x1;
	s10 =	sld [smem:$0x3FB3]  }
0x3d: {  	_ =	shalt  }
0x3e: {  	_ =	shalt  }
0x3f: {  	_ =	shalt  }
0x40: {  	_ =	shalt  }
0x41: {  	_ =	shalt  }
0x42: {  	_ =	shalt  }
0x43: {  	_ =	shalt  }
0x44: {  	_ =	shalt  }
0x45: {  	_ =	shalt  }
0x46: {  	_ =	shalt  }
0x47: {  	_ =	shalt  }
0x48: {  	_ =	shalt  }
0x49: {  	_ =	shalt  }
0x4a: {  	_ =	shalt  }
0x4b: {  	_ =	shalt  }
0x4c: {  	_ =	shalt  }
0x4d: {  	_ =	shalt  }
0x4e: {  	_ =	shalt  }
0x4f: {  	_ =	shalt  }
0x50: {  	_ =	shalt  }
0x51: {  	_ =	shalt  }
0x52: {  	_ =	shalt  }
0x53: {  	_ =	shalt  }
0x54: {  	_ =	shalt  }
0x55: {  	_ =	shalt  }
0x56: {  	_ =	shalt  }
0x57: {  	_ =	shalt  }
0x58: {  	_ =	shalt  }
0x59: {  	_ =	shalt  }
0x5a: {  	_ =	shalt  }
0x5b: {  	_ =	shalt  }
0x5c: {  	_ =	shalt  }
0x5d: {  	_ =	shalt  }
0x5e: {  	_ =	shalt  }
0x5f: {  	_ =	shalt  }
0x60: {  	_ =	shalt  }
0x61: {  	_ =	shalt  }
0x62: {  	_ =	shalt  }
0x63: {  	_ =	shalt  }
0x64: {  	_ =	shalt  }
0x65: {  	_ =	shalt  }
0x66: {  	_ =	shalt  }
0x67: {  	_ =	shalt  }
0x68: {  	_ =	shalt  }
0x69: {  	_ =	shalt  }
0x6a: {  	_ =	shalt  }
0x6b: {  	_ =	shalt  }
0x6c: {  	_ =	shalt  }
0x6d: {  	_ =	shalt  }
0x6e: {  	_ =	shalt  }
0x6f: {  	_ =	shalt  }
0x70: {  	_ =	shalt  }
0x71: {  	_ =	shalt  }
0x72: {  	_ =	shalt  }
0x73: {  	_ =	shalt  }
0x74: {  	_ =	shalt  }
0x75: {  	_ =	shalt  }
0x76: {  	_ =	shalt  }
0x77: {  	_ =	shalt  }
0x78: {  	_ =	shalt  }
0x79: {  	_ =	shalt  }
0x7a: {  	_ =	shalt  }
0x7b: {  	_ =	shalt  }
0x7c: {  	_ =	shalt  }
0x7d: {  	_ =	shalt  }
0x7e: {  	_ =	shalt  }
0x7f: {  	_ =	shalt  }
0x80: {  	_ =	shalt  }
0x81: {  	_ =	shalt  }
0x82: {  	_ =	shalt  }
0x83: {  	_ =	shalt  }
0x84: {  	_ =	shalt  }
0x85: {  	_ =	shalt  }
0x86: {  	_ =	shalt  }
0x87: {  	_ =	shalt  }
.Lfunc_end0:
.L_simem_size_0:
called_computation.3_lowered:
.L_overlay_start_0:
0x88: {  	s2 =	sld [smem:$0x3FD9]  }
0x89: {  	s3 =	sld [smem:$0x3FFE];
	_ =	sdelay $0x1  }
0x8a: {  	s1 =	srdreg.scid  }
0x8b: {  	s0 =	sand.u32 $0x1, s1  }
0x8c: {  	s17 =	sshll.u32 s0, $0xA;
	s2 =	sadd.s32 s3, s2  }
0x8d: {  	s2 =	sadd.s32 s2, s17  }
0x8e: {  	[smem:$0x3FBF] =	sst s2  }
0x8f: {  	_ = 	snop  }
0x90: {  	(tm) =	ssettm $0x1  }
0x91: {  	s18 =	sld [smem:$0x3FFB];
	_ =	sdelay $0x3  }
0x92: {  	_ =	strace s18  }
0x93: {  	s2 =	sld [smem:$0x3FFC];
	_ =	sdelay $0x3  }
0x94: {  	_ =	strace s2  }
0x95: {  	s2 =	sld [smem:$0x3FFD];
	_ =	sdelay $0x3  }
0x96: {  	_ =	strace s2  }
0x97: {  	_ =	strace $0x8FFFFFFF  }
0x98: {  	s19 =	sld [smem:$0x3FDB];
	_ =	sdelay $0x1  }
0x99: {  	s20 =	simm.s32 $_scs_section_size  }
0x9a: {  	s4 =	simm.s32 $_size__tile_overlayer_lowered;
	s5 =	simm.s32 $_tile_overlayer_lowered  }
0x9b: {  	s6 =	simm.s32 $0x1BFF;
	s21 =	sshll.u32 s5, $0x1;
	s3 =	sadd.s32 s20, s19  }
0x9c: {  	s22 =	simm.s32 $0x0;
	s4 =	sshll.u32 s4, $0x1;
	s5 =	sadd.s32 s21, s3  }
0x9d: {  	[timem:s22], [sflag:s6] =	dma.local [hbm:s5], s4  }
0x9e: {  	_ =	swait.ge [sflag:s6], s4  }
0x9f: {  	s4 =	ssub.s32 $0x0, s4;
	[sflag:s6] =	ssyncset.done $0x0  }
0xa0: {  	[sflag:s6] =	ssyncadd.s32 s4;
	_ =	sdelay $0x1  }
0xa1: {  	s23 =	simm.s32 $0x1B8B  }
0xa2: {  	_ =	swait.ge [sflag:s23], $0x1  }
0xa3: {  	[sflag:s23] =	ssyncset.done $0x0  }
0xa4: {  	[sflag:s23] =	ssyncadd.s32 $0xFFFFFFFF  }
0xa5: {  	s4 =	sld [smem:$0x0]  }
0xa6: {  	s5 =	sand.u32 $0xFFFFFFFE, s1  }
0xa7: {  	p0 =	sne.s32 s1, s5  }
0xa8: {  	s5 =	sshll.u32 @p0 s5, $0xE  }
0xa9: {  	s5 =	sadd.s32 @p0 $0x11B8D, s5;
	s6 =	sshll.u32 @p0 s4, $0x11  }
0xaa: {  	s5 =	sor.u32 @p0 s6, s5  }
0xab: {  	[sflag:s5] =	ssyncadd.remote.s32 @p0 $0x1;
	_ =	sdelay $0x1  }
0xac: {  	s5 =	simm.s32 @p0 $0x1B8D  }
0xad: {  	_ =	swait.eq @p0 [sflag:s5], $0x1  }
0xae: {  	[sflag:s5] =	ssyncadd.s32 @p0 $0xFFFFFFFF  }
0xaf: {  	s6 =	sshll.u32 @!p0 s1, $0xE  }
0xb0: {  	s6 =	sor.u32 @!p0 $0x4000, s6;
	s5 =	simm.s32 @!p0 $0x1B8D  }
0xb1: {  	s4 =	sshll.u32 @!p0 s4, $0x11;
	s6 =	sadd.s32 @!p0 $0x11B8D, s6;
	_ =	swait.eq @!p0 [sflag:s5], $0x1  }
0xb2: {  	s4 =	sor.u32 @!p0 s4, s6;
	[sflag:s5] =	ssyncadd.s32 @!p0 $0xFFFFFFFF  }
0xb3: {  	s25 =	simm.s32 $0x1B8E;
	s24 =	sld [smem:$0x3FFE];
	[sflag:s4] =	ssyncadd.remote.s32 @!p0 $0x1  }
0xb4: {  	s26 =	simm.s32 $execute0_lowered;
	[smem:$0x3FD2] =	sst s25  }
0xb5: {  	s5 =	sshll.u32 s26, $0x1;
	_ =	strace $0x80000052;
	[dreg:$0x1] =	wrdreg $0xFFFFFFFF  }
0xb6: {  	s28 =	simm.s32 $_size_execute0_lowered;
	s3 =	sadd.s32 s3, s5;
	[dreg:$0x0] =	wrdreg $0x0  }
0xb7: {  	s5 =	sshll.u32 s28, $0x1;
	[dreg:$0x2] =	wrdreg s3  }
0xb8: {  	[dreg:$0x3] =	wrdreg s5  }
0xb9: {  	[dreg:$0x4] =	wrdreg $0xC0  }
0xba: {  	_ =	task [dreg:s22], $0x5FFFF  }
0xbb: {  	[dreg:$0x1] =	wrdreg $0xFFFFFFFF  }
0xbc: {  	[dreg:$0x0] =	wrdreg $0x60  }
0xbd: {  	[dreg:$0x2] =	wrdreg s24  }
0xbe: {  	[dreg:$0x3] =	wrdreg $0x90000  }
0xbf: {  	[dreg:$0x4] =	wrdreg $0xB  }
0xc0: {  	_ =	task.clear_ibuf [dreg:s22], $0x5FFFF;
	_ =	strace $0x90000052  }
0xc1: {  	s29 =	simm.s32 $0xB;
	_ =	strace $0x80000054  }
0xc2: {  	_ =	swait.ge [sflag:s29], $0x1  }
0xc3: {  	[sflag:s29] =	ssyncadd.s32 $0xFFFFFFFF  }
0xc4: {  	_ =	strace $0x90000054  }
0xc5: {  	_ =	sfence  }
0xc6: {  	s30 =	sld [smem:$0x0];
	_ =	sdelay $0x2  }
0xc7: {  	s31 =	sshll.u32 s1, $0xD;
	s1 =	sshrl.u32 s1, $0x2  }
0xc8: {  	s4 =	sand.u32 $0x4000, s31;
	s1 =	sadd.s32 s1, s30  }
0xc9: {  	s0 =	sor.u32 s4, s0;
	s1 =	sshll.u32 s1, $0x11  }
0xca: {  	s0 =	sor.u32 s1, s0  }
0xcb: {  	s0 =	sadd.s32 $0x8F2B, s0  }
0xcc: {  	[sflag:s0] =	ssyncadd.remote.s32 $0x1  }
0xcd: {  	_ =	sfence.sel $0xFFFF  }
0xce: {  	[dreg:$0x0] =	wrdreg $0xFFFFFFFF;
	(pc) =	sbr.abs _section_cstart, $3  }
0xcf: {  	[dreg:$0x1] =	wrdreg $0xFFFFFFFF  }
0xd0: {  	_ =	task.clear_ibuf [dreg:s22], $0x2FFFF;
	_ =	strace $0x9FFFFFFF  }
0xd1: {  	(tm) =	ssettm $0x7FFFFFFF  }
tec
execute0_lowered:
.L_overlay_start_1:
0x0: {  	(tag) =	ssettag $0x1  }
0x1: {  	s5 =	rddreg [dreg:$0x0]  }
0x2: {  	s2 =	rddreg [dreg:$0x1]  }
0x3: {  	s0 =	rddreg [dreg:$0x2]  }
0x4: {  	s4 =	srdreg.scid;
	s3 =	simm.s32 $0x0;
	s1 =	stileid.u32  }
0x5: {  	s15 =	simm.s32 $0x1;
	s16 =	simm.s32 $0x28;
	s17 =	simm.s32 $0x6800  }
0x6: {  	s18 =	simm.s32 $0x7C00;
	s19 =	simm.s32 $0x2;
	s20 =	simm.s32 $0x3  }
0x7: {  	s21 =	simm.s32 $0x3E00;
	s22 =	simm.s32 $0x0;
	s9 =	smul.u32 $0x14000, s1  }
0x8: {  	s7 =	sand.u32 $0x1, s4;
	[smem:$0x7FF] =	sst s3;
	s28 =	smul.u32 $0x50000, s1  }
0x9: {  	s24 =	sshll.u32 s1, $0x1;
	s10 =	sadd.s32 $0x2BB400, s5;
	s29 =	smul.u32 $0x27100, s1  }
0xa: {  	s31 =	sshll.u32 s1, $0x6;
	s6 =	smul.u32 $0x140000, s7;
	_ =	strace $0x80000053  }
0xb: {  	s8 =	sor.u32 s7, s24;
	s25 =	ssub.s32 $0x2, s7;
	s14 =	smul.u32 $0x13880, s7  }
0xc: {  	s4 =	sshll.u32 s8, $0xB;
	s8 =	smul.u32 $0x9C400, s8;
	s26 =	sshrl.u32 s25, $0x1  }
0xd: {  	s30 =	sadd.s32 s29, s10;
	s11 =	sadd.s32 s4, s5;
	s6 =	sadd.s32 s9, s6  }
0xe: {  	s4 =	sadd.s32 $0xA3E400, s5;
	s9 =	ssub.s32 s25, s26;
	s6 =	sshrl.u32 s6, $0x3  }
0xf: {  	s8 =	sshrl.u32 s8, $0x3;
	s12 =	sadd.s32 s6, s5;
	s5 =	sadd.s32 $0x52C400, s11  }
0x10: {  	s6 =	sshrl.u32 s28, $0x2;
	s8 =	sadd.s32 s10, s8;
	s10 =	simm.s32 $0x4  }
0x11: {  	s11 =	sor.u32 $0x1C04, s31;
	s13 =	sadd.s32 s6, s2;
	s6 =	sadd.s32 $0x13600, s8  }
0x12: {  	s7 =	sadd.s32 $0xAF4C00, s12;
	s8 =	smax.u32 s9, $0x1;
	s9 =	sadd.s32 s14, s30  }
0x13: {  	s14 =	simm.s32 $0x5400;
	s12 =	sshrl.u32 s13, $0x3;
	s13 =	simm.s32 $0x4000  }
.LBB2_1:
0x14: {  	[tilespmem:s3], [sflag:$0x4] =	stream.linear.gather [hbm4b:s5+s3], $0x3E80, $0x38;
	[tilespmem:$0x1D000] =	vst v63  }
0x15: {  	_ =	swait.ge [sflag:s10], $0x3E80  }
0x16: {  	[sflag:s10] =	ssyncset.done $0x0  }
0x17: {  	[sflag:s10] =	ssyncadd.s32 $0xFFFFC180  }
0x18: {  	[spmem:s12], [sflag:s11] =	dma.local [hbm:s4], $0x2800  }
0x19: {  	_ =	swait.ge [sflag:s10], $0x2800  }
0x1a: {  	[sflag:s10] =	ssyncset.done $0x0  }
0x1b: {  	p0 =	por $0x1, $0x1;
	[sflag:s10] =	ssyncadd.s32 $0xFFFFD800  }
0x1c: {  	s23 =	simm.s32 @!p0 $0x2;
	[bflag:$0x0] =	sbarrier.arrive $0xFFFF  }
0x1d: {  	_ =	swait.ge @!p0 [sflag:s23], $0x1400  }
0x1e: {  	[sflag:s23] =	ssyncset.done @!p0 $0x0  }
0x1f: {  	[sflag:s23] =	ssyncadd.s32 @!p0 $0xFFFFEC00  }
0x20: {  	_ =	swait.ge @!p0 [sflag:s23], $0x1400  }
0x21: {  	[sflag:s23] =	ssyncset.done @!p0 $0x0  }
0x22: {  	[sflag:s23] =	ssyncadd.s32 @!p0 $0xFFFFEC00  }
0x23: {  	[tilespmem:s13], [sflag:$0x1] =	stream.linear.gather [hbm4b:s9+s3], $0x1400, $0x38;
	[tilespmem:$0x1D000] =	vst v63  }
0x24: {  	s25 =	sadd.s32 $0x280, s9  }
0x25: {  	[tilespmem:s14], [sflag:$0x1] =	stream.linear.gather [hbm4b:s25+s3], $0x1400, $0x38;
	[tilespmem:$0x1D000] =	vst v63  }
0x26: {  	_ =	swait.ge [sflag:s15], $0x1400  }
0x27: {  	[sflag:s15] =	ssyncset.done $0x0  }
0x28: {  	[sflag:s15] =	ssyncadd.s32 $0xFFFFEC00  }
0x29: {  	_ =	swait.ge [sflag:s15], $0x1400  }
0x2a: {  	[sflag:s15] =	ssyncset.done $0x0  }
0x2b: {  	s26 =	simm.s32 $0x0;
	[sflag:s15] =	ssyncadd.s32 $0xFFFFEC00  }
0x2c: {  	[spmem:s2] =	stream.indirect.scatter.add.f32 [tilespmem:s13], [sflag:$0x2], $0x80, s26, s16, $0xb8;
	[tilespmem:$0x1D000] =	vst v63  }
0x2d: {  	s28 =	simm.s32 $0x80;
	s24 =	simm.s32 @!p0 $0x3  }
0x2e: {  	[spmem:s2] =	stream.indirect.scatter.add.f32 [tilespmem:s14], [sflag:$0x2], $0x80, s28, s16, $0xb8;
	[tilespmem:$0x1D000] =	vst v63  }
0x2f: {  	_ =	swait.ge @!p0 [sflag:s24], $0x1400  }
0x30: {  	[sflag:s24] =	ssyncset.done @!p0 $0x0  }
0x31: {  	[sflag:s24] =	ssyncadd.s32 @!p0 $0xFFFFEC00  }
0x32: {  	_ =	swait.ge @!p0 [sflag:s24], $0x1400  }
0x33: {  	[sflag:s24] =	ssyncset.done @!p0 $0x0  }
0x34: {  	s29 =	sadd.s32 $0x500, s9;
	[sflag:s24] =	ssyncadd.s32 @!p0 $0xFFFFEC00  }
0x35: {  	[tilespmem:s17], [sflag:$0x1] =	stream.linear.gather [hbm4b:s29+s3], $0x1400, $0x38;
	[tilespmem:$0x1D000] =	vst v63  }
0x36: {  	s30 =	sadd.s32 $0x780, s9  }
0x37: {  	[tilespmem:s18], [sflag:$0x1] =	stream.linear.gather [hbm4b:s30+s3], $0x1400, $0x38;
	[tilespmem:$0x1D000] =	vst v63  }
0x38: {  	_ =	swait.ge [sflag:s15], $0x1400  }
0x39: {  	[sflag:s15] =	ssyncset.done $0x0  }
0x3a: {  	[sflag:s15] =	ssyncadd.s32 $0xFFFFEC00  }
0x3b: {  	s31 =	simm.s32 $0x100;
	s23 =	simm.s32 $0x800;
	_ =	swait.ge [sflag:s15], $0x1400  }
0x3c: {  	s25 =	simm.s32 $0x1000;
	s26 =	simm.s32 $0x180;
	[sflag:s15] =	ssyncset.done $0x0  }
0x3d: {  	p0 =	por $0x0, $0x0;
	s24 =	smov.u32 s9;
	[sflag:s15] =	ssyncadd.s32 $0xFFFFEC00  }
0x3e: {  	[spmem:s2] =	stream.indirect.scatter.add.f32 [tilespmem:s17], [sflag:$0x3], $0x80, s31, s16, $0xb8;
	[tilespmem:$0x1D000] =	vst v63  }
.LBB2_2:
0x3f: {  	s28 =	simm.s32 @!p0 $0x2  }
0x40: {  	s24 =	sadd.s32 $0xA00, s24;
	s29 =	smov.u32 s25;
	s25 =	sadd.s32 $0x800, s25  }
0x41: {  	[spmem:s2] =	stream.indirect.scatter.add.f32 [tilespmem:s18], [sflag:$0x3], $0x80, s26, s16, $0xb8;
	[tilespmem:$0x1D000] =	vst v63  }
0x42: {  	p1 =	sne.s32 s25, $0xF800;
	_ =	swait.ge @!p0 [sflag:s28], $0x1400  }
0x43: {  	[sflag:s28] =	ssyncset.done @!p0 $0x0  }
0x44: {  	[sflag:s28] =	ssyncadd.s32 @!p0 $0xFFFFEC00  }
0x45: {  	_ =	swait.ge @!p0 [sflag:s28], $0x1400  }
0x46: {  	[sflag:s28] =	ssyncset.done @!p0 $0x0  }
0x47: {  	[sflag:s28] =	ssyncadd.s32 @!p0 $0xFFFFEC00  }
0x48: {  	[tilespmem:s13], [sflag:$0x1] =	stream.linear.gather [hbm4b:s24+s3], $0x1400, $0x38;
	[tilespmem:$0x1D000] =	vst v63  }
0x49: {  	s26 =	sadd.s32 $0x280, s24  }
0x4a: {  	[tilespmem:s14], [sflag:$0x1] =	stream.linear.gather [hbm4b:s26+s3], $0x1400, $0x38;
	[tilespmem:$0x1D000] =	vst v63  }
0x4b: {  	_ =	swait.ge [sflag:s15], $0x1400  }
0x4c: {  	[sflag:s15] =	ssyncset.done $0x0  }
0x4d: {  	[sflag:s15] =	ssyncadd.s32 $0xFFFFEC00  }
0x4e: {  	_ =	swait.ge [sflag:s15], $0x1400  }
0x4f: {  	[sflag:s15] =	ssyncset.done $0x0  }
0x50: {  	s28 =	sshra.s32 s23, $0x2;
	s23 =	smov.u32 s29;
	[sflag:s15] =	ssyncadd.s32 $0xFFFFEC00  }
0x51: {  	[spmem:s2] =	stream.indirect.scatter.add.f32 [tilespmem:s13], [sflag:$0x2], $0x80, s28, s16, $0xb8;
	[tilespmem:$0x1D000] =	vst v63  }
0x52: {  	s29 =	simm.s32 @!p0 $0x3;
	s26 =	sadd.s32 $0x80, s28  }
0x53: {  	[spmem:s2] =	stream.indirect.scatter.add.f32 [tilespmem:s14], [sflag:$0x2], $0x80, s26, s16, $0xb8;
	[tilespmem:$0x1D000] =	vst v63  }
0x54: {  	_ =	swait.ge @!p0 [sflag:s29], $0x1400  }
0x55: {  	[sflag:s29] =	ssyncset.done @!p0 $0x0  }
0x56: {  	[sflag:s29] =	ssyncadd.s32 @!p0 $0xFFFFEC00  }
0x57: {  	_ =	swait.ge @!p0 [sflag:s29], $0x1400  }
0x58: {  	[sflag:s29] =	ssyncset.done @!p0 $0x0  }
0x59: {  	s26 =	sadd.s32 $0x500, s24;
	[sflag:s29] =	ssyncadd.s32 @!p0 $0xFFFFEC00  }
0x5a: {  	[tilespmem:s17], [sflag:$0x1] =	stream.linear.gather [hbm4b:s26+s3], $0x1400, $0x38;
	[tilespmem:$0x1D000] =	vst v63  }
0x5b: {  	s26 =	sadd.s32 $0x780, s24  }
0x5c: {  	[tilespmem:s18], [sflag:$0x1] =	stream.linear.gather [hbm4b:s26+s3], $0x1400, $0x38;
	[tilespmem:$0x1D000] =	vst v63  }
0x5d: {  	_ =	swait.ge [sflag:s15], $0x1400  }
0x5e: {  	[sflag:s15] =	ssyncset.done $0x0  }
.Ltmp0:
0x5f: {  	[sflag:s15] =	ssyncadd.s32 $0xFFFFEC00;
	(pc) =	sbr.rel @p1 .LBB2_2-.Ltmp0, $4  }
0x60: {  	_ =	swait.ge [sflag:s15], $0x1400  }
0x61: {  	s26 =	sadd.s32 $0x180, s28;
	[sflag:s15] =	ssyncset.done $0x0  }
0x62: {  	p0 =	seq.s32 s23, $0x0;
	s28 =	sadd.s32 $0x100, s28;
	[sflag:s15] =	ssyncadd.s32 $0xFFFFEC00  }
0x63: {  	[spmem:s2] =	stream.indirect.scatter.add.f32 [tilespmem:s17], [sflag:$0x3], $0x80, s28, s16, $0xb8;
	[tilespmem:$0x1D000] =	vst v63  }
0x64: {  	s25 =	simm.s32 @!p0 $0x2  }
0x65: {  	[spmem:s2] =	stream.indirect.scatter.add.f32 [tilespmem:s18], [sflag:$0x3], $0x80, s26, s16, $0xb8;
	[tilespmem:$0x1D000] =	vst v63  }
0x66: {  	_ =	swait.ge @!p0 [sflag:s25], $0x1400  }
0x67: {  	[sflag:s25] =	ssyncset.done @!p0 $0x0  }
0x68: {  	[sflag:s25] =	ssyncadd.s32 @!p0 $0xFFFFEC00  }
0x69: {  	_ =	swait.ge @!p0 [sflag:s25], $0x1400  }
0x6a: {  	[sflag:s25] =	ssyncset.done @!p0 $0x0  }
0x6b: {  	s24 =	sadd.s32 $0xA00, s24;
	[sflag:s25] =	ssyncadd.s32 @!p0 $0xFFFFEC00  }
0x6c: {  	[tilespmem:s13], [sflag:$0x1] =	stream.linear.gather [hbm4b:s24+s3], $0x1400, $0x38;
	[tilespmem:$0x1D000] =	vst v63  }
0x6d: {  	s28 =	sadd.s32 $0x280, s24  }
0x6e: {  	[tilespmem:s14], [sflag:$0x1] =	stream.linear.gather [hbm4b:s28+s3], $0x1400, $0x38;
	[tilespmem:$0x1D000] =	vst v63  }
0x6f: {  	_ =	swait.ge [sflag:s15], $0x1400  }
0x70: {  	[sflag:s15] =	ssyncset.done $0x0  }
0x71: {  	[sflag:s15] =	ssyncadd.s32 $0xFFFFEC00  }
0x72: {  	_ =	swait.ge [sflag:s15], $0x1400  }
0x73: {  	[sflag:s15] =	ssyncset.done $0x0  }
0x74: {  	s23 =	sshra.s32 s23, $0x2;
	[sflag:s15] =	ssyncadd.s32 $0xFFFFEC00  }
0x75: {  	[spmem:s2] =	stream.indirect.scatter.add.f32 [tilespmem:s13], [sflag:$0x2], $0x80, s23, s16, $0xb8;
	[tilespmem:$0x1D000] =	vst v63  }
0x76: {  	s26 =	simm.s32 @!p0 $0x3;
	s29 =	sadd.s32 $0x80, s23  }
0x77: {  	[spmem:s2] =	stream.indirect.scatter.add.f32 [tilespmem:s14], [sflag:$0x2], $0x80, s29, s16, $0xb8;
	[tilespmem:$0x1D000] =	vst v63  }
0x78: {  	_ =	swait.ge @!p0 [sflag:s26], $0x1400  }
0x79: {  	[sflag:s26] =	ssyncset.done @!p0 $0x0  }
0x7a: {  	[sflag:s26] =	ssyncadd.s32 @!p0 $0xFFFFEC00  }
0x7b: {  	_ =	swait.ge @!p0 [sflag:s26], $0x1400  }
0x7c: {  	[sflag:s26] =	ssyncset.done @!p0 $0x0  }
0x7d: {  	s30 =	sadd.s32 $0x500, s24;
	[sflag:s26] =	ssyncadd.s32 @!p0 $0xFFFFEC00  }
0x7e: {  	[tilespmem:s17], [sflag:$0x1] =	stream.linear.gather [hbm4b:s30+s3], $0x1400, $0x38;
	[tilespmem:$0x1D000] =	vst v63  }
0x7f: {  	s24 =	sadd.s32 $0x780, s24  }
0x80: {  	[tilespmem:s18], [sflag:$0x1] =	stream.linear.gather [hbm4b:s24+s3], $0x1400, $0x38;
	[tilespmem:$0x1D000] =	vst v63  }
0x81: {  	_ =	swait.ge [sflag:s15], $0x1400  }
0x82: {  	[sflag:s15] =	ssyncset.done $0x0  }
0x83: {  	[sflag:s15] =	ssyncadd.s32 $0xFFFFEC00  }
0x84: {  	_ =	swait.ge [sflag:s15], $0x1400  }
0x85: {  	[sflag:s15] =	ssyncset.done $0x0  }
0x86: {  	s31 =	sadd.s32 $0x100, s23;
	[sflag:s15] =	ssyncadd.s32 $0xFFFFEC00  }
0x87: {  	[spmem:s2] =	stream.indirect.scatter.add.f32 [tilespmem:s17], [sflag:$0x3], $0x80, s31, s16, $0xb8;
	[tilespmem:$0x1D000] =	vst v63  }
0x88: {  	s23 =	sadd.s32 $0x180, s23  }
0x89: {  	[spmem:s2] =	stream.indirect.scatter.add.f32 [tilespmem:s18], [sflag:$0x3], $0x80, s23, s16, $0xb8;
	[tilespmem:$0x1D000] =	vst v63  }
0x8a: {  	_ =	swait.ge [sflag:s19], $0x1400  }
0x8b: {  	[sflag:s19] =	ssyncset.done $0x0  }
0x8c: {  	[sflag:s19] =	ssyncadd.s32 $0xFFFFEC00  }
0x8d: {  	_ =	swait.ge [sflag:s19], $0x1400  }
0x8e: {  	[sflag:s19] =	ssyncset.done $0x0  }
0x8f: {  	[sflag:s19] =	ssyncadd.s32 $0xFFFFEC00  }
0x90: {  	_ =	swait.ge [sflag:s20], $0x1400  }
0x91: {  	[sflag:s20] =	ssyncset.done $0x0  }
0x92: {  	[sflag:s20] =	ssyncadd.s32 $0xFFFFEC00  }
0x93: {  	_ =	swait.ge [sflag:s20], $0x1400  }
0x94: {  	[sflag:s20] =	ssyncset.done $0x0  }
0x95: {  	[sflag:s20] =	ssyncadd.s32 $0xFFFFEC00  }
0x96: {  	[tilespmem:s13], [sflag:$0x4] =	stream.linear.gather [hbm4b:s6+s3], $0x1400, $0x38;
	[tilespmem:$0x1D000] =	vst v63  }
0x97: {  	_ =	swait.ge [sflag:s10], $0x1400  }
0x98: {  	[sflag:s10] =	ssyncset.done $0x0  }
0x99: {  	[sflag:s10] =	ssyncadd.s32 $0xFFFFEC00  }
0x9a: {  	[spmem:s2] =	stream.indirect.scatter.add.f32 [tilespmem:s13], [sflag:$0x4], $0x80, s21, s16, $0xb8;
	[tilespmem:$0x1D000] =	vst v63  }
0x9b: {  	_ =	swait.ge [sflag:s10], $0x1400  }
0x9c: {  	s22 =	sadd.s32 $0x1, s22;
	[sflag:s10] =	ssyncset.done $0x0  }
0x9d: {  	p0 =	sne.s32 s22, s8;
	[sflag:s10] =	ssyncadd.s32 $0xFFFFEC00  }
.Ltmp1:
0x9e: {  	[bflag:$0x0] =	sbarrier.arrive $0xFFFF;
	(pc) =	sbr.rel @p0 .LBB2_1-.Ltmp1, $4  }
0x9f: {  	[hbm:s7], [sflag:s11] =	dma.local [spmem:s12], $0x2800  }
0xa0: {  	_ =	swait.ge [sflag:s10], $0x2800  }
0xa1: {  	[sflag:s10] =	ssyncset.done $0x0  }
0xa2: {  	[sflag:s10] =	ssyncadd.s32 $0xFFFFD800  }
0xa3: {  	_ =	sfence.sel $0x180000  }
0xa4: {  	[bflag:$0x0] =	sbarrier.arrive $0xFFFF  }
0xa5: {  	p0 =	sne.s32 s1, $0x0;
	_ =	strace $0x90000053  }
0xa6: {  	s0 =	sadd.s32 @!p0 $0x100000, s0;
	[bflag:$0x2] =	sbarrier.arrive $0xFFFF  }
0xa7: {  	[sflag:s0] =	ssyncadd.tile.s32 @!p0 $0x1;
	_ =	shalt  }
.Lfunc_end2:
_tile_overlayer_lowered:
.L_overlay_start_2:
0xa8: {  	(tag) =	ssettag $0x2  }
0xa9: {  	s0 =	rddreg [dreg:$0x0];
	s2 =	stileid.u32  }
0xaa: {  	s1 =	rddreg [dreg:$0x1];
	p0 =	sne.s32 s2, $0x0  }
0xab: {  	s3 =	rddreg [dreg:$0x2];
	[bflag:$0x3] =	sbarrier.arrive $0xFFFF;
	s2 =	simm.s32 @!p0 $0x1C04  }
0xac: {  	[timem:s3], [sflag:s2] =	dma.local @!p0 [hbm:s0], s1  }
0xad: {  	s0 =	simm.s32 @!p0 $0x4  }
0xae: {  	_ =	swait.ge @!p0 [sflag:s0], s1  }
0xaf: {  	s1 =	ssub.s32 @!p0 $0x0, s1;
	[sflag:s0] =	ssyncset.done @!p0 $0x0  }
0xb0: {  	[sflag:s0] =	ssyncadd.s32 @!p0 s1  }
0xb1: {  	[bflag:$0x3] =	sbarrier.arrive $0xFFFF  }
0xb2: {  	_ =	shalt  }

// kernel: kernel.23.cloned.1.call-start
scs
__scs_entry_jumppad:
0x0: {  	(pc) =	sbr.rel $0x88, $3  }
0x1: {  	(tag) =	ssettag $0x0;
	lr =	simm.s32 $0x1  }
0x2: {  	[smem:$0x3F98] =	sst lr;
	_ =	strace $0xD0000000  }
0x3: {  	_ = 	snop  }
0x4: {  	_ = 	snop  }
0x5: {  	_ = 	snop  }
0x6: {  	_ = 	snop  }
0x7: {  	_ = 	snop  }
__scs_overlays_trampoline_lowered:
0x8: {  	[smem:$0x3FA7] =	sst s0  }
0x9: {  	[smem:$0x3FA8] =	sst s1  }
0xa: {  	[smem:$0x3FA9] =	sst s2  }
0xb: {  	[smem:$0x3FAA] =	sst s3  }
0xc: {  	[smem:$0x3FAB] =	sst s4  }
0xd: {  	[smem:$0x3FAC] =	sst s5  }
0xe: {  	[smem:$0x3FAD] =	sst s6  }
0xf: {  	[smem:$0x3FAE] =	sst s7  }
0x10: {  	[smem:$0x3FAF] =	sst s8  }
0x11: {  	[smem:$0x3FB0] =	sst s9;
	s0 =	simm.s32 @!p0 $0x0  }
0x12: {  	s1 =	sld [smem:$0x3F96];
	s0 =	simm.s32 @p0 $0x1  }
0x13: {  	[smem:$0x3FB1] =	sst s0;
	s0 =	simm.s32 @!p1 $0x0  }
0x14: {  	s2 =	sld [smem:$0x3F95];
	s0 =	simm.s32 @p1 $0x1  }
0x15: {  	[smem:$0x3FB2] =	sst s0;
	s0 =	simm.s32 @!p2 $0x0  }
0x16: {  	s3 =	sld [smem:$0x3FDB];
	s0 =	simm.s32 @p2 $0x1  }
0x17: {  	s4 =	simm.s32 $0x1BF5;
	[smem:$0x3FB4] =	sst s0  }
0x18: {  	s0 =	sld [smem:$0x3F97];
	_ =	swait.ge [sflag:s4], $0x0  }
0x19: {  	s7 =	sld [smem:$0x3F98]  }
0x1a: {  	s8 =	sadd.s32 $0xFFFFE003, lr  }
0x1b: {  	s9 =	sadd.s32 $0xFFFFFEF7, lr;
	s5 =	simm.s32 $0xFFFFFFFF;
	p2 =	slt.u32 s8, $0xFFFFF086  }
0x1c: {  	p1 =	slt.u32 s9, $0xF7A;
	s5 =	simm.s32 @!p2 $0x0  }
0x1d: {  	s5 =	simm.s32 @p1 $0x1;
	p0 =	seq.s32 s7, s2  }
0x1e: {  	s7 =	smul.u32 @!p0 $0xF7A, s2;
	p2 =	seq.s32 @!p0 s5, $0x0  }
0x1f: {  	s9 =	smul.u32 $0xF7A, s1;
	s8 =	simm.s32 @!p0 $0x1BF5;
	p2 =	por !p2, p0  }
0x20: {  	[sflag:s8] =	ssyncset.s32 @!p0 $0xFFFFF086;
	s6 =	sadd.s32 @!p0 s3, s7;
	s7 =	simm.s32 @!p0 $0x108  }
0x21: {  	s3 =	sadd.s32 s3, s9;
	s6 =	sadd.s32 @!p0 $0x88, s6;
	s7 =	simm.s32 @p2 $0x1082  }
0x22: {  	[simem:s7], [sflag:s8] =	dma.local @!p0 [hbm:s6], $0xF7A  }
0x23: {  	s9 =	sor.u32 $0xD0000000, s2;
	s6 =	simm.s32 $0x108;
	_ =	swait.ge @!p0 [sflag:s8], $0x0  }
0x24: {  	s3 =	sadd.s32 $0x88, s3;
	s6 =	simm.s32 @!p1 $0x1082;
	[sflag:s4] =	ssyncset.s32 $0xFFFFF086  }
0x25: {  	[simem:s6], [sflag:s4] =	dma.local [hbm:s3], $0xF7A  }
0x26: {  	[smem:$0x3F98] =	sst s1;
	(tag) =	ssettag s2;
	_ =	strace s9  }
0x27: {  	s1 =	sld [smem:$0x3FA8]  }
0x28: {  	s2 =	sld [smem:$0x3FA9]  }
0x29: {  	s4 =	sld [smem:$0x3FAB]  }
0x2a: {  	p0 =	seq.s32 s5, $0x0;
	s5 =	sld [smem:$0x3FAC]  }
0x2b: {  	s6 =	sld [smem:$0x3FAD]  }
0x2c: {  	s7 =	sld [smem:$0x3FAE]  }
0x2d: {  	s3 =	simm.s32 $0x108;
	s8 =	sld [smem:$0x3FAF]  }
0x2e: {  	s3 =	simm.s32 @!p0 $0x1082;
	s9 =	sld [smem:$0x3FB0]  }
0x2f: {  	lr =	sadd.s32 s0, s3;
	s0 =	sld [smem:$0x3FA7]  }
0x30: {  	s3 =	sld [smem:$0x3FAA]  }
0x31: {  	[smem:$0x3FB3] =	sst s10  }
0x32: {  	s10 =	sld [smem:$0x3FB1];
	_ =	sdelay $0x3  }
0x33: {  	p0 =	seq.s32 s10, $0x1;
	s10 =	sld [smem:$0x3FB3];
	_ =	sdelay $0x3  }
0x34: {  	[smem:$0x3FB3] =	sst s10  }
0x35: {  	s10 =	sld [smem:$0x3FB2];
	_ =	sdelay $0x3  }
0x36: {  	p1 =	seq.s32 s10, $0x1;
	s10 =	sld [smem:$0x3FB3];
	_ =	sdelay $0x3  }
0x37: {  	[smem:$0x3FB3] =	sst s10  }
0x38: {  	s10 =	sld [smem:$0x3FB4]  }
0x39: {  	_ = 	snop;
	(pc) =	sbr.ind lr, $3  }
0x3a: {  	_ = 	snop  }
0x3b: {  	_ = 	snop  }
0x3c: {  	p2 =	seq.s32 s10, $0x1;
	s10 =	sld [smem:$0x3FB3]  }
0x3d: {  	_ =	shalt  }
0x3e: {  	_ =	shalt  }
0x3f: {  	_ =	shalt  }
0x40: {  	_ =	shalt  }
0x41: {  	_ =	shalt  }
0x42: {  	_ =	shalt  }
0x43: {  	_ =	shalt  }
0x44: {  	_ =	shalt  }
0x45: {  	_ =	shalt  }
0x46: {  	_ =	shalt  }
0x47: {  	_ =	shalt  }
0x48: {  	_ =	shalt  }
0x49: {  	_ =	shalt  }
0x4a: {  	_ =	shalt  }
0x4b: {  	_ =	shalt  }
0x4c: {  	_ =	shalt  }
0x4d: {  	_ =	shalt  }
0x4e: {  	_ =	shalt  }
0x4f: {  	_ =	shalt  }
0x50: {  	_ =	shalt  }
0x51: {  	_ =	shalt  }
0x52: {  	_ =	shalt  }
0x53: {  	_ =	shalt  }
0x54: {  	_ =	shalt  }
0x55: {  	_ =	shalt  }
0x56: {  	_ =	shalt  }
0x57: {  	_ =	shalt  }
0x58: {  	_ =	shalt  }
0x59: {  	_ =	shalt  }
0x5a: {  	_ =	shalt  }
0x5b: {  	_ =	shalt  }
0x5c: {  	_ =	shalt  }
0x5d: {  	_ =	shalt  }
0x5e: {  	_ =	shalt  }
0x5f: {  	_ =	shalt  }
0x60: {  	_ =	shalt  }
0x61: {  	_ =	shalt  }
0x62: {  	_ =	shalt  }
0x63: {  	_ =	shalt  }
0x64: {  	_ =	shalt  }
0x65: {  	_ =	shalt  }
0x66: {  	_ =	shalt  }
0x67: {  	_ =	shalt  }
0x68: {  	_ =	shalt  }
0x69: {  	_ =	shalt  }
0x6a: {  	_ =	shalt  }
0x6b: {  	_ =	shalt  }
0x6c: {  	_ =	shalt  }
0x6d: {  	_ =	shalt  }
0x6e: {  	_ =	shalt  }
0x6f: {  	_ =	shalt  }
0x70: {  	_ =	shalt  }
0x71: {  	_ =	shalt  }
0x72: {  	_ =	shalt  }
0x73: {  	_ =	shalt  }
0x74: {  	_ =	shalt  }
0x75: {  	_ =	shalt  }
0x76: {  	_ =	shalt  }
0x77: {  	_ =	shalt  }
0x78: {  	_ =	shalt  }
0x79: {  	_ =	shalt  }
0x7a: {  	_ =	shalt  }
0x7b: {  	_ =	shalt  }
0x7c: {  	_ =	shalt  }
0x7d: {  	_ =	shalt  }
0x7e: {  	_ =	shalt  }
0x7f: {  	_ =	shalt  }
0x80: {  	_ =	shalt  }
0x81: {  	_ =	shalt  }
0x82: {  	_ =	shalt  }
0x83: {  	_ =	shalt  }
0x84: {  	_ =	shalt  }
0x85: {  	_ =	shalt  }
0x86: {  	_ =	shalt  }
0x87: {  	_ =	shalt  }
.Lfunc_end0:
.L_simem_size_0:
called_computation.4_lowered:
.L_overlay_start_0:
0x88: {  	s2 =	sld [smem:$0x3FD9]  }
0x89: {  	s3 =	sld [smem:$0x3FFE];
	_ =	sdelay $0x1  }
0x8a: {  	s1 =	srdreg.scid  }
0x8b: {  	s0 =	sand.u32 $0x1, s1  }
0x8c: {  	s17 =	sshll.u32 s0, $0xA;
	s2 =	sadd.s32 s3, s2  }
0x8d: {  	s2 =	sadd.s32 s2, s17  }
0x8e: {  	[smem:$0x3FBF] =	sst s2  }
0x8f: {  	_ = 	snop  }
0x90: {  	(tm) =	ssettm $0x1  }
0x91: {  	s18 =	sld [smem:$0x3FFB];
	_ =	sdelay $0x3  }
0x92: {  	_ =	strace s18  }
0x93: {  	s2 =	sld [smem:$0x3FFC];
	_ =	sdelay $0x3  }
0x94: {  	_ =	strace s2  }
0x95: {  	s2 =	sld [smem:$0x3FFD];
	_ =	sdelay $0x3  }
0x96: {  	_ =	strace s2  }
0x97: {  	_ =	strace $0x8FFFFFFF  }
0x98: {  	s19 =	sld [smem:$0x3FDB];
	_ =	sdelay $0x1  }
0x99: {  	s20 =	simm.s32 $_scs_section_size  }
0x9a: {  	s4 =	simm.s32 $_size__tile_overlayer_lowered;
	s5 =	simm.s32 $_tile_overlayer_lowered  }
0x9b: {  	s6 =	simm.s32 $0x1BFF;
	s21 =	sshll.u32 s5, $0x1;
	s3 =	sadd.s32 s20, s19  }
0x9c: {  	s22 =	simm.s32 $0x0;
	s4 =	sshll.u32 s4, $0x1;
	s5 =	sadd.s32 s21, s3  }
0x9d: {  	[timem:s22], [sflag:s6] =	dma.local [hbm:s5], s4  }
0x9e: {  	_ =	swait.ge [sflag:s6], s4  }
0x9f: {  	s4 =	ssub.s32 $0x0, s4;
	[sflag:s6] =	ssyncset.done $0x0  }
0xa0: {  	[sflag:s6] =	ssyncadd.s32 s4;
	_ =	sdelay $0x1  }
0xa1: {  	s23 =	simm.s32 $0x1B8B  }
0xa2: {  	_ =	swait.ge [sflag:s23], $0x1  }
0xa3: {  	[sflag:s23] =	ssyncset.done $0x0  }
0xa4: {  	[sflag:s23] =	ssyncadd.s32 $0xFFFFFFFF  }
0xa5: {  	s4 =	sld [smem:$0x0]  }
0xa6: {  	s5 =	sand.u32 $0xFFFFFFFE, s1  }
0xa7: {  	p0 =	sne.s32 s1, s5  }
0xa8: {  	s5 =	sshll.u32 @p0 s5, $0xE  }
0xa9: {  	s5 =	sadd.s32 @p0 $0x11B8D, s5;
	s6 =	sshll.u32 @p0 s4, $0x11  }
0xaa: {  	s5 =	sor.u32 @p0 s6, s5  }
0xab: {  	[sflag:s5] =	ssyncadd.remote.s32 @p0 $0x1;
	_ =	sdelay $0x1  }
0xac: {  	s5 =	simm.s32 @p0 $0x1B8D  }
0xad: {  	_ =	swait.eq @p0 [sflag:s5], $0x1  }
0xae: {  	[sflag:s5] =	ssyncadd.s32 @p0 $0xFFFFFFFF  }
0xaf: {  	s6 =	sshll.u32 @!p0 s1, $0xE  }
0xb0: {  	s6 =	sor.u32 @!p0 $0x4000, s6;
	s5 =	simm.s32 @!p0 $0x1B8D  }
0xb1: {  	s4 =	sshll.u32 @!p0 s4, $0x11;
	s6 =	sadd.s32 @!p0 $0x11B8D, s6;
	_ =	swait.eq @!p0 [sflag:s5], $0x1  }
0xb2: {  	s4 =	sor.u32 @!p0 s4, s6;
	[sflag:s5] =	ssyncadd.s32 @!p0 $0xFFFFFFFF  }
0xb3: {  	s25 =	simm.s32 $0x1B8E;
	s24 =	sld [smem:$0x3FFE];
	[sflag:s4] =	ssyncadd.remote.s32 @!p0 $0x1  }
0xb4: {  	s26 =	simm.s32 $execute0_lowered;
	[smem:$0x3FD2] =	sst s25  }
0xb5: {  	s5 =	sshll.u32 s26, $0x1;
	_ =	strace $0x8000004C;
	[dreg:$0x1] =	wrdreg $0xFFFFFFFF  }
0xb6: {  	s28 =	simm.s32 $_size_execute0_lowered;
	s3 =	sadd.s32 s3, s5;
	[dreg:$0x0] =	wrdreg $0x0  }
0xb7: {  	s5 =	sshll.u32 s28, $0x1;
	[dreg:$0x2] =	wrdreg s3  }
0xb8: {  	[dreg:$0x3] =	wrdreg s5  }
0xb9: {  	[dreg:$0x4] =	wrdreg $0xC0  }
0xba: {  	_ =	task [dreg:s22], $0x5FFFF  }
0xbb: {  	[dreg:$0x1] =	wrdreg $0xFFFFFFFF  }
0xbc: {  	[dreg:$0x0] =	wrdreg $0x60  }
0xbd: {  	[dreg:$0x2] =	wrdreg s24  }
0xbe: {  	[dreg:$0x3] =	wrdreg $0x68000  }
0xbf: {  	[dreg:$0x4] =	wrdreg $0x9  }
0xc0: {  	_ =	task.clear_ibuf [dreg:s22], $0x5FFFF;
	_ =	strace $0x9000004C  }
0xc1: {  	s29 =	simm.s32 $0x9;
	_ =	strace $0x8000004E  }
0xc2: {  	_ =	swait.ge [sflag:s29], $0x1  }
0xc3: {  	[sflag:s29] =	ssyncadd.s32 $0xFFFFFFFF  }
0xc4: {  	_ =	strace $0x9000004E  }
0xc5: {  	_ =	sfence  }
0xc6: {  	s30 =	sld [smem:$0x0];
	_ =	sdelay $0x2  }
0xc7: {  	s31 =	sshll.u32 s1, $0xD;
	s1 =	sshrl.u32 s1, $0x2  }
0xc8: {  	s4 =	sand.u32 $0x4000, s31;
	s1 =	sadd.s32 s1, s30  }
0xc9: {  	s0 =	sor.u32 s4, s0;
	s1 =	sshll.u32 s1, $0x11  }
0xca: {  	s0 =	sor.u32 s1, s0  }
0xcb: {  	s0 =	sadd.s32 $0x8F2B, s0  }
0xcc: {  	[sflag:s0] =	ssyncadd.remote.s32 $0x1  }
0xcd: {  	_ =	sfence.sel $0xFFFF  }
0xce: {  	[dreg:$0x0] =	wrdreg $0xFFFFFFFF;
	(pc) =	sbr.abs _section_cstart, $3  }
0xcf: {  	[dreg:$0x1] =	wrdreg $0xFFFFFFFF  }
0xd0: {  	_ =	task.clear_ibuf [dreg:s22], $0x2FFFF;
	_ =	strace $0x9FFFFFFF  }
0xd1: {  	(tm) =	ssettm $0x7FFFFFFF  }
tec
execute0_lowered:
.L_overlay_start_1:
0x0: {  	(tag) =	ssettag $0x1  }
0x1: {  	s6 =	rddreg [dreg:$0x0]  }
0x2: {  	s1 =	rddreg [dreg:$0x1]  }
0x3: {  	s2 =	srdreg.scid;
	s0 =	rddreg [dreg:$0x2]  }
0x4: {  	s3 =	simm.s32 $0x0;
	s14 =	simm.s32 $0x1;
	s15 =	simm.s32 $0x0  }
0x5: {  	s7 =	sand.u32 $0x1, s2;
	s2 =	stileid.u32;
	[smem:$0x7FF] =	sst s3  }
0x6: {  	s5 =	sadd.s32 $0xA40C00, s6;
	s8 =	smul.u32 $0x140000, s7;
	s4 =	sshll.u32 s7, $0xB  }
0x7: {  	s9 =	smul.u32 $0x14000, s2;
	_ =	strace $0x8000004D;
	s7 =	ssub.s32 $0x2, s7  }
0x8: {  	s26 =	smul.u32 $0x50000, s2;
	s11 =	sshll.u32 s2, $0xC;
	s31 =	sshll.u32 s2, $0x6  }
0x9: {  	s10 =	sadd.s32 s4, s6;
	s4 =	sadd.s32 $0xA3E400, s6;
	s28 =	sshrl.u32 s7, $0x1  }
0xa: {  	s8 =	sadd.s32 s9, s8;
	s12 =	ssub.s32 s7, s28;
	s29 =	sadd.s32 s11, s10  }
0xb: {  	s30 =	sshrl.u32 s26, $0x2;
	s9 =	simm.s32 $0x2;
	s8 =	sshrl.u32 s8, $0x3  }
0xc: {  	s10 =	simm.s32 $0x4000;
	s11 =	sor.u32 $0x1C02, s31;
	s8 =	sadd.s32 s8, s6  }
0xd: {  	s13 =	sadd.s32 s30, s1;
	s6 =	sadd.s32 $0xA2E400, s29;
	s7 =	sadd.s32 $0xA41200, s8  }
0xe: {  	s8 =	smax.u32 s12, $0x1;
	s12 =	sshrl.u32 s13, $0x3;
	s13 =	simm.s32 $0x50  }
.LBB2_1:
0xf: {  	[tilespmem:s3], [sflag:$0x2] =	stream.linear.gather [hbm4b:s6+s3], $0x3E80, $0x38;
	[tilespmem:$0x1A800] =	vst v63  }
0x10: {  	_ =	swait.ge [sflag:s9], $0x3E80  }
0x11: {  	[sflag:s9] =	ssyncset.done $0x0  }
0x12: {  	[sflag:s9] =	ssyncadd.s32 $0xFFFFC180  }
0x13: {  	[tilespmem:s10], [sflag:$0x2] =	stream.linear.gather [hbm4b:s5+s3], $0x2800, $0x38;
	[tilespmem:$0x1A800] =	vst v63  }
0x14: {  	_ =	swait.ge [sflag:s9], $0x2800  }
0x15: {  	[sflag:s9] =	ssyncset.done $0x0  }
0x16: {  	[sflag:s9] =	ssyncadd.s32 $0xFFFFD800  }
0x17: {  	[spmem:s12], [sflag:s11] =	dma.local [hbm:s4], $0x2800  }
0x18: {  	_ =	swait.ge [sflag:s9], $0x2800  }
0x19: {  	[sflag:s9] =	ssyncset.done $0x0  }
0x1a: {  	[sflag:s9] =	ssyncadd.s32 $0xFFFFD800  }
0x1b: {  	s16 =	simm.s32 $0x0;
	[bflag:$0x0] =	sbarrier.arrive $0xFFFF  }
.LBB2_2:
0x1c: {  	p0 =	sne.s32 s16, $0xF800  }
.Ltmp0:
0x1d: {  	_ = 	snop;
	(pc) =	sbr.rel @p0 .LBB2_2-.Ltmp0, $3  }
0x1e: {  	_ =	sdelay $0x1  }
0x1f: {  	s17 =	sshra.s32 s16, $0x2;
	s16 =	sadd.s32 $0x200, s16  }
0x20: {  	[spmem:s1] =	stream.indirect.scatter.add.f32 [tilespmem:s10], [sflag:$0x1], $0x80, s17, s13, $0xb8;
	[tilespmem:$0x1A800] =	vst v63  }
0x21: {  	_ =	swait.ge [sflag:s14], $0x2800  }
0x22: {  	s16 =	simm.s32 $0x7C;
	[sflag:s14] =	ssyncset.done $0x0  }
.LBB2_4:
0x23: {  	p0 =	sne.s32 s16, $0x1;
	s16 =	sadd.s32 $0xFFFFFFFF, s16;
	[sflag:s14] =	ssyncadd.s32 $0xFFFFD800  }
.Ltmp1:
0x24: {  	(pc) =	sbr.rel @p0 .LBB2_4-.Ltmp1, $3  }
0x25: {  	_ =	sdelay $0x1  }
0x26: {  	_ =	swait.ge [sflag:s14], $0x2800  }
0x27: {  	[sflag:s14] =	ssyncset.done $0x0  }
0x28: {  	s15 =	sadd.s32 $0x1, s15  }
0x29: {  	[sflag:s14] =	ssyncadd.s32 $0xFFFFD800;
	p0 =	sne.s32 s15, s8  }
.Ltmp2:
0x2a: {  	[bflag:$0x0] =	sbarrier.arrive $0xFFFF;
	(pc) =	sbr.rel @p0 .LBB2_1-.Ltmp2, $4  }
0x2b: {  	[hbm:s7], [sflag:s11] =	dma.local [spmem:s12], $0x2800  }
0x2c: {  	_ =	swait.ge [sflag:s9], $0x2800  }
0x2d: {  	[sflag:s9] =	ssyncset.done $0x0  }
0x2e: {  	[sflag:s9] =	ssyncadd.s32 $0xFFFFD800  }
0x2f: {  	_ =	sfence.sel $0x180000  }
0x30: {  	[bflag:$0x0] =	sbarrier.arrive $0xFFFF  }
0x31: {  	p0 =	sne.s32 s2, $0x0;
	_ =	strace $0x9000004D  }
0x32: {  	s0 =	sadd.s32 @!p0 $0x100000, s0;
	[bflag:$0x2] =	sbarrier.arrive $0xFFFF  }
0x33: {  	[sflag:s0] =	ssyncadd.tile.s32 @!p0 $0x1;
	_ =	shalt  }
.Lfunc_end2:
_tile_overlayer_lowered:
.L_overlay_start_2:
0x34: {  	(tag) =	ssettag $0x2  }
0x35: {  	s0 =	rddreg [dreg:$0x0];
	s2 =	stileid.u32  }
0x36: {  	s1 =	rddreg [dreg:$0x1];
	p0 =	sne.s32 s2, $0x0  }
0x37: {  	s3 =	rddreg [dreg:$0x2];
	[bflag:$0x3] =	sbarrier.arrive $0xFFFF;
	s2 =	simm.s32 @!p0 $0x1C02  }
0x38: {  	[timem:s3], [sflag:s2] =	dma.local @!p0 [hbm:s0], s1  }
0x39: {  	s0 =	simm.s32 @!p0 $0x2  }
0x3a: {  	_ =	swait.ge @!p0 [sflag:s0], s1  }
0x3b: {  	s1 =	ssub.s32 @!p0 $0x0, s1;
	[sflag:s0] =	ssyncset.done @!p0 $0x0  }
0x3c: {  	[sflag:s0] =	ssyncadd.s32 @!p0 s1  }
0x3d: {  	[bflag:$0x3] =	sbarrier.arrive $0xFFFF  }
0x3e: {  	_ =	shalt  }

</sc_bundles>
